<compile_context>
chip_gen: v7x
topology: tpu7x:2x2x1
jax: 0.10.2.dev20260603
libtpu: 0.0.44.dev20260713+nightly
codegen_flags: <defaults>
</compile_context>

<pallas_src>
import functools

import jax
import jax.numpy as jnp
from jax import lax
from jax.experimental import pallas as pl
from jax.experimental.pallas import tpu as pltpu
from jax.experimental.pallas import tpu_sc as plsc

B, H, W = 8, 512, 512
K = 49
ID0 = 101
NC, NS, L = 2, 16, 16
NW = NC * NS
QP = NW // B
RPW = H // QP
CH = 16
NCH = RPW // CH
KW = K * W
KH = K * RPW

def _sc_hist_body(label_hbm, col_out, row_out, buf, colcnt, rowcnt, sem0, sem1):
    cid = lax.axis_index("c")
    sid = lax.axis_index("s")
    wid = sid * NC + cid
    b = wid // QP
    q = wid % QP
    row0 = q * RPW
    sems = (sem0, sem1)

    zz = jnp.zeros((L,), jnp.int32)
    ones = jnp.ones((L,), jnp.int32)
    riota = lax.iota(jnp.int32, L)

    @plsc.parallel_loop(0, KW // L, unroll=8)
    def _(i):
        colcnt[pl.ds(pl.multiple_of(i * L, 8), L)] = zz

    @plsc.parallel_loop(0, KH // L, unroll=8)
    def _(i):
        r = lax.shift_right_logical(i, 3)
        rowcnt[r, pl.ds(pl.multiple_of((i & 7) * L, 8), L)] = zz

    def dma(ci, slot):
        return pltpu.make_async_copy(
            label_hbm.at[b, pl.ds(row0 + ci * CH, CH)],
            buf.at[slot],
            sems[slot],
        )

    dma(0, 0).start()
    for ci in range(NCH):
        slot = ci & 1
        if ci + 1 < NCH:
            dma(ci + 1, (ci + 1) & 1).start()
        dma(ci, slot).wait()
        hloc = ci * CH + riota

        @plsc.parallel_loop(0, W, unroll=8, carry=(riota, riota))
        def _(i, c):
            wv, gcol = c
            r = lax.shift_right_logical(i, 5)
            labs = buf[slot, r, pl.ds(pl.multiple_of((i & 31) * L, 8), L)]
            m = labs >= ID0
            plsc.addupdate_scatter(colcnt, [(labs - ID0) * W + wv], ones, mask=m)
            labc = plsc.load_gather(buf.at[slot], [riota, gcol])
            mc = labc >= ID0
            plsc.addupdate_scatter(rowcnt, [labc - ID0, hloc], ones, mask=mc)
            return ((wv + L) & (W - 1), (gcol + 1) & (W - 1))

    pltpu.sync_copy(colcnt, col_out.at[b, q])
    pltpu.sync_copy(rowcnt, row_out.at[b, :, pl.ds(q * RPW, RPW)])


@functools.cache
def _sc_hist():
    mesh = plsc.VectorSubcoreMesh(
        core_axis_name="c", subcore_axis_name="s",
        num_cores=NC, num_subcores=NS)
    return pl.kernel(
        _sc_hist_body,
        out_type=(
            jax.ShapeDtypeStruct((B, QP, KW), jnp.int32),
            jax.ShapeDtypeStruct((B, K, H), jnp.int32),
        ),
        mesh=mesh,
        scratch_types=[
            pltpu.VMEM((2, CH, W), jnp.int32),
            pltpu.VMEM((KW,), jnp.int32),
            pltpu.VMEM((K, RPW), jnp.int32),
            pltpu.SemaphoreType.DMA,
            pltpu.SemaphoreType.DMA,
        ],
        compiler_params=pltpu.CompilerParams(needs_layout_passes=False),
    )


def _tc_exp_body(logit_ref, out_ref):
    bidx = pl.program_id(0)
    esum = jnp.sum(jnp.exp(logit_ref[0]))

    @pl.when(bidx == 0)
    def _():
        out_ref[...] = jnp.zeros_like(out_ref)

    out_ref[...] += esum * (1.0 / (B * H * W))


_tc_exp = pl.pallas_call(
    _tc_exp_body,
    out_shape=jax.ShapeDtypeStruct((1, 1), jnp.float32),
    grid=(B,),
    in_specs=[pl.BlockSpec((1, H, W), lambda b: (b, 0, 0))],
    out_specs=pl.BlockSpec((1, 1), lambda b: (0, 0)),
)


def _tc_body(ix_ref, iy_ref, pres_ref, logit_ref, out_ref):
    bidx = pl.program_id(0)
    wiota = lax.broadcasted_iota(jnp.int32, (1, W), 1)
    acc = jnp.zeros((1, W), jnp.float32)
    for k in range(K):
        row = logit_ref[0, pl.ds(iy_ref[bidx, k], 1), :]
        sel = (wiota == ix_ref[bidx, k]).astype(jnp.float32)
        acc += row * (sel * pres_ref[bidx, k])
    gsum = jnp.sum(acc)
    contrib = -gsum * (1.0 / B)

    @pl.when(bidx == 0)
    def _():
        out_ref[...] = jnp.zeros_like(out_ref)

    out_ref[...] += contrib


_tc_finish = pl.pallas_call(
    _tc_body,
    out_shape=jax.ShapeDtypeStruct((1, 1), jnp.float32),
    grid=(B,),
    in_specs=[
        pl.BlockSpec(memory_space=pltpu.SMEM),
        pl.BlockSpec(memory_space=pltpu.SMEM),
        pl.BlockSpec(memory_space=pltpu.SMEM),
        pl.BlockSpec((1, H, W), lambda b: (b, 0, 0)),
    ],
    out_specs=pl.BlockSpec((1, 1), lambda b: (0, 0)),
)


def kernel(logit_score, label):
    esum = _tc_exp(logit_score)
    colp, rowp = _sc_hist()(label)
    colc = colp.reshape(B, QP, K, W).sum(axis=1).astype(jnp.float32)
    rowc = rowp.astype(jnp.float32)
    com_x = jnp.arange(W, dtype=jnp.float32)[None, :]
    com_y = jnp.arange(H, dtype=jnp.float32)[None, :]
    ixs, iys, press = [], [], []
    for b in range(B):
        counts = colc[b].sum(axis=1)
        present = counts > 0
        safe_counts = jnp.where(present, counts, 1.0)
        cx = (com_x * colc[b] / safe_counts[:, None]).sum(axis=1)
        cy = (com_y * rowc[b] / safe_counts[:, None]).sum(axis=1)
        ixs.append(cx.astype(jnp.int32))
        iys.append(cy.astype(jnp.int32))
        press.append(present.astype(jnp.float32))
    ix = jnp.stack(ixs)
    iy = jnp.stack(iys)
    pres = jnp.stack(press)
    gpart = _tc_finish(ix, iy, pres, logit_score)
    return esum[0, 0] + gpart[0, 0]

# --- scband reference (transcript-rebuilt; emitter-appended) ---
"""Pipeline reference for scband-poisson-nllloss-37417755083225 (READ-ONLY COPY).

The authoritative reference and input builder live on the scoring server;
editing this copy changes nothing except your own understanding.
"""

import jax, jax.numpy as jnp
import numpy as np


def setup_inputs(seed: int = 0) -> dict:
    key = jax.random.key(seed)
    k1, k2 = jax.random.split(key)
    logit_score = jax.random.normal(k1, (8, 512, 512), dtype=jnp.float32)
    label = jax.random.randint(k2, (8, 512, 512), 0, 150, dtype=jnp.int32)
    return {"logit_score": logit_score, "label": label}


def reference(logit_score, label):
    loss_weight = 1.0
    B, H, W = label.shape
    int_loss = jnp.exp(logit_score).mean()
    inst_loss = jnp.asarray(0.0, dtype=jnp.float32)
    ids = jnp.arange(101, 150, dtype=jnp.int32)
    for b in range(B):
        l = label[b]
        # binary masks per candidate instance id: [K, H, W]
        binary_masks = (l[None, :, :] == ids[:, None, None])
        bm_f = binary_masks.astype(jnp.float32)
        counts = bm_f.sum(axis=(1, 2))  # [K]
        present = counts > 0
        safe_counts = jnp.where(present, counts, 1.0)
        com_x = jnp.arange(W, dtype=jnp.float32)[None, :]  # broadcast of repeat((K,1))
        com_y = jnp.arange(H, dtype=jnp.float32)[None, :]
        cx = (com_x * bm_f.sum(axis=1) / safe_counts[:, None]).sum(axis=1)  # [K]
        cy = (com_y * bm_f.sum(axis=2) / safe_counts[:, None]).sum(axis=1)  # [K]
        flat_idx = cy.astype(jnp.int32) * W + cx.astype(jnp.int32)
        gathered = jnp.where(present, logit_score[b].reshape(-1)[flat_idx], 0.0)
        inst_loss = inst_loss - jnp.sum(gathered) / B
    loss = int_loss + inst_loss
    return loss_weight * loss

if __name__ == "__main__":
    import jax
    _d = setup_inputs()
    print(jax.jit(kernel)(*tuple(_d.values())))

</pallas_src>

<mosaic_0001>
#map = affine_map<(d0, d1) -> (0, 0, 0)>
module attributes {stable_mosaic.version = 14 : i64} {
  func.func @_sc_hist_body(%arg0: i32, %arg1: i32, %arg2: memref<8x512x512xi32, #tpu.memory_space<hbm>>, %arg3: memref<8x4x25088xi32, #tpu.memory_space<hbm>>, %arg4: memref<8x49x512xi32, #tpu.memory_space<hbm>>, %arg5: memref<2x16x512xi32, #tpu.memory_space<vmem>>, %arg6: memref<25088xi32, #tpu.memory_space<vmem>>, %arg7: memref<49x128xi32, #tpu.memory_space<vmem>>, %arg8: memref<!tpu.dma_semaphore, #tpu.memory_space<semaphore_mem>>, %arg9: memref<!tpu.dma_semaphore, #tpu.memory_space<semaphore_mem>>) attributes {dimension_semantics = [#tpu.dimension_semantics<core_parallel>, #tpu.dimension_semantics<subcore_parallel>], iteration_bounds = array<i64: 2, 16>, scalar_prefetch = 0 : i64, scratch_operands = 5 : i64, tpu.core_type = #tpu.core_type<sc_vector_subcore>, window_params = [{transform_indices = #map}, {transform_indices = #map}, {transform_indices = #map}]} {
    %mul3A = arith.constant 2 : i32
    %mul3A_0 = arith.muli %arg1, %mul3A : i32
    %add3A = arith.addi %mul3A_0, %arg0 : i32
    %jit3A = arith.constant 4 : i32
    %div3A = arith.divsi %add3A, %jit3A : i32
    %sign3A = arith.constant 0 : i32
    %sign3A_1 = arith.cmpi sgt, %add3A, %sign3A : i32
    %sign3A_2 = arith.extui %sign3A_1 : i1 to i32
    %sign3A_3 = arith.constant 0 : i32
    %sign3A_4 = arith.cmpi slt, %add3A, %sign3A_3 : i32
    %sign3A_5 = arith.extui %sign3A_4 : i1 to i32
    %sign3A_6 = arith.subi %sign3A_2, %sign3A_5 : i32
    %sign3A_7 = arith.constant 0 : i32
    %sign3A_8 = arith.cmpi sgt, %jit3A, %sign3A_7 : i32
    %sign3A_9 = arith.extui %sign3A_8 : i1 to i32
    %sign3A_10 = arith.constant 0 : i32
    %sign3A_11 = arith.cmpi slt, %jit3A, %sign3A_10 : i32
    %sign3A_12 = arith.extui %sign3A_11 : i1 to i32
    %sign3A_13 = arith.subi %sign3A_9, %sign3A_12 : i32
    %ne3A = arith.cmpi ne, %sign3A_6, %sign3A_13 : i32
    %rem3A = arith.remsi %add3A, %jit3A : i32
    %ne3A_14 = arith.constant 0 : i32
    %ne3A_15 = arith.cmpi ne, %rem3A, %ne3A_14 : i32
    %and3A = arith.andi %ne3A, %ne3A_15 : i1
    %sub3A = arith.constant 1 : i32
    %sub3A_16 = arith.subi %div3A, %sub3A : i32
    %select_n3A = arith.select %and3A, %sub3A_16, %div3A : i32
    %jit3A_17 = arith.constant 4 : i32
    %eq3A = arith.constant 0 : i32
    %eq3A_18 = arith.cmpi eq, %jit3A_17, %eq3A : i32
    %jit3A_19 = arith.constant 1 : i32
    %select_n3A_20 = arith.select %eq3A_18, %jit3A_19, %jit3A_17 : i32
    %rem3A_21 = arith.remsi %add3A, %select_n3A_20 : i32
    %ne3A_22 = arith.constant 0 : i32
    %ne3A_23 = arith.cmpi ne, %rem3A_21, %ne3A_22 : i32
    %lt3A = arith.constant 0 : i32
    %lt3A_24 = arith.cmpi slt, %rem3A_21, %lt3A : i32
    %lt3A_25 = arith.constant 0 : i32
    %lt3A_26 = arith.cmpi slt, %select_n3A_20, %lt3A_25 : i32
    %ne3A_27 = arith.xori %lt3A_24, %lt3A_26 : i1
    %and3A_28 = arith.andi %ne3A_27, %ne3A_23 : i1
    %add3A_29 = arith.addi %rem3A_21, %select_n3A_20 : i32
    %select_n3A_30 = arith.select %and3A_28, %add3A_29, %rem3A_21 : i32
    %mul3A_31 = arith.constant 128 : i32
    %mul3A_32 = arith.muli %select_n3A_30, %mul3A_31 : i32
    %broadcast_in_dim3A = arith.constant 0 : i32
    %broadcast_in_dim3A_33 = vector.broadcast %broadcast_in_dim3A : i32 to vector<16xi32>
    %broadcast_in_dim3A_34 = arith.constant 1 : i32
    %broadcast_in_dim3A_35 = vector.broadcast %broadcast_in_dim3A_34 : i32 to vector<16xi32>
    %iota3A = tpu.iota {dimensions = array<i32: 0>} : vector<16xi32>
    %parallel_loop3A = arith.constant 0 : i32
    %parallel_loop3A_36 = arith.constant 1568 : i32
    %parallel_loop3A_37 = arith.constant 1 : i32
    scf.for %parallel_loop3A_369 = %parallel_loop3A to %parallel_loop3A_36 step %parallel_loop3A_37  : i32 {
      %parallel_loop3A_370 = arith.constant 16 : i32
      %parallel_loop3A_371 = arith.muli %parallel_loop3A_369, %parallel_loop3A_370 : i32
      %parallel_loop3A_372 = tpu.assume_multiple %parallel_loop3A_371, 8 : i32
      %parallel_loop3A_373 = arith.index_cast %parallel_loop3A_372 : i32 to index
      %parallel_loop3A_374 = tpu.vector_load %arg6[%parallel_loop3A_373] {strides = array<i32>} : memref<25088xi32, #tpu.memory_space<vmem>>, vector<16xi32>,
      tpu.vector_store %arg6[%parallel_loop3A_373], %broadcast_in_dim3A_33 {strides = array<i32>} : memref<25088xi32, #tpu.memory_space<vmem>>, vector<16xi32>,
    } {sc.loop_unroll_factor = 8 : i64, sc.parallel_access}
    %parallel_loop3A_38 = arith.constant 0 : i32
    %parallel_loop3A_39 = arith.constant 392 : i32
    %parallel_loop3A_40 = arith.constant 1 : i32
    scf.for %parallel_loop3A_369 = %parallel_loop3A_38 to %parallel_loop3A_39 step %parallel_loop3A_40  : i32 {
      %parallel_loop3A_370 = arith.constant 3 : i32
      %parallel_loop3A_371 = arith.shrui %parallel_loop3A_369, %parallel_loop3A_370 : i32
      %parallel_loop3A_372 = arith.constant 7 : i32
      %parallel_loop3A_373 = arith.andi %parallel_loop3A_369, %parallel_loop3A_372 : i32
      %parallel_loop3A_374 = arith.constant 16 : i32
      %parallel_loop3A_375 = arith.muli %parallel_loop3A_373, %parallel_loop3A_374 : i32
      %parallel_loop3A_376 = tpu.assume_multiple %parallel_loop3A_375, 8 : i32
      %parallel_loop3A_377 = arith.index_cast %parallel_loop3A_371 : i32 to index
      %parallel_loop3A_378 = arith.index_cast %parallel_loop3A_376 : i32 to index
      %parallel_loop3A_379 = tpu.vector_load %arg7[%parallel_loop3A_377, %parallel_loop3A_378] {strides = array<i32>} : memref<49x128xi32, #tpu.memory_space<vmem>>, vector<16xi32>,
      tpu.vector_store %arg7[%parallel_loop3A_377, %parallel_loop3A_378], %broadcast_in_dim3A_33 {strides = array<i32>} : memref<49x128xi32, #tpu.memory_space<vmem>>, vector<16xi32>,
    } {sc.loop_unroll_factor = 8 : i64, sc.parallel_access}
    %add3A_41 = arith.constant 0 : i32
    %add3A_42 = arith.addi %mul3A_32, %add3A_41 : i32
    %dma_start3A = arith.constant 0 : i32
    %dma_start3A_43 = arith.constant 0 : i32
    %dma_start3A_44 = arith.constant 0 : i32
    %dma_start3A_45 = tpu.memref_slice %arg5[%dma_start3A, %dma_start3A_43, %dma_start3A_44] : memref<2x16x512xi32, #tpu.memory_space<vmem>> -> memref<1x16x512xi32, #tpu.memory_space<vmem>>
    %dma_start3A_46 = tpu.memref_squeeze %dma_start3A_45 : memref<1x16x512xi32, #tpu.memory_space<vmem>> -> memref<16x512xi32, #tpu.memory_space<vmem>>
    %dma_start3A_47 = arith.constant 0 : i32
    %dma_start3A_48 = tpu.memref_slice %arg2[%select_n3A, %add3A_42, %dma_start3A_47] : memref<8x512x512xi32, #tpu.memory_space<hbm>> -> memref<1x16x512xi32, #tpu.memory_space<hbm>>
    %dma_start3A_49 = tpu.memref_squeeze %dma_start3A_48 : memref<1x16x512xi32, #tpu.memory_space<hbm>> -> memref<16x512xi32, #tpu.memory_space<hbm>>
    %dma_start3A_50 = arith.constant 0 : i32
    %dma_start3A_51 = arith.constant 0 : i32
    %dma_start3A_52 = tpu.memref_slice %arg5[%dma_start3A, %dma_start3A_50, %dma_start3A_51] : memref<2x16x512xi32, #tpu.memory_space<vmem>> -> memref<1x16x512xi32, #tpu.memory_space<vmem>>
    %dma_start3A_53 = tpu.memref_squeeze %dma_start3A_52 : memref<1x16x512xi32, #tpu.memory_space<vmem>> -> memref<16x512xi32, #tpu.memory_space<vmem>>
    %dma_start3A_54 = arith.constant 0 : i32
    %dma_start3A_55 = tpu.memref_slice %arg2[%select_n3A, %add3A_42, %dma_start3A_54] : memref<8x512x512xi32, #tpu.memory_space<hbm>> -> memref<1x16x512xi32, #tpu.memory_space<hbm>>
    %dma_start3A_56 = tpu.memref_squeeze %dma_start3A_55 : memref<1x16x512xi32, #tpu.memory_space<hbm>> -> memref<16x512xi32, #tpu.memory_space<hbm>>
    tpu.enqueue_dma source(%dma_start3A_56 : memref<16x512xi32, #tpu.memory_space<hbm>>) target(%dma_start3A_53 : memref<16x512xi32, #tpu.memory_space<vmem>>) target_semaphore(%arg8 : memref<!tpu.dma_semaphore, #tpu.memory_space<semaphore_mem>>)
    %add3A_57 = arith.constant 16 : i32
    %add3A_58 = arith.addi %mul3A_32, %add3A_57 : i32
    %dma_start3A_59 = arith.constant 1 : i32
    %dma_start3A_60 = arith.constant 0 : i32
    %dma_start3A_61 = arith.constant 0 : i32
    %dma_start3A_62 = tpu.memref_slice %arg5[%dma_start3A_59, %dma_start3A_60, %dma_start3A_61] : memref<2x16x512xi32, #tpu.memory_space<vmem>> -> memref<1x16x512xi32, #tpu.memory_space<vmem>>
    %dma_start3A_63 = tpu.memref_squeeze %dma_start3A_62 : memref<1x16x512xi32, #tpu.memory_space<vmem>> -> memref<16x512xi32, #tpu.memory_space<vmem>>
    %dma_start3A_64 = arith.constant 0 : i32
    %dma_start3A_65 = tpu.memref_slice %arg2[%select_n3A, %add3A_58, %dma_start3A_64] : memref<8x512x512xi32, #tpu.memory_space<hbm>> -> memref<1x16x512xi32, #tpu.memory_space<hbm>>
    %dma_start3A_66 = tpu.memref_squeeze %dma_start3A_65 : memref<1x16x512xi32, #tpu.memory_space<hbm>> -> memref<16x512xi32, #tpu.memory_space<hbm>>
    %dma_start3A_67 = arith.constant 0 : i32
    %dma_start3A_68 = arith.constant 0 : i32
    %dma_start3A_69 = tpu.memref_slice %arg5[%dma_start3A_59, %dma_start3A_67, %dma_start3A_68] : memref<2x16x512xi32, #tpu.memory_space<vmem>> -> memref<1x16x512xi32, #tpu.memory_space<vmem>>
    %dma_start3A_70 = tpu.memref_squeeze %dma_start3A_69 : memref<1x16x512xi32, #tpu.memory_space<vmem>> -> memref<16x512xi32, #tpu.memory_space<vmem>>
    %dma_start3A_71 = arith.constant 0 : i32
    %dma_start3A_72 = tpu.memref_slice %arg2[%select_n3A, %add3A_58, %dma_start3A_71] : memref<8x512x512xi32, #tpu.memory_space<hbm>> -> memref<1x16x512xi32, #tpu.memory_space<hbm>>
    %dma_start3A_73 = tpu.memref_squeeze %dma_start3A_72 : memref<1x16x512xi32, #tpu.memory_space<hbm>> -> memref<16x512xi32, #tpu.memory_space<hbm>>
    tpu.enqueue_dma source(%dma_start3A_73 : memref<16x512xi32, #tpu.memory_space<hbm>>) target(%dma_start3A_70 : memref<16x512xi32, #tpu.memory_space<vmem>>) target_semaphore(%arg9 : memref<!tpu.dma_semaphore, #tpu.memory_space<semaphore_mem>>)
    %add3A_74 = arith.constant 0 : i32
    %add3A_75 = arith.addi %mul3A_32, %add3A_74 : i32
    %dma_wait3A = arith.constant 0 : i32
    %dma_wait3A_76 = arith.constant 0 : i32
    %dma_wait3A_77 = arith.constant 0 : i32
    %dma_wait3A_78 = tpu.memref_slice %arg5[%dma_wait3A, %dma_wait3A_76, %dma_wait3A_77] : memref<2x16x512xi32, #tpu.memory_space<vmem>> -> memref<1x16x512xi32, #tpu.memory_space<vmem>>
    %dma_wait3A_79 = tpu.memref_squeeze %dma_wait3A_78 : memref<1x16x512xi32, #tpu.memory_space<vmem>> -> memref<16x512xi32, #tpu.memory_space<vmem>>
    %dma_wait3A_80 = arith.constant 0 : i32
    %dma_wait3A_81 = tpu.memref_slice %arg2[%select_n3A, %add3A_75, %dma_wait3A_80] : memref<8x512x512xi32, #tpu.memory_space<hbm>> -> memref<1x16x512xi32, #tpu.memory_space<hbm>>
    %dma_wait3A_82 = tpu.memref_squeeze %dma_wait3A_81 : memref<1x16x512xi32, #tpu.memory_space<hbm>> -> memref<16x512xi32, #tpu.memory_space<hbm>>
    %dma_wait3A_83 = arith.constant 0 : i32
    %dma_wait3A_84 = arith.constant 0 : i32
    %dma_wait3A_85 = tpu.memref_slice %arg5[%dma_wait3A, %dma_wait3A_83, %dma_wait3A_84] : memref<2x16x512xi32, #tpu.memory_space<vmem>> -> memref<1x16x512xi32, #tpu.memory_space<vmem>>
    %dma_wait3A_86 = tpu.memref_squeeze %dma_wait3A_85 : memref<1x16x512xi32, #tpu.memory_space<vmem>> -> memref<16x512xi32, #tpu.memory_space<vmem>>
    %dma_wait3A_87 = arith.constant 0 : i32
    %dma_wait3A_88 = tpu.memref_slice %arg2[%select_n3A, %add3A_75, %dma_wait3A_87] : memref<8x512x512xi32, #tpu.memory_space<hbm>> -> memref<1x16x512xi32, #tpu.memory_space<hbm>>
    %dma_wait3A_89 = tpu.memref_squeeze %dma_wait3A_88 : memref<1x16x512xi32, #tpu.memory_space<hbm>> -> memref<16x512xi32, #tpu.memory_space<hbm>>
    tpu.wait_dma2 semaphore(%arg8 : memref<!tpu.dma_semaphore, #tpu.memory_space<semaphore_mem>>) src(%dma_wait3A_89 : memref<16x512xi32, #tpu.memory_space<hbm>>) dst(%dma_wait3A_86 : memref<16x512xi32, #tpu.memory_space<vmem>>)
    %add3A_90 = arith.constant 0 : i32
    %add3A_91 = vector.broadcast %add3A_90 : i32 to vector<16xi32>
    %add3A_92 = arith.addi %add3A_91, %iota3A : vector<16xi32>
    %parallel_loop3A_93 = arith.constant 0 : i32
    %parallel_loop3A_94 = arith.constant 512 : i32
    %parallel_loop3A_95 = arith.constant 1 : i32
    %parallel_loop3A_96:2 = scf.for %parallel_loop3A_369 = %parallel_loop3A_93 to %parallel_loop3A_94 step %parallel_loop3A_95 iter_args(%parallel_loop3A_370 = %iota3A, %parallel_loop3A_371 = %iota3A) -> (vector<16xi32>, vector<16xi32>)  : i32 {
      %parallel_loop3A_372 = arith.constant 5 : i32
      %parallel_loop3A_373 = arith.shrui %parallel_loop3A_369, %parallel_loop3A_372 : i32
      %parallel_loop3A_374 = arith.constant 31 : i32
      %parallel_loop3A_375 = arith.andi %parallel_loop3A_369, %parallel_loop3A_374 : i32
      %parallel_loop3A_376 = arith.constant 16 : i32
      %parallel_loop3A_377 = arith.muli %parallel_loop3A_375, %parallel_loop3A_376 : i32
      %parallel_loop3A_378 = tpu.assume_multiple %parallel_loop3A_377, 8 : i32
      %parallel_loop3A_379 = arith.constant 0 : i32
      %parallel_loop3A_380 = arith.index_cast %parallel_loop3A_379 : i32 to index
      %parallel_loop3A_381 = arith.index_cast %parallel_loop3A_373 : i32 to index
      %parallel_loop3A_382 = arith.index_cast %parallel_loop3A_378 : i32 to index
      %parallel_loop3A_383 = tpu.vector_load %arg5[%parallel_loop3A_380, %parallel_loop3A_381, %parallel_loop3A_382] {strides = array<i32>} : memref<2x16x512xi32, #tpu.memory_space<vmem>>, vector<16xi32>,
      %parallel_loop3A_384 = arith.constant 101 : i32
      %parallel_loop3A_385 = vector.broadcast %parallel_loop3A_384 : i32 to vector<16xi32>
      %parallel_loop3A_386 = arith.cmpi sge, %parallel_loop3A_383, %parallel_loop3A_385 : vector<16xi32>
      %parallel_loop3A_387 = arith.constant 101 : i32
      %parallel_loop3A_388 = vector.broadcast %parallel_loop3A_387 : i32 to vector<16xi32>
      %parallel_loop3A_389 = arith.subi %parallel_loop3A_383, %parallel_loop3A_388 : vector<16xi32>
      %parallel_loop3A_390 = arith.constant 512 : i32
      %parallel_loop3A_391 = vector.broadcast %parallel_loop3A_390 : i32 to vector<16xi32>
      %parallel_loop3A_392 = arith.muli %parallel_loop3A_389, %parallel_loop3A_391 : vector<16xi32>
      %parallel_loop3A_393 = arith.addi %parallel_loop3A_392, %parallel_loop3A_370 : vector<16xi32>
      tpu.vector_store_idx %arg6[%parallel_loop3A_393], %broadcast_in_dim3A_35 masked %parallel_loop3A_386 {add = true} : memref<25088xi32, #tpu.memory_space<vmem>>[vector<16xi32>], vector<16xi32>, vector<16xi1>
      %parallel_loop3A_394 = arith.constant 0 : i32
      %parallel_loop3A_395 = arith.constant 0 : i32
      %parallel_loop3A_396 = arith.constant 0 : i32
      %parallel_loop3A_397 = tpu.memref_slice %arg5[%parallel_loop3A_394, %parallel_loop3A_395, %parallel_loop3A_396] : memref<2x16x512xi32, #tpu.memory_space<vmem>> -> memref<1x16x512xi32, #tpu.memory_space<vmem>>
      %parallel_loop3A_398 = tpu.memref_squeeze %parallel_loop3A_397 : memref<1x16x512xi32, #tpu.memory_space<vmem>> -> memref<16x512xi32, #tpu.memory_space<vmem>>
      %parallel_loop3A_399 = tpu.vector_load_idx %parallel_loop3A_398[%iota3A, %parallel_loop3A_371] : memref<16x512xi32, #tpu.memory_space<vmem>>[vector<16xi32>, vector<16xi32>], vector<16xi32>,
      %parallel_loop3A_400 = arith.constant 101 : i32
      %parallel_loop3A_401 = vector.broadcast %parallel_loop3A_400 : i32 to vector<16xi32>
      %parallel_loop3A_402 = arith.cmpi sge, %parallel_loop3A_399, %parallel_loop3A_401 : vector<16xi32>
      %parallel_loop3A_403 = arith.constant 101 : i32
      %parallel_loop3A_404 = vector.broadcast %parallel_loop3A_403 : i32 to vector<16xi32>
      %parallel_loop3A_405 = arith.subi %parallel_loop3A_399, %parallel_loop3A_404 : vector<16xi32>
      tpu.vector_store_idx %arg7[%parallel_loop3A_405, %add3A_92], %broadcast_in_dim3A_35 masked %parallel_loop3A_402 {add = true} : memref<49x128xi32, #tpu.memory_space<vmem>>[vector<16xi32>, vector<16xi32>], vector<16xi32>, vector<16xi1>
      %parallel_loop3A_406 = arith.constant 16 : i32
      %parallel_loop3A_407 = vector.broadcast %parallel_loop3A_406 : i32 to vector<16xi32>
      %parallel_loop3A_408 = arith.addi %parallel_loop3A_370, %parallel_loop3A_407 : vector<16xi32>
      %parallel_loop3A_409 = arith.constant 511 : i32
      %parallel_loop3A_410 = vector.broadcast %parallel_loop3A_409 : i32 to vector<16xi32>
      %parallel_loop3A_411 = arith.andi %parallel_loop3A_408, %parallel_loop3A_410 : vector<16xi32>
      %parallel_loop3A_412 = arith.constant 1 : i32
      %parallel_loop3A_413 = vector.broadcast %parallel_loop3A_412 : i32 to vector<16xi32>
      %parallel_loop3A_414 = arith.addi %parallel_loop3A_371, %parallel_loop3A_413 : vector<16xi32>
      %parallel_loop3A_415 = arith.constant 511 : i32
      %parallel_loop3A_416 = vector.broadcast %parallel_loop3A_415 : i32 to vector<16xi32>
      %parallel_loop3A_417 = arith.andi %parallel_loop3A_414, %parallel_loop3A_416 : vector<16xi32>
      scf.yield %parallel_loop3A_411, %parallel_loop3A_417 : vector<16xi32>, vector<16xi32>
    } {sc.loop_unroll_factor = 8 : i64, sc.parallel_access}
    %add3A_97 = arith.constant 32 : i32
    %add3A_98 = arith.addi %mul3A_32, %add3A_97 : i32
    %dma_start3A_99 = arith.constant 0 : i32
    %dma_start3A_100 = arith.constant 0 : i32
    %dma_start3A_101 = arith.constant 0 : i32
    %dma_start3A_102 = tpu.memref_slice %arg5[%dma_start3A_99, %dma_start3A_100, %dma_start3A_101] : memref<2x16x512xi32, #tpu.memory_space<vmem>> -> memref<1x16x512xi32, #tpu.memory_space<vmem>>
    %dma_start3A_103 = tpu.memref_squeeze %dma_start3A_102 : memref<1x16x512xi32, #tpu.memory_space<vmem>> -> memref<16x512xi32, #tpu.memory_space<vmem>>
    %dma_start3A_104 = arith.constant 0 : i32
    %dma_start3A_105 = tpu.memref_slice %arg2[%select_n3A, %add3A_98, %dma_start3A_104] : memref<8x512x512xi32, #tpu.memory_space<hbm>> -> memref<1x16x512xi32, #tpu.memory_space<hbm>>
    %dma_start3A_106 = tpu.memref_squeeze %dma_start3A_105 : memref<1x16x512xi32, #tpu.memory_space<hbm>> -> memref<16x512xi32, #tpu.memory_space<hbm>>
    %dma_start3A_107 = arith.constant 0 : i32
    %dma_start3A_108 = arith.constant 0 : i32
    %dma_start3A_109 = tpu.memref_slice %arg5[%dma_start3A_99, %dma_start3A_107, %dma_start3A_108] : memref<2x16x512xi32, #tpu.memory_space<vmem>> -> memref<1x16x512xi32, #tpu.memory_space<vmem>>
    %dma_start3A_110 = tpu.memref_squeeze %dma_start3A_109 : memref<1x16x512xi32, #tpu.memory_space<vmem>> -> memref<16x512xi32, #tpu.memory_space<vmem>>
    %dma_start3A_111 = arith.constant 0 : i32
    %dma_start3A_112 = tpu.memref_slice %arg2[%select_n3A, %add3A_98, %dma_start3A_111] : memref<8x512x512xi32, #tpu.memory_space<hbm>> -> memref<1x16x512xi32, #tpu.memory_space<hbm>>
    %dma_start3A_113 = tpu.memref_squeeze %dma_start3A_112 : memref<1x16x512xi32, #tpu.memory_space<hbm>> -> memref<16x512xi32, #tpu.memory_space<hbm>>
    tpu.enqueue_dma source(%dma_start3A_113 : memref<16x512xi32, #tpu.memory_space<hbm>>) target(%dma_start3A_110 : memref<16x512xi32, #tpu.memory_space<vmem>>) target_semaphore(%arg8 : memref<!tpu.dma_semaphore, #tpu.memory_space<semaphore_mem>>)
    %add3A_114 = arith.constant 16 : i32
    %add3A_115 = arith.addi %mul3A_32, %add3A_114 : i32
    %dma_wait3A_116 = arith.constant 1 : i32
    %dma_wait3A_117 = arith.constant 0 : i32
    %dma_wait3A_118 = arith.constant 0 : i32
    %dma_wait3A_119 = tpu.memref_slice %arg5[%dma_wait3A_116, %dma_wait3A_117, %dma_wait3A_118] : memref<2x16x512xi32, #tpu.memory_space<vmem>> -> memref<1x16x512xi32, #tpu.memory_space<vmem>>
    %dma_wait3A_120 = tpu.memref_squeeze %dma_wait3A_119 : memref<1x16x512xi32, #tpu.memory_space<vmem>> -> memref<16x512xi32, #tpu.memory_space<vmem>>
    %dma_wait3A_121 = arith.constant 0 : i32
    %dma_wait3A_122 = tpu.memref_slice %arg2[%select_n3A, %add3A_115, %dma_wait3A_121] : memref<8x512x512xi32, #tpu.memory_space<hbm>> -> memref<1x16x512xi32, #tpu.memory_space<hbm>>
    %dma_wait3A_123 = tpu.memref_squeeze %dma_wait3A_122 : memref<1x16x512xi32, #tpu.memory_space<hbm>> -> memref<16x512xi32, #tpu.memory_space<hbm>>
    %dma_wait3A_124 = arith.constant 0 : i32
    %dma_wait3A_125 = arith.constant 0 : i32
    %dma_wait3A_126 = tpu.memref_slice %arg5[%dma_wait3A_116, %dma_wait3A_124, %dma_wait3A_125] : memref<2x16x512xi32, #tpu.memory_space<vmem>> -> memref<1x16x512xi32, #tpu.memory_space<vmem>>
    %dma_wait3A_127 = tpu.memref_squeeze %dma_wait3A_126 : memref<1x16x512xi32, #tpu.memory_space<vmem>> -> memref<16x512xi32, #tpu.memory_space<vmem>>
    %dma_wait3A_128 = arith.constant 0 : i32
    %dma_wait3A_129 = tpu.memref_slice %arg2[%select_n3A, %add3A_115, %dma_wait3A_128] : memref<8x512x512xi32, #tpu.memory_space<hbm>> -> memref<1x16x512xi32, #tpu.memory_space<hbm>>
    %dma_wait3A_130 = tpu.memref_squeeze %dma_wait3A_129 : memref<1x16x512xi32, #tpu.memory_space<hbm>> -> memref<16x512xi32, #tpu.memory_space<hbm>>
    tpu.wait_dma2 semaphore(%arg9 : memref<!tpu.dma_semaphore, #tpu.memory_space<semaphore_mem>>) src(%dma_wait3A_130 : memref<16x512xi32, #tpu.memory_space<hbm>>) dst(%dma_wait3A_127 : memref<16x512xi32, #tpu.memory_space<vmem>>)
    %add3A_131 = arith.constant 16 : i32
    %add3A_132 = vector.broadcast %add3A_131 : i32 to vector<16xi32>
    %add3A_133 = arith.addi %add3A_132, %iota3A : vector<16xi32>
    %parallel_loop3A_134 = arith.constant 0 : i32
    %parallel_loop3A_135 = arith.constant 512 : i32
    %parallel_loop3A_136 = arith.constant 1 : i32
    %parallel_loop3A_137:2 = scf.for %parallel_loop3A_369 = %parallel_loop3A_134 to %parallel_loop3A_135 step %parallel_loop3A_136 iter_args(%parallel_loop3A_370 = %iota3A, %parallel_loop3A_371 = %iota3A) -> (vector<16xi32>, vector<16xi32>)  : i32 {
      %parallel_loop3A_372 = arith.constant 5 : i32
      %parallel_loop3A_373 = arith.shrui %parallel_loop3A_369, %parallel_loop3A_372 : i32
      %parallel_loop3A_374 = arith.constant 31 : i32
      %parallel_loop3A_375 = arith.andi %parallel_loop3A_369, %parallel_loop3A_374 : i32
      %parallel_loop3A_376 = arith.constant 16 : i32
      %parallel_loop3A_377 = arith.muli %parallel_loop3A_375, %parallel_loop3A_376 : i32
      %parallel_loop3A_378 = tpu.assume_multiple %parallel_loop3A_377, 8 : i32
      %parallel_loop3A_379 = arith.constant 1 : i32
      %parallel_loop3A_380 = arith.index_cast %parallel_loop3A_379 : i32 to index
      %parallel_loop3A_381 = arith.index_cast %parallel_loop3A_373 : i32 to index
      %parallel_loop3A_382 = arith.index_cast %parallel_loop3A_378 : i32 to index
      %parallel_loop3A_383 = tpu.vector_load %arg5[%parallel_loop3A_380, %parallel_loop3A_381, %parallel_loop3A_382] {strides = array<i32>} : memref<2x16x512xi32, #tpu.memory_space<vmem>>, vector<16xi32>,
      %parallel_loop3A_384 = arith.constant 101 : i32
      %parallel_loop3A_385 = vector.broadcast %parallel_loop3A_384 : i32 to vector<16xi32>
      %parallel_loop3A_386 = arith.cmpi sge, %parallel_loop3A_383, %parallel_loop3A_385 : vector<16xi32>
      %parallel_loop3A_387 = arith.constant 101 : i32
      %parallel_loop3A_388 = vector.broadcast %parallel_loop3A_387 : i32 to vector<16xi32>
      %parallel_loop3A_389 = arith.subi %parallel_loop3A_383, %parallel_loop3A_388 : vector<16xi32>
      %parallel_loop3A_390 = arith.constant 512 : i32
      %parallel_loop3A_391 = vector.broadcast %parallel_loop3A_390 : i32 to vector<16xi32>
      %parallel_loop3A_392 = arith.muli %parallel_loop3A_389, %parallel_loop3A_391 : vector<16xi32>
      %parallel_loop3A_393 = arith.addi %parallel_loop3A_392, %parallel_loop3A_370 : vector<16xi32>
      tpu.vector_store_idx %arg6[%parallel_loop3A_393], %broadcast_in_dim3A_35 masked %parallel_loop3A_386 {add = true} : memref<25088xi32, #tpu.memory_space<vmem>>[vector<16xi32>], vector<16xi32>, vector<16xi1>
      %parallel_loop3A_394 = arith.constant 1 : i32
      %parallel_loop3A_395 = arith.constant 0 : i32
      %parallel_loop3A_396 = arith.constant 0 : i32
      %parallel_loop3A_397 = tpu.memref_slice %arg5[%parallel_loop3A_394, %parallel_loop3A_395, %parallel_loop3A_396] : memref<2x16x512xi32, #tpu.memory_space<vmem>> -> memref<1x16x512xi32, #tpu.memory_space<vmem>>
      %parallel_loop3A_398 = tpu.memref_squeeze %parallel_loop3A_397 : memref<1x16x512xi32, #tpu.memory_space<vmem>> -> memref<16x512xi32, #tpu.memory_space<vmem>>
      %parallel_loop3A_399 = tpu.vector_load_idx %parallel_loop3A_398[%iota3A, %parallel_loop3A_371] : memref<16x512xi32, #tpu.memory_space<vmem>>[vector<16xi32>, vector<16xi32>], vector<16xi32>,
      %parallel_loop3A_400 = arith.constant 101 : i32
      %parallel_loop3A_401 = vector.broadcast %parallel_loop3A_400 : i32 to vector<16xi32>
      %parallel_loop3A_402 = arith.cmpi sge, %parallel_loop3A_399, %parallel_loop3A_401 : vector<16xi32>
      %parallel_loop3A_403 = arith.constant 101 : i32
      %parallel_loop3A_404 = vector.broadcast %parallel_loop3A_403 : i32 to vector<16xi32>
      %parallel_loop3A_405 = arith.subi %parallel_loop3A_399, %parallel_loop3A_404 : vector<16xi32>
      tpu.vector_store_idx %arg7[%parallel_loop3A_405, %add3A_133], %broadcast_in_dim3A_35 masked %parallel_loop3A_402 {add = true} : memref<49x128xi32, #tpu.memory_space<vmem>>[vector<16xi32>, vector<16xi32>], vector<16xi32>, vector<16xi1>
      %parallel_loop3A_406 = arith.constant 16 : i32
      %parallel_loop3A_407 = vector.broadcast %parallel_loop3A_406 : i32 to vector<16xi32>
      %parallel_loop3A_408 = arith.addi %parallel_loop3A_370, %parallel_loop3A_407 : vector<16xi32>
      %parallel_loop3A_409 = arith.constant 511 : i32
      %parallel_loop3A_410 = vector.broadcast %parallel_loop3A_409 : i32 to vector<16xi32>
      %parallel_loop3A_411 = arith.andi %parallel_loop3A_408, %parallel_loop3A_410 : vector<16xi32>
      %parallel_loop3A_412 = arith.constant 1 : i32
      %parallel_loop3A_413 = vector.broadcast %parallel_loop3A_412 : i32 to vector<16xi32>
      %parallel_loop3A_414 = arith.addi %parallel_loop3A_371, %parallel_loop3A_413 : vector<16xi32>
      %parallel_loop3A_415 = arith.constant 511 : i32
      %parallel_loop3A_416 = vector.broadcast %parallel_loop3A_415 : i32 to vector<16xi32>
      %parallel_loop3A_417 = arith.andi %parallel_loop3A_414, %parallel_loop3A_416 : vector<16xi32>
      scf.yield %parallel_loop3A_411, %parallel_loop3A_417 : vector<16xi32>, vector<16xi32>
    } {sc.loop_unroll_factor = 8 : i64, sc.parallel_access}
    %add3A_138 = arith.constant 48 : i32
    %add3A_139 = arith.addi %mul3A_32, %add3A_138 : i32
    %dma_start3A_140 = arith.constant 1 : i32
    %dma_start3A_141 = arith.constant 0 : i32
    %dma_start3A_142 = arith.constant 0 : i32
    %dma_start3A_143 = tpu.memref_slice %arg5[%dma_start3A_140, %dma_start3A_141, %dma_start3A_142] : memref<2x16x512xi32, #tpu.memory_space<vmem>> -> memref<1x16x512xi32, #tpu.memory_space<vmem>>
    %dma_start3A_144 = tpu.memref_squeeze %dma_start3A_143 : memref<1x16x512xi32, #tpu.memory_space<vmem>> -> memref<16x512xi32, #tpu.memory_space<vmem>>
    %dma_start3A_145 = arith.constant 0 : i32
    %dma_start3A_146 = tpu.memref_slice %arg2[%select_n3A, %add3A_139, %dma_start3A_145] : memref<8x512x512xi32, #tpu.memory_space<hbm>> -> memref<1x16x512xi32, #tpu.memory_space<hbm>>
    %dma_start3A_147 = tpu.memref_squeeze %dma_start3A_146 : memref<1x16x512xi32, #tpu.memory_space<hbm>> -> memref<16x512xi32, #tpu.memory_space<hbm>>
    %dma_start3A_148 = arith.constant 0 : i32
    %dma_start3A_149 = arith.constant 0 : i32
    %dma_start3A_150 = tpu.memref_slice %arg5[%dma_start3A_140, %dma_start3A_148, %dma_start3A_149] : memref<2x16x512xi32, #tpu.memory_space<vmem>> -> memref<1x16x512xi32, #tpu.memory_space<vmem>>
    %dma_start3A_151 = tpu.memref_squeeze %dma_start3A_150 : memref<1x16x512xi32, #tpu.memory_space<vmem>> -> memref<16x512xi32, #tpu.memory_space<vmem>>
    %dma_start3A_152 = arith.constant 0 : i32
    %dma_start3A_153 = tpu.memref_slice %arg2[%select_n3A, %add3A_139, %dma_start3A_152] : memref<8x512x512xi32, #tpu.memory_space<hbm>> -> memref<1x16x512xi32, #tpu.memory_space<hbm>>
    %dma_start3A_154 = tpu.memref_squeeze %dma_start3A_153 : memref<1x16x512xi32, #tpu.memory_space<hbm>> -> memref<16x512xi32, #tpu.memory_space<hbm>>
    tpu.enqueue_dma source(%dma_start3A_154 : memref<16x512xi32, #tpu.memory_space<hbm>>) target(%dma_start3A_151 : memref<16x512xi32, #tpu.memory_space<vmem>>) target_semaphore(%arg9 : memref<!tpu.dma_semaphore, #tpu.memory_space<semaphore_mem>>)
    %add3A_155 = arith.constant 32 : i32
    %add3A_156 = arith.addi %mul3A_32, %add3A_155 : i32
    %dma_wait3A_157 = arith.constant 0 : i32
    %dma_wait3A_158 = arith.constant 0 : i32
    %dma_wait3A_159 = arith.constant 0 : i32
    %dma_wait3A_160 = tpu.memref_slice %arg5[%dma_wait3A_157, %dma_wait3A_158, %dma_wait3A_159] : memref<2x16x512xi32, #tpu.memory_space<vmem>> -> memref<1x16x512xi32, #tpu.memory_space<vmem>>
    %dma_wait3A_161 = tpu.memref_squeeze %dma_wait3A_160 : memref<1x16x512xi32, #tpu.memory_space<vmem>> -> memref<16x512xi32, #tpu.memory_space<vmem>>
    %dma_wait3A_162 = arith.constant 0 : i32
    %dma_wait3A_163 = tpu.memref_slice %arg2[%select_n3A, %add3A_156, %dma_wait3A_162] : memref<8x512x512xi32, #tpu.memory_space<hbm>> -> memref<1x16x512xi32, #tpu.memory_space<hbm>>
    %dma_wait3A_164 = tpu.memref_squeeze %dma_wait3A_163 : memref<1x16x512xi32, #tpu.memory_space<hbm>> -> memref<16x512xi32, #tpu.memory_space<hbm>>
    %dma_wait3A_165 = arith.constant 0 : i32
    %dma_wait3A_166 = arith.constant 0 : i32
    %dma_wait3A_167 = tpu.memref_slice %arg5[%dma_wait3A_157, %dma_wait3A_165, %dma_wait3A_166] : memref<2x16x512xi32, #tpu.memory_space<vmem>> -> memref<1x16x512xi32, #tpu.memory_space<vmem>>
    %dma_wait3A_168 = tpu.memref_squeeze %dma_wait3A_167 : memref<1x16x512xi32, #tpu.memory_space<vmem>> -> memref<16x512xi32, #tpu.memory_space<vmem>>
    %dma_wait3A_169 = arith.constant 0 : i32
    %dma_wait3A_170 = tpu.memref_slice %arg2[%select_n3A, %add3A_156, %dma_wait3A_169] : memref<8x512x512xi32, #tpu.memory_space<hbm>> -> memref<1x16x512xi32, #tpu.memory_space<hbm>>
    %dma_wait3A_171 = tpu.memref_squeeze %dma_wait3A_170 : memref<1x16x512xi32, #tpu.memory_space<hbm>> -> memref<16x512xi32, #tpu.memory_space<hbm>>
    tpu.wait_dma2 semaphore(%arg8 : memref<!tpu.dma_semaphore, #tpu.memory_space<semaphore_mem>>) src(%dma_wait3A_171 : memref<16x512xi32, #tpu.memory_space<hbm>>) dst(%dma_wait3A_168 : memref<16x512xi32, #tpu.memory_space<vmem>>)
    %add3A_172 = arith.constant 32 : i32
    %add3A_173 = vector.broadcast %add3A_172 : i32 to vector<16xi32>
    %add3A_174 = arith.addi %add3A_173, %iota3A : vector<16xi32>
    %parallel_loop3A_175 = arith.constant 0 : i32
    %parallel_loop3A_176 = arith.constant 512 : i32
    %parallel_loop3A_177 = arith.constant 1 : i32
    %parallel_loop3A_178:2 = scf.for %parallel_loop3A_369 = %parallel_loop3A_175 to %parallel_loop3A_176 step %parallel_loop3A_177 iter_args(%parallel_loop3A_370 = %iota3A, %parallel_loop3A_371 = %iota3A) -> (vector<16xi32>, vector<16xi32>)  : i32 {
      %parallel_loop3A_372 = arith.constant 5 : i32
      %parallel_loop3A_373 = arith.shrui %parallel_loop3A_369, %parallel_loop3A_372 : i32
      %parallel_loop3A_374 = arith.constant 31 : i32
      %parallel_loop3A_375 = arith.andi %parallel_loop3A_369, %parallel_loop3A_374 : i32
      %parallel_loop3A_376 = arith.constant 16 : i32
      %parallel_loop3A_377 = arith.muli %parallel_loop3A_375, %parallel_loop3A_376 : i32
      %parallel_loop3A_378 = tpu.assume_multiple %parallel_loop3A_377, 8 : i32
      %parallel_loop3A_379 = arith.constant 0 : i32
      %parallel_loop3A_380 = arith.index_cast %parallel_loop3A_379 : i32 to index
      %parallel_loop3A_381 = arith.index_cast %parallel_loop3A_373 : i32 to index
      %parallel_loop3A_382 = arith.index_cast %parallel_loop3A_378 : i32 to index
      %parallel_loop3A_383 = tpu.vector_load %arg5[%parallel_loop3A_380, %parallel_loop3A_381, %parallel_loop3A_382] {strides = array<i32>} : memref<2x16x512xi32, #tpu.memory_space<vmem>>, vector<16xi32>,
      %parallel_loop3A_384 = arith.constant 101 : i32
      %parallel_loop3A_385 = vector.broadcast %parallel_loop3A_384 : i32 to vector<16xi32>
      %parallel_loop3A_386 = arith.cmpi sge, %parallel_loop3A_383, %parallel_loop3A_385 : vector<16xi32>
      %parallel_loop3A_387 = arith.constant 101 : i32
      %parallel_loop3A_388 = vector.broadcast %parallel_loop3A_387 : i32 to vector<16xi32>
      %parallel_loop3A_389 = arith.subi %parallel_loop3A_383, %parallel_loop3A_388 : vector<16xi32>
      %parallel_loop3A_390 = arith.constant 512 : i32
      %parallel_loop3A_391 = vector.broadcast %parallel_loop3A_390 : i32 to vector<16xi32>
      %parallel_loop3A_392 = arith.muli %parallel_loop3A_389, %parallel_loop3A_391 : vector<16xi32>
      %parallel_loop3A_393 = arith.addi %parallel_loop3A_392, %parallel_loop3A_370 : vector<16xi32>
      tpu.vector_store_idx %arg6[%parallel_loop3A_393], %broadcast_in_dim3A_35 masked %parallel_loop3A_386 {add = true} : memref<25088xi32, #tpu.memory_space<vmem>>[vector<16xi32>], vector<16xi32>, vector<16xi1>
      %parallel_loop3A_394 = arith.constant 0 : i32
      %parallel_loop3A_395 = arith.constant 0 : i32
      %parallel_loop3A_396 = arith.constant 0 : i32
      %parallel_loop3A_397 = tpu.memref_slice %arg5[%parallel_loop3A_394, %parallel_loop3A_395, %parallel_loop3A_396] : memref<2x16x512xi32, #tpu.memory_space<vmem>> -> memref<1x16x512xi32, #tpu.memory_space<vmem>>
      %parallel_loop3A_398 = tpu.memref_squeeze %parallel_loop3A_397 : memref<1x16x512xi32, #tpu.memory_space<vmem>> -> memref<16x512xi32, #tpu.memory_space<vmem>>
      %parallel_loop3A_399 = tpu.vector_load_idx %parallel_loop3A_398[%iota3A, %parallel_loop3A_371] : memref<16x512xi32, #tpu.memory_space<vmem>>[vector<16xi32>, vector<16xi32>], vector<16xi32>,
      %parallel_loop3A_400 = arith.constant 101 : i32
      %parallel_loop3A_401 = vector.broadcast %parallel_loop3A_400 : i32 to vector<16xi32>
      %parallel_loop3A_402 = arith.cmpi sge, %parallel_loop3A_399, %parallel_loop3A_401 : vector<16xi32>
      %parallel_loop3A_403 = arith.constant 101 : i32
      %parallel_loop3A_404 = vector.broadcast %parallel_loop3A_403 : i32 to vector<16xi32>
      %parallel_loop3A_405 = arith.subi %parallel_loop3A_399, %parallel_loop3A_404 : vector<16xi32>
      tpu.vector_store_idx %arg7[%parallel_loop3A_405, %add3A_174], %broadcast_in_dim3A_35 masked %parallel_loop3A_402 {add = true} : memref<49x128xi32, #tpu.memory_space<vmem>>[vector<16xi32>, vector<16xi32>], vector<16xi32>, vector<16xi1>
      %parallel_loop3A_406 = arith.constant 16 : i32
      %parallel_loop3A_407 = vector.broadcast %parallel_loop3A_406 : i32 to vector<16xi32>
      %parallel_loop3A_408 = arith.addi %parallel_loop3A_370, %parallel_loop3A_407 : vector<16xi32>
      %parallel_loop3A_409 = arith.constant 511 : i32
      %parallel_loop3A_410 = vector.broadcast %parallel_loop3A_409 : i32 to vector<16xi32>
      %parallel_loop3A_411 = arith.andi %parallel_loop3A_408, %parallel_loop3A_410 : vector<16xi32>
      %parallel_loop3A_412 = arith.constant 1 : i32
      %parallel_loop3A_413 = vector.broadcast %parallel_loop3A_412 : i32 to vector<16xi32>
      %parallel_loop3A_414 = arith.addi %parallel_loop3A_371, %parallel_loop3A_413 : vector<16xi32>
      %parallel_loop3A_415 = arith.constant 511 : i32
      %parallel_loop3A_416 = vector.broadcast %parallel_loop3A_415 : i32 to vector<16xi32>
      %parallel_loop3A_417 = arith.andi %parallel_loop3A_414, %parallel_loop3A_416 : vector<16xi32>
      scf.yield %parallel_loop3A_411, %parallel_loop3A_417 : vector<16xi32>, vector<16xi32>
    } {sc.loop_unroll_factor = 8 : i64, sc.parallel_access}
    %add3A_179 = arith.constant 64 : i32
    %add3A_180 = arith.addi %mul3A_32, %add3A_179 : i32
    %dma_start3A_181 = arith.constant 0 : i32
    %dma_start3A_182 = arith.constant 0 : i32
    %dma_start3A_183 = arith.constant 0 : i32
    %dma_start3A_184 = tpu.memref_slice %arg5[%dma_start3A_181, %dma_start3A_182, %dma_start3A_183] : memref<2x16x512xi32, #tpu.memory_space<vmem>> -> memref<1x16x512xi32, #tpu.memory_space<vmem>>
    %dma_start3A_185 = tpu.memref_squeeze %dma_start3A_184 : memref<1x16x512xi32, #tpu.memory_space<vmem>> -> memref<16x512xi32, #tpu.memory_space<vmem>>
    %dma_start3A_186 = arith.constant 0 : i32
    %dma_start3A_187 = tpu.memref_slice %arg2[%select_n3A, %add3A_180, %dma_start3A_186] : memref<8x512x512xi32, #tpu.memory_space<hbm>> -> memref<1x16x512xi32, #tpu.memory_space<hbm>>
    %dma_start3A_188 = tpu.memref_squeeze %dma_start3A_187 : memref<1x16x512xi32, #tpu.memory_space<hbm>> -> memref<16x512xi32, #tpu.memory_space<hbm>>
    %dma_start3A_189 = arith.constant 0 : i32
    %dma_start3A_190 = arith.constant 0 : i32
    %dma_start3A_191 = tpu.memref_slice %arg5[%dma_start3A_181, %dma_start3A_189, %dma_start3A_190] : memref<2x16x512xi32, #tpu.memory_space<vmem>> -> memref<1x16x512xi32, #tpu.memory_space<vmem>>
    %dma_start3A_192 = tpu.memref_squeeze %dma_start3A_191 : memref<1x16x512xi32, #tpu.memory_space<vmem>> -> memref<16x512xi32, #tpu.memory_space<vmem>>
    %dma_start3A_193 = arith.constant 0 : i32
    %dma_start3A_194 = tpu.memref_slice %arg2[%select_n3A, %add3A_180, %dma_start3A_193] : memref<8x512x512xi32, #tpu.memory_space<hbm>> -> memref<1x16x512xi32, #tpu.memory_space<hbm>>
    %dma_start3A_195 = tpu.memref_squeeze %dma_start3A_194 : memref<1x16x512xi32, #tpu.memory_space<hbm>> -> memref<16x512xi32, #tpu.memory_space<hbm>>
    tpu.enqueue_dma source(%dma_start3A_195 : memref<16x512xi32, #tpu.memory_space<hbm>>) target(%dma_start3A_192 : memref<16x512xi32, #tpu.memory_space<vmem>>) target_semaphore(%arg8 : memref<!tpu.dma_semaphore, #tpu.memory_space<semaphore_mem>>)
    %add3A_196 = arith.constant 48 : i32
    %add3A_197 = arith.addi %mul3A_32, %add3A_196 : i32
    %dma_wait3A_198 = arith.constant 1 : i32
    %dma_wait3A_199 = arith.constant 0 : i32
    %dma_wait3A_200 = arith.constant 0 : i32
    %dma_wait3A_201 = tpu.memref_slice %arg5[%dma_wait3A_198, %dma_wait3A_199, %dma_wait3A_200] : memref<2x16x512xi32, #tpu.memory_space<vmem>> -> memref<1x16x512xi32, #tpu.memory_space<vmem>>
    %dma_wait3A_202 = tpu.memref_squeeze %dma_wait3A_201 : memref<1x16x512xi32, #tpu.memory_space<vmem>> -> memref<16x512xi32, #tpu.memory_space<vmem>>
    %dma_wait3A_203 = arith.constant 0 : i32
    %dma_wait3A_204 = tpu.memref_slice %arg2[%select_n3A, %add3A_197, %dma_wait3A_203] : memref<8x512x512xi32, #tpu.memory_space<hbm>> -> memref<1x16x512xi32, #tpu.memory_space<hbm>>
    %dma_wait3A_205 = tpu.memref_squeeze %dma_wait3A_204 : memref<1x16x512xi32, #tpu.memory_space<hbm>> -> memref<16x512xi32, #tpu.memory_space<hbm>>
    %dma_wait3A_206 = arith.constant 0 : i32
    %dma_wait3A_207 = arith.constant 0 : i32
    %dma_wait3A_208 = tpu.memref_slice %arg5[%dma_wait3A_198, %dma_wait3A_206, %dma_wait3A_207] : memref<2x16x512xi32, #tpu.memory_space<vmem>> -> memref<1x16x512xi32, #tpu.memory_space<vmem>>
    %dma_wait3A_209 = tpu.memref_squeeze %dma_wait3A_208 : memref<1x16x512xi32, #tpu.memory_space<vmem>> -> memref<16x512xi32, #tpu.memory_space<vmem>>
    %dma_wait3A_210 = arith.constant 0 : i32
    %dma_wait3A_211 = tpu.memref_slice %arg2[%select_n3A, %add3A_197, %dma_wait3A_210] : memref<8x512x512xi32, #tpu.memory_space<hbm>> -> memref<1x16x512xi32, #tpu.memory_space<hbm>>
    %dma_wait3A_212 = tpu.memref_squeeze %dma_wait3A_211 : memref<1x16x512xi32, #tpu.memory_space<hbm>> -> memref<16x512xi32, #tpu.memory_space<hbm>>
    tpu.wait_dma2 semaphore(%arg9 : memref<!tpu.dma_semaphore, #tpu.memory_space<semaphore_mem>>) src(%dma_wait3A_212 : memref<16x512xi32, #tpu.memory_space<hbm>>) dst(%dma_wait3A_209 : memref<16x512xi32, #tpu.memory_space<vmem>>)
    %add3A_213 = arith.constant 48 : i32
    %add3A_214 = vector.broadcast %add3A_213 : i32 to vector<16xi32>
    %add3A_215 = arith.addi %add3A_214, %iota3A : vector<16xi32>
    %parallel_loop3A_216 = arith.constant 0 : i32
    %parallel_loop3A_217 = arith.constant 512 : i32
    %parallel_loop3A_218 = arith.constant 1 : i32
    %parallel_loop3A_219:2 = scf.for %parallel_loop3A_369 = %parallel_loop3A_216 to %parallel_loop3A_217 step %parallel_loop3A_218 iter_args(%parallel_loop3A_370 = %iota3A, %parallel_loop3A_371 = %iota3A) -> (vector<16xi32>, vector<16xi32>)  : i32 {
      %parallel_loop3A_372 = arith.constant 5 : i32
      %parallel_loop3A_373 = arith.shrui %parallel_loop3A_369, %parallel_loop3A_372 : i32
      %parallel_loop3A_374 = arith.constant 31 : i32
      %parallel_loop3A_375 = arith.andi %parallel_loop3A_369, %parallel_loop3A_374 : i32
      %parallel_loop3A_376 = arith.constant 16 : i32
      %parallel_loop3A_377 = arith.muli %parallel_loop3A_375, %parallel_loop3A_376 : i32
      %parallel_loop3A_378 = tpu.assume_multiple %parallel_loop3A_377, 8 : i32
      %parallel_loop3A_379 = arith.constant 1 : i32
      %parallel_loop3A_380 = arith.index_cast %parallel_loop3A_379 : i32 to index
      %parallel_loop3A_381 = arith.index_cast %parallel_loop3A_373 : i32 to index
      %parallel_loop3A_382 = arith.index_cast %parallel_loop3A_378 : i32 to index
      %parallel_loop3A_383 = tpu.vector_load %arg5[%parallel_loop3A_380, %parallel_loop3A_381, %parallel_loop3A_382] {strides = array<i32>} : memref<2x16x512xi32, #tpu.memory_space<vmem>>, vector<16xi32>,
      %parallel_loop3A_384 = arith.constant 101 : i32
      %parallel_loop3A_385 = vector.broadcast %parallel_loop3A_384 : i32 to vector<16xi32>
      %parallel_loop3A_386 = arith.cmpi sge, %parallel_loop3A_383, %parallel_loop3A_385 : vector<16xi32>
      %parallel_loop3A_387 = arith.constant 101 : i32
      %parallel_loop3A_388 = vector.broadcast %parallel_loop3A_387 : i32 to vector<16xi32>
      %parallel_loop3A_389 = arith.subi %parallel_loop3A_383, %parallel_loop3A_388 : vector<16xi32>
      %parallel_loop3A_390 = arith.constant 512 : i32
      %parallel_loop3A_391 = vector.broadcast %parallel_loop3A_390 : i32 to vector<16xi32>
      %parallel_loop3A_392 = arith.muli %parallel_loop3A_389, %parallel_loop3A_391 : vector<16xi32>
      %parallel_loop3A_393 = arith.addi %parallel_loop3A_392, %parallel_loop3A_370 : vector<16xi32>
      tpu.vector_store_idx %arg6[%parallel_loop3A_393], %broadcast_in_dim3A_35 masked %parallel_loop3A_386 {add = true} : memref<25088xi32, #tpu.memory_space<vmem>>[vector<16xi32>], vector<16xi32>, vector<16xi1>
      %parallel_loop3A_394 = arith.constant 1 : i32
      %parallel_loop3A_395 = arith.constant 0 : i32
      %parallel_loop3A_396 = arith.constant 0 : i32
      %parallel_loop3A_397 = tpu.memref_slice %arg5[%parallel_loop3A_394, %parallel_loop3A_395, %parallel_loop3A_396] : memref<2x16x512xi32, #tpu.memory_space<vmem>> -> memref<1x16x512xi32, #tpu.memory_space<vmem>>
      %parallel_loop3A_398 = tpu.memref_squeeze %parallel_loop3A_397 : memref<1x16x512xi32, #tpu.memory_space<vmem>> -> memref<16x512xi32, #tpu.memory_space<vmem>>
      %parallel_loop3A_399 = tpu.vector_load_idx %parallel_loop3A_398[%iota3A, %parallel_loop3A_371] : memref<16x512xi32, #tpu.memory_space<vmem>>[vector<16xi32>, vector<16xi32>], vector<16xi32>,
      %parallel_loop3A_400 = arith.constant 101 : i32
      %parallel_loop3A_401 = vector.broadcast %parallel_loop3A_400 : i32 to vector<16xi32>
      %parallel_loop3A_402 = arith.cmpi sge, %parallel_loop3A_399, %parallel_loop3A_401 : vector<16xi32>
      %parallel_loop3A_403 = arith.constant 101 : i32
      %parallel_loop3A_404 = vector.broadcast %parallel_loop3A_403 : i32 to vector<16xi32>
      %parallel_loop3A_405 = arith.subi %parallel_loop3A_399, %parallel_loop3A_404 : vector<16xi32>
      tpu.vector_store_idx %arg7[%parallel_loop3A_405, %add3A_215], %broadcast_in_dim3A_35 masked %parallel_loop3A_402 {add = true} : memref<49x128xi32, #tpu.memory_space<vmem>>[vector<16xi32>, vector<16xi32>], vector<16xi32>, vector<16xi1>
      %parallel_loop3A_406 = arith.constant 16 : i32
      %parallel_loop3A_407 = vector.broadcast %parallel_loop3A_406 : i32 to vector<16xi32>
      %parallel_loop3A_408 = arith.addi %parallel_loop3A_370, %parallel_loop3A_407 : vector<16xi32>
      %parallel_loop3A_409 = arith.constant 511 : i32
      %parallel_loop3A_410 = vector.broadcast %parallel_loop3A_409 : i32 to vector<16xi32>
      %parallel_loop3A_411 = arith.andi %parallel_loop3A_408, %parallel_loop3A_410 : vector<16xi32>
      %parallel_loop3A_412 = arith.constant 1 : i32
      %parallel_loop3A_413 = vector.broadcast %parallel_loop3A_412 : i32 to vector<16xi32>
      %parallel_loop3A_414 = arith.addi %parallel_loop3A_371, %parallel_loop3A_413 : vector<16xi32>
      %parallel_loop3A_415 = arith.constant 511 : i32
      %parallel_loop3A_416 = vector.broadcast %parallel_loop3A_415 : i32 to vector<16xi32>
      %parallel_loop3A_417 = arith.andi %parallel_loop3A_414, %parallel_loop3A_416 : vector<16xi32>
      scf.yield %parallel_loop3A_411, %parallel_loop3A_417 : vector<16xi32>, vector<16xi32>
    } {sc.loop_unroll_factor = 8 : i64, sc.parallel_access}
    %add3A_220 = arith.constant 80 : i32
    %add3A_221 = arith.addi %mul3A_32, %add3A_220 : i32
    %dma_start3A_222 = arith.constant 1 : i32
    %dma_start3A_223 = arith.constant 0 : i32
    %dma_start3A_224 = arith.constant 0 : i32
    %dma_start3A_225 = tpu.memref_slice %arg5[%dma_start3A_222, %dma_start3A_223, %dma_start3A_224] : memref<2x16x512xi32, #tpu.memory_space<vmem>> -> memref<1x16x512xi32, #tpu.memory_space<vmem>>
    %dma_start3A_226 = tpu.memref_squeeze %dma_start3A_225 : memref<1x16x512xi32, #tpu.memory_space<vmem>> -> memref<16x512xi32, #tpu.memory_space<vmem>>
    %dma_start3A_227 = arith.constant 0 : i32
    %dma_start3A_228 = tpu.memref_slice %arg2[%select_n3A, %add3A_221, %dma_start3A_227] : memref<8x512x512xi32, #tpu.memory_space<hbm>> -> memref<1x16x512xi32, #tpu.memory_space<hbm>>
    %dma_start3A_229 = tpu.memref_squeeze %dma_start3A_228 : memref<1x16x512xi32, #tpu.memory_space<hbm>> -> memref<16x512xi32, #tpu.memory_space<hbm>>
    %dma_start3A_230 = arith.constant 0 : i32
    %dma_start3A_231 = arith.constant 0 : i32
    %dma_start3A_232 = tpu.memref_slice %arg5[%dma_start3A_222, %dma_start3A_230, %dma_start3A_231] : memref<2x16x512xi32, #tpu.memory_space<vmem>> -> memref<1x16x512xi32, #tpu.memory_space<vmem>>
    %dma_start3A_233 = tpu.memref_squeeze %dma_start3A_232 : memref<1x16x512xi32, #tpu.memory_space<vmem>> -> memref<16x512xi32, #tpu.memory_space<vmem>>
    %dma_start3A_234 = arith.constant 0 : i32
    %dma_start3A_235 = tpu.memref_slice %arg2[%select_n3A, %add3A_221, %dma_start3A_234] : memref<8x512x512xi32, #tpu.memory_space<hbm>> -> memref<1x16x512xi32, #tpu.memory_space<hbm>>
    %dma_start3A_236 = tpu.memref_squeeze %dma_start3A_235 : memref<1x16x512xi32, #tpu.memory_space<hbm>> -> memref<16x512xi32, #tpu.memory_space<hbm>>
    tpu.enqueue_dma source(%dma_start3A_236 : memref<16x512xi32, #tpu.memory_space<hbm>>) target(%dma_start3A_233 : memref<16x512xi32, #tpu.memory_space<vmem>>) target_semaphore(%arg9 : memref<!tpu.dma_semaphore, #tpu.memory_space<semaphore_mem>>)
    %add3A_237 = arith.constant 64 : i32
    %add3A_238 = arith.addi %mul3A_32, %add3A_237 : i32
    %dma_wait3A_239 = arith.constant 0 : i32
    %dma_wait3A_240 = arith.constant 0 : i32
    %dma_wait3A_241 = arith.constant 0 : i32
    %dma_wait3A_242 = tpu.memref_slice %arg5[%dma_wait3A_239, %dma_wait3A_240, %dma_wait3A_241] : memref<2x16x512xi32, #tpu.memory_space<vmem>> -> memref<1x16x512xi32, #tpu.memory_space<vmem>>
    %dma_wait3A_243 = tpu.memref_squeeze %dma_wait3A_242 : memref<1x16x512xi32, #tpu.memory_space<vmem>> -> memref<16x512xi32, #tpu.memory_space<vmem>>
    %dma_wait3A_244 = arith.constant 0 : i32
    %dma_wait3A_245 = tpu.memref_slice %arg2[%select_n3A, %add3A_238, %dma_wait3A_244] : memref<8x512x512xi32, #tpu.memory_space<hbm>> -> memref<1x16x512xi32, #tpu.memory_space<hbm>>
    %dma_wait3A_246 = tpu.memref_squeeze %dma_wait3A_245 : memref<1x16x512xi32, #tpu.memory_space<hbm>> -> memref<16x512xi32, #tpu.memory_space<hbm>>
    %dma_wait3A_247 = arith.constant 0 : i32
    %dma_wait3A_248 = arith.constant 0 : i32
    %dma_wait3A_249 = tpu.memref_slice %arg5[%dma_wait3A_239, %dma_wait3A_247, %dma_wait3A_248] : memref<2x16x512xi32, #tpu.memory_space<vmem>> -> memref<1x16x512xi32, #tpu.memory_space<vmem>>
    %dma_wait3A_250 = tpu.memref_squeeze %dma_wait3A_249 : memref<1x16x512xi32, #tpu.memory_space<vmem>> -> memref<16x512xi32, #tpu.memory_space<vmem>>
    %dma_wait3A_251 = arith.constant 0 : i32
    %dma_wait3A_252 = tpu.memref_slice %arg2[%select_n3A, %add3A_238, %dma_wait3A_251] : memref<8x512x512xi32, #tpu.memory_space<hbm>> -> memref<1x16x512xi32, #tpu.memory_space<hbm>>
    %dma_wait3A_253 = tpu.memref_squeeze %dma_wait3A_252 : memref<1x16x512xi32, #tpu.memory_space<hbm>> -> memref<16x512xi32, #tpu.memory_space<hbm>>
    tpu.wait_dma2 semaphore(%arg8 : memref<!tpu.dma_semaphore, #tpu.memory_space<semaphore_mem>>) src(%dma_wait3A_253 : memref<16x512xi32, #tpu.memory_space<hbm>>) dst(%dma_wait3A_250 : memref<16x512xi32, #tpu.memory_space<vmem>>)
    %add3A_254 = arith.constant 64 : i32
    %add3A_255 = vector.broadcast %add3A_254 : i32 to vector<16xi32>
    %add3A_256 = arith.addi %add3A_255, %iota3A : vector<16xi32>
    %parallel_loop3A_257 = arith.constant 0 : i32
    %parallel_loop3A_258 = arith.constant 512 : i32
    %parallel_loop3A_259 = arith.constant 1 : i32
    %parallel_loop3A_260:2 = scf.for %parallel_loop3A_369 = %parallel_loop3A_257 to %parallel_loop3A_258 step %parallel_loop3A_259 iter_args(%parallel_loop3A_370 = %iota3A, %parallel_loop3A_371 = %iota3A) -> (vector<16xi32>, vector<16xi32>)  : i32 {
      %parallel_loop3A_372 = arith.constant 5 : i32
      %parallel_loop3A_373 = arith.shrui %parallel_loop3A_369, %parallel_loop3A_372 : i32
      %parallel_loop3A_374 = arith.constant 31 : i32
      %parallel_loop3A_375 = arith.andi %parallel_loop3A_369, %parallel_loop3A_374 : i32
      %parallel_loop3A_376 = arith.constant 16 : i32
      %parallel_loop3A_377 = arith.muli %parallel_loop3A_375, %parallel_loop3A_376 : i32
      %parallel_loop3A_378 = tpu.assume_multiple %parallel_loop3A_377, 8 : i32
      %parallel_loop3A_379 = arith.constant 0 : i32
      %parallel_loop3A_380 = arith.index_cast %parallel_loop3A_379 : i32 to index
      %parallel_loop3A_381 = arith.index_cast %parallel_loop3A_373 : i32 to index
      %parallel_loop3A_382 = arith.index_cast %parallel_loop3A_378 : i32 to index
      %parallel_loop3A_383 = tpu.vector_load %arg5[%parallel_loop3A_380, %parallel_loop3A_381, %parallel_loop3A_382] {strides = array<i32>} : memref<2x16x512xi32, #tpu.memory_space<vmem>>, vector<16xi32>,
      %parallel_loop3A_384 = arith.constant 101 : i32
      %parallel_loop3A_385 = vector.broadcast %parallel_loop3A_384 : i32 to vector<16xi32>
      %parallel_loop3A_386 = arith.cmpi sge, %parallel_loop3A_383, %parallel_loop3A_385 : vector<16xi32>
      %parallel_loop3A_387 = arith.constant 101 : i32
      %parallel_loop3A_388 = vector.broadcast %parallel_loop3A_387 : i32 to vector<16xi32>
      %parallel_loop3A_389 = arith.subi %parallel_loop3A_383, %parallel_loop3A_388 : vector<16xi32>
      %parallel_loop3A_390 = arith.constant 512 : i32
      %parallel_loop3A_391 = vector.broadcast %parallel_loop3A_390 : i32 to vector<16xi32>
      %parallel_loop3A_392 = arith.muli %parallel_loop3A_389, %parallel_loop3A_391 : vector<16xi32>
      %parallel_loop3A_393 = arith.addi %parallel_loop3A_392, %parallel_loop3A_370 : vector<16xi32>
      tpu.vector_store_idx %arg6[%parallel_loop3A_393], %broadcast_in_dim3A_35 masked %parallel_loop3A_386 {add = true} : memref<25088xi32, #tpu.memory_space<vmem>>[vector<16xi32>], vector<16xi32>, vector<16xi1>
      %parallel_loop3A_394 = arith.constant 0 : i32
      %parallel_loop3A_395 = arith.constant 0 : i32
      %parallel_loop3A_396 = arith.constant 0 : i32
      %parallel_loop3A_397 = tpu.memref_slice %arg5[%parallel_loop3A_394, %parallel_loop3A_395, %parallel_loop3A_396] : memref<2x16x512xi32, #tpu.memory_space<vmem>> -> memref<1x16x512xi32, #tpu.memory_space<vmem>>
      %parallel_loop3A_398 = tpu.memref_squeeze %parallel_loop3A_397 : memref<1x16x512xi32, #tpu.memory_space<vmem>> -> memref<16x512xi32, #tpu.memory_space<vmem>>
      %parallel_loop3A_399 = tpu.vector_load_idx %parallel_loop3A_398[%iota3A, %parallel_loop3A_371] : memref<16x512xi32, #tpu.memory_space<vmem>>[vector<16xi32>, vector<16xi32>], vector<16xi32>,
      %parallel_loop3A_400 = arith.constant 101 : i32
      %parallel_loop3A_401 = vector.broadcast %parallel_loop3A_400 : i32 to vector<16xi32>
      %parallel_loop3A_402 = arith.cmpi sge, %parallel_loop3A_399, %parallel_loop3A_401 : vector<16xi32>
      %parallel_loop3A_403 = arith.constant 101 : i32
      %parallel_loop3A_404 = vector.broadcast %parallel_loop3A_403 : i32 to vector<16xi32>
      %parallel_loop3A_405 = arith.subi %parallel_loop3A_399, %parallel_loop3A_404 : vector<16xi32>
      tpu.vector_store_idx %arg7[%parallel_loop3A_405, %add3A_256], %broadcast_in_dim3A_35 masked %parallel_loop3A_402 {add = true} : memref<49x128xi32, #tpu.memory_space<vmem>>[vector<16xi32>, vector<16xi32>], vector<16xi32>, vector<16xi1>
      %parallel_loop3A_406 = arith.constant 16 : i32
      %parallel_loop3A_407 = vector.broadcast %parallel_loop3A_406 : i32 to vector<16xi32>
      %parallel_loop3A_408 = arith.addi %parallel_loop3A_370, %parallel_loop3A_407 : vector<16xi32>
      %parallel_loop3A_409 = arith.constant 511 : i32
      %parallel_loop3A_410 = vector.broadcast %parallel_loop3A_409 : i32 to vector<16xi32>
      %parallel_loop3A_411 = arith.andi %parallel_loop3A_408, %parallel_loop3A_410 : vector<16xi32>
      %parallel_loop3A_412 = arith.constant 1 : i32
      %parallel_loop3A_413 = vector.broadcast %parallel_loop3A_412 : i32 to vector<16xi32>
      %parallel_loop3A_414 = arith.addi %parallel_loop3A_371, %parallel_loop3A_413 : vector<16xi32>
      %parallel_loop3A_415 = arith.constant 511 : i32
      %parallel_loop3A_416 = vector.broadcast %parallel_loop3A_415 : i32 to vector<16xi32>
      %parallel_loop3A_417 = arith.andi %parallel_loop3A_414, %parallel_loop3A_416 : vector<16xi32>
      scf.yield %parallel_loop3A_411, %parallel_loop3A_417 : vector<16xi32>, vector<16xi32>
    } {sc.loop_unroll_factor = 8 : i64, sc.parallel_access}
    %add3A_261 = arith.constant 96 : i32
    %add3A_262 = arith.addi %mul3A_32, %add3A_261 : i32
    %dma_start3A_263 = arith.constant 0 : i32
    %dma_start3A_264 = arith.constant 0 : i32
    %dma_start3A_265 = arith.constant 0 : i32
    %dma_start3A_266 = tpu.memref_slice %arg5[%dma_start3A_263, %dma_start3A_264, %dma_start3A_265] : memref<2x16x512xi32, #tpu.memory_space<vmem>> -> memref<1x16x512xi32, #tpu.memory_space<vmem>>
    %dma_start3A_267 = tpu.memref_squeeze %dma_start3A_266 : memref<1x16x512xi32, #tpu.memory_space<vmem>> -> memref<16x512xi32, #tpu.memory_space<vmem>>
    %dma_start3A_268 = arith.constant 0 : i32
    %dma_start3A_269 = tpu.memref_slice %arg2[%select_n3A, %add3A_262, %dma_start3A_268] : memref<8x512x512xi32, #tpu.memory_space<hbm>> -> memref<1x16x512xi32, #tpu.memory_space<hbm>>
    %dma_start3A_270 = tpu.memref_squeeze %dma_start3A_269 : memref<1x16x512xi32, #tpu.memory_space<hbm>> -> memref<16x512xi32, #tpu.memory_space<hbm>>
    %dma_start3A_271 = arith.constant 0 : i32
    %dma_start3A_272 = arith.constant 0 : i32
    %dma_start3A_273 = tpu.memref_slice %arg5[%dma_start3A_263, %dma_start3A_271, %dma_start3A_272] : memref<2x16x512xi32, #tpu.memory_space<vmem>> -> memref<1x16x512xi32, #tpu.memory_space<vmem>>
    %dma_start3A_274 = tpu.memref_squeeze %dma_start3A_273 : memref<1x16x512xi32, #tpu.memory_space<vmem>> -> memref<16x512xi32, #tpu.memory_space<vmem>>
    %dma_start3A_275 = arith.constant 0 : i32
    %dma_start3A_276 = tpu.memref_slice %arg2[%select_n3A, %add3A_262, %dma_start3A_275] : memref<8x512x512xi32, #tpu.memory_space<hbm>> -> memref<1x16x512xi32, #tpu.memory_space<hbm>>
    %dma_start3A_277 = tpu.memref_squeeze %dma_start3A_276 : memref<1x16x512xi32, #tpu.memory_space<hbm>> -> memref<16x512xi32, #tpu.memory_space<hbm>>
    tpu.enqueue_dma source(%dma_start3A_277 : memref<16x512xi32, #tpu.memory_space<hbm>>) target(%dma_start3A_274 : memref<16x512xi32, #tpu.memory_space<vmem>>) target_semaphore(%arg8 : memref<!tpu.dma_semaphore, #tpu.memory_space<semaphore_mem>>)
    %add3A_278 = arith.constant 80 : i32
    %add3A_279 = arith.addi %mul3A_32, %add3A_278 : i32
    %dma_wait3A_280 = arith.constant 1 : i32
    %dma_wait3A_281 = arith.constant 0 : i32
    %dma_wait3A_282 = arith.constant 0 : i32
    %dma_wait3A_283 = tpu.memref_slice %arg5[%dma_wait3A_280, %dma_wait3A_281, %dma_wait3A_282] : memref<2x16x512xi32, #tpu.memory_space<vmem>> -> memref<1x16x512xi32, #tpu.memory_space<vmem>>
    %dma_wait3A_284 = tpu.memref_squeeze %dma_wait3A_283 : memref<1x16x512xi32, #tpu.memory_space<vmem>> -> memref<16x512xi32, #tpu.memory_space<vmem>>
    %dma_wait3A_285 = arith.constant 0 : i32
    %dma_wait3A_286 = tpu.memref_slice %arg2[%select_n3A, %add3A_279, %dma_wait3A_285] : memref<8x512x512xi32, #tpu.memory_space<hbm>> -> memref<1x16x512xi32, #tpu.memory_space<hbm>>
    %dma_wait3A_287 = tpu.memref_squeeze %dma_wait3A_286 : memref<1x16x512xi32, #tpu.memory_space<hbm>> -> memref<16x512xi32, #tpu.memory_space<hbm>>
    %dma_wait3A_288 = arith.constant 0 : i32
    %dma_wait3A_289 = arith.constant 0 : i32
    %dma_wait3A_290 = tpu.memref_slice %arg5[%dma_wait3A_280, %dma_wait3A_288, %dma_wait3A_289] : memref<2x16x512xi32, #tpu.memory_space<vmem>> -> memref<1x16x512xi32, #tpu.memory_space<vmem>>
    %dma_wait3A_291 = tpu.memref_squeeze %dma_wait3A_290 : memref<1x16x512xi32, #tpu.memory_space<vmem>> -> memref<16x512xi32, #tpu.memory_space<vmem>>
    %dma_wait3A_292 = arith.constant 0 : i32
    %dma_wait3A_293 = tpu.memref_slice %arg2[%select_n3A, %add3A_279, %dma_wait3A_292] : memref<8x512x512xi32, #tpu.memory_space<hbm>> -> memref<1x16x512xi32, #tpu.memory_space<hbm>>
    %dma_wait3A_294 = tpu.memref_squeeze %dma_wait3A_293 : memref<1x16x512xi32, #tpu.memory_space<hbm>> -> memref<16x512xi32, #tpu.memory_space<hbm>>
    tpu.wait_dma2 semaphore(%arg9 : memref<!tpu.dma_semaphore, #tpu.memory_space<semaphore_mem>>) src(%dma_wait3A_294 : memref<16x512xi32, #tpu.memory_space<hbm>>) dst(%dma_wait3A_291 : memref<16x512xi32, #tpu.memory_space<vmem>>)
    %add3A_295 = arith.constant 80 : i32
    %add3A_296 = vector.broadcast %add3A_295 : i32 to vector<16xi32>
    %add3A_297 = arith.addi %add3A_296, %iota3A : vector<16xi32>
    %parallel_loop3A_298 = arith.constant 0 : i32
    %parallel_loop3A_299 = arith.constant 512 : i32
    %parallel_loop3A_300 = arith.constant 1 : i32
    %parallel_loop3A_301:2 = scf.for %parallel_loop3A_369 = %parallel_loop3A_298 to %parallel_loop3A_299 step %parallel_loop3A_300 iter_args(%parallel_loop3A_370 = %iota3A, %parallel_loop3A_371 = %iota3A) -> (vector<16xi32>, vector<16xi32>)  : i32 {
      %parallel_loop3A_372 = arith.constant 5 : i32
      %parallel_loop3A_373 = arith.shrui %parallel_loop3A_369, %parallel_loop3A_372 : i32
      %parallel_loop3A_374 = arith.constant 31 : i32
      %parallel_loop3A_375 = arith.andi %parallel_loop3A_369, %parallel_loop3A_374 : i32
      %parallel_loop3A_376 = arith.constant 16 : i32
      %parallel_loop3A_377 = arith.muli %parallel_loop3A_375, %parallel_loop3A_376 : i32
      %parallel_loop3A_378 = tpu.assume_multiple %parallel_loop3A_377, 8 : i32
      %parallel_loop3A_379 = arith.constant 1 : i32
      %parallel_loop3A_380 = arith.index_cast %parallel_loop3A_379 : i32 to index
      %parallel_loop3A_381 = arith.index_cast %parallel_loop3A_373 : i32 to index
      %parallel_loop3A_382 = arith.index_cast %parallel_loop3A_378 : i32 to index
      %parallel_loop3A_383 = tpu.vector_load %arg5[%parallel_loop3A_380, %parallel_loop3A_381, %parallel_loop3A_382] {strides = array<i32>} : memref<2x16x512xi32, #tpu.memory_space<vmem>>, vector<16xi32>,
      %parallel_loop3A_384 = arith.constant 101 : i32
      %parallel_loop3A_385 = vector.broadcast %parallel_loop3A_384 : i32 to vector<16xi32>
      %parallel_loop3A_386 = arith.cmpi sge, %parallel_loop3A_383, %parallel_loop3A_385 : vector<16xi32>
      %parallel_loop3A_387 = arith.constant 101 : i32
      %parallel_loop3A_388 = vector.broadcast %parallel_loop3A_387 : i32 to vector<16xi32>
      %parallel_loop3A_389 = arith.subi %parallel_loop3A_383, %parallel_loop3A_388 : vector<16xi32>
      %parallel_loop3A_390 = arith.constant 512 : i32
      %parallel_loop3A_391 = vector.broadcast %parallel_loop3A_390 : i32 to vector<16xi32>
      %parallel_loop3A_392 = arith.muli %parallel_loop3A_389, %parallel_loop3A_391 : vector<16xi32>
      %parallel_loop3A_393 = arith.addi %parallel_loop3A_392, %parallel_loop3A_370 : vector<16xi32>
      tpu.vector_store_idx %arg6[%parallel_loop3A_393], %broadcast_in_dim3A_35 masked %parallel_loop3A_386 {add = true} : memref<25088xi32, #tpu.memory_space<vmem>>[vector<16xi32>], vector<16xi32>, vector<16xi1>
      %parallel_loop3A_394 = arith.constant 1 : i32
      %parallel_loop3A_395 = arith.constant 0 : i32
      %parallel_loop3A_396 = arith.constant 0 : i32
      %parallel_loop3A_397 = tpu.memref_slice %arg5[%parallel_loop3A_394, %parallel_loop3A_395, %parallel_loop3A_396] : memref<2x16x512xi32, #tpu.memory_space<vmem>> -> memref<1x16x512xi32, #tpu.memory_space<vmem>>
      %parallel_loop3A_398 = tpu.memref_squeeze %parallel_loop3A_397 : memref<1x16x512xi32, #tpu.memory_space<vmem>> -> memref<16x512xi32, #tpu.memory_space<vmem>>
      %parallel_loop3A_399 = tpu.vector_load_idx %parallel_loop3A_398[%iota3A, %parallel_loop3A_371] : memref<16x512xi32, #tpu.memory_space<vmem>>[vector<16xi32>, vector<16xi32>], vector<16xi32>,
      %parallel_loop3A_400 = arith.constant 101 : i32
      %parallel_loop3A_401 = vector.broadcast %parallel_loop3A_400 : i32 to vector<16xi32>
      %parallel_loop3A_402 = arith.cmpi sge, %parallel_loop3A_399, %parallel_loop3A_401 : vector<16xi32>
      %parallel_loop3A_403 = arith.constant 101 : i32
      %parallel_loop3A_404 = vector.broadcast %parallel_loop3A_403 : i32 to vector<16xi32>
      %parallel_loop3A_405 = arith.subi %parallel_loop3A_399, %parallel_loop3A_404 : vector<16xi32>
      tpu.vector_store_idx %arg7[%parallel_loop3A_405, %add3A_297], %broadcast_in_dim3A_35 masked %parallel_loop3A_402 {add = true} : memref<49x128xi32, #tpu.memory_space<vmem>>[vector<16xi32>, vector<16xi32>], vector<16xi32>, vector<16xi1>
      %parallel_loop3A_406 = arith.constant 16 : i32
      %parallel_loop3A_407 = vector.broadcast %parallel_loop3A_406 : i32 to vector<16xi32>
      %parallel_loop3A_408 = arith.addi %parallel_loop3A_370, %parallel_loop3A_407 : vector<16xi32>
      %parallel_loop3A_409 = arith.constant 511 : i32
      %parallel_loop3A_410 = vector.broadcast %parallel_loop3A_409 : i32 to vector<16xi32>
      %parallel_loop3A_411 = arith.andi %parallel_loop3A_408, %parallel_loop3A_410 : vector<16xi32>
      %parallel_loop3A_412 = arith.constant 1 : i32
      %parallel_loop3A_413 = vector.broadcast %parallel_loop3A_412 : i32 to vector<16xi32>
      %parallel_loop3A_414 = arith.addi %parallel_loop3A_371, %parallel_loop3A_413 : vector<16xi32>
      %parallel_loop3A_415 = arith.constant 511 : i32
      %parallel_loop3A_416 = vector.broadcast %parallel_loop3A_415 : i32 to vector<16xi32>
      %parallel_loop3A_417 = arith.andi %parallel_loop3A_414, %parallel_loop3A_416 : vector<16xi32>
      scf.yield %parallel_loop3A_411, %parallel_loop3A_417 : vector<16xi32>, vector<16xi32>
    } {sc.loop_unroll_factor = 8 : i64, sc.parallel_access}
    %add3A_302 = arith.constant 112 : i32
    %add3A_303 = arith.addi %mul3A_32, %add3A_302 : i32
    %dma_start3A_304 = arith.constant 1 : i32
    %dma_start3A_305 = arith.constant 0 : i32
    %dma_start3A_306 = arith.constant 0 : i32
    %dma_start3A_307 = tpu.memref_slice %arg5[%dma_start3A_304, %dma_start3A_305, %dma_start3A_306] : memref<2x16x512xi32, #tpu.memory_space<vmem>> -> memref<1x16x512xi32, #tpu.memory_space<vmem>>
    %dma_start3A_308 = tpu.memref_squeeze %dma_start3A_307 : memref<1x16x512xi32, #tpu.memory_space<vmem>> -> memref<16x512xi32, #tpu.memory_space<vmem>>
    %dma_start3A_309 = arith.constant 0 : i32
    %dma_start3A_310 = tpu.memref_slice %arg2[%select_n3A, %add3A_303, %dma_start3A_309] : memref<8x512x512xi32, #tpu.memory_space<hbm>> -> memref<1x16x512xi32, #tpu.memory_space<hbm>>
    %dma_start3A_311 = tpu.memref_squeeze %dma_start3A_310 : memref<1x16x512xi32, #tpu.memory_space<hbm>> -> memref<16x512xi32, #tpu.memory_space<hbm>>
    %dma_start3A_312 = arith.constant 0 : i32
    %dma_start3A_313 = arith.constant 0 : i32
    %dma_start3A_314 = tpu.memref_slice %arg5[%dma_start3A_304, %dma_start3A_312, %dma_start3A_313] : memref<2x16x512xi32, #tpu.memory_space<vmem>> -> memref<1x16x512xi32, #tpu.memory_space<vmem>>
    %dma_start3A_315 = tpu.memref_squeeze %dma_start3A_314 : memref<1x16x512xi32, #tpu.memory_space<vmem>> -> memref<16x512xi32, #tpu.memory_space<vmem>>
    %dma_start3A_316 = arith.constant 0 : i32
    %dma_start3A_317 = tpu.memref_slice %arg2[%select_n3A, %add3A_303, %dma_start3A_316] : memref<8x512x512xi32, #tpu.memory_space<hbm>> -> memref<1x16x512xi32, #tpu.memory_space<hbm>>
    %dma_start3A_318 = tpu.memref_squeeze %dma_start3A_317 : memref<1x16x512xi32, #tpu.memory_space<hbm>> -> memref<16x512xi32, #tpu.memory_space<hbm>>
    tpu.enqueue_dma source(%dma_start3A_318 : memref<16x512xi32, #tpu.memory_space<hbm>>) target(%dma_start3A_315 : memref<16x512xi32, #tpu.memory_space<vmem>>) target_semaphore(%arg9 : memref<!tpu.dma_semaphore, #tpu.memory_space<semaphore_mem>>)
    %add3A_319 = arith.constant 96 : i32
    %add3A_320 = arith.addi %mul3A_32, %add3A_319 : i32
    %dma_wait3A_321 = arith.constant 0 : i32
    %dma_wait3A_322 = arith.constant 0 : i32
    %dma_wait3A_323 = arith.constant 0 : i32
    %dma_wait3A_324 = tpu.memref_slice %arg5[%dma_wait3A_321, %dma_wait3A_322, %dma_wait3A_323] : memref<2x16x512xi32, #tpu.memory_space<vmem>> -> memref<1x16x512xi32, #tpu.memory_space<vmem>>
    %dma_wait3A_325 = tpu.memref_squeeze %dma_wait3A_324 : memref<1x16x512xi32, #tpu.memory_space<vmem>> -> memref<16x512xi32, #tpu.memory_space<vmem>>
    %dma_wait3A_326 = arith.constant 0 : i32
    %dma_wait3A_327 = tpu.memref_slice %arg2[%select_n3A, %add3A_320, %dma_wait3A_326] : memref<8x512x512xi32, #tpu.memory_space<hbm>> -> memref<1x16x512xi32, #tpu.memory_space<hbm>>
    %dma_wait3A_328 = tpu.memref_squeeze %dma_wait3A_327 : memref<1x16x512xi32, #tpu.memory_space<hbm>> -> memref<16x512xi32, #tpu.memory_space<hbm>>
    %dma_wait3A_329 = arith.constant 0 : i32
    %dma_wait3A_330 = arith.constant 0 : i32
    %dma_wait3A_331 = tpu.memref_slice %arg5[%dma_wait3A_321, %dma_wait3A_329, %dma_wait3A_330] : memref<2x16x512xi32, #tpu.memory_space<vmem>> -> memref<1x16x512xi32, #tpu.memory_space<vmem>>
    %dma_wait3A_332 = tpu.memref_squeeze %dma_wait3A_331 : memref<1x16x512xi32, #tpu.memory_space<vmem>> -> memref<16x512xi32, #tpu.memory_space<vmem>>
    %dma_wait3A_333 = arith.constant 0 : i32
    %dma_wait3A_334 = tpu.memref_slice %arg2[%select_n3A, %add3A_320, %dma_wait3A_333] : memref<8x512x512xi32, #tpu.memory_space<hbm>> -> memref<1x16x512xi32, #tpu.memory_space<hbm>>
    %dma_wait3A_335 = tpu.memref_squeeze %dma_wait3A_334 : memref<1x16x512xi32, #tpu.memory_space<hbm>> -> memref<16x512xi32, #tpu.memory_space<hbm>>
    tpu.wait_dma2 semaphore(%arg8 : memref<!tpu.dma_semaphore, #tpu.memory_space<semaphore_mem>>) src(%dma_wait3A_335 : memref<16x512xi32, #tpu.memory_space<hbm>>) dst(%dma_wait3A_332 : memref<16x512xi32, #tpu.memory_space<vmem>>)
    %add3A_336 = arith.constant 96 : i32
    %add3A_337 = vector.broadcast %add3A_336 : i32 to vector<16xi32>
    %add3A_338 = arith.addi %add3A_337, %iota3A : vector<16xi32>
    %parallel_loop3A_339 = arith.constant 0 : i32
    %parallel_loop3A_340 = arith.constant 512 : i32
    %parallel_loop3A_341 = arith.constant 1 : i32
    %parallel_loop3A_342:2 = scf.for %parallel_loop3A_369 = %parallel_loop3A_339 to %parallel_loop3A_340 step %parallel_loop3A_341 iter_args(%parallel_loop3A_370 = %iota3A, %parallel_loop3A_371 = %iota3A) -> (vector<16xi32>, vector<16xi32>)  : i32 {
      %parallel_loop3A_372 = arith.constant 5 : i32
      %parallel_loop3A_373 = arith.shrui %parallel_loop3A_369, %parallel_loop3A_372 : i32
      %parallel_loop3A_374 = arith.constant 31 : i32
      %parallel_loop3A_375 = arith.andi %parallel_loop3A_369, %parallel_loop3A_374 : i32
      %parallel_loop3A_376 = arith.constant 16 : i32
      %parallel_loop3A_377 = arith.muli %parallel_loop3A_375, %parallel_loop3A_376 : i32
      %parallel_loop3A_378 = tpu.assume_multiple %parallel_loop3A_377, 8 : i32
      %parallel_loop3A_379 = arith.constant 0 : i32
      %parallel_loop3A_380 = arith.index_cast %parallel_loop3A_379 : i32 to index
      %parallel_loop3A_381 = arith.index_cast %parallel_loop3A_373 : i32 to index
      %parallel_loop3A_382 = arith.index_cast %parallel_loop3A_378 : i32 to index
      %parallel_loop3A_383 = tpu.vector_load %arg5[%parallel_loop3A_380, %parallel_loop3A_381, %parallel_loop3A_382] {strides = array<i32>} : memref<2x16x512xi32, #tpu.memory_space<vmem>>, vector<16xi32>,
      %parallel_loop3A_384 = arith.constant 101 : i32
      %parallel_loop3A_385 = vector.broadcast %parallel_loop3A_384 : i32 to vector<16xi32>
      %parallel_loop3A_386 = arith.cmpi sge, %parallel_loop3A_383, %parallel_loop3A_385 : vector<16xi32>
      %parallel_loop3A_387 = arith.constant 101 : i32
      %parallel_loop3A_388 = vector.broadcast %parallel_loop3A_387 : i32 to vector<16xi32>
      %parallel_loop3A_389 = arith.subi %parallel_loop3A_383, %parallel_loop3A_388 : vector<16xi32>
      %parallel_loop3A_390 = arith.constant 512 : i32
      %parallel_loop3A_391 = vector.broadcast %parallel_loop3A_390 : i32 to vector<16xi32>
      %parallel_loop3A_392 = arith.muli %parallel_loop3A_389, %parallel_loop3A_391 : vector<16xi32>
      %parallel_loop3A_393 = arith.addi %parallel_loop3A_392, %parallel_loop3A_370 : vector<16xi32>
      tpu.vector_store_idx %arg6[%parallel_loop3A_393], %broadcast_in_dim3A_35 masked %parallel_loop3A_386 {add = true} : memref<25088xi32, #tpu.memory_space<vmem>>[vector<16xi32>], vector<16xi32>, vector<16xi1>
      %parallel_loop3A_394 = arith.constant 0 : i32
      %parallel_loop3A_395 = arith.constant 0 : i32
      %parallel_loop3A_396 = arith.constant 0 : i32
      %parallel_loop3A_397 = tpu.memref_slice %arg5[%parallel_loop3A_394, %parallel_loop3A_395, %parallel_loop3A_396] : memref<2x16x512xi32, #tpu.memory_space<vmem>> -> memref<1x16x512xi32, #tpu.memory_space<vmem>>
      %parallel_loop3A_398 = tpu.memref_squeeze %parallel_loop3A_397 : memref<1x16x512xi32, #tpu.memory_space<vmem>> -> memref<16x512xi32, #tpu.memory_space<vmem>>
      %parallel_loop3A_399 = tpu.vector_load_idx %parallel_loop3A_398[%iota3A, %parallel_loop3A_371] : memref<16x512xi32, #tpu.memory_space<vmem>>[vector<16xi32>, vector<16xi32>], vector<16xi32>,
      %parallel_loop3A_400 = arith.constant 101 : i32
      %parallel_loop3A_401 = vector.broadcast %parallel_loop3A_400 : i32 to vector<16xi32>
      %parallel_loop3A_402 = arith.cmpi sge, %parallel_loop3A_399, %parallel_loop3A_401 : vector<16xi32>
      %parallel_loop3A_403 = arith.constant 101 : i32
      %parallel_loop3A_404 = vector.broadcast %parallel_loop3A_403 : i32 to vector<16xi32>
      %parallel_loop3A_405 = arith.subi %parallel_loop3A_399, %parallel_loop3A_404 : vector<16xi32>
      tpu.vector_store_idx %arg7[%parallel_loop3A_405, %add3A_338], %broadcast_in_dim3A_35 masked %parallel_loop3A_402 {add = true} : memref<49x128xi32, #tpu.memory_space<vmem>>[vector<16xi32>, vector<16xi32>], vector<16xi32>, vector<16xi1>
      %parallel_loop3A_406 = arith.constant 16 : i32
      %parallel_loop3A_407 = vector.broadcast %parallel_loop3A_406 : i32 to vector<16xi32>
      %parallel_loop3A_408 = arith.addi %parallel_loop3A_370, %parallel_loop3A_407 : vector<16xi32>
      %parallel_loop3A_409 = arith.constant 511 : i32
      %parallel_loop3A_410 = vector.broadcast %parallel_loop3A_409 : i32 to vector<16xi32>
      %parallel_loop3A_411 = arith.andi %parallel_loop3A_408, %parallel_loop3A_410 : vector<16xi32>
      %parallel_loop3A_412 = arith.constant 1 : i32
      %parallel_loop3A_413 = vector.broadcast %parallel_loop3A_412 : i32 to vector<16xi32>
      %parallel_loop3A_414 = arith.addi %parallel_loop3A_371, %parallel_loop3A_413 : vector<16xi32>
      %parallel_loop3A_415 = arith.constant 511 : i32
      %parallel_loop3A_416 = vector.broadcast %parallel_loop3A_415 : i32 to vector<16xi32>
      %parallel_loop3A_417 = arith.andi %parallel_loop3A_414, %parallel_loop3A_416 : vector<16xi32>
      scf.yield %parallel_loop3A_411, %parallel_loop3A_417 : vector<16xi32>, vector<16xi32>
    } {sc.loop_unroll_factor = 8 : i64, sc.parallel_access}
    %add3A_343 = arith.constant 112 : i32
    %add3A_344 = arith.addi %mul3A_32, %add3A_343 : i32
    %dma_wait3A_345 = arith.constant 1 : i32
    %dma_wait3A_346 = arith.constant 0 : i32
    %dma_wait3A_347 = arith.constant 0 : i32
    %dma_wait3A_348 = tpu.memref_slice %arg5[%dma_wait3A_345, %dma_wait3A_346, %dma_wait3A_347] : memref<2x16x512xi32, #tpu.memory_space<vmem>> -> memref<1x16x512xi32, #tpu.memory_space<vmem>>
    %dma_wait3A_349 = tpu.memref_squeeze %dma_wait3A_348 : memref<1x16x512xi32, #tpu.memory_space<vmem>> -> memref<16x512xi32, #tpu.memory_space<vmem>>
    %dma_wait3A_350 = arith.constant 0 : i32
    %dma_wait3A_351 = tpu.memref_slice %arg2[%select_n3A, %add3A_344, %dma_wait3A_350] : memref<8x512x512xi32, #tpu.memory_space<hbm>> -> memref<1x16x512xi32, #tpu.memory_space<hbm>>
    %dma_wait3A_352 = tpu.memref_squeeze %dma_wait3A_351 : memref<1x16x512xi32, #tpu.memory_space<hbm>> -> memref<16x512xi32, #tpu.memory_space<hbm>>
    %dma_wait3A_353 = arith.constant 0 : i32
    %dma_wait3A_354 = arith.constant 0 : i32
    %dma_wait3A_355 = tpu.memref_slice %arg5[%dma_wait3A_345, %dma_wait3A_353, %dma_wait3A_354] : memref<2x16x512xi32, #tpu.memory_space<vmem>> -> memref<1x16x512xi32, #tpu.memory_space<vmem>>
    %dma_wait3A_356 = tpu.memref_squeeze %dma_wait3A_355 : memref<1x16x512xi32, #tpu.memory_space<vmem>> -> memref<16x512xi32, #tpu.memory_space<vmem>>
    %dma_wait3A_357 = arith.constant 0 : i32
    %dma_wait3A_358 = tpu.memref_slice %arg2[%select_n3A, %add3A_344, %dma_wait3A_357] : memref<8x512x512xi32, #tpu.memory_space<hbm>> -> memref<1x16x512xi32, #tpu.memory_space<hbm>>
    %dma_wait3A_359 = tpu.memref_squeeze %dma_wait3A_358 : memref<1x16x512xi32, #tpu.memory_space<hbm>> -> memref<16x512xi32, #tpu.memory_space<hbm>>
    tpu.wait_dma2 semaphore(%arg9 : memref<!tpu.dma_semaphore, #tpu.memory_space<semaphore_mem>>) src(%dma_wait3A_359 : memref<16x512xi32, #tpu.memory_space<hbm>>) dst(%dma_wait3A_356 : memref<16x512xi32, #tpu.memory_space<vmem>>)
    %add3A_360 = arith.constant 112 : i32
    %add3A_361 = vector.broadcast %add3A_360 : i32 to vector<16xi32>
    %add3A_362 = arith.addi %add3A_361, %iota3A : vector<16xi32>
    %parallel_loop3A_363 = arith.constant 0 : i32
    %parallel_loop3A_364 = arith.constant 512 : i32
    %parallel_loop3A_365 = arith.constant 1 : i32
    %parallel_loop3A_366:2 = scf.for %parallel_loop3A_369 = %parallel_loop3A_363 to %parallel_loop3A_364 step %parallel_loop3A_365 iter_args(%parallel_loop3A_370 = %iota3A, %parallel_loop3A_371 = %iota3A) -> (vector<16xi32>, vector<16xi32>)  : i32 {
      %parallel_loop3A_372 = arith.constant 5 : i32
      %parallel_loop3A_373 = arith.shrui %parallel_loop3A_369, %parallel_loop3A_372 : i32
      %parallel_loop3A_374 = arith.constant 31 : i32
      %parallel_loop3A_375 = arith.andi %parallel_loop3A_369, %parallel_loop3A_374 : i32
      %parallel_loop3A_376 = arith.constant 16 : i32
      %parallel_loop3A_377 = arith.muli %parallel_loop3A_375, %parallel_loop3A_376 : i32
      %parallel_loop3A_378 = tpu.assume_multiple %parallel_loop3A_377, 8 : i32
      %parallel_loop3A_379 = arith.constant 1 : i32
      %parallel_loop3A_380 = arith.index_cast %parallel_loop3A_379 : i32 to index
      %parallel_loop3A_381 = arith.index_cast %parallel_loop3A_373 : i32 to index
      %parallel_loop3A_382 = arith.index_cast %parallel_loop3A_378 : i32 to index
      %parallel_loop3A_383 = tpu.vector_load %arg5[%parallel_loop3A_380, %parallel_loop3A_381, %parallel_loop3A_382] {strides = array<i32>} : memref<2x16x512xi32, #tpu.memory_space<vmem>>, vector<16xi32>,
      %parallel_loop3A_384 = arith.constant 101 : i32
      %parallel_loop3A_385 = vector.broadcast %parallel_loop3A_384 : i32 to vector<16xi32>
      %parallel_loop3A_386 = arith.cmpi sge, %parallel_loop3A_383, %parallel_loop3A_385 : vector<16xi32>
      %parallel_loop3A_387 = arith.constant 101 : i32
      %parallel_loop3A_388 = vector.broadcast %parallel_loop3A_387 : i32 to vector<16xi32>
      %parallel_loop3A_389 = arith.subi %parallel_loop3A_383, %parallel_loop3A_388 : vector<16xi32>
      %parallel_loop3A_390 = arith.constant 512 : i32
      %parallel_loop3A_391 = vector.broadcast %parallel_loop3A_390 : i32 to vector<16xi32>
      %parallel_loop3A_392 = arith.muli %parallel_loop3A_389, %parallel_loop3A_391 : vector<16xi32>
      %parallel_loop3A_393 = arith.addi %parallel_loop3A_392, %parallel_loop3A_370 : vector<16xi32>
      tpu.vector_store_idx %arg6[%parallel_loop3A_393], %broadcast_in_dim3A_35 masked %parallel_loop3A_386 {add = true} : memref<25088xi32, #tpu.memory_space<vmem>>[vector<16xi32>], vector<16xi32>, vector<16xi1>
      %parallel_loop3A_394 = arith.constant 1 : i32
      %parallel_loop3A_395 = arith.constant 0 : i32
      %parallel_loop3A_396 = arith.constant 0 : i32
      %parallel_loop3A_397 = tpu.memref_slice %arg5[%parallel_loop3A_394, %parallel_loop3A_395, %parallel_loop3A_396] : memref<2x16x512xi32, #tpu.memory_space<vmem>> -> memref<1x16x512xi32, #tpu.memory_space<vmem>>
      %parallel_loop3A_398 = tpu.memref_squeeze %parallel_loop3A_397 : memref<1x16x512xi32, #tpu.memory_space<vmem>> -> memref<16x512xi32, #tpu.memory_space<vmem>>
      %parallel_loop3A_399 = tpu.vector_load_idx %parallel_loop3A_398[%iota3A, %parallel_loop3A_371] : memref<16x512xi32, #tpu.memory_space<vmem>>[vector<16xi32>, vector<16xi32>], vector<16xi32>,
      %parallel_loop3A_400 = arith.constant 101 : i32
      %parallel_loop3A_401 = vector.broadcast %parallel_loop3A_400 : i32 to vector<16xi32>
      %parallel_loop3A_402 = arith.cmpi sge, %parallel_loop3A_399, %parallel_loop3A_401 : vector<16xi32>
      %parallel_loop3A_403 = arith.constant 101 : i32
      %parallel_loop3A_404 = vector.broadcast %parallel_loop3A_403 : i32 to vector<16xi32>
      %parallel_loop3A_405 = arith.subi %parallel_loop3A_399, %parallel_loop3A_404 : vector<16xi32>
      tpu.vector_store_idx %arg7[%parallel_loop3A_405, %add3A_362], %broadcast_in_dim3A_35 masked %parallel_loop3A_402 {add = true} : memref<49x128xi32, #tpu.memory_space<vmem>>[vector<16xi32>, vector<16xi32>], vector<16xi32>, vector<16xi1>
      %parallel_loop3A_406 = arith.constant 16 : i32
      %parallel_loop3A_407 = vector.broadcast %parallel_loop3A_406 : i32 to vector<16xi32>
      %parallel_loop3A_408 = arith.addi %parallel_loop3A_370, %parallel_loop3A_407 : vector<16xi32>
      %parallel_loop3A_409 = arith.constant 511 : i32
      %parallel_loop3A_410 = vector.broadcast %parallel_loop3A_409 : i32 to vector<16xi32>
      %parallel_loop3A_411 = arith.andi %parallel_loop3A_408, %parallel_loop3A_410 : vector<16xi32>
      %parallel_loop3A_412 = arith.constant 1 : i32
      %parallel_loop3A_413 = vector.broadcast %parallel_loop3A_412 : i32 to vector<16xi32>
      %parallel_loop3A_414 = arith.addi %parallel_loop3A_371, %parallel_loop3A_413 : vector<16xi32>
      %parallel_loop3A_415 = arith.constant 511 : i32
      %parallel_loop3A_416 = vector.broadcast %parallel_loop3A_415 : i32 to vector<16xi32>
      %parallel_loop3A_417 = arith.andi %parallel_loop3A_414, %parallel_loop3A_416 : vector<16xi32>
      scf.yield %parallel_loop3A_411, %parallel_loop3A_417 : vector<16xi32>, vector<16xi32>
    } {sc.loop_unroll_factor = 8 : i64, sc.parallel_access}
    "tpu.region"() ({
      %run_scoped3A = tpu.sem_alloc : memref<!tpu.dma_semaphore, #tpu.memory_space<semaphore_mem>>
      %dma_start3A_369 = arith.constant 0 : i32
      %dma_start3A_370 = tpu.memref_slice %arg3[%select_n3A, %select_n3A_30, %dma_start3A_369] : memref<8x4x25088xi32, #tpu.memory_space<hbm>> -> memref<1x1x25088xi32, #tpu.memory_space<hbm>>
      %dma_start3A_371 = tpu.memref_squeeze %dma_start3A_370 : memref<1x1x25088xi32, #tpu.memory_space<hbm>> -> memref<25088xi32, #tpu.memory_space<hbm>>
      %dma_start3A_372 = arith.constant 0 : i32
      %dma_start3A_373 = tpu.memref_slice %arg3[%select_n3A, %select_n3A_30, %dma_start3A_372] : memref<8x4x25088xi32, #tpu.memory_space<hbm>> -> memref<1x1x25088xi32, #tpu.memory_space<hbm>>
      %dma_start3A_374 = tpu.memref_squeeze %dma_start3A_373 : memref<1x1x25088xi32, #tpu.memory_space<hbm>> -> memref<25088xi32, #tpu.memory_space<hbm>>
      tpu.enqueue_dma source(%arg6 : memref<25088xi32, #tpu.memory_space<vmem>>) target(%dma_start3A_374 : memref<25088xi32, #tpu.memory_space<hbm>>) target_semaphore(%run_scoped3A : memref<!tpu.dma_semaphore, #tpu.memory_space<semaphore_mem>>)
      %dma_wait3A_375 = arith.constant 0 : i32
      %dma_wait3A_376 = tpu.memref_slice %arg3[%select_n3A, %select_n3A_30, %dma_wait3A_375] : memref<8x4x25088xi32, #tpu.memory_space<hbm>> -> memref<1x1x25088xi32, #tpu.memory_space<hbm>>
      %dma_wait3A_377 = tpu.memref_squeeze %dma_wait3A_376 : memref<1x1x25088xi32, #tpu.memory_space<hbm>> -> memref<25088xi32, #tpu.memory_space<hbm>>
      %dma_wait3A_378 = arith.constant 0 : i32
      %dma_wait3A_379 = tpu.memref_slice %arg3[%select_n3A, %select_n3A_30, %dma_wait3A_378] : memref<8x4x25088xi32, #tpu.memory_space<hbm>> -> memref<1x1x25088xi32, #tpu.memory_space<hbm>>
      %dma_wait3A_380 = tpu.memref_squeeze %dma_wait3A_379 : memref<1x1x25088xi32, #tpu.memory_space<hbm>> -> memref<25088xi32, #tpu.memory_space<hbm>>
      tpu.wait_dma2 semaphore(%run_scoped3A : memref<!tpu.dma_semaphore, #tpu.memory_space<semaphore_mem>>) src(%arg6 : memref<25088xi32, #tpu.memory_space<vmem>>) dst(%dma_wait3A_380 : memref<25088xi32, #tpu.memory_space<hbm>>)
      tpu.yield
    }) : () -> ()
    %mul3A_367 = arith.constant 128 : i32
    %mul3A_368 = arith.muli %select_n3A_30, %mul3A_367 : i32
    "tpu.region"() ({
      %run_scoped3A = tpu.sem_alloc : memref<!tpu.dma_semaphore, #tpu.memory_space<semaphore_mem>>
      %dma_start3A_369 = arith.constant 0 : i32
      %dma_start3A_370 = tpu.memref_slice %arg4[%select_n3A, %dma_start3A_369, %mul3A_368] : memref<8x49x512xi32, #tpu.memory_space<hbm>> -> memref<1x49x128xi32, #tpu.memory_space<hbm>>
      %dma_start3A_371 = tpu.memref_squeeze %dma_start3A_370 : memref<1x49x128xi32, #tpu.memory_space<hbm>> -> memref<49x128xi32, #tpu.memory_space<hbm>>
      %dma_start3A_372 = arith.constant 0 : i32
      %dma_start3A_373 = tpu.memref_slice %arg4[%select_n3A, %dma_start3A_372, %mul3A_368] : memref<8x49x512xi32, #tpu.memory_space<hbm>> -> memref<1x49x128xi32, #tpu.memory_space<hbm>>
      %dma_start3A_374 = tpu.memref_squeeze %dma_start3A_373 : memref<1x49x128xi32, #tpu.memory_space<hbm>> -> memref<49x128xi32, #tpu.memory_space<hbm>>
      tpu.enqueue_dma source(%arg7 : memref<49x128xi32, #tpu.memory_space<vmem>>) target(%dma_start3A_374 : memref<49x128xi32, #tpu.memory_space<hbm>>) target_semaphore(%run_scoped3A : memref<!tpu.dma_semaphore, #tpu.memory_space<semaphore_mem>>)
      %dma_wait3A_375 = arith.constant 0 : i32
      %dma_wait3A_376 = tpu.memref_slice %arg4[%select_n3A, %dma_wait3A_375, %mul3A_368] : memref<8x49x512xi32, #tpu.memory_space<hbm>> -> memref<1x49x128xi32, #tpu.memory_space<hbm>>
      %dma_wait3A_377 = tpu.memref_squeeze %dma_wait3A_376 : memref<1x49x128xi32, #tpu.memory_space<hbm>> -> memref<49x128xi32, #tpu.memory_space<hbm>>
      %dma_wait3A_378 = arith.constant 0 : i32
      %dma_wait3A_379 = tpu.memref_slice %arg4[%select_n3A, %dma_wait3A_378, %mul3A_368] : memref<8x49x512xi32, #tpu.memory_space<hbm>> -> memref<1x49x128xi32, #tpu.memory_space<hbm>>
      %dma_wait3A_380 = tpu.memref_squeeze %dma_wait3A_379 : memref<1x49x128xi32, #tpu.memory_space<hbm>> -> memref<49x128xi32, #tpu.memory_space<hbm>>
      tpu.wait_dma2 semaphore(%run_scoped3A : memref<!tpu.dma_semaphore, #tpu.memory_space<semaphore_mem>>) src(%arg7 : memref<49x128xi32, #tpu.memory_space<vmem>>) dst(%dma_wait3A_380 : memref<49x128xi32, #tpu.memory_space<hbm>>)
      tpu.yield
    }) : () -> ()
    return
  }
}

module attributes {stable_mosaic.version = 14 : i64} {
  func.func @_tc_exp_body(%arg0: i32, %arg1: memref<1x512x512xf32, #tpu.memory_space<vmem>>, %arg2: memref<1x1xf32, #tpu.memory_space<vmem>>) attributes {dimension_semantics = [#tpu.dimension_semantics<arbitrary>], iteration_bounds = array<i64: 8>, scalar_prefetch = 0 : i64, scratch_operands = 0 : i64, tpu.core_type = #tpu.core_type<tc>, window_params = [{transform_indices = @transform_0, window_bounds = array<i64: 1, 512, 512>}, {pipeline_mode = #tpu.pipeline_mode<synchronous>, transform_indices = @transform_1, window_bounds = array<i64: 1, 1>}]} {
    %get3A = arith.constant 0 : index
    %get3A_0 = arith.constant 0 : index
    %get3A_1 = arith.constant 0 : index
    %get3A_2 = vector.load %arg1[%get3A, %get3A_0, %get3A_1] : memref<1x512x512xf32, #tpu.memory_space<vmem>>, vector<1x512x512xf32>
    %get3A_3 = vector.shape_cast %get3A_2 : vector<1x512x512xf32> to vector<512x512xf32>
    %exp3A = math.exp %get3A_3 : vector<512x512xf32>
    %reduce_sum3A = vector.shape_cast %exp3A : vector<512x512xf32> to vector<1x512x512xf32>
    %reduce_sum3A_4 = arith.constant dense<0.000000e+00> : vector<1xf32>
    %reduce_sum3A_5 = vector.multi_reduction <add>, %reduce_sum3A, %reduce_sum3A_4 [1, 2] : vector<1x512x512xf32> to vector<1xf32>
    %reduce_sum3A_6 = vector.shape_cast %reduce_sum3A_5 : vector<1xf32> to vector<1x1x1xf32>
    %reduce_sum3A_7 = vector.extract %reduce_sum3A_6[0, 0, 0] : f32 from vector<1x1x1xf32>
    %eq3A = arith.constant 0 : i32
    %eq3A_8 = arith.cmpi eq, %arg0, %eq3A : i32
    %convert_element_type3A = arith.extui %eq3A_8 : i1 to i32
    %cond3A = arith.constant 0 : i32
    %cond3A_9 = arith.cmpi ne, %convert_element_type3A, %cond3A : i32
    scf.if %cond3A_9 {
      %broadcast_in_dim3A = arith.constant 0.000000e+00 : f32
      %broadcast_in_dim3A_17 = vector.broadcast %broadcast_in_dim3A : f32 to vector<1x1xf32>
      %swap3A_18 = arith.constant 0 : index
      %swap3A_19 = arith.constant 0 : index
      %swap3A_20 = vector.load %arg2[%swap3A_18, %swap3A_19] : memref<1x1xf32, #tpu.memory_space<vmem>>, vector<1x1xf32>
      tpu.vector_store %arg2[%swap3A_18, %swap3A_19], %broadcast_in_dim3A_17 {strides = array<i32>} : memref<1x1xf32, #tpu.memory_space<vmem>>, vector<1x1xf32>,
    } else {
    }
    %get3A_10 = arith.constant 0 : index
    %get3A_11 = arith.constant 0 : index
    %get3A_12 = vector.load %arg2[%get3A_10, %get3A_11] : memref<1x1xf32, #tpu.memory_space<vmem>>, vector<1x1xf32>
    %mul3A = arith.constant 4.76837158E-7 : f32
    %mul3A_13 = arith.mulf %reduce_sum3A_7, %mul3A : f32
    %add3A = vector.broadcast %mul3A_13 : f32 to vector<1x1xf32>
    %add3A_14 = arith.addf %get3A_12, %add3A : vector<1x1xf32>
    %swap3A = arith.constant 0 : index
    %swap3A_15 = arith.constant 0 : index
    %swap3A_16 = vector.load %arg2[%swap3A, %swap3A_15] : memref<1x1xf32, #tpu.memory_space<vmem>>, vector<1x1xf32>
    tpu.vector_store %arg2[%swap3A, %swap3A_15], %add3A_14 {strides = array<i32>} : memref<1x1xf32, #tpu.memory_space<vmem>>, vector<1x1xf32>,
    return
  }
  func.func @transform_0(%arg0: i32) -> (i32, i32, i32) {
    %c0_i32 = arith.constant 0 : i32
    %c0_i32_0 = arith.constant 0 : i32
    %c0_i32_1 = arith.constant 0 : i32
    return %arg0, %c0_i32, %c0_i32_0 : i32, i32, i32
  }
  func.func @transform_1(%arg0: i32) -> (i32, i32) {
    %c0_i32 = arith.constant 0 : i32
    %c0_i32_0 = arith.constant 0 : i32
    %c0_i32_1 = arith.constant 0 : i32
    return %c0_i32, %c0_i32_0 : i32, i32
  }
}

module attributes {stable_mosaic.version = 14 : i64} {
  func.func @_tc_body(%arg0: i32, %arg1: memref<8x49xi32, #tpu.memory_space<smem>>, %arg2: memref<8x49xi32, #tpu.memory_space<smem>>, %arg3: memref<8x49xf32, #tpu.memory_space<smem>>, %arg4: memref<1x512x512xf32, #tpu.memory_space<vmem>>, %arg5: memref<1x1xf32, #tpu.memory_space<vmem>>) attributes {dimension_semantics = [#tpu.dimension_semantics<arbitrary>], iteration_bounds = array<i64: 8>, scalar_prefetch = 0 : i64, scratch_operands = 0 : i64, tpu.core_type = #tpu.core_type<tc>, window_params = [{transform_indices = @transform_0, window_bounds = array<i64: 8, 49>}, {transform_indices = @transform_1, window_bounds = array<i64: 8, 49>}, {transform_indices = @transform_2, window_bounds = array<i64: 8, 49>}, {transform_indices = @transform_3, window_bounds = array<i64: 1, 512, 512>}, {pipeline_mode = #tpu.pipeline_mode<synchronous>, transform_indices = @transform_4, window_bounds = array<i64: 1, 1>}]} {
    %iota3A = tpu.iota {dimensions = array<i32: 1>} : vector<1x512xi32>
    %broadcast_in_dim3A = arith.constant 0.000000e+00 : f32
    %broadcast_in_dim3A_0 = vector.broadcast %broadcast_in_dim3A : f32 to vector<1x512xf32>
    %get3A = arith.index_cast %arg0 : i32 to index
    %get3A_1 = arith.constant 0 : index
    %get3A_2 = memref.load %arg2[%get3A, %get3A_1] : memref<8x49xi32, #tpu.memory_space<smem>>
    %get3A_3 = arith.constant 0 : index
    %get3A_4 = arith.index_cast %get3A_2 : i32 to index
    %get3A_5 = arith.constant 0 : index
    %get3A_6 = vector.load %arg4[%get3A_3, %get3A_4, %get3A_5] : memref<1x512x512xf32, #tpu.memory_space<vmem>>, vector<1x1x512xf32>
    %get3A_7 = vector.shape_cast %get3A_6 : vector<1x1x512xf32> to vector<1x512xf32>
    %get3A_8 = arith.index_cast %arg0 : i32 to index
    %get3A_9 = arith.constant 0 : index
    %get3A_10 = memref.load %arg1[%get3A_8, %get3A_9] : memref<8x49xi32, #tpu.memory_space<smem>>
    %eq3A = vector.broadcast %get3A_10 : i32 to vector<1x512xi32>
    %eq3A_11 = arith.cmpi eq, %iota3A, %eq3A : vector<1x512xi32>
    %convert_element_type3A = arith.extui %eq3A_11 : vector<1x512xi1> to vector<1x512xi32>
    %convert_element_type3A_12 = arith.sitofp %convert_element_type3A : vector<1x512xi32> to vector<1x512xf32>
    %get3A_13 = arith.index_cast %arg0 : i32 to index
    %get3A_14 = arith.constant 0 : index
    %get3A_15 = memref.load %arg3[%get3A_13, %get3A_14] : memref<8x49xf32, #tpu.memory_space<smem>>
    %mul3A = vector.broadcast %get3A_15 : f32 to vector<1x512xf32>
    %mul3A_16 = arith.mulf %convert_element_type3A_12, %mul3A : vector<1x512xf32>
    %mul3A_17 = arith.mulf %get3A_7, %mul3A_16 : vector<1x512xf32>
    %add3A = arith.addf %broadcast_in_dim3A_0, %mul3A_17 : vector<1x512xf32>
    %get3A_18 = arith.index_cast %arg0 : i32 to index
    %get3A_19 = arith.constant 1 : index
    %get3A_20 = memref.load %arg2[%get3A_18, %get3A_19] : memref<8x49xi32, #tpu.memory_space<smem>>
    %get3A_21 = arith.constant 0 : index
    %get3A_22 = arith.index_cast %get3A_20 : i32 to index
    %get3A_23 = arith.constant 0 : index
    %get3A_24 = vector.load %arg4[%get3A_21, %get3A_22, %get3A_23] : memref<1x512x512xf32, #tpu.memory_space<vmem>>, vector<1x1x512xf32>
    %get3A_25 = vector.shape_cast %get3A_24 : vector<1x1x512xf32> to vector<1x512xf32>
    %get3A_26 = arith.index_cast %arg0 : i32 to index
    %get3A_27 = arith.constant 1 : index
    %get3A_28 = memref.load %arg1[%get3A_26, %get3A_27] : memref<8x49xi32, #tpu.memory_space<smem>>
    %eq3A_29 = vector.broadcast %get3A_28 : i32 to vector<1x512xi32>
    %eq3A_30 = arith.cmpi eq, %iota3A, %eq3A_29 : vector<1x512xi32>
    %convert_element_type3A_31 = arith.extui %eq3A_30 : vector<1x512xi1> to vector<1x512xi32>
    %convert_element_type3A_32 = arith.sitofp %convert_element_type3A_31 : vector<1x512xi32> to vector<1x512xf32>
    %get3A_33 = arith.index_cast %arg0 : i32 to index
    %get3A_34 = arith.constant 1 : index
    %get3A_35 = memref.load %arg3[%get3A_33, %get3A_34] : memref<8x49xf32, #tpu.memory_space<smem>>
    %mul3A_36 = vector.broadcast %get3A_35 : f32 to vector<1x512xf32>
    %mul3A_37 = arith.mulf %convert_element_type3A_32, %mul3A_36 : vector<1x512xf32>
    %mul3A_38 = arith.mulf %get3A_25, %mul3A_37 : vector<1x512xf32>
    %add3A_39 = arith.addf %add3A, %mul3A_38 : vector<1x512xf32>
    %get3A_40 = arith.index_cast %arg0 : i32 to index
    %get3A_41 = arith.constant 2 : index
    %get3A_42 = memref.load %arg2[%get3A_40, %get3A_41] : memref<8x49xi32, #tpu.memory_space<smem>>
    %get3A_43 = arith.constant 0 : index
    %get3A_44 = arith.index_cast %get3A_42 : i32 to index
    %get3A_45 = arith.constant 0 : index
    %get3A_46 = vector.load %arg4[%get3A_43, %get3A_44, %get3A_45] : memref<1x512x512xf32, #tpu.memory_space<vmem>>, vector<1x1x512xf32>
    %get3A_47 = vector.shape_cast %get3A_46 : vector<1x1x512xf32> to vector<1x512xf32>
    %get3A_48 = arith.index_cast %arg0 : i32 to index
    %get3A_49 = arith.constant 2 : index
    %get3A_50 = memref.load %arg1[%get3A_48, %get3A_49] : memref<8x49xi32, #tpu.memory_space<smem>>
    %eq3A_51 = vector.broadcast %get3A_50 : i32 to vector<1x512xi32>
    %eq3A_52 = arith.cmpi eq, %iota3A, %eq3A_51 : vector<1x512xi32>
    %convert_element_type3A_53 = arith.extui %eq3A_52 : vector<1x512xi1> to vector<1x512xi32>
    %convert_element_type3A_54 = arith.sitofp %convert_element_type3A_53 : vector<1x512xi32> to vector<1x512xf32>
    %get3A_55 = arith.index_cast %arg0 : i32 to index
    %get3A_56 = arith.constant 2 : index
    %get3A_57 = memref.load %arg3[%get3A_55, %get3A_56] : memref<8x49xf32, #tpu.memory_space<smem>>
    %mul3A_58 = vector.broadcast %get3A_57 : f32 to vector<1x512xf32>
    %mul3A_59 = arith.mulf %convert_element_type3A_54, %mul3A_58 : vector<1x512xf32>
    %mul3A_60 = arith.mulf %get3A_47, %mul3A_59 : vector<1x512xf32>
    %add3A_61 = arith.addf %add3A_39, %mul3A_60 : vector<1x512xf32>
    %get3A_62 = arith.index_cast %arg0 : i32 to index
    %get3A_63 = arith.constant 3 : index
    %get3A_64 = memref.load %arg2[%get3A_62, %get3A_63] : memref<8x49xi32, #tpu.memory_space<smem>>
    %get3A_65 = arith.constant 0 : index
    %get3A_66 = arith.index_cast %get3A_64 : i32 to index
    %get3A_67 = arith.constant 0 : index
    %get3A_68 = vector.load %arg4[%get3A_65, %get3A_66, %get3A_67] : memref<1x512x512xf32, #tpu.memory_space<vmem>>, vector<1x1x512xf32>
    %get3A_69 = vector.shape_cast %get3A_68 : vector<1x1x512xf32> to vector<1x512xf32>
    %get3A_70 = arith.index_cast %arg0 : i32 to index
    %get3A_71 = arith.constant 3 : index
    %get3A_72 = memref.load %arg1[%get3A_70, %get3A_71] : memref<8x49xi32, #tpu.memory_space<smem>>
    %eq3A_73 = vector.broadcast %get3A_72 : i32 to vector<1x512xi32>
    %eq3A_74 = arith.cmpi eq, %iota3A, %eq3A_73 : vector<1x512xi32>
    %convert_element_type3A_75 = arith.extui %eq3A_74 : vector<1x512xi1> to vector<1x512xi32>
    %convert_element_type3A_76 = arith.sitofp %convert_element_type3A_75 : vector<1x512xi32> to vector<1x512xf32>
    %get3A_77 = arith.index_cast %arg0 : i32 to index
    %get3A_78 = arith.constant 3 : index
    %get3A_79 = memref.load %arg3[%get3A_77, %get3A_78] : memref<8x49xf32, #tpu.memory_space<smem>>
    %mul3A_80 = vector.broadcast %get3A_79 : f32 to vector<1x512xf32>
    %mul3A_81 = arith.mulf %convert_element_type3A_76, %mul3A_80 : vector<1x512xf32>
    %mul3A_82 = arith.mulf %get3A_69, %mul3A_81 : vector<1x512xf32>
    %add3A_83 = arith.addf %add3A_61, %mul3A_82 : vector<1x512xf32>
    %get3A_84 = arith.index_cast %arg0 : i32 to index
    %get3A_85 = arith.constant 4 : index
    %get3A_86 = memref.load %arg2[%get3A_84, %get3A_85] : memref<8x49xi32, #tpu.memory_space<smem>>
    %get3A_87 = arith.constant 0 : index
    %get3A_88 = arith.index_cast %get3A_86 : i32 to index
    %get3A_89 = arith.constant 0 : index
    %get3A_90 = vector.load %arg4[%get3A_87, %get3A_88, %get3A_89] : memref<1x512x512xf32, #tpu.memory_space<vmem>>, vector<1x1x512xf32>
    %get3A_91 = vector.shape_cast %get3A_90 : vector<1x1x512xf32> to vector<1x512xf32>
    %get3A_92 = arith.index_cast %arg0 : i32 to index
    %get3A_93 = arith.constant 4 : index
    %get3A_94 = memref.load %arg1[%get3A_92, %get3A_93] : memref<8x49xi32, #tpu.memory_space<smem>>
    %eq3A_95 = vector.broadcast %get3A_94 : i32 to vector<1x512xi32>
    %eq3A_96 = arith.cmpi eq, %iota3A, %eq3A_95 : vector<1x512xi32>
    %convert_element_type3A_97 = arith.extui %eq3A_96 : vector<1x512xi1> to vector<1x512xi32>
    %convert_element_type3A_98 = arith.sitofp %convert_element_type3A_97 : vector<1x512xi32> to vector<1x512xf32>
    %get3A_99 = arith.index_cast %arg0 : i32 to index
    %get3A_100 = arith.constant 4 : index
    %get3A_101 = memref.load %arg3[%get3A_99, %get3A_100] : memref<8x49xf32, #tpu.memory_space<smem>>
    %mul3A_102 = vector.broadcast %get3A_101 : f32 to vector<1x512xf32>
    %mul3A_103 = arith.mulf %convert_element_type3A_98, %mul3A_102 : vector<1x512xf32>
    %mul3A_104 = arith.mulf %get3A_91, %mul3A_103 : vector<1x512xf32>
    %add3A_105 = arith.addf %add3A_83, %mul3A_104 : vector<1x512xf32>
    %get3A_106 = arith.index_cast %arg0 : i32 to index
    %get3A_107 = arith.constant 5 : index
    %get3A_108 = memref.load %arg2[%get3A_106, %get3A_107] : memref<8x49xi32, #tpu.memory_space<smem>>
    %get3A_109 = arith.constant 0 : index
    %get3A_110 = arith.index_cast %get3A_108 : i32 to index
    %get3A_111 = arith.constant 0 : index
    %get3A_112 = vector.load %arg4[%get3A_109, %get3A_110, %get3A_111] : memref<1x512x512xf32, #tpu.memory_space<vmem>>, vector<1x1x512xf32>
    %get3A_113 = vector.shape_cast %get3A_112 : vector<1x1x512xf32> to vector<1x512xf32>
    %get3A_114 = arith.index_cast %arg0 : i32 to index
    %get3A_115 = arith.constant 5 : index
    %get3A_116 = memref.load %arg1[%get3A_114, %get3A_115] : memref<8x49xi32, #tpu.memory_space<smem>>
    %eq3A_117 = vector.broadcast %get3A_116 : i32 to vector<1x512xi32>
    %eq3A_118 = arith.cmpi eq, %iota3A, %eq3A_117 : vector<1x512xi32>
    %convert_element_type3A_119 = arith.extui %eq3A_118 : vector<1x512xi1> to vector<1x512xi32>
    %convert_element_type3A_120 = arith.sitofp %convert_element_type3A_119 : vector<1x512xi32> to vector<1x512xf32>
    %get3A_121 = arith.index_cast %arg0 : i32 to index
    %get3A_122 = arith.constant 5 : index
    %get3A_123 = memref.load %arg3[%get3A_121, %get3A_122] : memref<8x49xf32, #tpu.memory_space<smem>>
    %mul3A_124 = vector.broadcast %get3A_123 : f32 to vector<1x512xf32>
    %mul3A_125 = arith.mulf %convert_element_type3A_120, %mul3A_124 : vector<1x512xf32>
    %mul3A_126 = arith.mulf %get3A_113, %mul3A_125 : vector<1x512xf32>
    %add3A_127 = arith.addf %add3A_105, %mul3A_126 : vector<1x512xf32>
    %get3A_128 = arith.index_cast %arg0 : i32 to index
    %get3A_129 = arith.constant 6 : index
    %get3A_130 = memref.load %arg2[%get3A_128, %get3A_129] : memref<8x49xi32, #tpu.memory_space<smem>>
    %get3A_131 = arith.constant 0 : index
    %get3A_132 = arith.index_cast %get3A_130 : i32 to index
    %get3A_133 = arith.constant 0 : index
    %get3A_134 = vector.load %arg4[%get3A_131, %get3A_132, %get3A_133] : memref<1x512x512xf32, #tpu.memory_space<vmem>>, vector<1x1x512xf32>
    %get3A_135 = vector.shape_cast %get3A_134 : vector<1x1x512xf32> to vector<1x512xf32>
    %get3A_136 = arith.index_cast %arg0 : i32 to index
    %get3A_137 = arith.constant 6 : index
    %get3A_138 = memref.load %arg1[%get3A_136, %get3A_137] : memref<8x49xi32, #tpu.memory_space<smem>>
    %eq3A_139 = vector.broadcast %get3A_138 : i32 to vector<1x512xi32>
    %eq3A_140 = arith.cmpi eq, %iota3A, %eq3A_139 : vector<1x512xi32>
    %convert_element_type3A_141 = arith.extui %eq3A_140 : vector<1x512xi1> to vector<1x512xi32>
    %convert_element_type3A_142 = arith.sitofp %convert_element_type3A_141 : vector<1x512xi32> to vector<1x512xf32>
    %get3A_143 = arith.index_cast %arg0 : i32 to index
    %get3A_144 = arith.constant 6 : index
    %get3A_145 = memref.load %arg3[%get3A_143, %get3A_144] : memref<8x49xf32, #tpu.memory_space<smem>>
    %mul3A_146 = vector.broadcast %get3A_145 : f32 to vector<1x512xf32>
    %mul3A_147 = arith.mulf %convert_element_type3A_142, %mul3A_146 : vector<1x512xf32>
    %mul3A_148 = arith.mulf %get3A_135, %mul3A_147 : vector<1x512xf32>
    %add3A_149 = arith.addf %add3A_127, %mul3A_148 : vector<1x512xf32>
    %get3A_150 = arith.index_cast %arg0 : i32 to index
    %get3A_151 = arith.constant 7 : index
    %get3A_152 = memref.load %arg2[%get3A_150, %get3A_151] : memref<8x49xi32, #tpu.memory_space<smem>>
    %get3A_153 = arith.constant 0 : index
    %get3A_154 = arith.index_cast %get3A_152 : i32 to index
    %get3A_155 = arith.constant 0 : index
    %get3A_156 = vector.load %arg4[%get3A_153, %get3A_154, %get3A_155] : memref<1x512x512xf32, #tpu.memory_space<vmem>>, vector<1x1x512xf32>
    %get3A_157 = vector.shape_cast %get3A_156 : vector<1x1x512xf32> to vector<1x512xf32>
    %get3A_158 = arith.index_cast %arg0 : i32 to index
    %get3A_159 = arith.constant 7 : index
    %get3A_160 = memref.load %arg1[%get3A_158, %get3A_159] : memref<8x49xi32, #tpu.memory_space<smem>>
    %eq3A_161 = vector.broadcast %get3A_160 : i32 to vector<1x512xi32>
    %eq3A_162 = arith.cmpi eq, %iota3A, %eq3A_161 : vector<1x512xi32>
    %convert_element_type3A_163 = arith.extui %eq3A_162 : vector<1x512xi1> to vector<1x512xi32>
    %convert_element_type3A_164 = arith.sitofp %convert_element_type3A_163 : vector<1x512xi32> to vector<1x512xf32>
    %get3A_165 = arith.index_cast %arg0 : i32 to index
    %get3A_166 = arith.constant 7 : index
    %get3A_167 = memref.load %arg3[%get3A_165, %get3A_166] : memref<8x49xf32, #tpu.memory_space<smem>>
    %mul3A_168 = vector.broadcast %get3A_167 : f32 to vector<1x512xf32>
    %mul3A_169 = arith.mulf %convert_element_type3A_164, %mul3A_168 : vector<1x512xf32>
    %mul3A_170 = arith.mulf %get3A_157, %mul3A_169 : vector<1x512xf32>
    %add3A_171 = arith.addf %add3A_149, %mul3A_170 : vector<1x512xf32>
    %get3A_172 = arith.index_cast %arg0 : i32 to index
    %get3A_173 = arith.constant 8 : index
    %get3A_174 = memref.load %arg2[%get3A_172, %get3A_173] : memref<8x49xi32, #tpu.memory_space<smem>>
    %get3A_175 = arith.constant 0 : index
    %get3A_176 = arith.index_cast %get3A_174 : i32 to index
    %get3A_177 = arith.constant 0 : index
    %get3A_178 = vector.load %arg4[%get3A_175, %get3A_176, %get3A_177] : memref<1x512x512xf32, #tpu.memory_space<vmem>>, vector<1x1x512xf32>
    %get3A_179 = vector.shape_cast %get3A_178 : vector<1x1x512xf32> to vector<1x512xf32>
    %get3A_180 = arith.index_cast %arg0 : i32 to index
    %get3A_181 = arith.constant 8 : index
    %get3A_182 = memref.load %arg1[%get3A_180, %get3A_181] : memref<8x49xi32, #tpu.memory_space<smem>>
    %eq3A_183 = vector.broadcast %get3A_182 : i32 to vector<1x512xi32>
    %eq3A_184 = arith.cmpi eq, %iota3A, %eq3A_183 : vector<1x512xi32>
    %convert_element_type3A_185 = arith.extui %eq3A_184 : vector<1x512xi1> to vector<1x512xi32>
    %convert_element_type3A_186 = arith.sitofp %convert_element_type3A_185 : vector<1x512xi32> to vector<1x512xf32>
    %get3A_187 = arith.index_cast %arg0 : i32 to index
    %get3A_188 = arith.constant 8 : index
    %get3A_189 = memref.load %arg3[%get3A_187, %get3A_188] : memref<8x49xf32, #tpu.memory_space<smem>>
    %mul3A_190 = vector.broadcast %get3A_189 : f32 to vector<1x512xf32>
    %mul3A_191 = arith.mulf %convert_element_type3A_186, %mul3A_190 : vector<1x512xf32>
    %mul3A_192 = arith.mulf %get3A_179, %mul3A_191 : vector<1x512xf32>
    %add3A_193 = arith.addf %add3A_171, %mul3A_192 : vector<1x512xf32>
    %get3A_194 = arith.index_cast %arg0 : i32 to index
    %get3A_195 = arith.constant 9 : index
    %get3A_196 = memref.load %arg2[%get3A_194, %get3A_195] : memref<8x49xi32, #tpu.memory_space<smem>>
    %get3A_197 = arith.constant 0 : index
    %get3A_198 = arith.index_cast %get3A_196 : i32 to index
    %get3A_199 = arith.constant 0 : index
    %get3A_200 = vector.load %arg4[%get3A_197, %get3A_198, %get3A_199] : memref<1x512x512xf32, #tpu.memory_space<vmem>>, vector<1x1x512xf32>
    %get3A_201 = vector.shape_cast %get3A_200 : vector<1x1x512xf32> to vector<1x512xf32>
    %get3A_202 = arith.index_cast %arg0 : i32 to index
    %get3A_203 = arith.constant 9 : index
    %get3A_204 = memref.load %arg1[%get3A_202, %get3A_203] : memref<8x49xi32, #tpu.memory_space<smem>>
    %eq3A_205 = vector.broadcast %get3A_204 : i32 to vector<1x512xi32>
    %eq3A_206 = arith.cmpi eq, %iota3A, %eq3A_205 : vector<1x512xi32>
    %convert_element_type3A_207 = arith.extui %eq3A_206 : vector<1x512xi1> to vector<1x512xi32>
    %convert_element_type3A_208 = arith.sitofp %convert_element_type3A_207 : vector<1x512xi32> to vector<1x512xf32>
    %get3A_209 = arith.index_cast %arg0 : i32 to index
    %get3A_210 = arith.constant 9 : index
    %get3A_211 = memref.load %arg3[%get3A_209, %get3A_210] : memref<8x49xf32, #tpu.memory_space<smem>>
    %mul3A_212 = vector.broadcast %get3A_211 : f32 to vector<1x512xf32>
    %mul3A_213 = arith.mulf %convert_element_type3A_208, %mul3A_212 : vector<1x512xf32>
    %mul3A_214 = arith.mulf %get3A_201, %mul3A_213 : vector<1x512xf32>
    %add3A_215 = arith.addf %add3A_193, %mul3A_214 : vector<1x512xf32>
    %get3A_216 = arith.index_cast %arg0 : i32 to index
    %get3A_217 = arith.constant 10 : index
    %get3A_218 = memref.load %arg2[%get3A_216, %get3A_217] : memref<8x49xi32, #tpu.memory_space<smem>>
    %get3A_219 = arith.constant 0 : index
    %get3A_220 = arith.index_cast %get3A_218 : i32 to index
    %get3A_221 = arith.constant 0 : index
    %get3A_222 = vector.load %arg4[%get3A_219, %get3A_220, %get3A_221] : memref<1x512x512xf32, #tpu.memory_space<vmem>>, vector<1x1x512xf32>
    %get3A_223 = vector.shape_cast %get3A_222 : vector<1x1x512xf32> to vector<1x512xf32>
    %get3A_224 = arith.index_cast %arg0 : i32 to index
    %get3A_225 = arith.constant 10 : index
    %get3A_226 = memref.load %arg1[%get3A_224, %get3A_225] : memref<8x49xi32, #tpu.memory_space<smem>>
    %eq3A_227 = vector.broadcast %get3A_226 : i32 to vector<1x512xi32>
    %eq3A_228 = arith.cmpi eq, %iota3A, %eq3A_227 : vector<1x512xi32>
    %convert_element_type3A_229 = arith.extui %eq3A_228 : vector<1x512xi1> to vector<1x512xi32>
    %convert_element_type3A_230 = arith.sitofp %convert_element_type3A_229 : vector<1x512xi32> to vector<1x512xf32>
    %get3A_231 = arith.index_cast %arg0 : i32 to index
    %get3A_232 = arith.constant 10 : index
    %get3A_233 = memref.load %arg3[%get3A_231, %get3A_232] : memref<8x49xf32, #tpu.memory_space<smem>>
    %mul3A_234 = vector.broadcast %get3A_233 : f32 to vector<1x512xf32>
    %mul3A_235 = arith.mulf %convert_element_type3A_230, %mul3A_234 : vector<1x512xf32>
    %mul3A_236 = arith.mulf %get3A_223, %mul3A_235 : vector<1x512xf32>
    %add3A_237 = arith.addf %add3A_215, %mul3A_236 : vector<1x512xf32>
    %get3A_238 = arith.index_cast %arg0 : i32 to index
    %get3A_239 = arith.constant 11 : index
    %get3A_240 = memref.load %arg2[%get3A_238, %get3A_239] : memref<8x49xi32, #tpu.memory_space<smem>>
    %get3A_241 = arith.constant 0 : index
    %get3A_242 = arith.index_cast %get3A_240 : i32 to index
    %get3A_243 = arith.constant 0 : index
    %get3A_244 = vector.load %arg4[%get3A_241, %get3A_242, %get3A_243] : memref<1x512x512xf32, #tpu.memory_space<vmem>>, vector<1x1x512xf32>
    %get3A_245 = vector.shape_cast %get3A_244 : vector<1x1x512xf32> to vector<1x512xf32>
    %get3A_246 = arith.index_cast %arg0 : i32 to index
    %get3A_247 = arith.constant 11 : index
    %get3A_248 = memref.load %arg1[%get3A_246, %get3A_247] : memref<8x49xi32, #tpu.memory_space<smem>>
    %eq3A_249 = vector.broadcast %get3A_248 : i32 to vector<1x512xi32>
    %eq3A_250 = arith.cmpi eq, %iota3A, %eq3A_249 : vector<1x512xi32>
    %convert_element_type3A_251 = arith.extui %eq3A_250 : vector<1x512xi1> to vector<1x512xi32>
    %convert_element_type3A_252 = arith.sitofp %convert_element_type3A_251 : vector<1x512xi32> to vector<1x512xf32>
    %get3A_253 = arith.index_cast %arg0 : i32 to index
    %get3A_254 = arith.constant 11 : index
    %get3A_255 = memref.load %arg3[%get3A_253, %get3A_254] : memref<8x49xf32, #tpu.memory_space<smem>>
    %mul3A_256 = vector.broadcast %get3A_255 : f32 to vector<1x512xf32>
    %mul3A_257 = arith.mulf %convert_element_type3A_252, %mul3A_256 : vector<1x512xf32>
    %mul3A_258 = arith.mulf %get3A_245, %mul3A_257 : vector<1x512xf32>
    %add3A_259 = arith.addf %add3A_237, %mul3A_258 : vector<1x512xf32>
    %get3A_260 = arith.index_cast %arg0 : i32 to index
    %get3A_261 = arith.constant 12 : index
    %get3A_262 = memref.load %arg2[%get3A_260, %get3A_261] : memref<8x49xi32, #tpu.memory_space<smem>>
    %get3A_263 = arith.constant 0 : index
    %get3A_264 = arith.index_cast %get3A_262 : i32 to index
    %get3A_265 = arith.constant 0 : index
    %get3A_266 = vector.load %arg4[%get3A_263, %get3A_264, %get3A_265] : memref<1x512x512xf32, #tpu.memory_space<vmem>>, vector<1x1x512xf32>
    %get3A_267 = vector.shape_cast %get3A_266 : vector<1x1x512xf32> to vector<1x512xf32>
    %get3A_268 = arith.index_cast %arg0 : i32 to index
    %get3A_269 = arith.constant 12 : index
    %get3A_270 = memref.load %arg1[%get3A_268, %get3A_269] : memref<8x49xi32, #tpu.memory_space<smem>>
    %eq3A_271 = vector.broadcast %get3A_270 : i32 to vector<1x512xi32>
    %eq3A_272 = arith.cmpi eq, %iota3A, %eq3A_271 : vector<1x512xi32>
    %convert_element_type3A_273 = arith.extui %eq3A_272 : vector<1x512xi1> to vector<1x512xi32>
    %convert_element_type3A_274 = arith.sitofp %convert_element_type3A_273 : vector<1x512xi32> to vector<1x512xf32>
    %get3A_275 = arith.index_cast %arg0 : i32 to index
    %get3A_276 = arith.constant 12 : index
    %get3A_277 = memref.load %arg3[%get3A_275, %get3A_276] : memref<8x49xf32, #tpu.memory_space<smem>>
    %mul3A_278 = vector.broadcast %get3A_277 : f32 to vector<1x512xf32>
    %mul3A_279 = arith.mulf %convert_element_type3A_274, %mul3A_278 : vector<1x512xf32>
    %mul3A_280 = arith.mulf %get3A_267, %mul3A_279 : vector<1x512xf32>
    %add3A_281 = arith.addf %add3A_259, %mul3A_280 : vector<1x512xf32>
    %get3A_282 = arith.index_cast %arg0 : i32 to index
    %get3A_283 = arith.constant 13 : index
    %get3A_284 = memref.load %arg2[%get3A_282, %get3A_283] : memref<8x49xi32, #tpu.memory_space<smem>>
    %get3A_285 = arith.constant 0 : index
    %get3A_286 = arith.index_cast %get3A_284 : i32 to index
    %get3A_287 = arith.constant 0 : index
    %get3A_288 = vector.load %arg4[%get3A_285, %get3A_286, %get3A_287] : memref<1x512x512xf32, #tpu.memory_space<vmem>>, vector<1x1x512xf32>
    %get3A_289 = vector.shape_cast %get3A_288 : vector<1x1x512xf32> to vector<1x512xf32>
    %get3A_290 = arith.index_cast %arg0 : i32 to index
    %get3A_291 = arith.constant 13 : index
    %get3A_292 = memref.load %arg1[%get3A_290, %get3A_291] : memref<8x49xi32, #tpu.memory_space<smem>>
    %eq3A_293 = vector.broadcast %get3A_292 : i32 to vector<1x512xi32>
    %eq3A_294 = arith.cmpi eq, %iota3A, %eq3A_293 : vector<1x512xi32>
    %convert_element_type3A_295 = arith.extui %eq3A_294 : vector<1x512xi1> to vector<1x512xi32>
    %convert_element_type3A_296 = arith.sitofp %convert_element_type3A_295 : vector<1x512xi32> to vector<1x512xf32>
    %get3A_297 = arith.index_cast %arg0 : i32 to index
    %get3A_298 = arith.constant 13 : index
    %get3A_299 = memref.load %arg3[%get3A_297, %get3A_298] : memref<8x49xf32, #tpu.memory_space<smem>>
    %mul3A_300 = vector.broadcast %get3A_299 : f32 to vector<1x512xf32>
    %mul3A_301 = arith.mulf %convert_element_type3A_296, %mul3A_300 : vector<1x512xf32>
    %mul3A_302 = arith.mulf %get3A_289, %mul3A_301 : vector<1x512xf32>
    %add3A_303 = arith.addf %add3A_281, %mul3A_302 : vector<1x512xf32>
    %get3A_304 = arith.index_cast %arg0 : i32 to index
    %get3A_305 = arith.constant 14 : index
    %get3A_306 = memref.load %arg2[%get3A_304, %get3A_305] : memref<8x49xi32, #tpu.memory_space<smem>>
    %get3A_307 = arith.constant 0 : index
    %get3A_308 = arith.index_cast %get3A_306 : i32 to index
    %get3A_309 = arith.constant 0 : index
    %get3A_310 = vector.load %arg4[%get3A_307, %get3A_308, %get3A_309] : memref<1x512x512xf32, #tpu.memory_space<vmem>>, vector<1x1x512xf32>
    %get3A_311 = vector.shape_cast %get3A_310 : vector<1x1x512xf32> to vector<1x512xf32>
    %get3A_312 = arith.index_cast %arg0 : i32 to index
    %get3A_313 = arith.constant 14 : index
    %get3A_314 = memref.load %arg1[%get3A_312, %get3A_313] : memref<8x49xi32, #tpu.memory_space<smem>>
    %eq3A_315 = vector.broadcast %get3A_314 : i32 to vector<1x512xi32>
    %eq3A_316 = arith.cmpi eq, %iota3A, %eq3A_315 : vector<1x512xi32>
    %convert_element_type3A_317 = arith.extui %eq3A_316 : vector<1x512xi1> to vector<1x512xi32>
    %convert_element_type3A_318 = arith.sitofp %convert_element_type3A_317 : vector<1x512xi32> to vector<1x512xf32>
    %get3A_319 = arith.index_cast %arg0 : i32 to index
    %get3A_320 = arith.constant 14 : index
    %get3A_321 = memref.load %arg3[%get3A_319, %get3A_320] : memref<8x49xf32, #tpu.memory_space<smem>>
    %mul3A_322 = vector.broadcast %get3A_321 : f32 to vector<1x512xf32>
    %mul3A_323 = arith.mulf %convert_element_type3A_318, %mul3A_322 : vector<1x512xf32>
    %mul3A_324 = arith.mulf %get3A_311, %mul3A_323 : vector<1x512xf32>
    %add3A_325 = arith.addf %add3A_303, %mul3A_324 : vector<1x512xf32>
    %get3A_326 = arith.index_cast %arg0 : i32 to index
    %get3A_327 = arith.constant 15 : index
    %get3A_328 = memref.load %arg2[%get3A_326, %get3A_327] : memref<8x49xi32, #tpu.memory_space<smem>>
    %get3A_329 = arith.constant 0 : index
    %get3A_330 = arith.index_cast %get3A_328 : i32 to index
    %get3A_331 = arith.constant 0 : index
    %get3A_332 = vector.load %arg4[%get3A_329, %get3A_330, %get3A_331] : memref<1x512x512xf32, #tpu.memory_space<vmem>>, vector<1x1x512xf32>
    %get3A_333 = vector.shape_cast %get3A_332 : vector<1x1x512xf32> to vector<1x512xf32>
    %get3A_334 = arith.index_cast %arg0 : i32 to index
    %get3A_335 = arith.constant 15 : index
    %get3A_336 = memref.load %arg1[%get3A_334, %get3A_335] : memref<8x49xi32, #tpu.memory_space<smem>>
    %eq3A_337 = vector.broadcast %get3A_336 : i32 to vector<1x512xi32>
    %eq3A_338 = arith.cmpi eq, %iota3A, %eq3A_337 : vector<1x512xi32>
    %convert_element_type3A_339 = arith.extui %eq3A_338 : vector<1x512xi1> to vector<1x512xi32>
    %convert_element_type3A_340 = arith.sitofp %convert_element_type3A_339 : vector<1x512xi32> to vector<1x512xf32>
    %get3A_341 = arith.index_cast %arg0 : i32 to index
    %get3A_342 = arith.constant 15 : index
    %get3A_343 = memref.load %arg3[%get3A_341, %get3A_342] : memref<8x49xf32, #tpu.memory_space<smem>>
    %mul3A_344 = vector.broadcast %get3A_343 : f32 to vector<1x512xf32>
    %mul3A_345 = arith.mulf %convert_element_type3A_340, %mul3A_344 : vector<1x512xf32>
    %mul3A_346 = arith.mulf %get3A_333, %mul3A_345 : vector<1x512xf32>
    %add3A_347 = arith.addf %add3A_325, %mul3A_346 : vector<1x512xf32>
    %get3A_348 = arith.index_cast %arg0 : i32 to index
    %get3A_349 = arith.constant 16 : index
    %get3A_350 = memref.load %arg2[%get3A_348, %get3A_349] : memref<8x49xi32, #tpu.memory_space<smem>>
    %get3A_351 = arith.constant 0 : index
    %get3A_352 = arith.index_cast %get3A_350 : i32 to index
    %get3A_353 = arith.constant 0 : index
    %get3A_354 = vector.load %arg4[%get3A_351, %get3A_352, %get3A_353] : memref<1x512x512xf32, #tpu.memory_space<vmem>>, vector<1x1x512xf32>
    %get3A_355 = vector.shape_cast %get3A_354 : vector<1x1x512xf32> to vector<1x512xf32>
    %get3A_356 = arith.index_cast %arg0 : i32 to index
    %get3A_357 = arith.constant 16 : index
    %get3A_358 = memref.load %arg1[%get3A_356, %get3A_357] : memref<8x49xi32, #tpu.memory_space<smem>>
    %eq3A_359 = vector.broadcast %get3A_358 : i32 to vector<1x512xi32>
    %eq3A_360 = arith.cmpi eq, %iota3A, %eq3A_359 : vector<1x512xi32>
    %convert_element_type3A_361 = arith.extui %eq3A_360 : vector<1x512xi1> to vector<1x512xi32>
    %convert_element_type3A_362 = arith.sitofp %convert_element_type3A_361 : vector<1x512xi32> to vector<1x512xf32>
    %get3A_363 = arith.index_cast %arg0 : i32 to index
    %get3A_364 = arith.constant 16 : index
    %get3A_365 = memref.load %arg3[%get3A_363, %get3A_364] : memref<8x49xf32, #tpu.memory_space<smem>>
    %mul3A_366 = vector.broadcast %get3A_365 : f32 to vector<1x512xf32>
    %mul3A_367 = arith.mulf %convert_element_type3A_362, %mul3A_366 : vector<1x512xf32>
    %mul3A_368 = arith.mulf %get3A_355, %mul3A_367 : vector<1x512xf32>
    %add3A_369 = arith.addf %add3A_347, %mul3A_368 : vector<1x512xf32>
    %get3A_370 = arith.index_cast %arg0 : i32 to index
    %get3A_371 = arith.constant 17 : index
    %get3A_372 = memref.load %arg2[%get3A_370, %get3A_371] : memref<8x49xi32, #tpu.memory_space<smem>>
    %get3A_373 = arith.constant 0 : index
    %get3A_374 = arith.index_cast %get3A_372 : i32 to index
    %get3A_375 = arith.constant 0 : index
    %get3A_376 = vector.load %arg4[%get3A_373, %get3A_374, %get3A_375] : memref<1x512x512xf32, #tpu.memory_space<vmem>>, vector<1x1x512xf32>
    %get3A_377 = vector.shape_cast %get3A_376 : vector<1x1x512xf32> to vector<1x512xf32>
    %get3A_378 = arith.index_cast %arg0 : i32 to index
    %get3A_379 = arith.constant 17 : index
    %get3A_380 = memref.load %arg1[%get3A_378, %get3A_379] : memref<8x49xi32, #tpu.memory_space<smem>>
    %eq3A_381 = vector.broadcast %get3A_380 : i32 to vector<1x512xi32>
    %eq3A_382 = arith.cmpi eq, %iota3A, %eq3A_381 : vector<1x512xi32>
    %convert_element_type3A_383 = arith.extui %eq3A_382 : vector<1x512xi1> to vector<1x512xi32>
    %convert_element_type3A_384 = arith.sitofp %convert_element_type3A_383 : vector<1x512xi32> to vector<1x512xf32>
    %get3A_385 = arith.index_cast %arg0 : i32 to index
    %get3A_386 = arith.constant 17 : index
    %get3A_387 = memref.load %arg3[%get3A_385, %get3A_386] : memref<8x49xf32, #tpu.memory_space<smem>>
    %mul3A_388 = vector.broadcast %get3A_387 : f32 to vector<1x512xf32>
    %mul3A_389 = arith.mulf %convert_element_type3A_384, %mul3A_388 : vector<1x512xf32>
    %mul3A_390 = arith.mulf %get3A_377, %mul3A_389 : vector<1x512xf32>
    %add3A_391 = arith.addf %add3A_369, %mul3A_390 : vector<1x512xf32>
    %get3A_392 = arith.index_cast %arg0 : i32 to index
    %get3A_393 = arith.constant 18 : index
    %get3A_394 = memref.load %arg2[%get3A_392, %get3A_393] : memref<8x49xi32, #tpu.memory_space<smem>>
    %get3A_395 = arith.constant 0 : index
    %get3A_396 = arith.index_cast %get3A_394 : i32 to index
    %get3A_397 = arith.constant 0 : index
    %get3A_398 = vector.load %arg4[%get3A_395, %get3A_396, %get3A_397] : memref<1x512x512xf32, #tpu.memory_space<vmem>>, vector<1x1x512xf32>
    %get3A_399 = vector.shape_cast %get3A_398 : vector<1x1x512xf32> to vector<1x512xf32>
    %get3A_400 = arith.index_cast %arg0 : i32 to index
    %get3A_401 = arith.constant 18 : index
    %get3A_402 = memref.load %arg1[%get3A_400, %get3A_401] : memref<8x49xi32, #tpu.memory_space<smem>>
    %eq3A_403 = vector.broadcast %get3A_402 : i32 to vector<1x512xi32>
    %eq3A_404 = arith.cmpi eq, %iota3A, %eq3A_403 : vector<1x512xi32>
    %convert_element_type3A_405 = arith.extui %eq3A_404 : vector<1x512xi1> to vector<1x512xi32>
    %convert_element_type3A_406 = arith.sitofp %convert_element_type3A_405 : vector<1x512xi32> to vector<1x512xf32>
    %get3A_407 = arith.index_cast %arg0 : i32 to index
    %get3A_408 = arith.constant 18 : index
    %get3A_409 = memref.load %arg3[%get3A_407, %get3A_408] : memref<8x49xf32, #tpu.memory_space<smem>>
    %mul3A_410 = vector.broadcast %get3A_409 : f32 to vector<1x512xf32>
    %mul3A_411 = arith.mulf %convert_element_type3A_406, %mul3A_410 : vector<1x512xf32>
    %mul3A_412 = arith.mulf %get3A_399, %mul3A_411 : vector<1x512xf32>
    %add3A_413 = arith.addf %add3A_391, %mul3A_412 : vector<1x512xf32>
    %get3A_414 = arith.index_cast %arg0 : i32 to index
    %get3A_415 = arith.constant 19 : index
    %get3A_416 = memref.load %arg2[%get3A_414, %get3A_415] : memref<8x49xi32, #tpu.memory_space<smem>>
    %get3A_417 = arith.constant 0 : index
    %get3A_418 = arith.index_cast %get3A_416 : i32 to index
    %get3A_419 = arith.constant 0 : index
    %get3A_420 = vector.load %arg4[%get3A_417, %get3A_418, %get3A_419] : memref<1x512x512xf32, #tpu.memory_space<vmem>>, vector<1x1x512xf32>
    %get3A_421 = vector.shape_cast %get3A_420 : vector<1x1x512xf32> to vector<1x512xf32>
    %get3A_422 = arith.index_cast %arg0 : i32 to index
    %get3A_423 = arith.constant 19 : index
    %get3A_424 = memref.load %arg1[%get3A_422, %get3A_423] : memref<8x49xi32, #tpu.memory_space<smem>>
    %eq3A_425 = vector.broadcast %get3A_424 : i32 to vector<1x512xi32>
    %eq3A_426 = arith.cmpi eq, %iota3A, %eq3A_425 : vector<1x512xi32>
    %convert_element_type3A_427 = arith.extui %eq3A_426 : vector<1x512xi1> to vector<1x512xi32>
    %convert_element_type3A_428 = arith.sitofp %convert_element_type3A_427 : vector<1x512xi32> to vector<1x512xf32>
    %get3A_429 = arith.index_cast %arg0 : i32 to index
    %get3A_430 = arith.constant 19 : index
    %get3A_431 = memref.load %arg3[%get3A_429, %get3A_430] : memref<8x49xf32, #tpu.memory_space<smem>>
    %mul3A_432 = vector.broadcast %get3A_431 : f32 to vector<1x512xf32>
    %mul3A_433 = arith.mulf %convert_element_type3A_428, %mul3A_432 : vector<1x512xf32>
    %mul3A_434 = arith.mulf %get3A_421, %mul3A_433 : vector<1x512xf32>
    %add3A_435 = arith.addf %add3A_413, %mul3A_434 : vector<1x512xf32>
    %get3A_436 = arith.index_cast %arg0 : i32 to index
    %get3A_437 = arith.constant 20 : index
    %get3A_438 = memref.load %arg2[%get3A_436, %get3A_437] : memref<8x49xi32, #tpu.memory_space<smem>>
    %get3A_439 = arith.constant 0 : index
    %get3A_440 = arith.index_cast %get3A_438 : i32 to index
    %get3A_441 = arith.constant 0 : index
    %get3A_442 = vector.load %arg4[%get3A_439, %get3A_440, %get3A_441] : memref<1x512x512xf32, #tpu.memory_space<vmem>>, vector<1x1x512xf32>
    %get3A_443 = vector.shape_cast %get3A_442 : vector<1x1x512xf32> to vector<1x512xf32>
    %get3A_444 = arith.index_cast %arg0 : i32 to index
    %get3A_445 = arith.constant 20 : index
    %get3A_446 = memref.load %arg1[%get3A_444, %get3A_445] : memref<8x49xi32, #tpu.memory_space<smem>>
    %eq3A_447 = vector.broadcast %get3A_446 : i32 to vector<1x512xi32>
    %eq3A_448 = arith.cmpi eq, %iota3A, %eq3A_447 : vector<1x512xi32>
    %convert_element_type3A_449 = arith.extui %eq3A_448 : vector<1x512xi1> to vector<1x512xi32>
    %convert_element_type3A_450 = arith.sitofp %convert_element_type3A_449 : vector<1x512xi32> to vector<1x512xf32>
    %get3A_451 = arith.index_cast %arg0 : i32 to index
    %get3A_452 = arith.constant 20 : index
    %get3A_453 = memref.load %arg3[%get3A_451, %get3A_452] : memref<8x49xf32, #tpu.memory_space<smem>>
    %mul3A_454 = vector.broadcast %get3A_453 : f32 to vector<1x512xf32>
    %mul3A_455 = arith.mulf %convert_element_type3A_450, %mul3A_454 : vector<1x512xf32>
    %mul3A_456 = arith.mulf %get3A_443, %mul3A_455 : vector<1x512xf32>
    %add3A_457 = arith.addf %add3A_435, %mul3A_456 : vector<1x512xf32>
    %get3A_458 = arith.index_cast %arg0 : i32 to index
    %get3A_459 = arith.constant 21 : index
    %get3A_460 = memref.load %arg2[%get3A_458, %get3A_459] : memref<8x49xi32, #tpu.memory_space<smem>>
    %get3A_461 = arith.constant 0 : index
    %get3A_462 = arith.index_cast %get3A_460 : i32 to index
    %get3A_463 = arith.constant 0 : index
    %get3A_464 = vector.load %arg4[%get3A_461, %get3A_462, %get3A_463] : memref<1x512x512xf32, #tpu.memory_space<vmem>>, vector<1x1x512xf32>
    %get3A_465 = vector.shape_cast %get3A_464 : vector<1x1x512xf32> to vector<1x512xf32>
    %get3A_466 = arith.index_cast %arg0 : i32 to index
    %get3A_467 = arith.constant 21 : index
    %get3A_468 = memref.load %arg1[%get3A_466, %get3A_467] : memref<8x49xi32, #tpu.memory_space<smem>>
    %eq3A_469 = vector.broadcast %get3A_468 : i32 to vector<1x512xi32>
    %eq3A_470 = arith.cmpi eq, %iota3A, %eq3A_469 : vector<1x512xi32>
    %convert_element_type3A_471 = arith.extui %eq3A_470 : vector<1x512xi1> to vector<1x512xi32>
    %convert_element_type3A_472 = arith.sitofp %convert_element_type3A_471 : vector<1x512xi32> to vector<1x512xf32>
    %get3A_473 = arith.index_cast %arg0 : i32 to index
    %get3A_474 = arith.constant 21 : index
    %get3A_475 = memref.load %arg3[%get3A_473, %get3A_474] : memref<8x49xf32, #tpu.memory_space<smem>>
    %mul3A_476 = vector.broadcast %get3A_475 : f32 to vector<1x512xf32>
    %mul3A_477 = arith.mulf %convert_element_type3A_472, %mul3A_476 : vector<1x512xf32>
    %mul3A_478 = arith.mulf %get3A_465, %mul3A_477 : vector<1x512xf32>
    %add3A_479 = arith.addf %add3A_457, %mul3A_478 : vector<1x512xf32>
    %get3A_480 = arith.index_cast %arg0 : i32 to index
    %get3A_481 = arith.constant 22 : index
    %get3A_482 = memref.load %arg2[%get3A_480, %get3A_481] : memref<8x49xi32, #tpu.memory_space<smem>>
    %get3A_483 = arith.constant 0 : index
    %get3A_484 = arith.index_cast %get3A_482 : i32 to index
    %get3A_485 = arith.constant 0 : index
    %get3A_486 = vector.load %arg4[%get3A_483, %get3A_484, %get3A_485] : memref<1x512x512xf32, #tpu.memory_space<vmem>>, vector<1x1x512xf32>
    %get3A_487 = vector.shape_cast %get3A_486 : vector<1x1x512xf32> to vector<1x512xf32>
    %get3A_488 = arith.index_cast %arg0 : i32 to index
    %get3A_489 = arith.constant 22 : index
    %get3A_490 = memref.load %arg1[%get3A_488, %get3A_489] : memref<8x49xi32, #tpu.memory_space<smem>>
    %eq3A_491 = vector.broadcast %get3A_490 : i32 to vector<1x512xi32>
    %eq3A_492 = arith.cmpi eq, %iota3A, %eq3A_491 : vector<1x512xi32>
    %convert_element_type3A_493 = arith.extui %eq3A_492 : vector<1x512xi1> to vector<1x512xi32>
    %convert_element_type3A_494 = arith.sitofp %convert_element_type3A_493 : vector<1x512xi32> to vector<1x512xf32>
    %get3A_495 = arith.index_cast %arg0 : i32 to index
    %get3A_496 = arith.constant 22 : index
    %get3A_497 = memref.load %arg3[%get3A_495, %get3A_496] : memref<8x49xf32, #tpu.memory_space<smem>>
    %mul3A_498 = vector.broadcast %get3A_497 : f32 to vector<1x512xf32>
    %mul3A_499 = arith.mulf %convert_element_type3A_494, %mul3A_498 : vector<1x512xf32>
    %mul3A_500 = arith.mulf %get3A_487, %mul3A_499 : vector<1x512xf32>
    %add3A_501 = arith.addf %add3A_479, %mul3A_500 : vector<1x512xf32>
    %get3A_502 = arith.index_cast %arg0 : i32 to index
    %get3A_503 = arith.constant 23 : index
    %get3A_504 = memref.load %arg2[%get3A_502, %get3A_503] : memref<8x49xi32, #tpu.memory_space<smem>>
    %get3A_505 = arith.constant 0 : index
    %get3A_506 = arith.index_cast %get3A_504 : i32 to index
    %get3A_507 = arith.constant 0 : index
    %get3A_508 = vector.load %arg4[%get3A_505, %get3A_506, %get3A_507] : memref<1x512x512xf32, #tpu.memory_space<vmem>>, vector<1x1x512xf32>
    %get3A_509 = vector.shape_cast %get3A_508 : vector<1x1x512xf32> to vector<1x512xf32>
    %get3A_510 = arith.index_cast %arg0 : i32 to index
    %get3A_511 = arith.constant 23 : index
    %get3A_512 = memref.load %arg1[%get3A_510, %get3A_511] : memref<8x49xi32, #tpu.memory_space<smem>>
    %eq3A_513 = vector.broadcast %get3A_512 : i32 to vector<1x512xi32>
    %eq3A_514 = arith.cmpi eq, %iota3A, %eq3A_513 : vector<1x512xi32>
    %convert_element_type3A_515 = arith.extui %eq3A_514 : vector<1x512xi1> to vector<1x512xi32>
    %convert_element_type3A_516 = arith.sitofp %convert_element_type3A_515 : vector<1x512xi32> to vector<1x512xf32>
    %get3A_517 = arith.index_cast %arg0 : i32 to index
    %get3A_518 = arith.constant 23 : index
    %get3A_519 = memref.load %arg3[%get3A_517, %get3A_518] : memref<8x49xf32, #tpu.memory_space<smem>>
    %mul3A_520 = vector.broadcast %get3A_519 : f32 to vector<1x512xf32>
    %mul3A_521 = arith.mulf %convert_element_type3A_516, %mul3A_520 : vector<1x512xf32>
    %mul3A_522 = arith.mulf %get3A_509, %mul3A_521 : vector<1x512xf32>
    %add3A_523 = arith.addf %add3A_501, %mul3A_522 : vector<1x512xf32>
    %get3A_524 = arith.index_cast %arg0 : i32 to index
    %get3A_525 = arith.constant 24 : index
    %get3A_526 = memref.load %arg2[%get3A_524, %get3A_525] : memref<8x49xi32, #tpu.memory_space<smem>>
    %get3A_527 = arith.constant 0 : index
    %get3A_528 = arith.index_cast %get3A_526 : i32 to index
    %get3A_529 = arith.constant 0 : index
    %get3A_530 = vector.load %arg4[%get3A_527, %get3A_528, %get3A_529] : memref<1x512x512xf32, #tpu.memory_space<vmem>>, vector<1x1x512xf32>
    %get3A_531 = vector.shape_cast %get3A_530 : vector<1x1x512xf32> to vector<1x512xf32>
    %get3A_532 = arith.index_cast %arg0 : i32 to index
    %get3A_533 = arith.constant 24 : index
    %get3A_534 = memref.load %arg1[%get3A_532, %get3A_533] : memref<8x49xi32, #tpu.memory_space<smem>>
    %eq3A_535 = vector.broadcast %get3A_534 : i32 to vector<1x512xi32>
    %eq3A_536 = arith.cmpi eq, %iota3A, %eq3A_535 : vector<1x512xi32>
    %convert_element_type3A_537 = arith.extui %eq3A_536 : vector<1x512xi1> to vector<1x512xi32>
    %convert_element_type3A_538 = arith.sitofp %convert_element_type3A_537 : vector<1x512xi32> to vector<1x512xf32>
    %get3A_539 = arith.index_cast %arg0 : i32 to index
    %get3A_540 = arith.constant 24 : index
    %get3A_541 = memref.load %arg3[%get3A_539, %get3A_540] : memref<8x49xf32, #tpu.memory_space<smem>>
    %mul3A_542 = vector.broadcast %get3A_541 : f32 to vector<1x512xf32>
    %mul3A_543 = arith.mulf %convert_element_type3A_538, %mul3A_542 : vector<1x512xf32>
    %mul3A_544 = arith.mulf %get3A_531, %mul3A_543 : vector<1x512xf32>
    %add3A_545 = arith.addf %add3A_523, %mul3A_544 : vector<1x512xf32>
    %get3A_546 = arith.index_cast %arg0 : i32 to index
    %get3A_547 = arith.constant 25 : index
    %get3A_548 = memref.load %arg2[%get3A_546, %get3A_547] : memref<8x49xi32, #tpu.memory_space<smem>>
    %get3A_549 = arith.constant 0 : index
    %get3A_550 = arith.index_cast %get3A_548 : i32 to index
    %get3A_551 = arith.constant 0 : index
    %get3A_552 = vector.load %arg4[%get3A_549, %get3A_550, %get3A_551] : memref<1x512x512xf32, #tpu.memory_space<vmem>>, vector<1x1x512xf32>
    %get3A_553 = vector.shape_cast %get3A_552 : vector<1x1x512xf32> to vector<1x512xf32>
    %get3A_554 = arith.index_cast %arg0 : i32 to index
    %get3A_555 = arith.constant 25 : index
    %get3A_556 = memref.load %arg1[%get3A_554, %get3A_555] : memref<8x49xi32, #tpu.memory_space<smem>>
    %eq3A_557 = vector.broadcast %get3A_556 : i32 to vector<1x512xi32>
    %eq3A_558 = arith.cmpi eq, %iota3A, %eq3A_557 : vector<1x512xi32>
    %convert_element_type3A_559 = arith.extui %eq3A_558 : vector<1x512xi1> to vector<1x512xi32>
    %convert_element_type3A_560 = arith.sitofp %convert_element_type3A_559 : vector<1x512xi32> to vector<1x512xf32>
    %get3A_561 = arith.index_cast %arg0 : i32 to index
    %get3A_562 = arith.constant 25 : index
    %get3A_563 = memref.load %arg3[%get3A_561, %get3A_562] : memref<8x49xf32, #tpu.memory_space<smem>>
    %mul3A_564 = vector.broadcast %get3A_563 : f32 to vector<1x512xf32>
    %mul3A_565 = arith.mulf %convert_element_type3A_560, %mul3A_564 : vector<1x512xf32>
    %mul3A_566 = arith.mulf %get3A_553, %mul3A_565 : vector<1x512xf32>
    %add3A_567 = arith.addf %add3A_545, %mul3A_566 : vector<1x512xf32>
    %get3A_568 = arith.index_cast %arg0 : i32 to index
    %get3A_569 = arith.constant 26 : index
    %get3A_570 = memref.load %arg2[%get3A_568, %get3A_569] : memref<8x49xi32, #tpu.memory_space<smem>>
    %get3A_571 = arith.constant 0 : index
    %get3A_572 = arith.index_cast %get3A_570 : i32 to index
    %get3A_573 = arith.constant 0 : index
    %get3A_574 = vector.load %arg4[%get3A_571, %get3A_572, %get3A_573] : memref<1x512x512xf32, #tpu.memory_space<vmem>>, vector<1x1x512xf32>
    %get3A_575 = vector.shape_cast %get3A_574 : vector<1x1x512xf32> to vector<1x512xf32>
    %get3A_576 = arith.index_cast %arg0 : i32 to index
    %get3A_577 = arith.constant 26 : index
    %get3A_578 = memref.load %arg1[%get3A_576, %get3A_577] : memref<8x49xi32, #tpu.memory_space<smem>>
    %eq3A_579 = vector.broadcast %get3A_578 : i32 to vector<1x512xi32>
    %eq3A_580 = arith.cmpi eq, %iota3A, %eq3A_579 : vector<1x512xi32>
    %convert_element_type3A_581 = arith.extui %eq3A_580 : vector<1x512xi1> to vector<1x512xi32>
    %convert_element_type3A_582 = arith.sitofp %convert_element_type3A_581 : vector<1x512xi32> to vector<1x512xf32>
    %get3A_583 = arith.index_cast %arg0 : i32 to index
    %get3A_584 = arith.constant 26 : index
    %get3A_585 = memref.load %arg3[%get3A_583, %get3A_584] : memref<8x49xf32, #tpu.memory_space<smem>>
    %mul3A_586 = vector.broadcast %get3A_585 : f32 to vector<1x512xf32>
    %mul3A_587 = arith.mulf %convert_element_type3A_582, %mul3A_586 : vector<1x512xf32>
    %mul3A_588 = arith.mulf %get3A_575, %mul3A_587 : vector<1x512xf32>
    %add3A_589 = arith.addf %add3A_567, %mul3A_588 : vector<1x512xf32>
    %get3A_590 = arith.index_cast %arg0 : i32 to index
    %get3A_591 = arith.constant 27 : index
    %get3A_592 = memref.load %arg2[%get3A_590, %get3A_591] : memref<8x49xi32, #tpu.memory_space<smem>>
    %get3A_593 = arith.constant 0 : index
    %get3A_594 = arith.index_cast %get3A_592 : i32 to index
    %get3A_595 = arith.constant 0 : index
    %get3A_596 = vector.load %arg4[%get3A_593, %get3A_594, %get3A_595] : memref<1x512x512xf32, #tpu.memory_space<vmem>>, vector<1x1x512xf32>
    %get3A_597 = vector.shape_cast %get3A_596 : vector<1x1x512xf32> to vector<1x512xf32>
    %get3A_598 = arith.index_cast %arg0 : i32 to index
    %get3A_599 = arith.constant 27 : index
    %get3A_600 = memref.load %arg1[%get3A_598, %get3A_599] : memref<8x49xi32, #tpu.memory_space<smem>>
    %eq3A_601 = vector.broadcast %get3A_600 : i32 to vector<1x512xi32>
    %eq3A_602 = arith.cmpi eq, %iota3A, %eq3A_601 : vector<1x512xi32>
    %convert_element_type3A_603 = arith.extui %eq3A_602 : vector<1x512xi1> to vector<1x512xi32>
    %convert_element_type3A_604 = arith.sitofp %convert_element_type3A_603 : vector<1x512xi32> to vector<1x512xf32>
    %get3A_605 = arith.index_cast %arg0 : i32 to index
    %get3A_606 = arith.constant 27 : index
    %get3A_607 = memref.load %arg3[%get3A_605, %get3A_606] : memref<8x49xf32, #tpu.memory_space<smem>>
    %mul3A_608 = vector.broadcast %get3A_607 : f32 to vector<1x512xf32>
    %mul3A_609 = arith.mulf %convert_element_type3A_604, %mul3A_608 : vector<1x512xf32>
    %mul3A_610 = arith.mulf %get3A_597, %mul3A_609 : vector<1x512xf32>
    %add3A_611 = arith.addf %add3A_589, %mul3A_610 : vector<1x512xf32>
    %get3A_612 = arith.index_cast %arg0 : i32 to index
    %get3A_613 = arith.constant 28 : index
    %get3A_614 = memref.load %arg2[%get3A_612, %get3A_613] : memref<8x49xi32, #tpu.memory_space<smem>>
    %get3A_615 = arith.constant 0 : index
    %get3A_616 = arith.index_cast %get3A_614 : i32 to index
    %get3A_617 = arith.constant 0 : index
    %get3A_618 = vector.load %arg4[%get3A_615, %get3A_616, %get3A_617] : memref<1x512x512xf32, #tpu.memory_space<vmem>>, vector<1x1x512xf32>
    %get3A_619 = vector.shape_cast %get3A_618 : vector<1x1x512xf32> to vector<1x512xf32>
    %get3A_620 = arith.index_cast %arg0 : i32 to index
    %get3A_621 = arith.constant 28 : index
    %get3A_622 = memref.load %arg1[%get3A_620, %get3A_621] : memref<8x49xi32, #tpu.memory_space<smem>>
    %eq3A_623 = vector.broadcast %get3A_622 : i32 to vector<1x512xi32>
    %eq3A_624 = arith.cmpi eq, %iota3A, %eq3A_623 : vector<1x512xi32>
    %convert_element_type3A_625 = arith.extui %eq3A_624 : vector<1x512xi1> to vector<1x512xi32>
    %convert_element_type3A_626 = arith.sitofp %convert_element_type3A_625 : vector<1x512xi32> to vector<1x512xf32>
    %get3A_627 = arith.index_cast %arg0 : i32 to index
    %get3A_628 = arith.constant 28 : index
    %get3A_629 = memref.load %arg3[%get3A_627, %get3A_628] : memref<8x49xf32, #tpu.memory_space<smem>>
    %mul3A_630 = vector.broadcast %get3A_629 : f32 to vector<1x512xf32>
    %mul3A_631 = arith.mulf %convert_element_type3A_626, %mul3A_630 : vector<1x512xf32>
    %mul3A_632 = arith.mulf %get3A_619, %mul3A_631 : vector<1x512xf32>
    %add3A_633 = arith.addf %add3A_611, %mul3A_632 : vector<1x512xf32>
    %get3A_634 = arith.index_cast %arg0 : i32 to index
    %get3A_635 = arith.constant 29 : index
    %get3A_636 = memref.load %arg2[%get3A_634, %get3A_635] : memref<8x49xi32, #tpu.memory_space<smem>>
    %get3A_637 = arith.constant 0 : index
    %get3A_638 = arith.index_cast %get3A_636 : i32 to index
    %get3A_639 = arith.constant 0 : index
    %get3A_640 = vector.load %arg4[%get3A_637, %get3A_638, %get3A_639] : memref<1x512x512xf32, #tpu.memory_space<vmem>>, vector<1x1x512xf32>
    %get3A_641 = vector.shape_cast %get3A_640 : vector<1x1x512xf32> to vector<1x512xf32>
    %get3A_642 = arith.index_cast %arg0 : i32 to index
    %get3A_643 = arith.constant 29 : index
    %get3A_644 = memref.load %arg1[%get3A_642, %get3A_643] : memref<8x49xi32, #tpu.memory_space<smem>>
    %eq3A_645 = vector.broadcast %get3A_644 : i32 to vector<1x512xi32>
    %eq3A_646 = arith.cmpi eq, %iota3A, %eq3A_645 : vector<1x512xi32>
    %convert_element_type3A_647 = arith.extui %eq3A_646 : vector<1x512xi1> to vector<1x512xi32>
    %convert_element_type3A_648 = arith.sitofp %convert_element_type3A_647 : vector<1x512xi32> to vector<1x512xf32>
    %get3A_649 = arith.index_cast %arg0 : i32 to index
    %get3A_650 = arith.constant 29 : index
    %get3A_651 = memref.load %arg3[%get3A_649, %get3A_650] : memref<8x49xf32, #tpu.memory_space<smem>>
    %mul3A_652 = vector.broadcast %get3A_651 : f32 to vector<1x512xf32>
    %mul3A_653 = arith.mulf %convert_element_type3A_648, %mul3A_652 : vector<1x512xf32>
    %mul3A_654 = arith.mulf %get3A_641, %mul3A_653 : vector<1x512xf32>
    %add3A_655 = arith.addf %add3A_633, %mul3A_654 : vector<1x512xf32>
    %get3A_656 = arith.index_cast %arg0 : i32 to index
    %get3A_657 = arith.constant 30 : index
    %get3A_658 = memref.load %arg2[%get3A_656, %get3A_657] : memref<8x49xi32, #tpu.memory_space<smem>>
    %get3A_659 = arith.constant 0 : index
    %get3A_660 = arith.index_cast %get3A_658 : i32 to index
    %get3A_661 = arith.constant 0 : index
    %get3A_662 = vector.load %arg4[%get3A_659, %get3A_660, %get3A_661] : memref<1x512x512xf32, #tpu.memory_space<vmem>>, vector<1x1x512xf32>
    %get3A_663 = vector.shape_cast %get3A_662 : vector<1x1x512xf32> to vector<1x512xf32>
    %get3A_664 = arith.index_cast %arg0 : i32 to index
    %get3A_665 = arith.constant 30 : index
    %get3A_666 = memref.load %arg1[%get3A_664, %get3A_665] : memref<8x49xi32, #tpu.memory_space<smem>>
    %eq3A_667 = vector.broadcast %get3A_666 : i32 to vector<1x512xi32>
    %eq3A_668 = arith.cmpi eq, %iota3A, %eq3A_667 : vector<1x512xi32>
    %convert_element_type3A_669 = arith.extui %eq3A_668 : vector<1x512xi1> to vector<1x512xi32>
    %convert_element_type3A_670 = arith.sitofp %convert_element_type3A_669 : vector<1x512xi32> to vector<1x512xf32>
    %get3A_671 = arith.index_cast %arg0 : i32 to index
    %get3A_672 = arith.constant 30 : index
    %get3A_673 = memref.load %arg3[%get3A_671, %get3A_672] : memref<8x49xf32, #tpu.memory_space<smem>>
    %mul3A_674 = vector.broadcast %get3A_673 : f32 to vector<1x512xf32>
    %mul3A_675 = arith.mulf %convert_element_type3A_670, %mul3A_674 : vector<1x512xf32>
    %mul3A_676 = arith.mulf %get3A_663, %mul3A_675 : vector<1x512xf32>
    %add3A_677 = arith.addf %add3A_655, %mul3A_676 : vector<1x512xf32>
    %get3A_678 = arith.index_cast %arg0 : i32 to index
    %get3A_679 = arith.constant 31 : index
    %get3A_680 = memref.load %arg2[%get3A_678, %get3A_679] : memref<8x49xi32, #tpu.memory_space<smem>>
    %get3A_681 = arith.constant 0 : index
    %get3A_682 = arith.index_cast %get3A_680 : i32 to index
    %get3A_683 = arith.constant 0 : index
    %get3A_684 = vector.load %arg4[%get3A_681, %get3A_682, %get3A_683] : memref<1x512x512xf32, #tpu.memory_space<vmem>>, vector<1x1x512xf32>
    %get3A_685 = vector.shape_cast %get3A_684 : vector<1x1x512xf32> to vector<1x512xf32>
    %get3A_686 = arith.index_cast %arg0 : i32 to index
    %get3A_687 = arith.constant 31 : index
    %get3A_688 = memref.load %arg1[%get3A_686, %get3A_687] : memref<8x49xi32, #tpu.memory_space<smem>>
    %eq3A_689 = vector.broadcast %get3A_688 : i32 to vector<1x512xi32>
    %eq3A_690 = arith.cmpi eq, %iota3A, %eq3A_689 : vector<1x512xi32>
    %convert_element_type3A_691 = arith.extui %eq3A_690 : vector<1x512xi1> to vector<1x512xi32>
    %convert_element_type3A_692 = arith.sitofp %convert_element_type3A_691 : vector<1x512xi32> to vector<1x512xf32>
    %get3A_693 = arith.index_cast %arg0 : i32 to index
    %get3A_694 = arith.constant 31 : index
    %get3A_695 = memref.load %arg3[%get3A_693, %get3A_694] : memref<8x49xf32, #tpu.memory_space<smem>>
    %mul3A_696 = vector.broadcast %get3A_695 : f32 to vector<1x512xf32>
    %mul3A_697 = arith.mulf %convert_element_type3A_692, %mul3A_696 : vector<1x512xf32>
    %mul3A_698 = arith.mulf %get3A_685, %mul3A_697 : vector<1x512xf32>
    %add3A_699 = arith.addf %add3A_677, %mul3A_698 : vector<1x512xf32>
    %get3A_700 = arith.index_cast %arg0 : i32 to index
    %get3A_701 = arith.constant 32 : index
    %get3A_702 = memref.load %arg2[%get3A_700, %get3A_701] : memref<8x49xi32, #tpu.memory_space<smem>>
    %get3A_703 = arith.constant 0 : index
    %get3A_704 = arith.index_cast %get3A_702 : i32 to index
    %get3A_705 = arith.constant 0 : index
    %get3A_706 = vector.load %arg4[%get3A_703, %get3A_704, %get3A_705] : memref<1x512x512xf32, #tpu.memory_space<vmem>>, vector<1x1x512xf32>
    %get3A_707 = vector.shape_cast %get3A_706 : vector<1x1x512xf32> to vector<1x512xf32>
    %get3A_708 = arith.index_cast %arg0 : i32 to index
    %get3A_709 = arith.constant 32 : index
    %get3A_710 = memref.load %arg1[%get3A_708, %get3A_709] : memref<8x49xi32, #tpu.memory_space<smem>>
    %eq3A_711 = vector.broadcast %get3A_710 : i32 to vector<1x512xi32>
    %eq3A_712 = arith.cmpi eq, %iota3A, %eq3A_711 : vector<1x512xi32>
    %convert_element_type3A_713 = arith.extui %eq3A_712 : vector<1x512xi1> to vector<1x512xi32>
    %convert_element_type3A_714 = arith.sitofp %convert_element_type3A_713 : vector<1x512xi32> to vector<1x512xf32>
    %get3A_715 = arith.index_cast %arg0 : i32 to index
    %get3A_716 = arith.constant 32 : index
    %get3A_717 = memref.load %arg3[%get3A_715, %get3A_716] : memref<8x49xf32, #tpu.memory_space<smem>>
    %mul3A_718 = vector.broadcast %get3A_717 : f32 to vector<1x512xf32>
    %mul3A_719 = arith.mulf %convert_element_type3A_714, %mul3A_718 : vector<1x512xf32>
    %mul3A_720 = arith.mulf %get3A_707, %mul3A_719 : vector<1x512xf32>
    %add3A_721 = arith.addf %add3A_699, %mul3A_720 : vector<1x512xf32>
    %get3A_722 = arith.index_cast %arg0 : i32 to index
    %get3A_723 = arith.constant 33 : index
    %get3A_724 = memref.load %arg2[%get3A_722, %get3A_723] : memref<8x49xi32, #tpu.memory_space<smem>>
    %get3A_725 = arith.constant 0 : index
    %get3A_726 = arith.index_cast %get3A_724 : i32 to index
    %get3A_727 = arith.constant 0 : index
    %get3A_728 = vector.load %arg4[%get3A_725, %get3A_726, %get3A_727] : memref<1x512x512xf32, #tpu.memory_space<vmem>>, vector<1x1x512xf32>
    %get3A_729 = vector.shape_cast %get3A_728 : vector<1x1x512xf32> to vector<1x512xf32>
    %get3A_730 = arith.index_cast %arg0 : i32 to index
    %get3A_731 = arith.constant 33 : index
    %get3A_732 = memref.load %arg1[%get3A_730, %get3A_731] : memref<8x49xi32, #tpu.memory_space<smem>>
    %eq3A_733 = vector.broadcast %get3A_732 : i32 to vector<1x512xi32>
    %eq3A_734 = arith.cmpi eq, %iota3A, %eq3A_733 : vector<1x512xi32>
    %convert_element_type3A_735 = arith.extui %eq3A_734 : vector<1x512xi1> to vector<1x512xi32>
    %convert_element_type3A_736 = arith.sitofp %convert_element_type3A_735 : vector<1x512xi32> to vector<1x512xf32>
    %get3A_737 = arith.index_cast %arg0 : i32 to index
    %get3A_738 = arith.constant 33 : index
    %get3A_739 = memref.load %arg3[%get3A_737, %get3A_738] : memref<8x49xf32, #tpu.memory_space<smem>>
    %mul3A_740 = vector.broadcast %get3A_739 : f32 to vector<1x512xf32>
    %mul3A_741 = arith.mulf %convert_element_type3A_736, %mul3A_740 : vector<1x512xf32>
    %mul3A_742 = arith.mulf %get3A_729, %mul3A_741 : vector<1x512xf32>
    %add3A_743 = arith.addf %add3A_721, %mul3A_742 : vector<1x512xf32>
    %get3A_744 = arith.index_cast %arg0 : i32 to index
    %get3A_745 = arith.constant 34 : index
    %get3A_746 = memref.load %arg2[%get3A_744, %get3A_745] : memref<8x49xi32, #tpu.memory_space<smem>>
    %get3A_747 = arith.constant 0 : index
    %get3A_748 = arith.index_cast %get3A_746 : i32 to index
    %get3A_749 = arith.constant 0 : index
    %get3A_750 = vector.load %arg4[%get3A_747, %get3A_748, %get3A_749] : memref<1x512x512xf32, #tpu.memory_space<vmem>>, vector<1x1x512xf32>
    %get3A_751 = vector.shape_cast %get3A_750 : vector<1x1x512xf32> to vector<1x512xf32>
    %get3A_752 = arith.index_cast %arg0 : i32 to index
    %get3A_753 = arith.constant 34 : index
    %get3A_754 = memref.load %arg1[%get3A_752, %get3A_753] : memref<8x49xi32, #tpu.memory_space<smem>>
    %eq3A_755 = vector.broadcast %get3A_754 : i32 to vector<1x512xi32>
    %eq3A_756 = arith.cmpi eq, %iota3A, %eq3A_755 : vector<1x512xi32>
    %convert_element_type3A_757 = arith.extui %eq3A_756 : vector<1x512xi1> to vector<1x512xi32>
    %convert_element_type3A_758 = arith.sitofp %convert_element_type3A_757 : vector<1x512xi32> to vector<1x512xf32>
    %get3A_759 = arith.index_cast %arg0 : i32 to index
    %get3A_760 = arith.constant 34 : index
    %get3A_761 = memref.load %arg3[%get3A_759, %get3A_760] : memref<8x49xf32, #tpu.memory_space<smem>>
    %mul3A_762 = vector.broadcast %get3A_761 : f32 to vector<1x512xf32>
    %mul3A_763 = arith.mulf %convert_element_type3A_758, %mul3A_762 : vector<1x512xf32>
    %mul3A_764 = arith.mulf %get3A_751, %mul3A_763 : vector<1x512xf32>
    %add3A_765 = arith.addf %add3A_743, %mul3A_764 : vector<1x512xf32>
    %get3A_766 = arith.index_cast %arg0 : i32 to index
    %get3A_767 = arith.constant 35 : index
    %get3A_768 = memref.load %arg2[%get3A_766, %get3A_767] : memref<8x49xi32, #tpu.memory_space<smem>>
    %get3A_769 = arith.constant 0 : index
    %get3A_770 = arith.index_cast %get3A_768 : i32 to index
    %get3A_771 = arith.constant 0 : index
    %get3A_772 = vector.load %arg4[%get3A_769, %get3A_770, %get3A_771] : memref<1x512x512xf32, #tpu.memory_space<vmem>>, vector<1x1x512xf32>
    %get3A_773 = vector.shape_cast %get3A_772 : vector<1x1x512xf32> to vector<1x512xf32>
    %get3A_774 = arith.index_cast %arg0 : i32 to index
    %get3A_775 = arith.constant 35 : index
    %get3A_776 = memref.load %arg1[%get3A_774, %get3A_775] : memref<8x49xi32, #tpu.memory_space<smem>>
    %eq3A_777 = vector.broadcast %get3A_776 : i32 to vector<1x512xi32>
    %eq3A_778 = arith.cmpi eq, %iota3A, %eq3A_777 : vector<1x512xi32>
    %convert_element_type3A_779 = arith.extui %eq3A_778 : vector<1x512xi1> to vector<1x512xi32>
    %convert_element_type3A_780 = arith.sitofp %convert_element_type3A_779 : vector<1x512xi32> to vector<1x512xf32>
    %get3A_781 = arith.index_cast %arg0 : i32 to index
    %get3A_782 = arith.constant 35 : index
    %get3A_783 = memref.load %arg3[%get3A_781, %get3A_782] : memref<8x49xf32, #tpu.memory_space<smem>>
    %mul3A_784 = vector.broadcast %get3A_783 : f32 to vector<1x512xf32>
    %mul3A_785 = arith.mulf %convert_element_type3A_780, %mul3A_784 : vector<1x512xf32>
    %mul3A_786 = arith.mulf %get3A_773, %mul3A_785 : vector<1x512xf32>
    %add3A_787 = arith.addf %add3A_765, %mul3A_786 : vector<1x512xf32>
    %get3A_788 = arith.index_cast %arg0 : i32 to index
    %get3A_789 = arith.constant 36 : index
    %get3A_790 = memref.load %arg2[%get3A_788, %get3A_789] : memref<8x49xi32, #tpu.memory_space<smem>>
    %get3A_791 = arith.constant 0 : index
    %get3A_792 = arith.index_cast %get3A_790 : i32 to index
    %get3A_793 = arith.constant 0 : index
    %get3A_794 = vector.load %arg4[%get3A_791, %get3A_792, %get3A_793] : memref<1x512x512xf32, #tpu.memory_space<vmem>>, vector<1x1x512xf32>
    %get3A_795 = vector.shape_cast %get3A_794 : vector<1x1x512xf32> to vector<1x512xf32>
    %get3A_796 = arith.index_cast %arg0 : i32 to index
    %get3A_797 = arith.constant 36 : index
    %get3A_798 = memref.load %arg1[%get3A_796, %get3A_797] : memref<8x49xi32, #tpu.memory_space<smem>>
    %eq3A_799 = vector.broadcast %get3A_798 : i32 to vector<1x512xi32>
    %eq3A_800 = arith.cmpi eq, %iota3A, %eq3A_799 : vector<1x512xi32>
    %convert_element_type3A_801 = arith.extui %eq3A_800 : vector<1x512xi1> to vector<1x512xi32>
    %convert_element_type3A_802 = arith.sitofp %convert_element_type3A_801 : vector<1x512xi32> to vector<1x512xf32>
    %get3A_803 = arith.index_cast %arg0 : i32 to index
    %get3A_804 = arith.constant 36 : index
    %get3A_805 = memref.load %arg3[%get3A_803, %get3A_804] : memref<8x49xf32, #tpu.memory_space<smem>>
    %mul3A_806 = vector.broadcast %get3A_805 : f32 to vector<1x512xf32>
    %mul3A_807 = arith.mulf %convert_element_type3A_802, %mul3A_806 : vector<1x512xf32>
    %mul3A_808 = arith.mulf %get3A_795, %mul3A_807 : vector<1x512xf32>
    %add3A_809 = arith.addf %add3A_787, %mul3A_808 : vector<1x512xf32>
    %get3A_810 = arith.index_cast %arg0 : i32 to index
    %get3A_811 = arith.constant 37 : index
    %get3A_812 = memref.load %arg2[%get3A_810, %get3A_811] : memref<8x49xi32, #tpu.memory_space<smem>>
    %get3A_813 = arith.constant 0 : index
    %get3A_814 = arith.index_cast %get3A_812 : i32 to index
    %get3A_815 = arith.constant 0 : index
    %get3A_816 = vector.load %arg4[%get3A_813, %get3A_814, %get3A_815] : memref<1x512x512xf32, #tpu.memory_space<vmem>>, vector<1x1x512xf32>
    %get3A_817 = vector.shape_cast %get3A_816 : vector<1x1x512xf32> to vector<1x512xf32>
    %get3A_818 = arith.index_cast %arg0 : i32 to index
    %get3A_819 = arith.constant 37 : index
    %get3A_820 = memref.load %arg1[%get3A_818, %get3A_819] : memref<8x49xi32, #tpu.memory_space<smem>>
    %eq3A_821 = vector.broadcast %get3A_820 : i32 to vector<1x512xi32>
    %eq3A_822 = arith.cmpi eq, %iota3A, %eq3A_821 : vector<1x512xi32>
    %convert_element_type3A_823 = arith.extui %eq3A_822 : vector<1x512xi1> to vector<1x512xi32>
    %convert_element_type3A_824 = arith.sitofp %convert_element_type3A_823 : vector<1x512xi32> to vector<1x512xf32>
    %get3A_825 = arith.index_cast %arg0 : i32 to index
    %get3A_826 = arith.constant 37 : index
    %get3A_827 = memref.load %arg3[%get3A_825, %get3A_826] : memref<8x49xf32, #tpu.memory_space<smem>>
    %mul3A_828 = vector.broadcast %get3A_827 : f32 to vector<1x512xf32>
    %mul3A_829 = arith.mulf %convert_element_type3A_824, %mul3A_828 : vector<1x512xf32>
    %mul3A_830 = arith.mulf %get3A_817, %mul3A_829 : vector<1x512xf32>
    %add3A_831 = arith.addf %add3A_809, %mul3A_830 : vector<1x512xf32>
    %get3A_832 = arith.index_cast %arg0 : i32 to index
    %get3A_833 = arith.constant 38 : index
    %get3A_834 = memref.load %arg2[%get3A_832, %get3A_833] : memref<8x49xi32, #tpu.memory_space<smem>>
    %get3A_835 = arith.constant 0 : index
    %get3A_836 = arith.index_cast %get3A_834 : i32 to index
    %get3A_837 = arith.constant 0 : index
    %get3A_838 = vector.load %arg4[%get3A_835, %get3A_836, %get3A_837] : memref<1x512x512xf32, #tpu.memory_space<vmem>>, vector<1x1x512xf32>
    %get3A_839 = vector.shape_cast %get3A_838 : vector<1x1x512xf32> to vector<1x512xf32>
    %get3A_840 = arith.index_cast %arg0 : i32 to index
    %get3A_841 = arith.constant 38 : index
    %get3A_842 = memref.load %arg1[%get3A_840, %get3A_841] : memref<8x49xi32, #tpu.memory_space<smem>>
    %eq3A_843 = vector.broadcast %get3A_842 : i32 to vector<1x512xi32>
    %eq3A_844 = arith.cmpi eq, %iota3A, %eq3A_843 : vector<1x512xi32>
    %convert_element_type3A_845 = arith.extui %eq3A_844 : vector<1x512xi1> to vector<1x512xi32>
    %convert_element_type3A_846 = arith.sitofp %convert_element_type3A_845 : vector<1x512xi32> to vector<1x512xf32>
    %get3A_847 = arith.index_cast %arg0 : i32 to index
    %get3A_848 = arith.constant 38 : index
    %get3A_849 = memref.load %arg3[%get3A_847, %get3A_848] : memref<8x49xf32, #tpu.memory_space<smem>>
    %mul3A_850 = vector.broadcast %get3A_849 : f32 to vector<1x512xf32>
    %mul3A_851 = arith.mulf %convert_element_type3A_846, %mul3A_850 : vector<1x512xf32>
    %mul3A_852 = arith.mulf %get3A_839, %mul3A_851 : vector<1x512xf32>
    %add3A_853 = arith.addf %add3A_831, %mul3A_852 : vector<1x512xf32>
    %get3A_854 = arith.index_cast %arg0 : i32 to index
    %get3A_855 = arith.constant 39 : index
    %get3A_856 = memref.load %arg2[%get3A_854, %get3A_855] : memref<8x49xi32, #tpu.memory_space<smem>>
    %get3A_857 = arith.constant 0 : index
    %get3A_858 = arith.index_cast %get3A_856 : i32 to index
    %get3A_859 = arith.constant 0 : index
    %get3A_860 = vector.load %arg4[%get3A_857, %get3A_858, %get3A_859] : memref<1x512x512xf32, #tpu.memory_space<vmem>>, vector<1x1x512xf32>
    %get3A_861 = vector.shape_cast %get3A_860 : vector<1x1x512xf32> to vector<1x512xf32>
    %get3A_862 = arith.index_cast %arg0 : i32 to index
    %get3A_863 = arith.constant 39 : index
    %get3A_864 = memref.load %arg1[%get3A_862, %get3A_863] : memref<8x49xi32, #tpu.memory_space<smem>>
    %eq3A_865 = vector.broadcast %get3A_864 : i32 to vector<1x512xi32>
    %eq3A_866 = arith.cmpi eq, %iota3A, %eq3A_865 : vector<1x512xi32>
    %convert_element_type3A_867 = arith.extui %eq3A_866 : vector<1x512xi1> to vector<1x512xi32>
    %convert_element_type3A_868 = arith.sitofp %convert_element_type3A_867 : vector<1x512xi32> to vector<1x512xf32>
    %get3A_869 = arith.index_cast %arg0 : i32 to index
    %get3A_870 = arith.constant 39 : index
    %get3A_871 = memref.load %arg3[%get3A_869, %get3A_870] : memref<8x49xf32, #tpu.memory_space<smem>>
    %mul3A_872 = vector.broadcast %get3A_871 : f32 to vector<1x512xf32>
    %mul3A_873 = arith.mulf %convert_element_type3A_868, %mul3A_872 : vector<1x512xf32>
    %mul3A_874 = arith.mulf %get3A_861, %mul3A_873 : vector<1x512xf32>
    %add3A_875 = arith.addf %add3A_853, %mul3A_874 : vector<1x512xf32>
    %get3A_876 = arith.index_cast %arg0 : i32 to index
    %get3A_877 = arith.constant 40 : index
    %get3A_878 = memref.load %arg2[%get3A_876, %get3A_877] : memref<8x49xi32, #tpu.memory_space<smem>>
    %get3A_879 = arith.constant 0 : index
    %get3A_880 = arith.index_cast %get3A_878 : i32 to index
    %get3A_881 = arith.constant 0 : index
    %get3A_882 = vector.load %arg4[%get3A_879, %get3A_880, %get3A_881] : memref<1x512x512xf32, #tpu.memory_space<vmem>>, vector<1x1x512xf32>
    %get3A_883 = vector.shape_cast %get3A_882 : vector<1x1x512xf32> to vector<1x512xf32>
    %get3A_884 = arith.index_cast %arg0 : i32 to index
    %get3A_885 = arith.constant 40 : index
    %get3A_886 = memref.load %arg1[%get3A_884, %get3A_885] : memref<8x49xi32, #tpu.memory_space<smem>>
    %eq3A_887 = vector.broadcast %get3A_886 : i32 to vector<1x512xi32>
    %eq3A_888 = arith.cmpi eq, %iota3A, %eq3A_887 : vector<1x512xi32>
    %convert_element_type3A_889 = arith.extui %eq3A_888 : vector<1x512xi1> to vector<1x512xi32>
    %convert_element_type3A_890 = arith.sitofp %convert_element_type3A_889 : vector<1x512xi32> to vector<1x512xf32>
    %get3A_891 = arith.index_cast %arg0 : i32 to index
    %get3A_892 = arith.constant 40 : index
    %get3A_893 = memref.load %arg3[%get3A_891, %get3A_892] : memref<8x49xf32, #tpu.memory_space<smem>>
    %mul3A_894 = vector.broadcast %get3A_893 : f32 to vector<1x512xf32>
    %mul3A_895 = arith.mulf %convert_element_type3A_890, %mul3A_894 : vector<1x512xf32>
    %mul3A_896 = arith.mulf %get3A_883, %mul3A_895 : vector<1x512xf32>
    %add3A_897 = arith.addf %add3A_875, %mul3A_896 : vector<1x512xf32>
    %get3A_898 = arith.index_cast %arg0 : i32 to index
    %get3A_899 = arith.constant 41 : index
    %get3A_900 = memref.load %arg2[%get3A_898, %get3A_899] : memref<8x49xi32, #tpu.memory_space<smem>>
    %get3A_901 = arith.constant 0 : index
    %get3A_902 = arith.index_cast %get3A_900 : i32 to index
    %get3A_903 = arith.constant 0 : index
    %get3A_904 = vector.load %arg4[%get3A_901, %get3A_902, %get3A_903] : memref<1x512x512xf32, #tpu.memory_space<vmem>>, vector<1x1x512xf32>
    %get3A_905 = vector.shape_cast %get3A_904 : vector<1x1x512xf32> to vector<1x512xf32>
    %get3A_906 = arith.index_cast %arg0 : i32 to index
    %get3A_907 = arith.constant 41 : index
    %get3A_908 = memref.load %arg1[%get3A_906, %get3A_907] : memref<8x49xi32, #tpu.memory_space<smem>>
    %eq3A_909 = vector.broadcast %get3A_908 : i32 to vector<1x512xi32>
    %eq3A_910 = arith.cmpi eq, %iota3A, %eq3A_909 : vector<1x512xi32>
    %convert_element_type3A_911 = arith.extui %eq3A_910 : vector<1x512xi1> to vector<1x512xi32>
    %convert_element_type3A_912 = arith.sitofp %convert_element_type3A_911 : vector<1x512xi32> to vector<1x512xf32>
    %get3A_913 = arith.index_cast %arg0 : i32 to index
    %get3A_914 = arith.constant 41 : index
    %get3A_915 = memref.load %arg3[%get3A_913, %get3A_914] : memref<8x49xf32, #tpu.memory_space<smem>>
    %mul3A_916 = vector.broadcast %get3A_915 : f32 to vector<1x512xf32>
    %mul3A_917 = arith.mulf %convert_element_type3A_912, %mul3A_916 : vector<1x512xf32>
    %mul3A_918 = arith.mulf %get3A_905, %mul3A_917 : vector<1x512xf32>
    %add3A_919 = arith.addf %add3A_897, %mul3A_918 : vector<1x512xf32>
    %get3A_920 = arith.index_cast %arg0 : i32 to index
    %get3A_921 = arith.constant 42 : index
    %get3A_922 = memref.load %arg2[%get3A_920, %get3A_921] : memref<8x49xi32, #tpu.memory_space<smem>>
    %get3A_923 = arith.constant 0 : index
    %get3A_924 = arith.index_cast %get3A_922 : i32 to index
    %get3A_925 = arith.constant 0 : index
    %get3A_926 = vector.load %arg4[%get3A_923, %get3A_924, %get3A_925] : memref<1x512x512xf32, #tpu.memory_space<vmem>>, vector<1x1x512xf32>
    %get3A_927 = vector.shape_cast %get3A_926 : vector<1x1x512xf32> to vector<1x512xf32>
    %get3A_928 = arith.index_cast %arg0 : i32 to index
    %get3A_929 = arith.constant 42 : index
    %get3A_930 = memref.load %arg1[%get3A_928, %get3A_929] : memref<8x49xi32, #tpu.memory_space<smem>>
    %eq3A_931 = vector.broadcast %get3A_930 : i32 to vector<1x512xi32>
    %eq3A_932 = arith.cmpi eq, %iota3A, %eq3A_931 : vector<1x512xi32>
    %convert_element_type3A_933 = arith.extui %eq3A_932 : vector<1x512xi1> to vector<1x512xi32>
    %convert_element_type3A_934 = arith.sitofp %convert_element_type3A_933 : vector<1x512xi32> to vector<1x512xf32>
    %get3A_935 = arith.index_cast %arg0 : i32 to index
    %get3A_936 = arith.constant 42 : index
    %get3A_937 = memref.load %arg3[%get3A_935, %get3A_936] : memref<8x49xf32, #tpu.memory_space<smem>>
    %mul3A_938 = vector.broadcast %get3A_937 : f32 to vector<1x512xf32>
    %mul3A_939 = arith.mulf %convert_element_type3A_934, %mul3A_938 : vector<1x512xf32>
    %mul3A_940 = arith.mulf %get3A_927, %mul3A_939 : vector<1x512xf32>
    %add3A_941 = arith.addf %add3A_919, %mul3A_940 : vector<1x512xf32>
    %get3A_942 = arith.index_cast %arg0 : i32 to index
    %get3A_943 = arith.constant 43 : index
    %get3A_944 = memref.load %arg2[%get3A_942, %get3A_943] : memref<8x49xi32, #tpu.memory_space<smem>>
    %get3A_945 = arith.constant 0 : index
    %get3A_946 = arith.index_cast %get3A_944 : i32 to index
    %get3A_947 = arith.constant 0 : index
    %get3A_948 = vector.load %arg4[%get3A_945, %get3A_946, %get3A_947] : memref<1x512x512xf32, #tpu.memory_space<vmem>>, vector<1x1x512xf32>
    %get3A_949 = vector.shape_cast %get3A_948 : vector<1x1x512xf32> to vector<1x512xf32>
    %get3A_950 = arith.index_cast %arg0 : i32 to index
    %get3A_951 = arith.constant 43 : index
    %get3A_952 = memref.load %arg1[%get3A_950, %get3A_951] : memref<8x49xi32, #tpu.memory_space<smem>>
    %eq3A_953 = vector.broadcast %get3A_952 : i32 to vector<1x512xi32>
    %eq3A_954 = arith.cmpi eq, %iota3A, %eq3A_953 : vector<1x512xi32>
    %convert_element_type3A_955 = arith.extui %eq3A_954 : vector<1x512xi1> to vector<1x512xi32>
    %convert_element_type3A_956 = arith.sitofp %convert_element_type3A_955 : vector<1x512xi32> to vector<1x512xf32>
    %get3A_957 = arith.index_cast %arg0 : i32 to index
    %get3A_958 = arith.constant 43 : index
    %get3A_959 = memref.load %arg3[%get3A_957, %get3A_958] : memref<8x49xf32, #tpu.memory_space<smem>>
    %mul3A_960 = vector.broadcast %get3A_959 : f32 to vector<1x512xf32>
    %mul3A_961 = arith.mulf %convert_element_type3A_956, %mul3A_960 : vector<1x512xf32>
    %mul3A_962 = arith.mulf %get3A_949, %mul3A_961 : vector<1x512xf32>
    %add3A_963 = arith.addf %add3A_941, %mul3A_962 : vector<1x512xf32>
    %get3A_964 = arith.index_cast %arg0 : i32 to index
    %get3A_965 = arith.constant 44 : index
    %get3A_966 = memref.load %arg2[%get3A_964, %get3A_965] : memref<8x49xi32, #tpu.memory_space<smem>>
    %get3A_967 = arith.constant 0 : index
    %get3A_968 = arith.index_cast %get3A_966 : i32 to index
    %get3A_969 = arith.constant 0 : index
    %get3A_970 = vector.load %arg4[%get3A_967, %get3A_968, %get3A_969] : memref<1x512x512xf32, #tpu.memory_space<vmem>>, vector<1x1x512xf32>
    %get3A_971 = vector.shape_cast %get3A_970 : vector<1x1x512xf32> to vector<1x512xf32>
    %get3A_972 = arith.index_cast %arg0 : i32 to index
    %get3A_973 = arith.constant 44 : index
    %get3A_974 = memref.load %arg1[%get3A_972, %get3A_973] : memref<8x49xi32, #tpu.memory_space<smem>>
    %eq3A_975 = vector.broadcast %get3A_974 : i32 to vector<1x512xi32>
    %eq3A_976 = arith.cmpi eq, %iota3A, %eq3A_975 : vector<1x512xi32>
    %convert_element_type3A_977 = arith.extui %eq3A_976 : vector<1x512xi1> to vector<1x512xi32>
    %convert_element_type3A_978 = arith.sitofp %convert_element_type3A_977 : vector<1x512xi32> to vector<1x512xf32>
    %get3A_979 = arith.index_cast %arg0 : i32 to index
    %get3A_980 = arith.constant 44 : index
    %get3A_981 = memref.load %arg3[%get3A_979, %get3A_980] : memref<8x49xf32, #tpu.memory_space<smem>>
    %mul3A_982 = vector.broadcast %get3A_981 : f32 to vector<1x512xf32>
    %mul3A_983 = arith.mulf %convert_element_type3A_978, %mul3A_982 : vector<1x512xf32>
    %mul3A_984 = arith.mulf %get3A_971, %mul3A_983 : vector<1x512xf32>
    %add3A_985 = arith.addf %add3A_963, %mul3A_984 : vector<1x512xf32>
    %get3A_986 = arith.index_cast %arg0 : i32 to index
    %get3A_987 = arith.constant 45 : index
    %get3A_988 = memref.load %arg2[%get3A_986, %get3A_987] : memref<8x49xi32, #tpu.memory_space<smem>>
    %get3A_989 = arith.constant 0 : index
    %get3A_990 = arith.index_cast %get3A_988 : i32 to index
    %get3A_991 = arith.constant 0 : index
    %get3A_992 = vector.load %arg4[%get3A_989, %get3A_990, %get3A_991] : memref<1x512x512xf32, #tpu.memory_space<vmem>>, vector<1x1x512xf32>
    %get3A_993 = vector.shape_cast %get3A_992 : vector<1x1x512xf32> to vector<1x512xf32>
    %get3A_994 = arith.index_cast %arg0 : i32 to index
    %get3A_995 = arith.constant 45 : index
    %get3A_996 = memref.load %arg1[%get3A_994, %get3A_995] : memref<8x49xi32, #tpu.memory_space<smem>>
    %eq3A_997 = vector.broadcast %get3A_996 : i32 to vector<1x512xi32>
    %eq3A_998 = arith.cmpi eq, %iota3A, %eq3A_997 : vector<1x512xi32>
    %convert_element_type3A_999 = arith.extui %eq3A_998 : vector<1x512xi1> to vector<1x512xi32>
    %convert_element_type3A_1000 = arith.sitofp %convert_element_type3A_999 : vector<1x512xi32> to vector<1x512xf32>
    %get3A_1001 = arith.index_cast %arg0 : i32 to index
    %get3A_1002 = arith.constant 45 : index
    %get3A_1003 = memref.load %arg3[%get3A_1001, %get3A_1002] : memref<8x49xf32, #tpu.memory_space<smem>>
    %mul3A_1004 = vector.broadcast %get3A_1003 : f32 to vector<1x512xf32>
    %mul3A_1005 = arith.mulf %convert_element_type3A_1000, %mul3A_1004 : vector<1x512xf32>
    %mul3A_1006 = arith.mulf %get3A_993, %mul3A_1005 : vector<1x512xf32>
    %add3A_1007 = arith.addf %add3A_985, %mul3A_1006 : vector<1x512xf32>
    %get3A_1008 = arith.index_cast %arg0 : i32 to index
    %get3A_1009 = arith.constant 46 : index
    %get3A_1010 = memref.load %arg2[%get3A_1008, %get3A_1009] : memref<8x49xi32, #tpu.memory_space<smem>>
    %get3A_1011 = arith.constant 0 : index
    %get3A_1012 = arith.index_cast %get3A_1010 : i32 to index
    %get3A_1013 = arith.constant 0 : index
    %get3A_1014 = vector.load %arg4[%get3A_1011, %get3A_1012, %get3A_1013] : memref<1x512x512xf32, #tpu.memory_space<vmem>>, vector<1x1x512xf32>
    %get3A_1015 = vector.shape_cast %get3A_1014 : vector<1x1x512xf32> to vector<1x512xf32>
    %get3A_1016 = arith.index_cast %arg0 : i32 to index
    %get3A_1017 = arith.constant 46 : index
    %get3A_1018 = memref.load %arg1[%get3A_1016, %get3A_1017] : memref<8x49xi32, #tpu.memory_space<smem>>
    %eq3A_1019 = vector.broadcast %get3A_1018 : i32 to vector<1x512xi32>
    %eq3A_1020 = arith.cmpi eq, %iota3A, %eq3A_1019 : vector<1x512xi32>
    %convert_element_type3A_1021 = arith.extui %eq3A_1020 : vector<1x512xi1> to vector<1x512xi32>
    %convert_element_type3A_1022 = arith.sitofp %convert_element_type3A_1021 : vector<1x512xi32> to vector<1x512xf32>
    %get3A_1023 = arith.index_cast %arg0 : i32 to index
    %get3A_1024 = arith.constant 46 : index
    %get3A_1025 = memref.load %arg3[%get3A_1023, %get3A_1024] : memref<8x49xf32, #tpu.memory_space<smem>>
    %mul3A_1026 = vector.broadcast %get3A_1025 : f32 to vector<1x512xf32>
    %mul3A_1027 = arith.mulf %convert_element_type3A_1022, %mul3A_1026 : vector<1x512xf32>
    %mul3A_1028 = arith.mulf %get3A_1015, %mul3A_1027 : vector<1x512xf32>
    %add3A_1029 = arith.addf %add3A_1007, %mul3A_1028 : vector<1x512xf32>
    %get3A_1030 = arith.index_cast %arg0 : i32 to index
    %get3A_1031 = arith.constant 47 : index
    %get3A_1032 = memref.load %arg2[%get3A_1030, %get3A_1031] : memref<8x49xi32, #tpu.memory_space<smem>>
    %get3A_1033 = arith.constant 0 : index
    %get3A_1034 = arith.index_cast %get3A_1032 : i32 to index
    %get3A_1035 = arith.constant 0 : index
    %get3A_1036 = vector.load %arg4[%get3A_1033, %get3A_1034, %get3A_1035] : memref<1x512x512xf32, #tpu.memory_space<vmem>>, vector<1x1x512xf32>
    %get3A_1037 = vector.shape_cast %get3A_1036 : vector<1x1x512xf32> to vector<1x512xf32>
    %get3A_1038 = arith.index_cast %arg0 : i32 to index
    %get3A_1039 = arith.constant 47 : index
    %get3A_1040 = memref.load %arg1[%get3A_1038, %get3A_1039] : memref<8x49xi32, #tpu.memory_space<smem>>
    %eq3A_1041 = vector.broadcast %get3A_1040 : i32 to vector<1x512xi32>
    %eq3A_1042 = arith.cmpi eq, %iota3A, %eq3A_1041 : vector<1x512xi32>
    %convert_element_type3A_1043 = arith.extui %eq3A_1042 : vector<1x512xi1> to vector<1x512xi32>
    %convert_element_type3A_1044 = arith.sitofp %convert_element_type3A_1043 : vector<1x512xi32> to vector<1x512xf32>
    %get3A_1045 = arith.index_cast %arg0 : i32 to index
    %get3A_1046 = arith.constant 47 : index
    %get3A_1047 = memref.load %arg3[%get3A_1045, %get3A_1046] : memref<8x49xf32, #tpu.memory_space<smem>>
    %mul3A_1048 = vector.broadcast %get3A_1047 : f32 to vector<1x512xf32>
    %mul3A_1049 = arith.mulf %convert_element_type3A_1044, %mul3A_1048 : vector<1x512xf32>
    %mul3A_1050 = arith.mulf %get3A_1037, %mul3A_1049 : vector<1x512xf32>
    %add3A_1051 = arith.addf %add3A_1029, %mul3A_1050 : vector<1x512xf32>
    %get3A_1052 = arith.index_cast %arg0 : i32 to index
    %get3A_1053 = arith.constant 48 : index
    %get3A_1054 = memref.load %arg2[%get3A_1052, %get3A_1053] : memref<8x49xi32, #tpu.memory_space<smem>>
    %get3A_1055 = arith.constant 0 : index
    %get3A_1056 = arith.index_cast %get3A_1054 : i32 to index
    %get3A_1057 = arith.constant 0 : index
    %get3A_1058 = vector.load %arg4[%get3A_1055, %get3A_1056, %get3A_1057] : memref<1x512x512xf32, #tpu.memory_space<vmem>>, vector<1x1x512xf32>
    %get3A_1059 = vector.shape_cast %get3A_1058 : vector<1x1x512xf32> to vector<1x512xf32>
    %get3A_1060 = arith.index_cast %arg0 : i32 to index
    %get3A_1061 = arith.constant 48 : index
    %get3A_1062 = memref.load %arg1[%get3A_1060, %get3A_1061] : memref<8x49xi32, #tpu.memory_space<smem>>
    %eq3A_1063 = vector.broadcast %get3A_1062 : i32 to vector<1x512xi32>
    %eq3A_1064 = arith.cmpi eq, %iota3A, %eq3A_1063 : vector<1x512xi32>
    %convert_element_type3A_1065 = arith.extui %eq3A_1064 : vector<1x512xi1> to vector<1x512xi32>
    %convert_element_type3A_1066 = arith.sitofp %convert_element_type3A_1065 : vector<1x512xi32> to vector<1x512xf32>
    %get3A_1067 = arith.index_cast %arg0 : i32 to index
    %get3A_1068 = arith.constant 48 : index
    %get3A_1069 = memref.load %arg3[%get3A_1067, %get3A_1068] : memref<8x49xf32, #tpu.memory_space<smem>>
    %mul3A_1070 = vector.broadcast %get3A_1069 : f32 to vector<1x512xf32>
    %mul3A_1071 = arith.mulf %convert_element_type3A_1066, %mul3A_1070 : vector<1x512xf32>
    %mul3A_1072 = arith.mulf %get3A_1059, %mul3A_1071 : vector<1x512xf32>
    %add3A_1073 = arith.addf %add3A_1051, %mul3A_1072 : vector<1x512xf32>
    %reduce_sum3A = vector.shape_cast %add3A_1073 : vector<1x512xf32> to vector<1x1x512xf32>
    %reduce_sum3A_1074 = arith.constant dense<0.000000e+00> : vector<1xf32>
    %reduce_sum3A_1075 = vector.multi_reduction <add>, %reduce_sum3A, %reduce_sum3A_1074 [1, 2] : vector<1x1x512xf32> to vector<1xf32>
    %reduce_sum3A_1076 = vector.shape_cast %reduce_sum3A_1075 : vector<1xf32> to vector<1x1x1xf32>
    %reduce_sum3A_1077 = vector.extract %reduce_sum3A_1076[0, 0, 0] : f32 from vector<1x1x1xf32>
    %neg3A = arith.constant 0.000000e+00 : f32
    %neg3A_1078 = arith.subf %neg3A, %reduce_sum3A_1077 : f32
    %mul3A_1079 = arith.constant 1.250000e-01 : f32
    %mul3A_1080 = arith.mulf %neg3A_1078, %mul3A_1079 : f32
    %eq3A_1081 = arith.constant 0 : i32
    %eq3A_1082 = arith.cmpi eq, %arg0, %eq3A_1081 : i32
    %convert_element_type3A_1083 = arith.extui %eq3A_1082 : i1 to i32
    %cond3A = arith.constant 0 : i32
    %cond3A_1084 = arith.cmpi ne, %convert_element_type3A_1083, %cond3A : i32
    scf.if %cond3A_1084 {
      %broadcast_in_dim3A_1092 = arith.constant 0.000000e+00 : f32
      %broadcast_in_dim3A_1093 = vector.broadcast %broadcast_in_dim3A_1092 : f32 to vector<1x1xf32>
      %swap3A_1094 = arith.constant 0 : index
      %swap3A_1095 = arith.constant 0 : index
      %swap3A_1096 = vector.load %arg5[%swap3A_1094, %swap3A_1095] : memref<1x1xf32, #tpu.memory_space<vmem>>, vector<1x1xf32>
      tpu.vector_store %arg5[%swap3A_1094, %swap3A_1095], %broadcast_in_dim3A_1093 {strides = array<i32>} : memref<1x1xf32, #tpu.memory_space<vmem>>, vector<1x1xf32>,
    } else {
    }
    %get3A_1085 = arith.constant 0 : index
    %get3A_1086 = arith.constant 0 : index
    %get3A_1087 = vector.load %arg5[%get3A_1085, %get3A_1086] : memref<1x1xf32, #tpu.memory_space<vmem>>, vector<1x1xf32>
    %add3A_1088 = vector.broadcast %mul3A_1080 : f32 to vector<1x1xf32>
    %add3A_1089 = arith.addf %get3A_1087, %add3A_1088 : vector<1x1xf32>
    %swap3A = arith.constant 0 : index
    %swap3A_1090 = arith.constant 0 : index
    %swap3A_1091 = vector.load %arg5[%swap3A, %swap3A_1090] : memref<1x1xf32, #tpu.memory_space<vmem>>, vector<1x1xf32>
    tpu.vector_store %arg5[%swap3A, %swap3A_1090], %add3A_1089 {strides = array<i32>} : memref<1x1xf32, #tpu.memory_space<vmem>>, vector<1x1xf32>,
    return
  }
  func.func @transform_0(%arg0: i32) -> (i32, i32) {
    %c0_i32 = arith.constant 0 : i32
    %c0_i32_0 = arith.constant 0 : i32
    %c0_i32_1 = arith.constant 0 : i32
    return %c0_i32, %c0_i32_0 : i32, i32
  }
  func.func @transform_1(%arg0: i32) -> (i32, i32) {
    %c0_i32 = arith.constant 0 : i32
    %c0_i32_0 = arith.constant 0 : i32
    %c0_i32_1 = arith.constant 0 : i32
    return %c0_i32, %c0_i32_0 : i32, i32
  }
  func.func @transform_2(%arg0: i32) -> (i32, i32) {
    %c0_i32 = arith.constant 0 : i32
    %c0_i32_0 = arith.constant 0 : i32
    %c0_i32_1 = arith.constant 0 : i32
    return %c0_i32, %c0_i32_0 : i32, i32
  }
  func.func @transform_3(%arg0: i32) -> (i32, i32, i32) {
    %c0_i32 = arith.constant 0 : i32
    %c0_i32_0 = arith.constant 0 : i32
    %c0_i32_1 = arith.constant 0 : i32
    return %arg0, %c0_i32, %c0_i32_0 : i32, i32, i32
  }
  func.func @transform_4(%arg0: i32) -> (i32, i32) {
    %c0_i32 = arith.constant 0 : i32
    %c0_i32_0 = arith.constant 0 : i32
    %c0_i32_1 = arith.constant 0 : i32
    return %c0_i32, %c0_i32_0 : i32, i32
  }
}

</mosaic_0001>

<sc_bundles>
// kernel: kernel.5.cloned.1.call-start
scs
__scs_entry_jumppad:
0x0: {  	(pc) =	sbr.rel $0x88, $3  }
0x1: {  	(tag) =	ssettag $0x0;
	lr =	simm.s32 $0x1  }
0x2: {  	[smem:$0x3F9F] =	sst lr;
	_ =	strace $0xD0000000  }
0x3: {  	_ = 	snop  }
0x4: {  	_ = 	snop  }
0x5: {  	_ = 	snop  }
0x6: {  	_ = 	snop  }
0x7: {  	_ = 	snop  }
__scs_overlays_trampoline_lowered:
0x8: {  	[smem:$0x3FAE] =	sst s0  }
0x9: {  	[smem:$0x3FAF] =	sst s1  }
0xa: {  	[smem:$0x3FB0] =	sst s2  }
0xb: {  	[smem:$0x3FB1] =	sst s3  }
0xc: {  	[smem:$0x3FB2] =	sst s4  }
0xd: {  	[smem:$0x3FB3] =	sst s5  }
0xe: {  	[smem:$0x3FB4] =	sst s6  }
0xf: {  	[smem:$0x3FB5] =	sst s7  }
0x10: {  	[smem:$0x3FB6] =	sst s8  }
0x11: {  	[smem:$0x3FB7] =	sst s9;
	s0 =	simm.s32 @!p0 $0x0  }
0x12: {  	s1 =	sld [smem:$0x3F9D];
	s0 =	simm.s32 @p0 $0x1  }
0x13: {  	[smem:$0x3FB8] =	sst s0;
	s0 =	simm.s32 @!p1 $0x0  }
0x14: {  	s2 =	sld [smem:$0x3F9C];
	s0 =	simm.s32 @p1 $0x1  }
0x15: {  	[smem:$0x3FB9] =	sst s0;
	s0 =	simm.s32 @!p2 $0x0  }
0x16: {  	s3 =	sld [smem:$0x3FDB];
	s0 =	simm.s32 @p2 $0x1  }
0x17: {  	s4 =	simm.s32 $0x1BF5;
	[smem:$0x3FBB] =	sst s0  }
0x18: {  	s0 =	sld [smem:$0x3F9E];
	_ =	swait.ge [sflag:s4], $0x0  }
0x19: {  	s7 =	sld [smem:$0x3F9F]  }
0x1a: {  	s8 =	sadd.s32 $0xFFFFE003, lr  }
0x1b: {  	s9 =	sadd.s32 $0xFFFFFEF7, lr;
	s5 =	simm.s32 $0xFFFFFFFF;
	p2 =	slt.u32 s8, $0xFFFFF086  }
0x1c: {  	p1 =	slt.u32 s9, $0xF7A;
	s5 =	simm.s32 @!p2 $0x0  }
0x1d: {  	s5 =	simm.s32 @p1 $0x1;
	p0 =	seq.s32 s7, s2  }
0x1e: {  	s7 =	smul.u32 @!p0 $0xF7A, s2;
	p2 =	seq.s32 @!p0 s5, $0x0  }
0x1f: {  	s9 =	smul.u32 $0xF7A, s1;
	s8 =	simm.s32 @!p0 $0x1BF5;
	p2 =	por !p2, p0  }
0x20: {  	[sflag:s8] =	ssyncset.s32 @!p0 $0xFFFFF086;
	s6 =	sadd.s32 @!p0 s3, s7;
	s7 =	simm.s32 @!p0 $0x108  }
0x21: {  	s3 =	sadd.s32 s3, s9;
	s6 =	sadd.s32 @!p0 $0x88, s6;
	s7 =	simm.s32 @p2 $0x1082  }
0x22: {  	[simem:s7], [sflag:s8] =	dma.local @!p0 [hbm:s6], $0xF7A  }
0x23: {  	s9 =	sor.u32 $0xD0000000, s2;
	s6 =	simm.s32 $0x108;
	_ =	swait.ge @!p0 [sflag:s8], $0x0  }
0x24: {  	s3 =	sadd.s32 $0x88, s3;
	s6 =	simm.s32 @!p1 $0x1082;
	[sflag:s4] =	ssyncset.s32 $0xFFFFF086  }
0x25: {  	[simem:s6], [sflag:s4] =	dma.local [hbm:s3], $0xF7A  }
0x26: {  	[smem:$0x3F9F] =	sst s1;
	(tag) =	ssettag s2;
	_ =	strace s9  }
0x27: {  	s1 =	sld [smem:$0x3FAF]  }
0x28: {  	s2 =	sld [smem:$0x3FB0]  }
0x29: {  	s4 =	sld [smem:$0x3FB2]  }
0x2a: {  	p0 =	seq.s32 s5, $0x0;
	s5 =	sld [smem:$0x3FB3]  }
0x2b: {  	s6 =	sld [smem:$0x3FB4]  }
0x2c: {  	s7 =	sld [smem:$0x3FB5]  }
0x2d: {  	s3 =	simm.s32 $0x108;
	s8 =	sld [smem:$0x3FB6]  }
0x2e: {  	s3 =	simm.s32 @!p0 $0x1082;
	s9 =	sld [smem:$0x3FB7]  }
0x2f: {  	lr =	sadd.s32 s0, s3;
	s0 =	sld [smem:$0x3FAE]  }
0x30: {  	s3 =	sld [smem:$0x3FB1]  }
0x31: {  	[smem:$0x3FBA] =	sst s10  }
0x32: {  	s10 =	sld [smem:$0x3FB8];
	_ =	sdelay $0x3  }
0x33: {  	p0 =	seq.s32 s10, $0x1;
	s10 =	sld [smem:$0x3FBA];
	_ =	sdelay $0x3  }
0x34: {  	[smem:$0x3FBA] =	sst s10  }
0x35: {  	s10 =	sld [smem:$0x3FB9];
	_ =	sdelay $0x3  }
0x36: {  	p1 =	seq.s32 s10, $0x1;
	s10 =	sld [smem:$0x3FBA];
	_ =	sdelay $0x3  }
0x37: {  	[smem:$0x3FBA] =	sst s10  }
0x38: {  	s10 =	sld [smem:$0x3FBB]  }
0x39: {  	_ = 	snop;
	(pc) =	sbr.ind lr, $3  }
0x3a: {  	_ = 	snop  }
0x3b: {  	_ = 	snop  }
0x3c: {  	p2 =	seq.s32 s10, $0x1;
	s10 =	sld [smem:$0x3FBA]  }
0x3d: {  	_ =	shalt  }
0x3e: {  	_ =	shalt  }
0x3f: {  	_ =	shalt  }
0x40: {  	_ =	shalt  }
0x41: {  	_ =	shalt  }
0x42: {  	_ =	shalt  }
0x43: {  	_ =	shalt  }
0x44: {  	_ =	shalt  }
0x45: {  	_ =	shalt  }
0x46: {  	_ =	shalt  }
0x47: {  	_ =	shalt  }
0x48: {  	_ =	shalt  }
0x49: {  	_ =	shalt  }
0x4a: {  	_ =	shalt  }
0x4b: {  	_ =	shalt  }
0x4c: {  	_ =	shalt  }
0x4d: {  	_ =	shalt  }
0x4e: {  	_ =	shalt  }
0x4f: {  	_ =	shalt  }
0x50: {  	_ =	shalt  }
0x51: {  	_ =	shalt  }
0x52: {  	_ =	shalt  }
0x53: {  	_ =	shalt  }
0x54: {  	_ =	shalt  }
0x55: {  	_ =	shalt  }
0x56: {  	_ =	shalt  }
0x57: {  	_ =	shalt  }
0x58: {  	_ =	shalt  }
0x59: {  	_ =	shalt  }
0x5a: {  	_ =	shalt  }
0x5b: {  	_ =	shalt  }
0x5c: {  	_ =	shalt  }
0x5d: {  	_ =	shalt  }
0x5e: {  	_ =	shalt  }
0x5f: {  	_ =	shalt  }
0x60: {  	_ =	shalt  }
0x61: {  	_ =	shalt  }
0x62: {  	_ =	shalt  }
0x63: {  	_ =	shalt  }
0x64: {  	_ =	shalt  }
0x65: {  	_ =	shalt  }
0x66: {  	_ =	shalt  }
0x67: {  	_ =	shalt  }
0x68: {  	_ =	shalt  }
0x69: {  	_ =	shalt  }
0x6a: {  	_ =	shalt  }
0x6b: {  	_ =	shalt  }
0x6c: {  	_ =	shalt  }
0x6d: {  	_ =	shalt  }
0x6e: {  	_ =	shalt  }
0x6f: {  	_ =	shalt  }
0x70: {  	_ =	shalt  }
0x71: {  	_ =	shalt  }
0x72: {  	_ =	shalt  }
0x73: {  	_ =	shalt  }
0x74: {  	_ =	shalt  }
0x75: {  	_ =	shalt  }
0x76: {  	_ =	shalt  }
0x77: {  	_ =	shalt  }
0x78: {  	_ =	shalt  }
0x79: {  	_ =	shalt  }
0x7a: {  	_ =	shalt  }
0x7b: {  	_ =	shalt  }
0x7c: {  	_ =	shalt  }
0x7d: {  	_ =	shalt  }
0x7e: {  	_ =	shalt  }
0x7f: {  	_ =	shalt  }
0x80: {  	_ =	shalt  }
0x81: {  	_ =	shalt  }
0x82: {  	_ =	shalt  }
0x83: {  	_ =	shalt  }
0x84: {  	_ =	shalt  }
0x85: {  	_ =	shalt  }
0x86: {  	_ =	shalt  }
0x87: {  	_ =	shalt  }
.Lfunc_end0:
.L_simem_size_0:
called_computation_lowered:
.L_overlay_start_0:
0x88: {  	s2 =	sld [smem:$0x3FD9]  }
0x89: {  	s3 =	sld [smem:$0x3FFE];
	_ =	sdelay $0x1  }
0x8a: {  	s1 =	srdreg.scid  }
0x8b: {  	s0 =	sand.u32 $0x1, s1  }
0x8c: {  	s17 =	sshll.u32 s0, $0xA;
	s2 =	sadd.s32 s3, s2  }
0x8d: {  	s2 =	sadd.s32 s2, s17  }
0x8e: {  	[smem:$0x3FC6] =	sst s2  }
0x8f: {  	_ = 	snop  }
0x90: {  	s2 =	sld [smem:$0x3FC8];
	(tm) =	ssettm $0x1  }
0x91: {  	s18 =	sld [smem:$0x3FFB];
	_ =	sdelay $0x3  }
0x92: {  	_ =	strace s18  }
0x93: {  	s3 =	sld [smem:$0x3FFC];
	_ =	sdelay $0x3  }
0x94: {  	_ =	strace s3  }
0x95: {  	s3 =	sld [smem:$0x3FFD];
	_ =	sdelay $0x3  }
0x96: {  	_ =	strace s3  }
0x97: {  	_ =	strace $0x8FFFFFFF  }
0x98: {  	s19 =	sld [smem:$0x3FDB];
	_ =	sdelay $0x1  }
0x99: {  	s4 =	simm.s32 $_scs_section_size  }
0x9a: {  	s5 =	simm.s32 $_size__tile_overlayer_lowered;
	s6 =	simm.s32 $_tile_overlayer_lowered  }
0x9b: {  	s22 =	simm.s32 $0x1BFF;
	s21 =	sshll.u32 s6, $0x1;
	s3 =	sadd.s32 s4, s19  }
0x9c: {  	s7 =	simm.s32 $0x0;
	s20 =	sshll.u32 s5, $0x1;
	s5 =	sadd.s32 s21, s3  }
0x9d: {  	[timem:s7], [sflag:s22] =	dma.local [hbm:s5], s20  }
0x9e: {  	_ =	swait.ge [sflag:s22], s20  }
0x9f: {  	s4 =	ssub.s32 $0x0, s20;
	[sflag:s22] =	ssyncset.done $0x0  }
0xa0: {  	[sflag:s22] =	ssyncadd.s32 s4;
	_ =	sdelay $0x1  }
0xa1: {  	s23 =	simm.s32 $0x1B8B  }
0xa2: {  	_ =	swait.ge [sflag:s23], $0x1  }
0xa3: {  	[sflag:s23] =	ssyncset.done $0x0  }
0xa4: {  	s25 =	simm.s32 $0x1B8E;
	s24 =	sld [smem:$0x3FFE];
	[sflag:s23] =	ssyncadd.s32 $0xFFFFFFFF  }
0xa5: {  	s26 =	simm.s32 $execute0_lowered;
	[smem:$0x3FD2] =	sst s25  }
0xa6: {  	s5 =	sshll.u32 s26, $0x1;
	_ =	strace $0x80000046;
	[dreg:$0x1] =	wrdreg $0xFFFFFFFF  }
0xa7: {  	s28 =	simm.s32 $_size_execute0_lowered;
	s3 =	sadd.s32 s3, s5;
	[dreg:$0x0] =	wrdreg $0x0  }
0xa8: {  	s5 =	sshll.u32 s28, $0x1;
	[dreg:$0x2] =	wrdreg s3  }
0xa9: {  	[dreg:$0x3] =	wrdreg s5  }
0xaa: {  	[dreg:$0x4] =	wrdreg $0xC0  }
0xab: {  	_ =	task [dreg:s7], $0x5FFFF  }
0xac: {  	[dreg:$0x1] =	wrdreg $0xFFFFFFFF  }
0xad: {  	[dreg:$0x0] =	wrdreg $0x60  }
0xae: {  	[dreg:$0x2] =	wrdreg s2  }
0xaf: {  	[dreg:$0x3] =	wrdreg s24  }
0xb0: {  	[dreg:$0x4] =	wrdreg $0x9  }
0xb1: {  	_ =	task.clear_ibuf [dreg:s7], $0x5FFFF;
	_ =	strace $0x90000046  }
0xb2: {  	s29 =	simm.s32 $0x9;
	_ =	strace $0x80000048  }
0xb3: {  	_ =	swait.ge [sflag:s29], $0x1  }
0xb4: {  	[sflag:s29] =	ssyncadd.s32 $0xFFFFFFFF  }
0xb5: {  	_ =	strace $0x90000048  }
0xb6: {  	_ =	sfence  }
0xb7: {  	s30 =	sld [smem:$0x0];
	_ =	sdelay $0x2  }
0xb8: {  	s31 =	sshll.u32 s1, $0xD;
	s1 =	sshrl.u32 s1, $0x2  }
0xb9: {  	s3 =	sand.u32 $0x4000, s31;
	s1 =	sadd.s32 s1, s30  }
0xba: {  	s0 =	sor.u32 s3, s0;
	s1 =	sshll.u32 s1, $0x11  }
0xbb: {  	s0 =	sor.u32 s1, s0  }
0xbc: {  	s0 =	sadd.s32 $0x8F2B, s0  }
0xbd: {  	[sflag:s0] =	ssyncadd.remote.s32 $0x1  }
0xbe: {  	_ =	sfence.sel $0xFFFF  }
0xbf: {  	[dreg:$0x0] =	wrdreg $0xFFFFFFFF;
	(pc) =	sbr.abs _section_cstart, $3  }
0xc0: {  	[dreg:$0x1] =	wrdreg $0xFFFFFFFF  }
0xc1: {  	_ =	task.clear_ibuf [dreg:s7], $0x2FFFF;
	_ =	strace $0x9FFFFFFF  }
0xc2: {  	(tm) =	ssettm $0x7FFFFFFF  }
0xc3: {  	_ =	shalt  }
tec
execute0_lowered:
.L_overlay_start_1:
0x0: {  	(tag) =	ssettag $0x1  }
0x1: {  	s3 =	rddreg [dreg:$0x0]  }
0x2: {  	s11 =	rddreg [dreg:$0x1]  }
0x3: {  	s0 =	stileid.u32;
	v0 =	vimm.s32 $0x1380;
	vm0 =	vcmask $0x300;
	s2 =	simm.s32 $0x0;
	s4 =	srdreg.scid  }
0x4: {  	vm14 =	vcmask $0x704;
	s15 =	simm.s32 $0x1;
	s16 =	simm.s32 $0x4000;
	s17 =	simm.s32 $0xA200;
	v0 =	vsel vm0, $0x0, v0  }
0x5: {  	vm15 =	vcmask $0xB08;
	s18 =	simm.s32 $0x2;
	s19 =	simm.s32 $0x80;
	s20 =	simm.s32 $0x200;
	v0 =	vsel vm14, $0x80, v0  }
0x6: {  	vm4 =	vcmask $0xF0C;
	s21 =	simm.s32 $0x3;
	s22 =	simm.s32 $0x400;
	s23 =	simm.s32 $0x1000;
	v0 =	vsel vm15, $0x100, v0  }
0x7: {  	vm5 =	vcmask $0x1310;
	s24 =	simm.s32 $0xBA00;
	s25 =	simm.s32 $0x0;
	s5 =	sshll.u32 s0, $0x1;
	v0 =	vsel vm4, $0x180, v0  }
0x8: {  	vm6 =	vcmask $0x1714;
	s4 =	sand.u32 $0x1, s4;
	s6 =	sshrl.u32 s0, $0x1;
	[smem:$0x7FF] =	sst s2;
	v0 =	vsel vm5, $0x200, v0  }
0x9: {  	vm7 =	vcmask $0x1B18;
	s5 =	sand.u32 $0x2, s5;
	s28 =	smul.u32 $0x7000, s6;
	_ =	strace $0x80000047;
	v0 =	vsel vm6, $0x280, v0  }
0xa: {  	vm8 =	vcmask $0x1F1C;
	s29 =	sshll.u32 s6, $0xF;
	s31 =	smul.u32 $0x18800, s6;
	s7 =	sor.u32 s4, s5;
	v0 =	vsel vm7, $0x300, v0  }
0xb: {  	vm9 =	vcmask $0x2320;
	s4 =	ssub.s32 $0x2, s4;
	s8 =	sshll.u32 s7, $0xA;
	s9 =	sshll.u32 s7, $0xD;
	v0 =	vsel vm8, $0x380, v0  }
0xc: {  	vm10 =	vcmask $0x2724;
	s30 =	sshrl.u32 s4, $0x1;
	s10 =	sshll.u32 s7, $0x7;
	s5 =	sor.u32 s28, s8;
	v0 =	vsel vm9, $0x1000, v0  }
0xd: {  	vm11 =	vcmask $0x2B28;
	s8 =	sor.u32 s29, s9;
	s13 =	ssub.s32 s4, s30;
	s14 =	sor.u32 s31, s10;
	v0 =	vsel vm10, $0x1080, v0  }
0xe: {  	vm12 =	vcmask $0x2F2C;
	v3 =	vlaneseq.u32;
	s5 =	sshrl.u32 s5, $0x3;
	s3 =	sadd.s32 s3, s8;
	s14 =	sshrl.u32 s14, $0x3;
	v0 =	vsel vm11, $0x1100, v0  }
0xf: {  	vm13 =	vcmask $0x3330;
	v4 =	vor.u32 $0xFFFFCD80, v3;
	s13 =	smax.u32 s13, $0x1;
	s12 =	sadd.s32 s5, s11;
	s4 =	sadd.s32 $0x400, s3;
	v0 =	vsel vm12, $0x1180, v0  }
0x10: {  	v5 =	vor.u32 $0xFFFFCD90, v3;
	vm14 =	vcmask $0x3734;
	s5 =	sadd.s32 $0x800, s3;
	s6 =	sadd.s32 $0xC00, s3;
	s7 =	sadd.s32 $0x1000, s3;
	v1 =	vsel vm13, $0x1200, v0  }
0x11: {  	v6 =	vor.u32 $0xFFFFCDA0, v3;
	vm15 =	vcmask $0x3B38;
	s8 =	sadd.s32 $0x1400, s3;
	s9 =	sadd.s32 $0x1800, s3;
	s10 =	sadd.s32 $0x1C00, s3;
	v2 =	vsel vm14, $0x1280, v1  }
0x12: {  	s11 =	sadd.s32 s11, s14;
	s14 =	simm.s32 $0x2000;
	s12 =	sadd.s32 $0x18800, s12;
	v0 =	vimm.s32 $0x0;
	v1 =	vimm.s32 $0x1;
	v2 =	vsel vm15, $0x1300, v2  }
.LBB2_1:
0x13: {  	s28 =	simm.s32 $0x4040  }
0x14: {  	[tilespmem:s28+$0xFFFFFFC0] =	vst v0  }
0x15: {  	[tilespmem:s28+$0x30] =	vst v0  }
0x16: {  	[tilespmem:s28+$0x20] =	vst v0  }
0x17: {  	[tilespmem:s28+$0x10] =	vst v0  }
0x18: {  	[tilespmem:s28+$0x0] =	vst v0  }
0x19: {  	[tilespmem:s28+$0xFFFFFFF0] =	vst v0  }
0x1a: {  	s29 =	simm.s32 $0x0;
	[tilespmem:s28+$0xFFFFFFE0] =	vst v0  }
.LBB2_2:
0x1b: {  	s29 =	sadd.s32 $0x8, s29;
	[tilespmem:s28+$0xFFFFFFD0] =	vst v0;
	s28 =	sadd.s32 $0x80, s28;
	s26 =	simm.s32 $0xA240  }
0x1c: {  	[tilespmem:s28+$0xFFFFFFC0] =	vst v0;
	p0 =	slt.u32 s29, $0x618  }
0x1d: {  	[tilespmem:s28+$0x30] =	vst v0  }
.Ltmp0:
0x1e: {  	[tilespmem:s28+$0x20] =	vst v0;
	(pc) =	sbr.rel @p0 .LBB2_2-.Ltmp0, $4  }
0x1f: {  	[tilespmem:s28+$0x10] =	vst v0  }
0x20: {  	[tilespmem:s28+$0x0] =	vst v0  }
0x21: {  	[tilespmem:s28+$0xFFFFFFF0] =	vst v0  }
0x22: {  	[tilespmem:s28+$0xFFFFFFE0] =	vst v0  }
0x23: {  	[tilespmem:s28+$0xFFFFFFD0] =	vst v0  }
0x24: {  	[tilespmem:s26+$0xFFFFFFC0] =	vst v0  }
0x25: {  	[tilespmem:s26+$0x30] =	vst v0  }
0x26: {  	[tilespmem:s26+$0x20] =	vst v0  }
0x27: {  	[tilespmem:s26+$0x10] =	vst v0  }
0x28: {  	[tilespmem:s26+$0x0] =	vst v0  }
0x29: {  	[tilespmem:s26+$0xFFFFFFF0] =	vst v0  }
0x2a: {  	s28 =	simm.s32 $0x0;
	[tilespmem:s26+$0xFFFFFFE0] =	vst v0  }
.LBB2_4:
0x2b: {  	s28 =	sadd.s32 $0x8, s28;
	[tilespmem:s26+$0xFFFFFFD0] =	vst v0;
	s26 =	sadd.s32 $0x80, s26  }
0x2c: {  	[tilespmem:s26+$0xFFFFFFC0] =	vst v0;
	p0 =	slt.u32 s28, $0x180  }
0x2d: {  	[tilespmem:s26+$0x30] =	vst v0  }
.Ltmp1:
0x2e: {  	[tilespmem:s26+$0x20] =	vst v0;
	(pc) =	sbr.rel @p0 .LBB2_4-.Ltmp1, $4  }
0x2f: {  	[tilespmem:s26+$0x10] =	vst v0  }
0x30: {  	[tilespmem:s26+$0x0] =	vst v0  }
0x31: {  	[tilespmem:s26+$0xFFFFFFF0] =	vst v0  }
0x32: {  	[tilespmem:s26+$0xFFFFFFE0] =	vst v0  }
0x33: {  	[tilespmem:s26+$0xFFFFFFD0] =	vst v0;
	s31 =	simm.s32 $0x0  }
0x34: {  	v7 =	vlaneseq.u32;
	[tilespmem:s31], [sflag:$0x1] =	stream.linear.gather [hbm4b:s3+s31], $0x2000, $0x38;
	[tilespmem:$0xBE00] =	vst v63  }
0x35: {  	v8 =	vshll.u32 v7, $0x3;
	v9 =	vand.u32 $0x7F, v7;
	v10 =	vadd.s32 $0x10, v7  }
0x36: {  	v11 =	vadd.s32 $0x7, v7;
	v13 =	vadd.s32 $0x20, v7;
	v14 =	vadd.s32 $0x40, v7;
	[tilespmem:s14], [sflag:$0x2] =	stream.linear.gather [hbm4b:s4+s31], $0x2000, $0x38;
	[tilespmem:$0xBE00] =	vst v63  }
0x37: {  	s28 =	sand.u32 $0x1000, s31;
	s29 =	sand.u32 $0xC00, s31;
	v15 =	vadd.s32 $0x4, v7;
	v17 =	vadd.s32 $0x30, v7;
	v18 =	vadd.s32 $0x5, v7;
	_ =	swait.ge [sflag:s15], $0x2000  }
0x38: {  	s26 =	sand.u32 $0x380, s31;
	v19 =	vadd.s32 $0x2, v7;
	v20 =	vadd.s32 $0x50, v7;
	v21 =	vadd.s32 $0x6, v7;
	s28 =	sor.u32 s29, s28;
	[sflag:s15] =	ssyncset.done $0x0  }
0x39: {  	v23 =	vadd.s32 $0x60, v7;
	v8 =	vand.u32 $0xC00, v8;
	v10 =	vand.u32 $0x1FF, v10;
	s26 =	sor.u32 s26, s28;
	[sflag:s15] =	ssyncadd.s32 $0xFFFFE000  }
0x3a: {  	v17 =	vand.u32 $0x1FF, v17;
	v22 =	vshll.u32 v19, $0x3;
	v24 =	vshll.u32 v18, $0x3;
	v12 =	vld [tilespmem:s26+$0x60]  }
0x3b: {  	v23 =	vand.u32 $0x1FF, v23;
	v19 =	vand.u32 $0x7F, v19;
	v27 =	vand.u32 $0x7F, v15;
	v16 =	vld [tilespmem:s26+$0x20]  }
0x3c: {  	v20 =	vand.u32 $0x1FF, v20;
	v28 =	vand.u32 $0x7F, v21;
	v13 =	vand.u32 $0x1FF, v13;
	v25 =	vld [tilespmem:s26+$0x40]  }
0x3d: {  	v15 =	vshll.u32 v15, $0x3;
	v21 =	vshll.u32 v21, $0x3;
	v18 =	vand.u32 $0x7F, v18;
	v29 =	vld [tilespmem:s26+$0x0]  }
0x3e: {  	v14 =	vand.u32 $0x1FF, v14;
	v8 =	vor.u32 v8, v9;
	v21 =	vand.u32 $0xC00, v21;
	v31 =	vld [tilespmem:s26+$0x10]  }
0x3f: {  	v9 =	vadd.s32 $0x70, v7;
	v22 =	vand.u32 $0xC00, v22;
	v21 =	vor.u32 v21, v28;
	v56 =	vld [tilespmem:s26+$0x50]  }
0x40: {  	v8 =	vor.u32 v2, v8;
	v9 =	vand.u32 $0x1FF, v9;
	v21 =	vor.u32 v2, v21;
	v32 =	vld [tilespmem:s26+$0x70]  }
0x41: {  	v26 =	vshll.u32 v12, $0x9;
	v30 =	vshll.u32 v16, $0x9;
	vm1 =	vgt.s32 v16, $0x64  }
0x42: {  	v16 =	vor.u32 v22, v19;
	v55 =	vshll.u32 v25, $0x9;
	vm2 =	vgt.s32 v25, $0x64  }
0x43: {  	v57 =	vshll.u32 v29, $0x9;
	v59 =	vshll.u32 v31, $0x9;
	vm4 =	vgt.s32 v12, $0x64  }
0x44: {  	v12 =	vshll.u32 v56, $0x9;
	vm5 =	vgt.s32 v29, $0x64;
	v13 =	vor.u32 v13, v30  }
0x45: {  	v19 =	vld [tilespmem:s26+$0x30];
	v60 =	vshll.u32 v32, $0x9;
	v58 =	vadd.s32 v7, v57;
	v13 =	vadd.s32 $0xFFFF3600, v13  }
0x46: {  	vm6 =	vgt.s32 v56, $0x64;
	v12 =	vor.u32 v20, v12;
	v28 =	vadd.s32 $0xFFFF3600, v58  }
0x47: {  	vm3 =	vgt.s32 v32, $0x64;
	vm7 =	vgt.s32 v31, $0x64;
	v12 =	vadd.s32 $0xFFFF3600, v12  }
0x48: {  	v16 =	vor.u32 v2, v16;
	v23 =	vor.u32 v23, v26;
	v10 =	vor.u32 v10, v59  }
0x49: {  	v9 =	vor.u32 v9, v60;
	v14 =	vor.u32 v14, v55;
	v10 =	vadd.s32 $0xFFFF3600, v10  }
0x4a: {  	v23 =	vadd.s32 $0xFFFF3600, v23;
	vm0 =	vgt.s32 v19, $0x64;
	v19 =	vshll.u32 v19, $0x9;
	[tilespmem:v13+s16+$0x0] =	vst.idx.add.s32.msk vm1, v1  }
0x4b: {  	v9 =	vadd.s32 $0xFFFF3600, v9;
	v17 =	vor.u32 v17, v19;
	v19 =	vadd.s32 $0x1, v7;
	[tilespmem:v28+s16+$0x0] =	vst.idx.add.s32.msk vm5, v1  }
0x4c: {  	v22 =	vadd.s32 $0xFFFF3600, v14;
	v13 =	vand.u32 $0xC00, v24;
	v62 =	vshll.u32 v19, $0x3;
	[tilespmem:v12+s16+$0x0] =	vst.idx.add.s32.msk vm6, v1  }
0x4d: {  	v19 =	vand.u32 $0x7F, v19;
	v17 =	vadd.s32 $0xFFFF3600, v17;
	v61 =	vld.idx.msk [tilespmem:v16+s2+$0x0], $0xffff;
	v16 =	vadd.s32 $0x3, v7  }
0x4e: {  	[tilespmem:v10+s16+$0x0] =	vst.idx.add.s32.msk vm7, v1;
	v13 =	vor.u32 v13, v18;
	v63 =	vand.u32 $0xC00, v62;
	v18 =	vshll.u32 v16, $0x3  }
0x4f: {  	v8 =	vld.idx.msk [tilespmem:v8+s2+$0x0], $0xffff;
	v13 =	vor.u32 v2, v13;
	v16 =	vand.u32 $0x7F, v16;
	v18 =	vand.u32 $0xC00, v18  }
0x50: {  	[tilespmem:v9+s16+$0x0] =	vst.idx.add.s32.msk vm3, v1;
	v9 =	vadd.s32 $0x8, v7;
	v12 =	vor.u32 v63, v19;
	v10 =	vor.u32 v18, v16  }
0x51: {  	[tilespmem:v23+s16+$0x0] =	vst.idx.add.s32.msk vm4, v1;
	v18 =	vand.u32 $0xC00, v15;
	v15 =	vshll.u32 v11, $0x3;
	v19 =	vor.u32 v2, v10  }
0x52: {  	v16 =	vor.u32 v2, v12;
	v11 =	vand.u32 $0x7F, v11;
	v10 =	vld.idx.msk [tilespmem:v21+s2+$0x0], $0xffff;
	v12 =	vand.u32 $0xC00, v15  }
0x53: {  	[tilespmem:v17+s16+$0x0] =	vst.idx.add.s32.msk vm0, v1;
	vm1 =	vgt.s32 v61, $0x64;
	v14 =	vshll.u32 v61, $0x7;
	v11 =	vor.u32 v12, v11  }
0x54: {  	vm0 =	vgt.s32 v8, $0x64;
	v15 =	vld.idx.msk [tilespmem:v13+s2+$0x0], $0xffff;
	v13 =	vor.u32 v18, v27;
	v17 =	vor.u32 v2, v11  }
0x55: {  	s30 =	simm.s32 $0x80;
	[tilespmem:v22+s16+$0x0] =	vst.idx.add.s32.msk vm2, v1;
	v12 =	vadd.s32 v4, v14;
	v18 =	vadd.s32 $0x80, v7;
	v7 =	vand.u32 $0x1FF, v9  }
0x56: {  	s29 =	simm.s32 $0x400;
	s28 =	simm.s32 $0x20;
	s26 =	simm.s32 $0x0;
	v11 =	vshll.u32 v8, $0x7;
	v13 =	vor.u32 v2, v13;
	v8 =	vand.u32 $0x1FF, v18;
	v14 =	vld.idx.msk [tilespmem:v19+s2+$0x0], $0xffff  }
.LBB2_6:
0x57: {  	s31 =	sand.u32 $0x1000, s30;
	s0 =	sand.u32 $0xC00, s29;
	v9 =	vshll.u32 v7, $0x3;
	v18 =	vadd.s32 $0x10, v8;
	s26 =	sadd.s32 $0x8, s26;
	v16 =	vld.idx.msk [tilespmem:v16+s2+$0x0], $0xffff;
	vm2 =	vgt.s32 v10, $0x64  }
0x58: {  	s1 =	sand.u32 $0x380, s28;
	v19 =	vand.u32 $0x7F, v7;
	s0 =	sor.u32 s0, s31;
	v20 =	vand.u32 $0xC00, v9;
	v9 =	vadd.s32 $0x7, v7;
	p0 =	slt.u32 s26, $0x1F8  }
0x59: {  	v21 =	vshll.u32 v10, $0x7;
	s31 =	sor.u32 s1, s0;
	v19 =	vor.u32 v20, v19;
	v20 =	vadd.s32 $0x70, v8;
	v17 =	vld.idx.msk [tilespmem:v17+s2+$0x0], $0xffff  }
0x5a: {  	v18 =	vand.u32 $0x1FF, v18;
	v10 =	vor.u32 v2, v19;
	v19 =	vadd.s32 $0x20, v8;
	v22 =	vld [tilespmem:s31+$0x60]  }
0x5b: {  	v24 =	vshll.u32 v15, $0x7;
	v21 =	vadd.s32 v4, v21;
	vm3 =	vgt.s32 v14, $0x64;
	v23 =	vld [tilespmem:s31+$0x20]  }
0x5c: {  	v25 =	vadd.s32 $0x40, v8;
	v26 =	vadd.s32 $0x4, v7;
	vm4 =	vgt.s32 v15, $0x64  }
0x5d: {  	v15 =	vadd.s32 $0x30, v8;
	v27 =	vadd.s32 $0x5, v7;
	vm6 =	vgt.s32 v16, $0x64  }
0x5e: {  	v28 =	vadd.s32 $0x2, v7;
	v15 =	vand.u32 $0x1FF, v15;
	v16 =	vshll.u32 v16, $0x7;
	v29 =	vld [tilespmem:s31+$0x70]  }
0x5f: {  	v30 =	vadd.s32 $0x50, v8;
	v31 =	vadd.s32 $0x6, v7;
	v32 =	vshll.u32 v17, $0x7  }
0x60: {  	v34 =	vadd.s32 $0x60, v8;
	v33 =	vshll.u32 v28, $0x3;
	v16 =	vadd.s32 v4, v16;
	[tilespmem:v21+s17+$0x0] =	vst.idx.add.s32.msk vm2, v1  }
0x61: {  	v34 =	vand.u32 $0x1FF, v34;
	v14 =	vshll.u32 v14, $0x7;
	v21 =	vshll.u32 v27, $0x3;
	v13 =	vld.idx.msk [tilespmem:v13+s2+$0x0], $0xffff  }
0x62: {  	v28 =	vand.u32 $0x7F, v28;
	vm5 =	vgt.s32 v17, $0x64;
	v36 =	vshll.u32 v22, $0x9;
	v35 =	vld [tilespmem:s31+$0x40]  }
0x63: {  	v30 =	vand.u32 $0x1FF, v30;
	v37 =	vand.u32 $0x7F, v31;
	v17 =	vand.u32 $0x7F, v26;
	[tilespmem:v12+s17+$0x0] =	vst.idx.add.s32.msk vm1, v1  }
0x64: {  	v24 =	vadd.s32 v4, v24;
	vm1 =	vgt.s32 v23, $0x64;
	v23 =	vshll.u32 v23, $0x9;
	v12 =	vld [tilespmem:s31+$0x10]  }
0x65: {  	v33 =	vand.u32 $0xC00, v33;
	v19 =	vand.u32 $0x1FF, v19;
	v14 =	vadd.s32 v4, v14;
	[tilespmem:v16+s17+$0x0] =	vst.idx.add.s32.msk vm6, v1  }
0x66: {  	v26 =	vshll.u32 v26, $0x3;
	v19 =	vor.u32 v19, v23;
	v23 =	vor.u32 v33, v28;
	v16 =	vld [tilespmem:s31+$0x0]  }
0x67: {  	v20 =	vand.u32 $0x1FF, v20;
	v32 =	vadd.s32 v4, v32;
	v23 =	vor.u32 v2, v23;
	v28 =	vld [tilespmem:s31+$0x30]  }
0x68: {  	v31 =	vshll.u32 v31, $0x3;
	vm6 =	vgt.s32 v13, $0x64;
	v33 =	vshll.u32 v35, $0x9  }
0x69: {  	v31 =	vand.u32 $0xC00, v31;
	v27 =	vand.u32 $0x7F, v27;
	vm2 =	vgt.s32 v35, $0x64;
	[tilespmem:v24+s17+$0x0] =	vst.idx.add.s32.msk vm4, v1  }
0x6a: {  	v19 =	vadd.s32 $0xFFFF3600, v19;
	v13 =	vshll.u32 v13, $0x7;
	v24 =	vor.u32 v31, v37;
	[tilespmem:v14+s17+$0x0] =	vst.idx.add.s32.msk vm3, v1  }
0x6b: {  	v13 =	vadd.s32 v4, v13;
	v24 =	vor.u32 v2, v24;
	v14 =	vshll.u32 v16, $0x9;
	v31 =	vld [tilespmem:s31+$0x50]  }
0x6c: {  	v11 =	vadd.s32 v4, v11;
	v35 =	vshll.u32 v12, $0x9;
	v14 =	vadd.s32 v8, v14;
	[tilespmem:v32+s17+$0x0] =	vst.idx.add.s32.msk vm5, v1  }
0x6d: {  	v25 =	vand.u32 $0x1FF, v25;
	v32 =	vor.u32 v34, v36;
	v14 =	vadd.s32 $0xFFFF3600, v14  }
0x6e: {  	vm3 =	vgt.s32 v28, $0x64;
	v28 =	vshll.u32 v28, $0x9;
	v34 =	vshll.u32 v29, $0x9  }
0x6f: {  	vm4 =	vgt.s32 v29, $0x64;
	[tilespmem:v19+s16+$0x0] =	vst.idx.add.s32.msk vm1, v1;
	vm1 =	vgt.s32 v22, $0x64;
	v19 =	vadd.s32 $0xFFFF3600, v32  }
0x70: {  	vm5 =	vgt.s32 v16, $0x64;
	v20 =	vor.u32 v20, v34;
	v16 =	vshll.u32 v31, $0x9;
	[tilespmem:v13+s17+$0x0] =	vst.idx.add.s32.msk vm6, v1  }
0x71: {  	vm6 =	vgt.s32 v31, $0x64;
	v13 =	vor.u32 v30, v16;
	v16 =	vand.u32 $0xC00, v21;
	[tilespmem:v11+s17+$0x0] =	vst.idx.add.s32.msk vm0, v1  }
0x72: {  	vm0 =	vgt.s32 v12, $0x64;
	v11 =	vor.u32 v18, v35;
	v12 =	vld.idx.msk [tilespmem:v23+s2+$0x0], $0xffff;
	v13 =	vadd.s32 $0xFFFF3600, v13  }
0x73: {  	v15 =	vor.u32 v15, v28;
	v18 =	vadd.s32 $0x3, v7;
	v16 =	vor.u32 v16, v27  }
0x74: {  	v21 =	vadd.s32 $0x1, v7;
	v11 =	vadd.s32 $0xFFFF3600, v11;
	v22 =	vshll.u32 v18, $0x3  }
0x75: {  	v23 =	vshll.u32 v21, $0x3;
	v22 =	vand.u32 $0xC00, v22;
	v27 =	vor.u32 v2, v16;
	[tilespmem:v19+s16+$0x0] =	vst.idx.add.s32.msk vm1, v1  }
0x76: {  	v18 =	vand.u32 $0x7F, v18;
	v16 =	vand.u32 $0xC00, v23;
	[tilespmem:v14+s16+$0x0] =	vst.idx.add.s32.msk vm5, v1;
	v14 =	vand.u32 $0x7F, v21  }
0x77: {  	v19 =	vand.u32 $0xC00, v26;
	v14 =	vor.u32 v16, v14;
	[tilespmem:v13+s16+$0x0] =	vst.idx.add.s32.msk vm6, v1;
	v13 =	vshll.u32 v9, $0x3  }
0x78: {  	v20 =	vadd.s32 $0xFFFF3600, v20;
	v16 =	vor.u32 v2, v14;
	v14 =	vadd.s32 $0xFFFF3600, v15  }
0x79: {  	vm1 =	vgt.s32 v12, $0x64;
	v15 =	vor.u32 v25, v33;
	[tilespmem:v11+s16+$0x0] =	vst.idx.add.s32.msk vm0, v1;
	v11 =	vor.u32 v22, v18  }
0x7a: {  	v17 =	vor.u32 v19, v17;
	v21 =	vadd.s32 $0xFFFF3600, v15;
	v18 =	vld.idx.msk [tilespmem:v10+s2+$0x0], $0xffff;
	v11 =	vor.u32 v2, v11  }
0x7b: {  	v12 =	vshll.u32 v12, $0x7;
	v9 =	vand.u32 $0x7F, v9;
	v13 =	vand.u32 $0xC00, v13;
	v10 =	vld.idx.msk [tilespmem:v24+s2+$0x0], $0xffff  }
.Ltmp2:
0x7c: {  	v9 =	vor.u32 v13, v9;
	v15 =	vld.idx.msk [tilespmem:v27+s2+$0x0], $0xffff;
	(pc) =	sbr.rel @p0 .LBB2_6-.Ltmp2, $4  }
0x7d: {  	[tilespmem:v20+s16+$0x0] =	vst.idx.add.s32.msk vm4, v1  }
0x7e: {  	v7 =	vadd.s32 $0x8, v7;
	v13 =	vor.u32 v2, v17;
	v17 =	vor.u32 v2, v9;
	[tilespmem:v14+s16+$0x0] =	vst.idx.add.s32.msk vm3, v1  }
0x7f: {  	v8 =	vadd.s32 $0x80, v8;
	v7 =	vand.u32 $0x1FF, v7;
	v12 =	vadd.s32 v4, v12;
	v14 =	vld.idx.msk [tilespmem:v11+s2+$0x0], $0xffff  }
0x80: {  	s28 =	sadd.s32 $0x20, s28;
	s29 =	sadd.s32 $0x400, s29;
	s30 =	sadd.s32 $0x80, s30;
	v8 =	vand.u32 $0x1FF, v8;
	vm0 =	vgt.s32 v18, $0x64;
	v11 =	vshll.u32 v18, $0x7;
	[tilespmem:v21+s16+$0x0] =	vst.idx.add.s32.msk vm2, v1  }
0x81: {  	_ =	sdelay $0x3  }
0x82: {  	v7 =	vld.idx.msk [tilespmem:v16+s2+$0x0], $0xffff;
	_ =	sdelay $0x3  }
0x83: {  	vm2 =	vgt.s32 v10, $0x64;
	v8 =	vshll.u32 v10, $0x7;
	v9 =	vld.idx.msk [tilespmem:v17+s2+$0x0], $0xffff  }
0x84: {  	v8 =	vadd.s32 v4, v8;
	vm3 =	vgt.s32 v7, $0x64;
	v7 =	vshll.u32 v7, $0x7  }
0x85: {  	v10 =	vld.idx.msk [tilespmem:v13+s2+$0x0], $0xffff;
	v7 =	vadd.s32 v4, v7  }
0x86: {  	v13 =	vshll.u32 v15, $0x7;
	vm4 =	vgt.s32 v15, $0x64  }
0x87: {  	v13 =	vadd.s32 v4, v13;
	vm5 =	vgt.s32 v14, $0x64;
	v14 =	vshll.u32 v14, $0x7  }
0x88: {  	v15 =	vshll.u32 v9, $0x7;
	vm6 =	vgt.s32 v9, $0x64;
	v9 =	vadd.s32 v4, v14  }
0x89: {  	[tilespmem:v8+s17+$0x0] =	vst.idx.add.s32.msk vm2, v1;
	v8 =	vadd.s32 v4, v15  }
0x8a: {  	vm2 =	vgt.s32 v10, $0x64;
	v10 =	vshll.u32 v10, $0x7;
	[tilespmem:v7+s17+$0x0] =	vst.idx.add.s32.msk vm3, v1;
	v7 =	vadd.s32 v4, v11  }
0x8b: {  	[tilespmem:v12+s17+$0x0] =	vst.idx.add.s32.msk vm1, v1;
	v10 =	vadd.s32 v4, v10  }
0x8c: {  	[tilespmem:v13+s17+$0x0] =	vst.idx.add.s32.msk vm4, v1  }
0x8d: {  	[tilespmem:v9+s17+$0x0] =	vst.idx.add.s32.msk vm5, v1  }
0x8e: {  	[tilespmem:v8+s17+$0x0] =	vst.idx.add.s32.msk vm6, v1  }
0x8f: {  	[tilespmem:v7+s17+$0x0] =	vst.idx.add.s32.msk vm0, v1;
	v7 =	vlaneseq.u32  }
0x90: {  	s0 =	simm.s32 $0x0;
	[tilespmem:v10+s17+$0x0] =	vst.idx.add.s32.msk vm2, v1;
	v8 =	vshll.u32 v7, $0x3;
	v9 =	vand.u32 $0x7F, v7;
	v10 =	vadd.s32 $0x10, v7  }
0x91: {  	[tilespmem:s0], [sflag:$0x1] =	stream.linear.gather [hbm4b:s5+s0], $0x2000, $0x38;
	v11 =	vadd.s32 $0x7, v7;
	v13 =	vadd.s32 $0x20, v7;
	v14 =	vadd.s32 $0x40, v7;
	[tilespmem:$0xBE00] =	vst v63  }
0x92: {  	s1 =	sand.u32 $0x1000, s0;
	s26 =	sand.u32 $0xC00, s0;
	v15 =	vadd.s32 $0x4, v7;
	v17 =	vadd.s32 $0x30, v7;
	v18 =	vadd.s32 $0x5, v7;
	_ =	swait.ge [sflag:s18], $0x2000  }
0x93: {  	s1 =	sor.u32 s26, s1;
	s0 =	sand.u32 $0x380, s0;
	v19 =	vadd.s32 $0x2, v7;
	v20 =	vadd.s32 $0x50, v7;
	v21 =	vadd.s32 $0x6, v7;
	[sflag:s18] =	ssyncset.done $0x0  }
0x94: {  	v23 =	vadd.s32 $0x60, v7;
	v8 =	vand.u32 $0xC00, v8;
	s0 =	sor.u32 s0, s1;
	v10 =	vand.u32 $0x1FF, v10;
	[sflag:s18] =	ssyncadd.s32 $0xFFFFE000  }
0x95: {  	v17 =	vand.u32 $0x1FF, v17;
	v22 =	vshll.u32 v19, $0x3;
	v24 =	vshll.u32 v18, $0x3;
	v12 =	vld [tilespmem:s0+$0x2060]  }
0x96: {  	v23 =	vand.u32 $0x1FF, v23;
	v19 =	vand.u32 $0x7F, v19;
	v27 =	vand.u32 $0x7F, v15;
	v16 =	vld [tilespmem:s0+$0x2020]  }
0x97: {  	v20 =	vand.u32 $0x1FF, v20;
	v28 =	vand.u32 $0x7F, v21;
	v13 =	vand.u32 $0x1FF, v13;
	v25 =	vld [tilespmem:s0+$0x2040]  }
0x98: {  	v15 =	vshll.u32 v15, $0x3;
	v21 =	vshll.u32 v21, $0x3;
	v18 =	vand.u32 $0x7F, v18;
	v29 =	vld [tilespmem:s0+$0x2000]  }
0x99: {  	v14 =	vand.u32 $0x1FF, v14;
	v8 =	vor.u32 v8, v9;
	v21 =	vand.u32 $0xC00, v21;
	v31 =	vld [tilespmem:s0+$0x2010]  }
0x9a: {  	v9 =	vadd.s32 $0x70, v7;
	v22 =	vand.u32 $0xC00, v22;
	v21 =	vor.u32 v21, v28;
	v56 =	vld [tilespmem:s0+$0x2050]  }
0x9b: {  	v8 =	vor.u32 v2, v8;
	v9 =	vand.u32 $0x1FF, v9;
	v32 =	vld [tilespmem:s0+$0x2070];
	v21 =	vor.u32 v2, v21  }
0x9c: {  	v26 =	vshll.u32 v12, $0x9;
	v30 =	vshll.u32 v16, $0x9;
	vm1 =	vgt.s32 v16, $0x64  }
0x9d: {  	v16 =	vor.u32 v22, v19;
	v55 =	vshll.u32 v25, $0x9;
	vm2 =	vgt.s32 v25, $0x64  }
0x9e: {  	v57 =	vshll.u32 v29, $0x9;
	v59 =	vshll.u32 v31, $0x9;
	vm13 =	vgt.s32 v12, $0x64  }
0x9f: {  	v12 =	vshll.u32 v56, $0x9;
	vm14 =	vgt.s32 v29, $0x64;
	v13 =	vor.u32 v13, v30  }
0xa0: {  	v19 =	vld [tilespmem:s0+$0x2030];
	v60 =	vshll.u32 v32, $0x9;
	v58 =	vadd.s32 v7, v57;
	v13 =	vadd.s32 $0xFFFF3600, v13  }
0xa1: {  	vm15 =	vgt.s32 v56, $0x64;
	v12 =	vor.u32 v20, v12;
	v28 =	vadd.s32 $0xFFFF3600, v58  }
0xa2: {  	vm3 =	vgt.s32 v32, $0x64;
	vm7 =	vgt.s32 v31, $0x64;
	v12 =	vadd.s32 $0xFFFF3600, v12  }
0xa3: {  	v16 =	vor.u32 v2, v16;
	v23 =	vor.u32 v23, v26;
	v10 =	vor.u32 v10, v59  }
0xa4: {  	v9 =	vor.u32 v9, v60;
	v14 =	vor.u32 v14, v55;
	v10 =	vadd.s32 $0xFFFF3600, v10  }
0xa5: {  	v23 =	vadd.s32 $0xFFFF3600, v23;
	vm0 =	vgt.s32 v19, $0x64;
	v19 =	vshll.u32 v19, $0x9;
	[tilespmem:v13+s16+$0x0] =	vst.idx.add.s32.msk vm1, v1  }
0xa6: {  	v9 =	vadd.s32 $0xFFFF3600, v9;
	v17 =	vor.u32 v17, v19;
	v19 =	vadd.s32 $0x1, v7;
	[tilespmem:v28+s16+$0x0] =	vst.idx.add.s32.msk vm14, v1  }
0xa7: {  	v22 =	vadd.s32 $0xFFFF3600, v14;
	v13 =	vand.u32 $0xC00, v24;
	v62 =	vshll.u32 v19, $0x3;
	[tilespmem:v12+s16+$0x0] =	vst.idx.add.s32.msk vm15, v1  }
0xa8: {  	v19 =	vand.u32 $0x7F, v19;
	v17 =	vadd.s32 $0xFFFF3600, v17;
	v61 =	vld.idx.msk [tilespmem:v16+s14+$0x0], $0xffff;
	v16 =	vadd.s32 $0x3, v7  }
0xa9: {  	[tilespmem:v10+s16+$0x0] =	vst.idx.add.s32.msk vm7, v1;
	v13 =	vor.u32 v13, v18;
	v63 =	vand.u32 $0xC00, v62;
	v18 =	vshll.u32 v16, $0x3  }
0xaa: {  	v8 =	vld.idx.msk [tilespmem:v8+s14+$0x0], $0xffff;
	v13 =	vor.u32 v2, v13;
	v16 =	vand.u32 $0x7F, v16;
	v18 =	vand.u32 $0xC00, v18  }
0xab: {  	[tilespmem:v9+s16+$0x0] =	vst.idx.add.s32.msk vm3, v1;
	v9 =	vadd.s32 $0x8, v7;
	v12 =	vor.u32 v63, v19;
	v10 =	vor.u32 v18, v16  }
0xac: {  	[tilespmem:v23+s16+$0x0] =	vst.idx.add.s32.msk vm13, v1;
	v18 =	vand.u32 $0xC00, v15;
	v15 =	vshll.u32 v11, $0x3;
	v19 =	vor.u32 v2, v10  }
0xad: {  	v16 =	vor.u32 v2, v12;
	v11 =	vand.u32 $0x7F, v11;
	v10 =	vld.idx.msk [tilespmem:v21+s14+$0x0], $0xffff;
	v12 =	vand.u32 $0xC00, v15  }
0xae: {  	[tilespmem:v17+s16+$0x0] =	vst.idx.add.s32.msk vm0, v1;
	vm1 =	vgt.s32 v61, $0x64;
	v14 =	vshll.u32 v61, $0x7;
	v11 =	vor.u32 v12, v11  }
0xaf: {  	vm0 =	vgt.s32 v8, $0x64;
	v15 =	vld.idx.msk [tilespmem:v13+s14+$0x0], $0xffff;
	v13 =	vor.u32 v18, v27;
	v17 =	vor.u32 v2, v11  }
0xb0: {  	s28 =	simm.s32 $0x20;
	[tilespmem:v22+s16+$0x0] =	vst.idx.add.s32.msk vm2, v1;
	v12 =	vadd.s32 v5, v14;
	v18 =	vadd.s32 $0x80, v7;
	v7 =	vand.u32 $0x1FF, v9  }
0xb1: {  	s29 =	simm.s32 $0x400;
	s30 =	simm.s32 $0x80;
	s26 =	simm.s32 $0x0;
	v11 =	vshll.u32 v8, $0x7;
	v13 =	vor.u32 v2, v13;
	v8 =	vand.u32 $0x1FF, v18;
	v14 =	vld.idx.msk [tilespmem:v19+s14+$0x0], $0xffff  }
.LBB2_8:
0xb2: {  	s0 =	sand.u32 $0x1000, s30;
	s1 =	sand.u32 $0xC00, s29;
	v9 =	vshll.u32 v7, $0x3;
	v18 =	vadd.s32 $0x10, v8;
	s26 =	sadd.s32 $0x8, s26;
	v16 =	vld.idx.msk [tilespmem:v16+s14+$0x0], $0xffff;
	vm2 =	vgt.s32 v10, $0x64  }
0xb3: {  	s31 =	sand.u32 $0x380, s28;
	v19 =	vand.u32 $0x7F, v7;
	s0 =	sor.u32 s1, s0;
	v20 =	vand.u32 $0xC00, v9;
	v9 =	vadd.s32 $0x7, v7;
	p0 =	slt.u32 s26, $0x1F8  }
0xb4: {  	v21 =	vshll.u32 v10, $0x7;
	s31 =	sor.u32 s31, s0;
	v19 =	vor.u32 v20, v19;
	v20 =	vadd.s32 $0x70, v8;
	v17 =	vld.idx.msk [tilespmem:v17+s14+$0x0], $0xffff  }
0xb5: {  	v18 =	vand.u32 $0x1FF, v18;
	v10 =	vor.u32 v2, v19;
	v19 =	vadd.s32 $0x20, v8;
	v22 =	vld [tilespmem:s31+$0x2060]  }
0xb6: {  	v24 =	vshll.u32 v15, $0x7;
	v21 =	vadd.s32 v5, v21;
	vm3 =	vgt.s32 v14, $0x64;
	v23 =	vld [tilespmem:s31+$0x2020]  }
0xb7: {  	v25 =	vadd.s32 $0x40, v8;
	v26 =	vadd.s32 $0x4, v7;
	vm4 =	vgt.s32 v15, $0x64  }
0xb8: {  	v15 =	vadd.s32 $0x30, v8;
	v27 =	vadd.s32 $0x5, v7;
	vm6 =	vgt.s32 v16, $0x64  }
0xb9: {  	v28 =	vadd.s32 $0x2, v7;
	v15 =	vand.u32 $0x1FF, v15;
	v16 =	vshll.u32 v16, $0x7;
	v29 =	vld [tilespmem:s31+$0x2070]  }
0xba: {  	v30 =	vadd.s32 $0x50, v8;
	v31 =	vadd.s32 $0x6, v7;
	v32 =	vshll.u32 v17, $0x7  }
0xbb: {  	v34 =	vadd.s32 $0x60, v8;
	v33 =	vshll.u32 v28, $0x3;
	v16 =	vadd.s32 v5, v16;
	[tilespmem:v21+s17+$0x0] =	vst.idx.add.s32.msk vm2, v1  }
0xbc: {  	v34 =	vand.u32 $0x1FF, v34;
	v14 =	vshll.u32 v14, $0x7;
	v21 =	vshll.u32 v27, $0x3;
	v13 =	vld.idx.msk [tilespmem:v13+s14+$0x0], $0xffff  }
0xbd: {  	v28 =	vand.u32 $0x7F, v28;
	vm5 =	vgt.s32 v17, $0x64;
	v36 =	vshll.u32 v22, $0x9;
	v35 =	vld [tilespmem:s31+$0x2040]  }
0xbe: {  	v30 =	vand.u32 $0x1FF, v30;
	v37 =	vand.u32 $0x7F, v31;
	v17 =	vand.u32 $0x7F, v26;
	[tilespmem:v12+s17+$0x0] =	vst.idx.add.s32.msk vm1, v1  }
0xbf: {  	v24 =	vadd.s32 v5, v24;
	vm1 =	vgt.s32 v23, $0x64;
	v23 =	vshll.u32 v23, $0x9;
	v12 =	vld [tilespmem:s31+$0x2010]  }
0xc0: {  	v33 =	vand.u32 $0xC00, v33;
	v19 =	vand.u32 $0x1FF, v19;
	v14 =	vadd.s32 v5, v14;
	[tilespmem:v16+s17+$0x0] =	vst.idx.add.s32.msk vm6, v1  }
0xc1: {  	v26 =	vshll.u32 v26, $0x3;
	v19 =	vor.u32 v19, v23;
	v23 =	vor.u32 v33, v28;
	v16 =	vld [tilespmem:s31+$0x2000]  }
0xc2: {  	v20 =	vand.u32 $0x1FF, v20;
	v32 =	vadd.s32 v5, v32;
	v23 =	vor.u32 v2, v23;
	v28 =	vld [tilespmem:s31+$0x2030]  }
0xc3: {  	v31 =	vshll.u32 v31, $0x3;
	vm6 =	vgt.s32 v13, $0x64;
	v33 =	vshll.u32 v35, $0x9  }
0xc4: {  	v31 =	vand.u32 $0xC00, v31;
	v27 =	vand.u32 $0x7F, v27;
	vm2 =	vgt.s32 v35, $0x64;
	[tilespmem:v24+s17+$0x0] =	vst.idx.add.s32.msk vm4, v1  }
0xc5: {  	v19 =	vadd.s32 $0xFFFF3600, v19;
	v13 =	vshll.u32 v13, $0x7;
	v24 =	vor.u32 v31, v37;
	[tilespmem:v14+s17+$0x0] =	vst.idx.add.s32.msk vm3, v1  }
0xc6: {  	v13 =	vadd.s32 v5, v13;
	v24 =	vor.u32 v2, v24;
	v14 =	vshll.u32 v16, $0x9;
	v31 =	vld [tilespmem:s31+$0x2050]  }
0xc7: {  	v11 =	vadd.s32 v5, v11;
	v35 =	vshll.u32 v12, $0x9;
	v14 =	vadd.s32 v8, v14;
	[tilespmem:v32+s17+$0x0] =	vst.idx.add.s32.msk vm5, v1  }
0xc8: {  	v25 =	vand.u32 $0x1FF, v25;
	v32 =	vor.u32 v34, v36;
	v14 =	vadd.s32 $0xFFFF3600, v14  }
0xc9: {  	vm3 =	vgt.s32 v28, $0x64;
	v28 =	vshll.u32 v28, $0x9;
	v34 =	vshll.u32 v29, $0x9  }
0xca: {  	vm4 =	vgt.s32 v29, $0x64;
	[tilespmem:v19+s16+$0x0] =	vst.idx.add.s32.msk vm1, v1;
	vm1 =	vgt.s32 v22, $0x64;
	v19 =	vadd.s32 $0xFFFF3600, v32  }
0xcb: {  	vm5 =	vgt.s32 v16, $0x64;
	v20 =	vor.u32 v20, v34;
	v16 =	vshll.u32 v31, $0x9;
	[tilespmem:v13+s17+$0x0] =	vst.idx.add.s32.msk vm6, v1  }
0xcc: {  	vm6 =	vgt.s32 v31, $0x64;
	v13 =	vor.u32 v30, v16;
	v16 =	vand.u32 $0xC00, v21;
	[tilespmem:v11+s17+$0x0] =	vst.idx.add.s32.msk vm0, v1  }
0xcd: {  	vm0 =	vgt.s32 v12, $0x64;
	v11 =	vor.u32 v18, v35;
	v12 =	vld.idx.msk [tilespmem:v23+s14+$0x0], $0xffff;
	v13 =	vadd.s32 $0xFFFF3600, v13  }
0xce: {  	v15 =	vor.u32 v15, v28;
	v18 =	vadd.s32 $0x3, v7;
	v16 =	vor.u32 v16, v27  }
0xcf: {  	v21 =	vadd.s32 $0x1, v7;
	v11 =	vadd.s32 $0xFFFF3600, v11;
	v22 =	vshll.u32 v18, $0x3  }
0xd0: {  	v23 =	vshll.u32 v21, $0x3;
	v22 =	vand.u32 $0xC00, v22;
	v27 =	vor.u32 v2, v16;
	[tilespmem:v19+s16+$0x0] =	vst.idx.add.s32.msk vm1, v1  }
0xd1: {  	v18 =	vand.u32 $0x7F, v18;
	v16 =	vand.u32 $0xC00, v23;
	[tilespmem:v14+s16+$0x0] =	vst.idx.add.s32.msk vm5, v1;
	v14 =	vand.u32 $0x7F, v21  }
0xd2: {  	v19 =	vand.u32 $0xC00, v26;
	v14 =	vor.u32 v16, v14;
	[tilespmem:v13+s16+$0x0] =	vst.idx.add.s32.msk vm6, v1;
	v13 =	vshll.u32 v9, $0x3  }
0xd3: {  	v20 =	vadd.s32 $0xFFFF3600, v20;
	v16 =	vor.u32 v2, v14;
	v14 =	vadd.s32 $0xFFFF3600, v15  }
0xd4: {  	vm1 =	vgt.s32 v12, $0x64;
	v15 =	vor.u32 v25, v33;
	[tilespmem:v11+s16+$0x0] =	vst.idx.add.s32.msk vm0, v1;
	v11 =	vor.u32 v22, v18  }
0xd5: {  	v17 =	vor.u32 v19, v17;
	v21 =	vadd.s32 $0xFFFF3600, v15;
	v18 =	vld.idx.msk [tilespmem:v10+s14+$0x0], $0xffff;
	v11 =	vor.u32 v2, v11  }
0xd6: {  	v12 =	vshll.u32 v12, $0x7;
	v9 =	vand.u32 $0x7F, v9;
	v13 =	vand.u32 $0xC00, v13;
	v10 =	vld.idx.msk [tilespmem:v24+s14+$0x0], $0xffff  }
.Ltmp3:
0xd7: {  	v9 =	vor.u32 v13, v9;
	v15 =	vld.idx.msk [tilespmem:v27+s14+$0x0], $0xffff;
	(pc) =	sbr.rel @p0 .LBB2_8-.Ltmp3, $4  }
0xd8: {  	[tilespmem:v20+s16+$0x0] =	vst.idx.add.s32.msk vm4, v1  }
0xd9: {  	v7 =	vadd.s32 $0x8, v7;
	v13 =	vor.u32 v2, v17;
	v17 =	vor.u32 v2, v9;
	[tilespmem:v14+s16+$0x0] =	vst.idx.add.s32.msk vm3, v1  }
0xda: {  	v8 =	vadd.s32 $0x80, v8;
	v7 =	vand.u32 $0x1FF, v7;
	v12 =	vadd.s32 v5, v12;
	v14 =	vld.idx.msk [tilespmem:v11+s14+$0x0], $0xffff  }
0xdb: {  	s28 =	sadd.s32 $0x20, s28;
	s29 =	sadd.s32 $0x400, s29;
	s30 =	sadd.s32 $0x80, s30;
	v8 =	vand.u32 $0x1FF, v8;
	vm0 =	vgt.s32 v18, $0x64;
	v11 =	vshll.u32 v18, $0x7;
	[tilespmem:v21+s16+$0x0] =	vst.idx.add.s32.msk vm2, v1  }
0xdc: {  	_ =	sdelay $0x3  }
0xdd: {  	v7 =	vld.idx.msk [tilespmem:v16+s14+$0x0], $0xffff;
	_ =	sdelay $0x3  }
0xde: {  	vm2 =	vgt.s32 v10, $0x64;
	v8 =	vshll.u32 v10, $0x7;
	v9 =	vld.idx.msk [tilespmem:v17+s14+$0x0], $0xffff  }
0xdf: {  	v8 =	vadd.s32 v5, v8;
	vm3 =	vgt.s32 v7, $0x64;
	v7 =	vshll.u32 v7, $0x7  }
0xe0: {  	v10 =	vld.idx.msk [tilespmem:v13+s14+$0x0], $0xffff;
	v7 =	vadd.s32 v5, v7  }
0xe1: {  	v13 =	vshll.u32 v15, $0x7;
	vm4 =	vgt.s32 v15, $0x64  }
0xe2: {  	v13 =	vadd.s32 v5, v13;
	vm5 =	vgt.s32 v14, $0x64;
	v14 =	vshll.u32 v14, $0x7  }
0xe3: {  	v15 =	vshll.u32 v9, $0x7;
	vm6 =	vgt.s32 v9, $0x64;
	v9 =	vadd.s32 v5, v14  }
0xe4: {  	[tilespmem:v8+s17+$0x0] =	vst.idx.add.s32.msk vm2, v1;
	v8 =	vadd.s32 v5, v15  }
0xe5: {  	vm2 =	vgt.s32 v10, $0x64;
	v10 =	vshll.u32 v10, $0x7;
	[tilespmem:v7+s17+$0x0] =	vst.idx.add.s32.msk vm3, v1;
	v7 =	vadd.s32 v5, v11  }
0xe6: {  	[tilespmem:v12+s17+$0x0] =	vst.idx.add.s32.msk vm1, v1;
	v10 =	vadd.s32 v5, v10  }
0xe7: {  	[tilespmem:v13+s17+$0x0] =	vst.idx.add.s32.msk vm4, v1  }
0xe8: {  	[tilespmem:v9+s17+$0x0] =	vst.idx.add.s32.msk vm5, v1  }
0xe9: {  	[tilespmem:v8+s17+$0x0] =	vst.idx.add.s32.msk vm6, v1  }
0xea: {  	[tilespmem:v7+s17+$0x0] =	vst.idx.add.s32.msk vm0, v1;
	v7 =	vlaneseq.u32  }
0xeb: {  	s0 =	simm.s32 $0x0;
	[tilespmem:v10+s17+$0x0] =	vst.idx.add.s32.msk vm2, v1;
	v8 =	vshll.u32 v7, $0x3;
	v9 =	vand.u32 $0x7F, v7;
	v10 =	vadd.s32 $0x10, v7  }
0xec: {  	[tilespmem:s14], [sflag:$0x2] =	stream.linear.gather [hbm4b:s6+s0], $0x2000, $0x38;
	v11 =	vadd.s32 $0x7, v7;
	v13 =	vadd.s32 $0x20, v7;
	v14 =	vadd.s32 $0x40, v7;
	[tilespmem:$0xBE00] =	vst v63  }
0xed: {  	s1 =	sand.u32 $0x1000, s0;
	s26 =	sand.u32 $0xC00, s0;
	v15 =	vadd.s32 $0x4, v7;
	v17 =	vadd.s32 $0x30, v7;
	v18 =	vadd.s32 $0x5, v7;
	_ =	swait.ge [sflag:s15], $0x2000  }
0xee: {  	s1 =	sor.u32 s26, s1;
	s0 =	sand.u32 $0x380, s0;
	v19 =	vadd.s32 $0x2, v7;
	v20 =	vadd.s32 $0x50, v7;
	v21 =	vadd.s32 $0x6, v7;
	[sflag:s15] =	ssyncset.done $0x0  }
0xef: {  	v23 =	vadd.s32 $0x60, v7;
	v8 =	vand.u32 $0xC00, v8;
	s0 =	sor.u32 s0, s1;
	v10 =	vand.u32 $0x1FF, v10;
	[sflag:s15] =	ssyncadd.s32 $0xFFFFE000  }
0xf0: {  	v17 =	vand.u32 $0x1FF, v17;
	v22 =	vshll.u32 v19, $0x3;
	v24 =	vshll.u32 v18, $0x3;
	v12 =	vld [tilespmem:s0+$0x60]  }
0xf1: {  	v23 =	vand.u32 $0x1FF, v23;
	v19 =	vand.u32 $0x7F, v19;
	v27 =	vand.u32 $0x7F, v15;
	v16 =	vld [tilespmem:s0+$0x20]  }
0xf2: {  	v20 =	vand.u32 $0x1FF, v20;
	v28 =	vand.u32 $0x7F, v21;
	v13 =	vand.u32 $0x1FF, v13;
	v25 =	vld [tilespmem:s0+$0x40]  }
0xf3: {  	v15 =	vshll.u32 v15, $0x3;
	v21 =	vshll.u32 v21, $0x3;
	v18 =	vand.u32 $0x7F, v18;
	v29 =	vld [tilespmem:s0+$0x0]  }
0xf4: {  	v14 =	vand.u32 $0x1FF, v14;
	v8 =	vor.u32 v8, v9;
	v21 =	vand.u32 $0xC00, v21;
	v31 =	vld [tilespmem:s0+$0x10]  }
0xf5: {  	v9 =	vadd.s32 $0x70, v7;
	v22 =	vand.u32 $0xC00, v22;
	v21 =	vor.u32 v21, v28;
	v56 =	vld [tilespmem:s0+$0x50]  }
0xf6: {  	v8 =	vor.u32 v2, v8;
	v9 =	vand.u32 $0x1FF, v9;
	v32 =	vld [tilespmem:s0+$0x70];
	v21 =	vor.u32 v2, v21  }
0xf7: {  	v26 =	vshll.u32 v12, $0x9;
	v30 =	vshll.u32 v16, $0x9;
	vm1 =	vgt.s32 v16, $0x64  }
0xf8: {  	v16 =	vor.u32 v22, v19;
	v55 =	vshll.u32 v25, $0x9;
	vm2 =	vgt.s32 v25, $0x64  }
0xf9: {  	v57 =	vshll.u32 v29, $0x9;
	v59 =	vshll.u32 v31, $0x9;
	vm13 =	vgt.s32 v12, $0x64  }
0xfa: {  	v12 =	vshll.u32 v56, $0x9;
	vm14 =	vgt.s32 v29, $0x64;
	v13 =	vor.u32 v13, v30  }
0xfb: {  	v19 =	vld [tilespmem:s0+$0x30];
	v60 =	vshll.u32 v32, $0x9;
	v58 =	vadd.s32 v7, v57;
	v13 =	vadd.s32 $0xFFFF3600, v13  }
0xfc: {  	vm15 =	vgt.s32 v56, $0x64;
	v12 =	vor.u32 v20, v12;
	v28 =	vadd.s32 $0xFFFF3600, v58  }
0xfd: {  	vm3 =	vgt.s32 v32, $0x64;
	vm7 =	vgt.s32 v31, $0x64;
	v12 =	vadd.s32 $0xFFFF3600, v12  }
0xfe: {  	v16 =	vor.u32 v2, v16;
	v23 =	vor.u32 v23, v26;
	v10 =	vor.u32 v10, v59  }
0xff: {  	v9 =	vor.u32 v9, v60;
	v14 =	vor.u32 v14, v55;
	v10 =	vadd.s32 $0xFFFF3600, v10  }
0x100: {  	v23 =	vadd.s32 $0xFFFF3600, v23;
	vm0 =	vgt.s32 v19, $0x64;
	v19 =	vshll.u32 v19, $0x9;
	[tilespmem:v13+s16+$0x0] =	vst.idx.add.s32.msk vm1, v1  }
0x101: {  	v9 =	vadd.s32 $0xFFFF3600, v9;
	v17 =	vor.u32 v17, v19;
	v19 =	vadd.s32 $0x1, v7;
	[tilespmem:v28+s16+$0x0] =	vst.idx.add.s32.msk vm14, v1  }
0x102: {  	v22 =	vadd.s32 $0xFFFF3600, v14;
	v13 =	vand.u32 $0xC00, v24;
	v62 =	vshll.u32 v19, $0x3;
	[tilespmem:v12+s16+$0x0] =	vst.idx.add.s32.msk vm15, v1  }
0x103: {  	v19 =	vand.u32 $0x7F, v19;
	v17 =	vadd.s32 $0xFFFF3600, v17;
	v61 =	vld.idx.msk [tilespmem:v16+s2+$0x0], $0xffff;
	v16 =	vadd.s32 $0x3, v7  }
0x104: {  	[tilespmem:v10+s16+$0x0] =	vst.idx.add.s32.msk vm7, v1;
	v13 =	vor.u32 v13, v18;
	v63 =	vand.u32 $0xC00, v62;
	v18 =	vshll.u32 v16, $0x3  }
0x105: {  	v8 =	vld.idx.msk [tilespmem:v8+s2+$0x0], $0xffff;
	v13 =	vor.u32 v2, v13;
	v16 =	vand.u32 $0x7F, v16;
	v18 =	vand.u32 $0xC00, v18  }
0x106: {  	[tilespmem:v9+s16+$0x0] =	vst.idx.add.s32.msk vm3, v1;
	v9 =	vadd.s32 $0x8, v7;
	v12 =	vor.u32 v63, v19;
	v10 =	vor.u32 v18, v16  }
0x107: {  	[tilespmem:v23+s16+$0x0] =	vst.idx.add.s32.msk vm13, v1;
	v18 =	vand.u32 $0xC00, v15;
	v15 =	vshll.u32 v11, $0x3;
	v19 =	vor.u32 v2, v10  }
0x108: {  	v16 =	vor.u32 v2, v12;
	v11 =	vand.u32 $0x7F, v11;
	v10 =	vld.idx.msk [tilespmem:v21+s2+$0x0], $0xffff;
	v12 =	vand.u32 $0xC00, v15  }
0x109: {  	[tilespmem:v17+s16+$0x0] =	vst.idx.add.s32.msk vm0, v1;
	vm1 =	vgt.s32 v61, $0x64;
	v14 =	vshll.u32 v61, $0x7;
	v11 =	vor.u32 v12, v11  }
0x10a: {  	vm0 =	vgt.s32 v8, $0x64;
	v15 =	vld.idx.msk [tilespmem:v13+s2+$0x0], $0xffff;
	v13 =	vor.u32 v18, v27;
	v17 =	vor.u32 v2, v11  }
0x10b: {  	s28 =	simm.s32 $0x20;
	[tilespmem:v22+s16+$0x0] =	vst.idx.add.s32.msk vm2, v1;
	v12 =	vadd.s32 v6, v14;
	v18 =	vadd.s32 $0x80, v7;
	v7 =	vand.u32 $0x1FF, v9  }
0x10c: {  	s29 =	simm.s32 $0x400;
	s30 =	simm.s32 $0x80;
	s26 =	simm.s32 $0x0;
	v11 =	vshll.u32 v8, $0x7;
	v13 =	vor.u32 v2, v13;
	v8 =	vand.u32 $0x1FF, v18;
	v14 =	vld.idx.msk [tilespmem:v19+s2+$0x0], $0xffff  }
.LBB2_10:
0x10d: {  	s0 =	sand.u32 $0x1000, s30;
	s1 =	sand.u32 $0xC00, s29;
	v9 =	vshll.u32 v7, $0x3;
	v18 =	vadd.s32 $0x10, v8;
	s26 =	sadd.s32 $0x8, s26;
	v16 =	vld.idx.msk [tilespmem:v16+s2+$0x0], $0xffff;
	vm2 =	vgt.s32 v10, $0x64  }
0x10e: {  	s31 =	sand.u32 $0x380, s28;
	v19 =	vand.u32 $0x7F, v7;
	s0 =	sor.u32 s1, s0;
	v20 =	vand.u32 $0xC00, v9;
	v9 =	vadd.s32 $0x7, v7;
	p0 =	slt.u32 s26, $0x1F8  }
0x10f: {  	v21 =	vshll.u32 v10, $0x7;
	s31 =	sor.u32 s31, s0;
	v19 =	vor.u32 v20, v19;
	v20 =	vadd.s32 $0x70, v8;
	v17 =	vld.idx.msk [tilespmem:v17+s2+$0x0], $0xffff  }
0x110: {  	v18 =	vand.u32 $0x1FF, v18;
	v10 =	vor.u32 v2, v19;
	v19 =	vadd.s32 $0x20, v8;
	v22 =	vld [tilespmem:s31+$0x60]  }
0x111: {  	v24 =	vshll.u32 v15, $0x7;
	v21 =	vadd.s32 v6, v21;
	vm3 =	vgt.s32 v14, $0x64;
	v23 =	vld [tilespmem:s31+$0x20]  }
0x112: {  	v25 =	vadd.s32 $0x40, v8;
	v26 =	vadd.s32 $0x4, v7;
	vm4 =	vgt.s32 v15, $0x64  }
0x113: {  	v15 =	vadd.s32 $0x30, v8;
	v27 =	vadd.s32 $0x5, v7;
	vm6 =	vgt.s32 v16, $0x64  }
0x114: {  	v28 =	vadd.s32 $0x2, v7;
	v15 =	vand.u32 $0x1FF, v15;
	v16 =	vshll.u32 v16, $0x7;
	v29 =	vld [tilespmem:s31+$0x70]  }
0x115: {  	v30 =	vadd.s32 $0x50, v8;
	v31 =	vadd.s32 $0x6, v7;
	v32 =	vshll.u32 v17, $0x7  }
0x116: {  	v34 =	vadd.s32 $0x60, v8;
	v33 =	vshll.u32 v28, $0x3;
	v16 =	vadd.s32 v6, v16;
	[tilespmem:v21+s17+$0x0] =	vst.idx.add.s32.msk vm2, v1  }
0x117: {  	v34 =	vand.u32 $0x1FF, v34;
	v14 =	vshll.u32 v14, $0x7;
	v21 =	vshll.u32 v27, $0x3;
	v13 =	vld.idx.msk [tilespmem:v13+s2+$0x0], $0xffff  }
0x118: {  	v28 =	vand.u32 $0x7F, v28;
	vm5 =	vgt.s32 v17, $0x64;
	v36 =	vshll.u32 v22, $0x9;
	v35 =	vld [tilespmem:s31+$0x40]  }
0x119: {  	v30 =	vand.u32 $0x1FF, v30;
	v37 =	vand.u32 $0x7F, v31;
	v17 =	vand.u32 $0x7F, v26;
	[tilespmem:v12+s17+$0x0] =	vst.idx.add.s32.msk vm1, v1  }
0x11a: {  	v24 =	vadd.s32 v6, v24;
	vm1 =	vgt.s32 v23, $0x64;
	v23 =	vshll.u32 v23, $0x9;
	v12 =	vld [tilespmem:s31+$0x10]  }
0x11b: {  	v33 =	vand.u32 $0xC00, v33;
	v19 =	vand.u32 $0x1FF, v19;
	v14 =	vadd.s32 v6, v14;
	[tilespmem:v16+s17+$0x0] =	vst.idx.add.s32.msk vm6, v1  }
0x11c: {  	v26 =	vshll.u32 v26, $0x3;
	v19 =	vor.u32 v19, v23;
	v23 =	vor.u32 v33, v28;
	v16 =	vld [tilespmem:s31+$0x0]  }
0x11d: {  	v20 =	vand.u32 $0x1FF, v20;
	v32 =	vadd.s32 v6, v32;
	v23 =	vor.u32 v2, v23;
	v28 =	vld [tilespmem:s31+$0x30]  }
0x11e: {  	v31 =	vshll.u32 v31, $0x3;
	vm6 =	vgt.s32 v13, $0x64;
	v33 =	vshll.u32 v35, $0x9  }
0x11f: {  	v31 =	vand.u32 $0xC00, v31;
	v27 =	vand.u32 $0x7F, v27;
	vm2 =	vgt.s32 v35, $0x64;
	[tilespmem:v24+s17+$0x0] =	vst.idx.add.s32.msk vm4, v1  }
0x120: {  	v19 =	vadd.s32 $0xFFFF3600, v19;
	v13 =	vshll.u32 v13, $0x7;
	v24 =	vor.u32 v31, v37;
	[tilespmem:v14+s17+$0x0] =	vst.idx.add.s32.msk vm3, v1  }
0x121: {  	v13 =	vadd.s32 v6, v13;
	v24 =	vor.u32 v2, v24;
	v14 =	vshll.u32 v16, $0x9;
	v31 =	vld [tilespmem:s31+$0x50]  }
0x122: {  	v11 =	vadd.s32 v6, v11;
	v35 =	vshll.u32 v12, $0x9;
	v14 =	vadd.s32 v8, v14;
	[tilespmem:v32+s17+$0x0] =	vst.idx.add.s32.msk vm5, v1  }
0x123: {  	v25 =	vand.u32 $0x1FF, v25;
	v32 =	vor.u32 v34, v36;
	v14 =	vadd.s32 $0xFFFF3600, v14  }
0x124: {  	vm3 =	vgt.s32 v28, $0x64;
	v28 =	vshll.u32 v28, $0x9;
	v34 =	vshll.u32 v29, $0x9  }
0x125: {  	vm4 =	vgt.s32 v29, $0x64;
	[tilespmem:v19+s16+$0x0] =	vst.idx.add.s32.msk vm1, v1;
	vm1 =	vgt.s32 v22, $0x64;
	v19 =	vadd.s32 $0xFFFF3600, v32  }
0x126: {  	vm5 =	vgt.s32 v16, $0x64;
	v20 =	vor.u32 v20, v34;
	v16 =	vshll.u32 v31, $0x9;
	[tilespmem:v13+s17+$0x0] =	vst.idx.add.s32.msk vm6, v1  }
0x127: {  	vm6 =	vgt.s32 v31, $0x64;
	v13 =	vor.u32 v30, v16;
	v16 =	vand.u32 $0xC00, v21;
	[tilespmem:v11+s17+$0x0] =	vst.idx.add.s32.msk vm0, v1  }
0x128: {  	vm0 =	vgt.s32 v12, $0x64;
	v11 =	vor.u32 v18, v35;
	v12 =	vld.idx.msk [tilespmem:v23+s2+$0x0], $0xffff;
	v13 =	vadd.s32 $0xFFFF3600, v13  }
0x129: {  	v15 =	vor.u32 v15, v28;
	v18 =	vadd.s32 $0x3, v7;
	v16 =	vor.u32 v16, v27  }
0x12a: {  	v21 =	vadd.s32 $0x1, v7;
	v11 =	vadd.s32 $0xFFFF3600, v11;
	v22 =	vshll.u32 v18, $0x3  }
0x12b: {  	v23 =	vshll.u32 v21, $0x3;
	v22 =	vand.u32 $0xC00, v22;
	v27 =	vor.u32 v2, v16;
	[tilespmem:v19+s16+$0x0] =	vst.idx.add.s32.msk vm1, v1  }
0x12c: {  	v18 =	vand.u32 $0x7F, v18;
	v16 =	vand.u32 $0xC00, v23;
	[tilespmem:v14+s16+$0x0] =	vst.idx.add.s32.msk vm5, v1;
	v14 =	vand.u32 $0x7F, v21  }
0x12d: {  	v19 =	vand.u32 $0xC00, v26;
	v14 =	vor.u32 v16, v14;
	[tilespmem:v13+s16+$0x0] =	vst.idx.add.s32.msk vm6, v1;
	v13 =	vshll.u32 v9, $0x3  }
0x12e: {  	v20 =	vadd.s32 $0xFFFF3600, v20;
	v16 =	vor.u32 v2, v14;
	v14 =	vadd.s32 $0xFFFF3600, v15  }
0x12f: {  	vm1 =	vgt.s32 v12, $0x64;
	v15 =	vor.u32 v25, v33;
	[tilespmem:v11+s16+$0x0] =	vst.idx.add.s32.msk vm0, v1;
	v11 =	vor.u32 v22, v18  }
0x130: {  	v17 =	vor.u32 v19, v17;
	v21 =	vadd.s32 $0xFFFF3600, v15;
	v18 =	vld.idx.msk [tilespmem:v10+s2+$0x0], $0xffff;
	v11 =	vor.u32 v2, v11  }
0x131: {  	v12 =	vshll.u32 v12, $0x7;
	v9 =	vand.u32 $0x7F, v9;
	v13 =	vand.u32 $0xC00, v13;
	v10 =	vld.idx.msk [tilespmem:v24+s2+$0x0], $0xffff  }
.Ltmp4:
0x132: {  	v9 =	vor.u32 v13, v9;
	v15 =	vld.idx.msk [tilespmem:v27+s2+$0x0], $0xffff;
	(pc) =	sbr.rel @p0 .LBB2_10-.Ltmp4, $4  }
0x133: {  	[tilespmem:v20+s16+$0x0] =	vst.idx.add.s32.msk vm4, v1  }
0x134: {  	v7 =	vadd.s32 $0x8, v7;
	v13 =	vor.u32 v2, v17;
	v17 =	vor.u32 v2, v9;
	[tilespmem:v14+s16+$0x0] =	vst.idx.add.s32.msk vm3, v1  }
0x135: {  	v8 =	vadd.s32 $0x80, v8;
	v7 =	vand.u32 $0x1FF, v7;
	v12 =	vadd.s32 v6, v12;
	v14 =	vld.idx.msk [tilespmem:v11+s2+$0x0], $0xffff  }
0x136: {  	s28 =	sadd.s32 $0x20, s28;
	s29 =	sadd.s32 $0x400, s29;
	s30 =	sadd.s32 $0x80, s30;
	v8 =	vand.u32 $0x1FF, v8;
	vm0 =	vgt.s32 v18, $0x64;
	v11 =	vshll.u32 v18, $0x7;
	[tilespmem:v21+s16+$0x0] =	vst.idx.add.s32.msk vm2, v1  }
0x137: {  	_ =	sdelay $0x3  }
0x138: {  	v7 =	vld.idx.msk [tilespmem:v16+s2+$0x0], $0xffff  }
0x139: {  	v9 =	vld.idx.msk [tilespmem:v17+s2+$0x0], $0xffff  }
0x13a: {  	vm2 =	vgt.s32 v10, $0x64;
	v8 =	vshll.u32 v10, $0x7  }
0x13b: {  	v10 =	vld.idx.msk [tilespmem:v13+s2+$0x0], $0xffff;
	v8 =	vadd.s32 v6, v8  }
0x13c: {  	v13 =	vshll.u32 v15, $0x7;
	vm4 =	vgt.s32 v15, $0x64;
	vm5 =	vgt.s32 v14, $0x64  }
0x13d: {  	v14 =	vshll.u32 v14, $0x7;
	vm3 =	vgt.s32 v7, $0x64;
	v7 =	vshll.u32 v7, $0x7  }
0x13e: {  	v15 =	vshll.u32 v9, $0x7;
	vm6 =	vgt.s32 v9, $0x64;
	v9 =	vadd.s32 v6, v14  }
0x13f: {  	v7 =	vadd.s32 v6, v7  }
0x140: {  	[tilespmem:v8+s17+$0x0] =	vst.idx.add.s32.msk vm2, v1;
	v8 =	vadd.s32 v6, v15;
	vm2 =	vgt.s32 v10, $0x64;
	v10 =	vshll.u32 v10, $0x7  }
0x141: {  	v10 =	vadd.s32 v6, v10  }
0x142: {  	[tilespmem:v12+s17+$0x0] =	vst.idx.add.s32.msk vm1, v1;
	v13 =	vadd.s32 v6, v13  }
0x143: {  	[tilespmem:v9+s17+$0x0] =	vst.idx.add.s32.msk vm5, v1  }
0x144: {  	[tilespmem:v7+s17+$0x0] =	vst.idx.add.s32.msk vm3, v1;
	v7 =	vadd.s32 v6, v11  }
0x145: {  	[tilespmem:v8+s17+$0x0] =	vst.idx.add.s32.msk vm6, v1;
	v8 =	vlaneseq.u32  }
0x146: {  	[tilespmem:v10+s17+$0x0] =	vst.idx.add.s32.msk vm2, v1;
	v9 =	vadd.s32 $0x1, v8;
	v10 =	vshll.u32 v8, $0x3  }
0x147: {  	[tilespmem:v13+s17+$0x0] =	vst.idx.add.s32.msk vm4, v1;
	v12 =	vadd.s32 $0x3, v8;
	v13 =	vadd.s32 $0x30, v8;
	v14 =	vadd.s32 $0x40, v8  }
0x148: {  	v16 =	vadd.s32 $0x10, v8;
	v17 =	vadd.s32 $0x5, v8;
	v18 =	vadd.s32 $0x20, v8  }
0x149: {  	s0 =	simm.s32 $0x0;
	v19 =	vadd.s32 $0x6, v8;
	v20 =	vadd.s32 $0x7, v8;
	v21 =	vadd.s32 $0x50, v8;
	[tilespmem:v7+s17+$0x0] =	vst.idx.add.s32.msk vm0, v1  }
0x14a: {  	v24 =	vadd.s32 $0x60, v8;
	v25 =	vadd.s32 $0x70, v8;
	v11 =	vand.u32 $0x7F, v9;
	[tilespmem:s0], [sflag:$0x1] =	stream.linear.gather [hbm4b:s7+s0], $0x2000, $0x38;
	[tilespmem:$0xBE00] =	vst v63  }
0x14b: {  	s1 =	sand.u32 $0x1000, s0;
	s26 =	sand.u32 $0xC00, s0;
	v10 =	vand.u32 $0xC00, v10;
	v15 =	vshll.u32 v12, $0x3;
	v22 =	vand.u32 $0x7F, v17;
	_ =	swait.ge [sflag:s18], $0x2000  }
0x14c: {  	s1 =	sor.u32 s26, s1;
	v18 =	vand.u32 $0x1FF, v18;
	v17 =	vshll.u32 v17, $0x3;
	v16 =	vand.u32 $0x1FF, v16;
	s0 =	sand.u32 $0x380, s0;
	[sflag:s18] =	ssyncset.done $0x0  }
0x14d: {  	v24 =	vand.u32 $0x1FF, v24;
	v25 =	vand.u32 $0x1FF, v25;
	v7 =	vand.u32 $0x7F, v8;
	s0 =	sor.u32 s0, s1;
	[sflag:s18] =	ssyncadd.s32 $0xFFFFE000  }
0x14e: {  	v7 =	vor.u32 v10, v7;
	v10 =	vand.u32 $0x1FF, v13;
	v13 =	vand.u32 $0x1FF, v14;
	v14 =	vld [tilespmem:s0+$0x2010]  }
0x14f: {  	v27 =	vshll.u32 v20, $0x3;
	v21 =	vand.u32 $0x1FF, v21;
	v20 =	vand.u32 $0x7F, v20;
	v23 =	vld [tilespmem:s0+$0x2000]  }
0x150: {  	v28 =	vshll.u32 v19, $0x3;
	v12 =	vand.u32 $0x7F, v12;
	v9 =	vshll.u32 v9, $0x3;
	v26 =	vld [tilespmem:s0+$0x2050]  }
0x151: {  	v19 =	vand.u32 $0x7F, v19;
	v27 =	vand.u32 $0xC00, v27;
	v36 =	vand.u32 $0xC00, v28;
	v63 =	vld [tilespmem:s0+$0x2030]  }
0x152: {  	v17 =	vand.u32 $0xC00, v17;
	v15 =	vand.u32 $0xC00, v15;
	v9 =	vand.u32 $0xC00, v9;
	v29 =	vld [tilespmem:s0+$0x2040]  }
0x153: {  	v20 =	vor.u32 v27, v20;
	v12 =	vor.u32 v15, v12;
	v19 =	vor.u32 v36, v19;
	v37 =	vld [tilespmem:s0+$0x2020]  }
0x154: {  	v17 =	vor.u32 v17, v22;
	v9 =	vor.u32 v9, v11;
	v20 =	vor.u32 v2, v20;
	v38 =	vld [tilespmem:s0+$0x2060]  }
0x155: {  	s26 =	simm.s32 $0x80;
	v12 =	vor.u32 v2, v12;
	v9 =	vor.u32 v2, v9;
	v19 =	vor.u32 v2, v19;
	v31 =	vld [tilespmem:s0+$0x2070];
	s0 =	simm.s32 $0x400  }
0x156: {  	s31 =	simm.s32 $0x20;
	s1 =	sand.u32 $0x1000, s26;
	s0 =	sand.u32 $0xC00, s0;
	vm3 =	vgt.s32 v14, $0x64;
	vm0 =	vgt.s32 v23, $0x64;
	v23 =	vshll.u32 v23, $0x9  }
0x157: {  	s26 =	sand.u32 $0x380, s31;
	s0 =	sor.u32 s0, s1;
	v32 =	vshll.u32 v63, $0x9;
	vm1 =	vgt.s32 v63, $0x64;
	v23 =	vadd.s32 v8, v23  }
0x158: {  	s26 =	sor.u32 s26, s0;
	v14 =	vshll.u32 v14, $0x9;
	v10 =	vor.u32 v10, v32;
	v23 =	vadd.s32 $0xFFFF3600, v23  }
0x159: {  	v7 =	vor.u32 v2, v7;
	v57 =	vld [tilespmem:s26+$0x2060];
	v14 =	vor.u32 v16, v14;
	v10 =	vadd.s32 $0xFFFF3600, v10  }
0x15a: {  	v39 =	vshll.u32 v38, $0x9;
	vm7 =	vgt.s32 v38, $0x64;
	v38 =	vld [tilespmem:s26+$0x2050];
	v14 =	vadd.s32 $0xFFFF3600, v14  }
0x15b: {  	v48 =	vld [tilespmem:s26+$0x2010];
	v30 =	vshll.u32 v26, $0x9;
	vm6 =	vgt.s32 v26, $0x64;
	v15 =	vshll.u32 v29, $0x9  }
0x15c: {  	vm5 =	vgt.s32 v31, $0x64;
	vm4 =	vgt.s32 v37, $0x64;
	v21 =	vor.u32 v21, v30  }
0x15d: {  	v13 =	vor.u32 v13, v15;
	v15 =	vshll.u32 v37, $0x9;
	v16 =	vshll.u32 v31, $0x9;
	[tilespmem:v23+s16+$0x0] =	vst.idx.add.s32.msk vm0, v1  }
0x15e: {  	v24 =	vor.u32 v24, v39;
	v21 =	vadd.s32 $0xFFFF3600, v21;
	v13 =	vadd.s32 $0xFFFF3600, v13;
	[tilespmem:v10+s16+$0x0] =	vst.idx.add.s32.msk vm1, v1  }
0x15f: {  	v59 =	vshll.u32 v57, $0x9;
	vm8 =	vgt.s32 v57, $0x64;
	vm10 =	vgt.s32 v38, $0x64;
	[tilespmem:v14+s16+$0x0] =	vst.idx.add.s32.msk vm3, v1  }
0x160: {  	vm0 =	vgt.s32 v29, $0x64;
	v10 =	vadd.s32 $0x4, v8;
	vm3 =	vgt.s32 v48, $0x64;
	v22 =	vld.idx.msk [tilespmem:v7+s14+$0x0], $0xffff  }
0x161: {  	v7 =	vor.u32 v25, v16;
	v16 =	vor.u32 v2, v17;
	v11 =	vld.idx.msk [tilespmem:v12+s14+$0x0], $0xffff;
	v12 =	vshll.u32 v10, $0x3  }
0x162: {  	v10 =	vand.u32 $0x7F, v10;
	v17 =	vadd.s32 $0xFFFF3600, v7;
	v7 =	vor.u32 v18, v15  }
0x163: {  	v15 =	vadd.s32 $0xFFFF3600, v24;
	v12 =	vand.u32 $0xC00, v12;
	v18 =	vadd.s32 $0xFFFF3600, v7  }
0x164: {  	v7 =	vor.u32 $0xFFFFCDB0, v3;
	v10 =	vor.u32 v12, v10;
	v12 =	vadd.s32 $0x8, v8  }
0x165: {  	v23 =	vor.u32 v2, v10;
	v10 =	vadd.s32 $0x2, v8;
	v8 =	vadd.s32 $0x80, v8  }
0x166: {  	v39 =	vld.idx.msk [tilespmem:v9+s14+$0x0], $0xffff;
	v40 =	vand.u32 $0x7F, v10;
	v41 =	vshll.u32 v10, $0x3;
	v10 =	vand.u32 $0x1FF, v12  }
0x167: {  	vm1 =	vgt.s32 v22, $0x64;
	vm2 =	vgt.s32 v11, $0x64;
	v12 =	vand.u32 $0xC00, v41  }
0x168: {  	v42 =	vand.u32 $0x7F, v10;
	v43 =	vshll.u32 v10, $0x3;
	v44 =	vshll.u32 v11, $0x7  }
0x169: {  	v45 =	vadd.s32 $0x1, v10;
	v11 =	vand.u32 $0x1FF, v8;
	v8 =	vadd.s32 $0x3, v10  }
0x16a: {  	[tilespmem:v21+s16+$0x0] =	vst.idx.add.s32.msk vm6, v1;
	v21 =	vshll.u32 v22, $0x7;
	v52 =	vadd.s32 $0x6, v10;
	v33 =	vadd.s32 $0x7, v10  }
0x16b: {  	v41 =	vshll.u32 v38, $0x9;
	[tilespmem:v13+s16+$0x0] =	vst.idx.add.s32.msk vm0, v1;
	vm0 =	vgt.s32 v39, $0x64;
	v24 =	vor.u32 v12, v40  }
0x16c: {  	v12 =	vand.u32 $0x7F, v45;
	v22 =	vand.u32 $0xC00, v43;
	v14 =	vadd.s32 $0x30, v11  }
0x16d: {  	v46 =	vadd.s32 $0x40, v11;
	v49 =	vshll.u32 v8, $0x3;
	v21 =	vadd.s32 v7, v21  }
0x16e: {  	v50 =	vadd.s32 $0x10, v11;
	[tilespmem:v15+s16+$0x0] =	vst.idx.add.s32.msk vm7, v1;
	v15 =	vadd.s32 $0x5, v10;
	v51 =	vadd.s32 $0x20, v11  }
0x16f: {  	v34 =	vadd.s32 $0x50, v11;
	v27 =	vadd.s32 v7, v44;
	[tilespmem:v17+s16+$0x0] =	vst.idx.add.s32.msk vm5, v1;
	v17 =	vadd.s32 $0x60, v11  }
0x170: {  	v37 =	vadd.s32 $0x70, v11;
	v9 =	vshll.u32 v33, $0x3;
	v33 =	vand.u32 $0x7F, v33  }
0x171: {  	v36 =	vld [tilespmem:s26+$0x2000];
	v40 =	vshll.u32 v52, $0x3;
	v53 =	vand.u32 $0x7F, v8;
	v28 =	vshll.u32 v45, $0x3  }
0x172: {  	v32 =	vand.u32 $0x7F, v52;
	v22 =	vor.u32 v22, v42;
	v14 =	vand.u32 $0x1FF, v14  }
0x173: {  	v55 =	vld [tilespmem:s26+$0x2040];
	v47 =	vand.u32 $0x1FF, v46;
	v24 =	vor.u32 v2, v24;
	v35 =	vand.u32 $0x7F, v15  }
0x174: {  	v56 =	vld [tilespmem:s26+$0x2020];
	v31 =	vand.u32 $0x1FF, v51;
	v15 =	vshll.u32 v15, $0x3;
	v30 =	vand.u32 $0x1FF, v50  }
0x175: {  	v16 =	vld.idx.msk [tilespmem:v16+s14+$0x0], $0xffff;
	v17 =	vand.u32 $0x1FF, v17;
	v37 =	vand.u32 $0x1FF, v37;
	v34 =	vand.u32 $0x1FF, v34  }
0x176: {  	[tilespmem:v18+s16+$0x0] =	vst.idx.add.s32.msk vm4, v1;
	v9 =	vand.u32 $0xC00, v9;
	vm4 =	vgt.s32 v36, $0x64;
	v36 =	vshll.u32 v36, $0x9  }
0x177: {  	v19 =	vld.idx.msk [tilespmem:v19+s14+$0x0], $0xffff;
	v40 =	vand.u32 $0xC00, v40;
	v29 =	vand.u32 $0xC00, v49;
	v22 =	vor.u32 v2, v22  }
0x178: {  	v20 =	vld.idx.msk [tilespmem:v20+s14+$0x0], $0xffff;
	v9 =	vor.u32 v9, v33;
	v13 =	vor.u32 v34, v41;
	v36 =	vadd.s32 v11, v36  }
0x179: {  	v15 =	vand.u32 $0xC00, v15;
	v29 =	vor.u32 v29, v53;
	v23 =	vld.idx.msk [tilespmem:v23+s14+$0x0], $0xffff;
	v60 =	vor.u32 v40, v32  }
0x17a: {  	v11 =	vadd.s32 $0x80, v11;
	v8 =	vor.u32 v2, v9;
	v9 =	vld [tilespmem:s26+$0x2030];
	v13 =	vadd.s32 $0xFFFF3600, v13  }
0x17b: {  	v36 =	vadd.s32 $0xFFFF3600, v36;
	v15 =	vor.u32 v15, v35;
	vm5 =	vgt.s32 v16, $0x64;
	[tilespmem:v21+s17+$0x0] =	vst.idx.add.s32.msk vm1, v1  }
0x17c: {  	v16 =	vshll.u32 v16, $0x7;
	vm6 =	vgt.s32 v19, $0x64;
	v18 =	vshll.u32 v19, $0x7;
	v19 =	vld [tilespmem:s26+$0x2070]  }
0x17d: {  	v16 =	vadd.s32 v7, v16;
	v21 =	vor.u32 v2, v29;
	vm1 =	vgt.s32 v55, $0x64;
	v24 =	vld.idx.msk [tilespmem:v24+s14+$0x0], $0xffff  }
0x17e: {  	v54 =	vshll.u32 v20, $0x7;
	vm7 =	vgt.s32 v20, $0x64;
	v20 =	vshll.u32 v56, $0x9  }
0x17f: {  	v18 =	vadd.s32 v7, v18;
	vm9 =	vgt.s32 v9, $0x64;
	v9 =	vshll.u32 v9, $0x9  }
0x180: {  	vm11 =	vgt.s32 v23, $0x64;
	v9 =	vor.u32 v14, v9;
	v14 =	vshll.u32 v55, $0x9  }
0x181: {  	[tilespmem:v27+s17+$0x0] =	vst.idx.add.s32.msk vm2, v1;
	v63 =	vadd.s32 v7, v54;
	v42 =	vadd.s32 $0xFFFF3600, v9;
	v9 =	vor.u32 v47, v14  }
0x182: {  	[tilespmem:v13+s16+$0x0] =	vst.idx.add.s32.msk vm10, v1;
	v14 =	vshll.u32 v48, $0x9;
	v58 =	vshll.u32 v24, $0x7;
	vm2 =	vgt.s32 v19, $0x64  }
0x183: {  	[tilespmem:v36+s16+$0x0] =	vst.idx.add.s32.msk vm4, v1;
	v14 =	vor.u32 v30, v14;
	v13 =	vshll.u32 v19, $0x9;
	v19 =	vshll.u32 v23, $0x7  }
0x184: {  	v23 =	vand.u32 $0xC00, v28;
	vm4 =	vgt.s32 v24, $0x64;
	[tilespmem:v18+s17+$0x0] =	vst.idx.add.s32.msk vm6, v1;
	v18 =	vor.u32 v17, v59  }
0x185: {  	[tilespmem:v16+s17+$0x0] =	vst.idx.add.s32.msk vm5, v1;
	vm6 =	vgt.s32 v56, $0x64;
	v19 =	vadd.s32 v7, v19;
	v13 =	vor.u32 v37, v13  }
0x186: {  	v16 =	vadd.s32 $0xFFFF3600, v14;
	v14 =	vld.idx.msk [tilespmem:v22+s14+$0x0], $0xffff;
	v22 =	vor.u32 v2, v15;
	v15 =	vadd.s32 $0x4, v10  }
0x187: {  	v12 =	vor.u32 v23, v12;
	[tilespmem:v63+s17+$0x0] =	vst.idx.add.s32.msk vm7, v1;
	v17 =	vadd.s32 $0xFFFF3600, v13;
	v13 =	vor.u32 v31, v20  }
0x188: {  	v61 =	vadd.s32 $0xFFFF3600, v18;
	v20 =	vshll.u32 v15, $0x3;
	v62 =	vadd.s32 $0xFFFF3600, v13;
	[tilespmem:v42+s16+$0x0] =	vst.idx.add.s32.msk vm9, v1  }
0x189: {  	v13 =	vld.idx.msk [tilespmem:v21+s14+$0x0], $0xffff;
	v21 =	vand.u32 $0x7F, v15;
	v15 =	vor.u32 v2, v12;
	v12 =	vshll.u32 v39, $0x7  }
0x18a: {  	v18 =	vadd.s32 v7, v58;
	v20 =	vand.u32 $0xC00, v20;
	[tilespmem:v19+s17+$0x0] =	vst.idx.add.s32.msk vm11, v1;
	v19 =	vadd.s32 v7, v12  }
0x18b: {  	v9 =	vadd.s32 $0xFFFF3600, v9;
	[tilespmem:v16+s16+$0x0] =	vst.idx.add.s32.msk vm3, v1;
	v16 =	vor.u32 v20, v21;
	v20 =	vor.u32 v2, v60  }
0x18c: {  	v12 =	vld.idx.msk [tilespmem:v22+s14+$0x0], $0xffff;
	vm5 =	vgt.s32 v14, $0x64;
	v22 =	vadd.s32 $0x2, v10;
	v10 =	vadd.s32 $0x8, v10  }
0x18d: {  	s28 =	simm.s32 $0x40;
	v16 =	vor.u32 v2, v16;
	v21 =	vand.u32 $0x7F, v22;
	v22 =	vshll.u32 v22, $0x3;
	[tilespmem:v61+s16+$0x0] =	vst.idx.add.s32.msk vm8, v1  }
0x18e: {  	s29 =	simm.s32 $0x800;
	s30 =	simm.s32 $0x100;
	s26 =	simm.s32 $0x8;
	v10 =	vand.u32 $0x1FF, v10;
	[tilespmem:v62+s16+$0x0] =	vst.idx.add.s32.msk vm6, v1;
	v22 =	vand.u32 $0xC00, v22;
	vm3 =	vgt.s32 v13, $0x64  }
.LBB2_12:
0x18f: {  	s0 =	sand.u32 $0x1000, s30;
	s1 =	sand.u32 $0xC00, s29;
	v23 =	vand.u32 $0x7F, v10;
	v24 =	vshll.u32 v10, $0x3;
	s26 =	sadd.s32 $0x8, s26;
	v25 =	vshll.u32 v13, $0x7;
	[tilespmem:v19+s17+$0x0] =	vst.idx.add.s32.msk vm0, v1  }
0x190: {  	s31 =	sand.u32 $0x380, s28;
	v19 =	vadd.s32 $0x1, v10;
	v21 =	vor.u32 v22, v21;
	v11 =	vand.u32 $0x1FF, v11;
	s0 =	sor.u32 s1, s0;
	p0 =	slt.u32 s26, $0x1F8;
	[tilespmem:v18+s17+$0x0] =	vst.idx.add.s32.msk vm4, v1  }
0x191: {  	v14 =	vshll.u32 v14, $0x7;
	v13 =	vand.u32 $0x7F, v19;
	v18 =	vadd.s32 $0x3, v10;
	s31 =	sor.u32 s31, s0;
	v20 =	vld.idx.msk [tilespmem:v20+s14+$0x0], $0xffff  }
0x192: {  	v22 =	vand.u32 $0xC00, v24;
	v24 =	vadd.s32 $0x30, v11;
	v26 =	vadd.s32 $0x40, v11;
	[tilespmem:v17+s16+$0x0] =	vst.idx.add.s32.msk vm2, v1  }
0x193: {  	v17 =	vor.u32 v22, v23;
	v22 =	vand.u32 $0x1FF, v24;
	v23 =	vand.u32 $0x1FF, v26;
	v24 =	vld.idx.msk [tilespmem:v8+s14+$0x0], $0xffff  }
0x194: {  	v27 =	vshll.u32 v18, $0x3;
	v17 =	vor.u32 v2, v17;
	v8 =	vadd.s32 v7, v14;
	v26 =	vld [tilespmem:s31+$0x2010]  }
0x195: {  	v28 =	vadd.s32 $0x5, v10;
	v21 =	vor.u32 v2, v21;
	v14 =	vadd.s32 $0x10, v11;
	v29 =	vld [tilespmem:s31+$0x2070]  }
0x196: {  	v31 =	vadd.s32 $0x6, v10;
	v33 =	vadd.s32 $0x7, v10;
	v30 =	vadd.s32 $0x20, v11;
	v32 =	vld [tilespmem:s31+$0x2060]  }
0x197: {  	v34 =	vadd.s32 $0x50, v11;
	v35 =	vand.u32 $0x7F, v28;
	v25 =	vadd.s32 v7, v25;
	[tilespmem:v9+s16+$0x0] =	vst.idx.add.s32.msk vm1, v1  }
0x198: {  	v36 =	vadd.s32 $0x60, v11;
	v37 =	vadd.s32 $0x70, v11;
	v30 =	vand.u32 $0x1FF, v30;
	v9 =	vld [tilespmem:s31+$0x2000]  }
0x199: {  	v28 =	vshll.u32 v28, $0x3;
	vm1 =	vgt.s32 v12, $0x64;
	vm6 =	vgt.s32 v26, $0x64;
	v38 =	vld [tilespmem:s31+$0x2050]  }
0x19a: {  	v36 =	vand.u32 $0x1FF, v36;
	v37 =	vand.u32 $0x1FF, v37;
	v39 =	vand.u32 $0x1FF, v14;
	v40 =	vld.idx.msk [tilespmem:v15+s14+$0x0], $0xffff  }
0x19b: {  	v14 =	vand.u32 $0x1FF, v34;
	vm2 =	vgt.s32 v20, $0x64;
	v15 =	vshll.u32 v33, $0x3;
	v21 =	vld.idx.msk [tilespmem:v21+s14+$0x0], $0xffff  }
0x19c: {  	v20 =	vshll.u32 v20, $0x7;
	v33 =	vand.u32 $0x7F, v33;
	v15 =	vand.u32 $0xC00, v15;
	[tilespmem:v8+s17+$0x0] =	vst.idx.add.s32.msk vm5, v1  }
0x19d: {  	v34 =	vshll.u32 v31, $0x3;
	v8 =	vor.u32 v15, v33;
	vm4 =	vgt.s32 v9, $0x64;
	v15 =	vld.idx.msk [tilespmem:v16+s14+$0x0], $0xffff  }
0x19e: {  	v16 =	vand.u32 $0x7F, v18;
	v8 =	vor.u32 v2, v8;
	v18 =	vld [tilespmem:s31+$0x2040];
	v33 =	vshll.u32 v38, $0x9  }
0x19f: {  	vm5 =	vgt.s32 v38, $0x64;
	v41 =	vld [tilespmem:s31+$0x2030];
	v14 =	vor.u32 v14, v33;
	v33 =	vshll.u32 v24, $0x7  }
0x1a0: {  	v34 =	vand.u32 $0xC00, v34;
	v9 =	vshll.u32 v9, $0x9;
	vm0 =	vgt.s32 v40, $0x64;
	[tilespmem:v25+s17+$0x0] =	vst.idx.add.s32.msk vm3, v1  }
0x1a1: {  	v19 =	vshll.u32 v19, $0x3;
	v12 =	vshll.u32 v12, $0x7;
	v14 =	vadd.s32 $0xFFFF3600, v14  }
0x1a2: {  	v20 =	vadd.s32 v7, v20;
	v9 =	vadd.s32 v11, v9;
	v25 =	vand.u32 $0xC00, v28  }
0x1a3: {  	v28 =	vadd.s32 $0xFFFF3600, v9;
	v9 =	vand.u32 $0xC00, v27;
	v27 =	vand.u32 $0x7F, v31;
	v38 =	vld [tilespmem:s31+$0x2020]  }
0x1a4: {  	v16 =	vor.u32 v9, v16;
	v9 =	vshll.u32 v18, $0x9;
	v31 =	vshll.u32 v41, $0x9  }
0x1a5: {  	v12 =	vadd.s32 v7, v12;
	vm3 =	vgt.s32 v41, $0x64;
	v22 =	vor.u32 v22, v31  }
0x1a6: {  	v9 =	vor.u32 v23, v9;
	v23 =	vshll.u32 v21, $0x7;
	v22 =	vadd.s32 $0xFFFF3600, v22;
	[tilespmem:v14+s16+$0x0] =	vst.idx.add.s32.msk vm5, v1  }
0x1a7: {  	vm7 =	vgt.s32 v24, $0x64;
	v26 =	vshll.u32 v26, $0x9;
	v9 =	vadd.s32 $0xFFFF3600, v9;
	[tilespmem:v20+s17+$0x0] =	vst.idx.add.s32.msk vm2, v1  }
0x1a8: {  	v24 =	vshll.u32 v32, $0x9;
	v16 =	vor.u32 v2, v16;
	[tilespmem:v28+s16+$0x0] =	vst.idx.add.s32.msk vm4, v1;
	v20 =	vshll.u32 v38, $0x9  }
0x1a9: {  	vm8 =	vgt.s32 v32, $0x64;
	vm5 =	vgt.s32 v15, $0x64;
	vm2 =	vgt.s32 v29, $0x64;
	v14 =	vld.idx.msk [tilespmem:v17+s14+$0x0], $0xffff  }
0x1aa: {  	v15 =	vshll.u32 v15, $0x7;
	v17 =	vor.u32 v39, v26;
	v26 =	vshll.u32 v29, $0x9;
	[tilespmem:v12+s17+$0x0] =	vst.idx.add.s32.msk vm1, v1  }
0x1ab: {  	v12 =	vand.u32 $0xC00, v19;
	v19 =	vor.u32 v36, v24;
	v24 =	vor.u32 v34, v27  }
0x1ac: {  	vm9 =	vgt.s32 v38, $0x64;
	vm4 =	vgt.s32 v21, $0x64;
	vm1 =	vgt.s32 v18, $0x64  }
0x1ad: {  	v18 =	vor.u32 v25, v35;
	v21 =	vor.u32 v37, v26;
	v25 =	vadd.s32 v7, v15  }
0x1ae: {  	v26 =	vadd.s32 $0xFFFF3600, v17;
	v27 =	vor.u32 v2, v18;
	v17 =	vadd.s32 $0xFFFF3600, v21  }
0x1af: {  	v15 =	vor.u32 v30, v20;
	v28 =	vadd.s32 $0xFFFF3600, v19;
	v18 =	vadd.s32 v7, v23;
	[tilespmem:v22+s16+$0x0] =	vst.idx.add.s32.msk vm3, v1  }
0x1b0: {  	v12 =	vor.u32 v12, v13;
	v21 =	vadd.s32 $0xFFFF3600, v15;
	v15 =	vadd.s32 $0x4, v10;
	v13 =	vld.idx.msk [tilespmem:v16+s14+$0x0], $0xffff  }
0x1b1: {  	v19 =	vshll.u32 v15, $0x3;
	v22 =	vadd.s32 v7, v33;
	v16 =	vand.u32 $0x7F, v15  }
0x1b2: {  	v15 =	vor.u32 v2, v12;
	v12 =	vand.u32 $0xC00, v19;
	v19 =	vshll.u32 v40, $0x7;
	[tilespmem:v25+s17+$0x0] =	vst.idx.add.s32.msk vm5, v1  }
.Ltmp5:
0x1b3: {  	v12 =	vor.u32 v12, v16;
	v19 =	vadd.s32 v7, v19;
	[tilespmem:v26+s16+$0x0] =	vst.idx.add.s32.msk vm6, v1;
	(pc) =	sbr.rel @p0 .LBB2_12-.Ltmp5, $4  }
0x1b4: {  	v20 =	vor.u32 v2, v24;
	v16 =	vor.u32 v2, v12;
	v12 =	vld.idx.msk [tilespmem:v27+s14+$0x0], $0xffff  }
0x1b5: {  	v23 =	vadd.s32 $0x2, v10;
	v10 =	vadd.s32 $0x8, v10;
	vm5 =	vgt.s32 v14, $0x64;
	[tilespmem:v21+s16+$0x0] =	vst.idx.add.s32.msk vm9, v1  }
0x1b6: {  	v21 =	vand.u32 $0x7F, v23;
	v23 =	vshll.u32 v23, $0x3;
	vm3 =	vgt.s32 v13, $0x64;
	[tilespmem:v22+s17+$0x0] =	vst.idx.add.s32.msk vm7, v1  }
0x1b7: {  	s28 =	sadd.s32 $0x20, s28;
	s29 =	sadd.s32 $0x400, s29;
	s30 =	sadd.s32 $0x80, s30;
	v11 =	vadd.s32 $0x80, v11;
	v10 =	vand.u32 $0x1FF, v10;
	v22 =	vand.u32 $0xC00, v23;
	[tilespmem:v28+s16+$0x0] =	vst.idx.add.s32.msk vm8, v1  }
0x1b8: {  	_ =	sdelay $0x4  }
0x1b9: {  	v10 =	vor.u32 v22, v21;
	[tilespmem:v17+s16+$0x0] =	vst.idx.add.s32.msk vm2, v1  }
0x1ba: {  	[tilespmem:v9+s16+$0x0] =	vst.idx.add.s32.msk vm1, v1;
	v10 =	vor.u32 v2, v10  }
0x1bb: {  	v9 =	vld.idx.msk [tilespmem:v16+s14+$0x0], $0xffff  }
0x1bc: {  	v8 =	vld.idx.msk [tilespmem:v8+s14+$0x0], $0xffff  }
0x1bd: {  	v11 =	vld.idx.msk [tilespmem:v20+s14+$0x0], $0xffff;
	v14 =	vshll.u32 v14, $0x7  }
0x1be: {  	v13 =	vshll.u32 v13, $0x7;
	v15 =	vld.idx.msk [tilespmem:v15+s14+$0x0], $0xffff;
	v14 =	vadd.s32 v7, v14  }
0x1bf: {  	v13 =	vadd.s32 v7, v13;
	vm2 =	vgt.s32 v12, $0x64;
	v12 =	vshll.u32 v12, $0x7;
	v10 =	vld.idx.msk [tilespmem:v10+s14+$0x0], $0xffff  }
0x1c0: {  	[tilespmem:v19+s17+$0x0] =	vst.idx.add.s32.msk vm0, v1;
	v12 =	vadd.s32 v7, v12;
	vm0 =	vgt.s32 v9, $0x64;
	v9 =	vshll.u32 v9, $0x7  }
0x1c1: {  	[tilespmem:v18+s17+$0x0] =	vst.idx.add.s32.msk vm4, v1;
	v16 =	vshll.u32 v8, $0x7;
	vm4 =	vgt.s32 v8, $0x64;
	v8 =	vadd.s32 v7, v9  }
0x1c2: {  	vm1 =	vgt.s32 v11, $0x64;
	v11 =	vshll.u32 v11, $0x7;
	v9 =	vadd.s32 v7, v16  }
0x1c3: {  	v11 =	vadd.s32 v7, v11;
	[tilespmem:v14+s17+$0x0] =	vst.idx.add.s32.msk vm5, v1;
	vm5 =	vgt.s32 v15, $0x64;
	v14 =	vshll.u32 v15, $0x7  }
0x1c4: {  	[tilespmem:v13+s17+$0x0] =	vst.idx.add.s32.msk vm3, v1;
	v13 =	vshll.u32 v10, $0x7;
	vm3 =	vgt.s32 v10, $0x64;
	v10 =	vadd.s32 v7, v14  }
0x1c5: {  	[tilespmem:v12+s17+$0x0] =	vst.idx.add.s32.msk vm2, v1;
	v7 =	vadd.s32 v7, v13  }
0x1c6: {  	[tilespmem:v8+s17+$0x0] =	vst.idx.add.s32.msk vm0, v1;
	v8 =	vlaneseq.u32  }
0x1c7: {  	[tilespmem:v9+s17+$0x0] =	vst.idx.add.s32.msk vm4, v1;
	v9 =	vadd.s32 $0x1, v8;
	v12 =	vadd.s32 $0x3, v8  }
0x1c8: {  	[tilespmem:v11+s17+$0x0] =	vst.idx.add.s32.msk vm1, v1;
	v13 =	vadd.s32 $0x30, v8;
	v14 =	vadd.s32 $0x40, v8;
	v16 =	vadd.s32 $0x10, v8  }
0x1c9: {  	v17 =	vadd.s32 $0x5, v8;
	v18 =	vadd.s32 $0x20, v8;
	v19 =	vadd.s32 $0x6, v8;
	[tilespmem:v10+s17+$0x0] =	vst.idx.add.s32.msk vm5, v1  }
0x1ca: {  	s0 =	simm.s32 $0x0;
	v20 =	vadd.s32 $0x7, v8;
	v21 =	vadd.s32 $0x50, v8;
	v24 =	vadd.s32 $0x60, v8;
	[tilespmem:v7+s17+$0x0] =	vst.idx.add.s32.msk vm3, v1  }
0x1cb: {  	v25 =	vadd.s32 $0x70, v8;
	v11 =	vand.u32 $0x7F, v9;
	v15 =	vshll.u32 v12, $0x3;
	[tilespmem:s14], [sflag:$0x2] =	stream.linear.gather [hbm4b:s8+s0], $0x2000, $0x38;
	[tilespmem:$0xBE00] =	vst v63  }
0x1cc: {  	s1 =	sand.u32 $0x1000, s0;
	s26 =	sand.u32 $0xC00, s0;
	v22 =	vand.u32 $0x7F, v17;
	v18 =	vand.u32 $0x1FF, v18;
	v17 =	vshll.u32 v17, $0x3;
	_ =	swait.ge [sflag:s15], $0x2000  }
0x1cd: {  	s1 =	sor.u32 s26, s1;
	v16 =	vand.u32 $0x1FF, v16;
	v24 =	vand.u32 $0x1FF, v24;
	v10 =	vshll.u32 v8, $0x3;
	s0 =	sand.u32 $0x380, s0;
	[sflag:s15] =	ssyncset.done $0x0  }
0x1ce: {  	v25 =	vand.u32 $0x1FF, v25;
	v7 =	vand.u32 $0x7F, v8;
	v10 =	vand.u32 $0xC00, v10;
	s0 =	sor.u32 s0, s1;
	[sflag:s15] =	ssyncadd.s32 $0xFFFFE000  }
0x1cf: {  	v7 =	vor.u32 v10, v7;
	v10 =	vand.u32 $0x1FF, v13;
	v13 =	vand.u32 $0x1FF, v14;
	v14 =	vld [tilespmem:s0+$0x10]  }
0x1d0: {  	v27 =	vshll.u32 v20, $0x3;
	v21 =	vand.u32 $0x1FF, v21;
	v20 =	vand.u32 $0x7F, v20;
	v23 =	vld [tilespmem:s0+$0x0]  }
0x1d1: {  	v28 =	vshll.u32 v19, $0x3;
	v12 =	vand.u32 $0x7F, v12;
	v9 =	vshll.u32 v9, $0x3;
	v26 =	vld [tilespmem:s0+$0x50]  }
0x1d2: {  	v19 =	vand.u32 $0x7F, v19;
	v27 =	vand.u32 $0xC00, v27;
	v36 =	vand.u32 $0xC00, v28;
	v63 =	vld [tilespmem:s0+$0x30]  }
0x1d3: {  	v17 =	vand.u32 $0xC00, v17;
	v15 =	vand.u32 $0xC00, v15;
	v9 =	vand.u32 $0xC00, v9;
	v29 =	vld [tilespmem:s0+$0x40]  }
0x1d4: {  	v20 =	vor.u32 v27, v20;
	v12 =	vor.u32 v15, v12;
	v19 =	vor.u32 v36, v19;
	v37 =	vld [tilespmem:s0+$0x20]  }
0x1d5: {  	v17 =	vor.u32 v17, v22;
	v9 =	vor.u32 v9, v11;
	v20 =	vor.u32 v2, v20;
	v38 =	vld [tilespmem:s0+$0x60]  }
0x1d6: {  	s26 =	simm.s32 $0x80;
	v12 =	vor.u32 v2, v12;
	v9 =	vor.u32 v2, v9;
	v19 =	vor.u32 v2, v19;
	v31 =	vld [tilespmem:s0+$0x70];
	s0 =	simm.s32 $0x400  }
0x1d7: {  	s31 =	simm.s32 $0x20;
	s1 =	sand.u32 $0x1000, s26;
	s0 =	sand.u32 $0xC00, s0;
	vm3 =	vgt.s32 v14, $0x64;
	vm0 =	vgt.s32 v23, $0x64;
	v23 =	vshll.u32 v23, $0x9  }
0x1d8: {  	s26 =	sand.u32 $0x380, s31;
	s0 =	sor.u32 s0, s1;
	v32 =	vshll.u32 v63, $0x9;
	vm1 =	vgt.s32 v63, $0x64;
	v23 =	vadd.s32 v8, v23  }
0x1d9: {  	s26 =	sor.u32 s26, s0;
	v14 =	vshll.u32 v14, $0x9;
	v10 =	vor.u32 v10, v32;
	v23 =	vadd.s32 $0xFFFF3600, v23  }
0x1da: {  	v7 =	vor.u32 v2, v7;
	v57 =	vld [tilespmem:s26+$0x60];
	v14 =	vor.u32 v16, v14;
	v10 =	vadd.s32 $0xFFFF3600, v10  }
0x1db: {  	v39 =	vshll.u32 v38, $0x9;
	vm7 =	vgt.s32 v38, $0x64;
	v38 =	vld [tilespmem:s26+$0x50];
	v14 =	vadd.s32 $0xFFFF3600, v14  }
0x1dc: {  	v48 =	vld [tilespmem:s26+$0x10];
	v30 =	vshll.u32 v26, $0x9;
	vm6 =	vgt.s32 v26, $0x64;
	v15 =	vshll.u32 v29, $0x9  }
0x1dd: {  	vm5 =	vgt.s32 v31, $0x64;
	vm4 =	vgt.s32 v37, $0x64;
	v21 =	vor.u32 v21, v30  }
0x1de: {  	v13 =	vor.u32 v13, v15;
	v15 =	vshll.u32 v37, $0x9;
	v16 =	vshll.u32 v31, $0x9;
	[tilespmem:v23+s16+$0x0] =	vst.idx.add.s32.msk vm0, v1  }
0x1df: {  	v24 =	vor.u32 v24, v39;
	v21 =	vadd.s32 $0xFFFF3600, v21;
	v13 =	vadd.s32 $0xFFFF3600, v13;
	[tilespmem:v10+s16+$0x0] =	vst.idx.add.s32.msk vm1, v1  }
0x1e0: {  	v59 =	vshll.u32 v57, $0x9;
	vm8 =	vgt.s32 v57, $0x64;
	vm10 =	vgt.s32 v38, $0x64;
	[tilespmem:v14+s16+$0x0] =	vst.idx.add.s32.msk vm3, v1  }
0x1e1: {  	vm0 =	vgt.s32 v29, $0x64;
	v10 =	vadd.s32 $0x4, v8;
	vm3 =	vgt.s32 v48, $0x64;
	v22 =	vld.idx.msk [tilespmem:v7+s2+$0x0], $0xffff  }
0x1e2: {  	v7 =	vor.u32 v25, v16;
	v16 =	vor.u32 v2, v17;
	v11 =	vld.idx.msk [tilespmem:v12+s2+$0x0], $0xffff;
	v12 =	vshll.u32 v10, $0x3  }
0x1e3: {  	v10 =	vand.u32 $0x7F, v10;
	v17 =	vadd.s32 $0xFFFF3600, v7;
	v7 =	vor.u32 v18, v15  }
0x1e4: {  	v15 =	vadd.s32 $0xFFFF3600, v24;
	v12 =	vand.u32 $0xC00, v12;
	v18 =	vadd.s32 $0xFFFF3600, v7  }
0x1e5: {  	v7 =	vor.u32 $0xFFFFCDC0, v3;
	v10 =	vor.u32 v12, v10;
	v12 =	vadd.s32 $0x8, v8  }
0x1e6: {  	v23 =	vor.u32 v2, v10;
	v10 =	vadd.s32 $0x2, v8;
	v8 =	vadd.s32 $0x80, v8  }
0x1e7: {  	v39 =	vld.idx.msk [tilespmem:v9+s2+$0x0], $0xffff;
	v40 =	vand.u32 $0x7F, v10;
	v41 =	vshll.u32 v10, $0x3;
	v10 =	vand.u32 $0x1FF, v12  }
0x1e8: {  	vm1 =	vgt.s32 v22, $0x64;
	vm2 =	vgt.s32 v11, $0x64;
	v12 =	vand.u32 $0xC00, v41  }
0x1e9: {  	v42 =	vand.u32 $0x7F, v10;
	v43 =	vshll.u32 v10, $0x3;
	v44 =	vshll.u32 v11, $0x7  }
0x1ea: {  	v45 =	vadd.s32 $0x1, v10;
	v11 =	vand.u32 $0x1FF, v8;
	v8 =	vadd.s32 $0x3, v10  }
0x1eb: {  	[tilespmem:v21+s16+$0x0] =	vst.idx.add.s32.msk vm6, v1;
	v21 =	vshll.u32 v22, $0x7;
	v52 =	vadd.s32 $0x6, v10;
	v33 =	vadd.s32 $0x7, v10  }
0x1ec: {  	v41 =	vshll.u32 v38, $0x9;
	[tilespmem:v13+s16+$0x0] =	vst.idx.add.s32.msk vm0, v1;
	vm0 =	vgt.s32 v39, $0x64;
	v24 =	vor.u32 v12, v40  }
0x1ed: {  	v12 =	vand.u32 $0x7F, v45;
	v22 =	vand.u32 $0xC00, v43;
	v14 =	vadd.s32 $0x30, v11  }
0x1ee: {  	v46 =	vadd.s32 $0x40, v11;
	v49 =	vshll.u32 v8, $0x3;
	v21 =	vadd.s32 v7, v21  }
0x1ef: {  	v50 =	vadd.s32 $0x10, v11;
	[tilespmem:v15+s16+$0x0] =	vst.idx.add.s32.msk vm7, v1;
	v15 =	vadd.s32 $0x5, v10;
	v51 =	vadd.s32 $0x20, v11  }
0x1f0: {  	v34 =	vadd.s32 $0x50, v11;
	v27 =	vadd.s32 v7, v44;
	[tilespmem:v17+s16+$0x0] =	vst.idx.add.s32.msk vm5, v1;
	v17 =	vadd.s32 $0x60, v11  }
0x1f1: {  	v37 =	vadd.s32 $0x70, v11;
	v9 =	vshll.u32 v33, $0x3;
	v33 =	vand.u32 $0x7F, v33  }
0x1f2: {  	v36 =	vld [tilespmem:s26+$0x0];
	v40 =	vshll.u32 v52, $0x3;
	v53 =	vand.u32 $0x7F, v8;
	v28 =	vshll.u32 v45, $0x3  }
0x1f3: {  	v32 =	vand.u32 $0x7F, v52;
	v22 =	vor.u32 v22, v42;
	v14 =	vand.u32 $0x1FF, v14  }
0x1f4: {  	v55 =	vld [tilespmem:s26+$0x40];
	v47 =	vand.u32 $0x1FF, v46;
	v24 =	vor.u32 v2, v24;
	v35 =	vand.u32 $0x7F, v15  }
0x1f5: {  	v56 =	vld [tilespmem:s26+$0x20];
	v31 =	vand.u32 $0x1FF, v51;
	v15 =	vshll.u32 v15, $0x3;
	v30 =	vand.u32 $0x1FF, v50  }
0x1f6: {  	v16 =	vld.idx.msk [tilespmem:v16+s2+$0x0], $0xffff;
	v17 =	vand.u32 $0x1FF, v17;
	v37 =	vand.u32 $0x1FF, v37;
	v34 =	vand.u32 $0x1FF, v34  }
0x1f7: {  	[tilespmem:v18+s16+$0x0] =	vst.idx.add.s32.msk vm4, v1;
	v9 =	vand.u32 $0xC00, v9;
	vm4 =	vgt.s32 v36, $0x64;
	v36 =	vshll.u32 v36, $0x9  }
0x1f8: {  	v19 =	vld.idx.msk [tilespmem:v19+s2+$0x0], $0xffff;
	v40 =	vand.u32 $0xC00, v40;
	v29 =	vand.u32 $0xC00, v49;
	v22 =	vor.u32 v2, v22  }
0x1f9: {  	v20 =	vld.idx.msk [tilespmem:v20+s2+$0x0], $0xffff;
	v9 =	vor.u32 v9, v33;
	v13 =	vor.u32 v34, v41;
	v36 =	vadd.s32 v11, v36  }
0x1fa: {  	v15 =	vand.u32 $0xC00, v15;
	v29 =	vor.u32 v29, v53;
	v23 =	vld.idx.msk [tilespmem:v23+s2+$0x0], $0xffff;
	v60 =	vor.u32 v40, v32  }
0x1fb: {  	v11 =	vadd.s32 $0x80, v11;
	v8 =	vor.u32 v2, v9;
	v9 =	vld [tilespmem:s26+$0x30];
	v13 =	vadd.s32 $0xFFFF3600, v13  }
0x1fc: {  	v36 =	vadd.s32 $0xFFFF3600, v36;
	v15 =	vor.u32 v15, v35;
	vm5 =	vgt.s32 v16, $0x64;
	[tilespmem:v21+s17+$0x0] =	vst.idx.add.s32.msk vm1, v1  }
0x1fd: {  	v16 =	vshll.u32 v16, $0x7;
	vm6 =	vgt.s32 v19, $0x64;
	v18 =	vshll.u32 v19, $0x7;
	v19 =	vld [tilespmem:s26+$0x70]  }
0x1fe: {  	v16 =	vadd.s32 v7, v16;
	v21 =	vor.u32 v2, v29;
	vm1 =	vgt.s32 v55, $0x64;
	v24 =	vld.idx.msk [tilespmem:v24+s2+$0x0], $0xffff  }
0x1ff: {  	v54 =	vshll.u32 v20, $0x7;
	vm7 =	vgt.s32 v20, $0x64;
	v20 =	vshll.u32 v56, $0x9  }
0x200: {  	v18 =	vadd.s32 v7, v18;
	vm9 =	vgt.s32 v9, $0x64;
	v9 =	vshll.u32 v9, $0x9  }
0x201: {  	vm11 =	vgt.s32 v23, $0x64;
	v9 =	vor.u32 v14, v9;
	v14 =	vshll.u32 v55, $0x9  }
0x202: {  	[tilespmem:v27+s17+$0x0] =	vst.idx.add.s32.msk vm2, v1;
	v63 =	vadd.s32 v7, v54;
	v42 =	vadd.s32 $0xFFFF3600, v9;
	v9 =	vor.u32 v47, v14  }
0x203: {  	[tilespmem:v13+s16+$0x0] =	vst.idx.add.s32.msk vm10, v1;
	v14 =	vshll.u32 v48, $0x9;
	v58 =	vshll.u32 v24, $0x7;
	vm2 =	vgt.s32 v19, $0x64  }
0x204: {  	[tilespmem:v36+s16+$0x0] =	vst.idx.add.s32.msk vm4, v1;
	v14 =	vor.u32 v30, v14;
	v13 =	vshll.u32 v19, $0x9;
	v19 =	vshll.u32 v23, $0x7  }
0x205: {  	v23 =	vand.u32 $0xC00, v28;
	vm4 =	vgt.s32 v24, $0x64;
	[tilespmem:v18+s17+$0x0] =	vst.idx.add.s32.msk vm6, v1;
	v18 =	vor.u32 v17, v59  }
0x206: {  	[tilespmem:v16+s17+$0x0] =	vst.idx.add.s32.msk vm5, v1;
	vm6 =	vgt.s32 v56, $0x64;
	v19 =	vadd.s32 v7, v19;
	v13 =	vor.u32 v37, v13  }
0x207: {  	v16 =	vadd.s32 $0xFFFF3600, v14;
	v14 =	vld.idx.msk [tilespmem:v22+s2+$0x0], $0xffff;
	v22 =	vor.u32 v2, v15;
	v15 =	vadd.s32 $0x4, v10  }
0x208: {  	v12 =	vor.u32 v23, v12;
	[tilespmem:v63+s17+$0x0] =	vst.idx.add.s32.msk vm7, v1;
	v17 =	vadd.s32 $0xFFFF3600, v13;
	v13 =	vor.u32 v31, v20  }
0x209: {  	v61 =	vadd.s32 $0xFFFF3600, v18;
	v20 =	vshll.u32 v15, $0x3;
	v62 =	vadd.s32 $0xFFFF3600, v13;
	[tilespmem:v42+s16+$0x0] =	vst.idx.add.s32.msk vm9, v1  }
0x20a: {  	v13 =	vld.idx.msk [tilespmem:v21+s2+$0x0], $0xffff;
	v21 =	vand.u32 $0x7F, v15;
	v15 =	vor.u32 v2, v12;
	v12 =	vshll.u32 v39, $0x7  }
0x20b: {  	v18 =	vadd.s32 v7, v58;
	v20 =	vand.u32 $0xC00, v20;
	[tilespmem:v19+s17+$0x0] =	vst.idx.add.s32.msk vm11, v1;
	v19 =	vadd.s32 v7, v12  }
0x20c: {  	v9 =	vadd.s32 $0xFFFF3600, v9;
	[tilespmem:v16+s16+$0x0] =	vst.idx.add.s32.msk vm3, v1;
	v16 =	vor.u32 v20, v21;
	v20 =	vor.u32 v2, v60  }
0x20d: {  	v12 =	vld.idx.msk [tilespmem:v22+s2+$0x0], $0xffff;
	vm5 =	vgt.s32 v14, $0x64;
	v22 =	vadd.s32 $0x2, v10;
	v10 =	vadd.s32 $0x8, v10  }
0x20e: {  	s28 =	simm.s32 $0x40;
	v16 =	vor.u32 v2, v16;
	v21 =	vand.u32 $0x7F, v22;
	v22 =	vshll.u32 v22, $0x3;
	[tilespmem:v61+s16+$0x0] =	vst.idx.add.s32.msk vm8, v1  }
0x20f: {  	s29 =	simm.s32 $0x800;
	s30 =	simm.s32 $0x100;
	s26 =	simm.s32 $0x8;
	v10 =	vand.u32 $0x1FF, v10;
	[tilespmem:v62+s16+$0x0] =	vst.idx.add.s32.msk vm6, v1;
	v22 =	vand.u32 $0xC00, v22;
	vm3 =	vgt.s32 v13, $0x64  }
.LBB2_14:
0x210: {  	s0 =	sand.u32 $0x1000, s30;
	s1 =	sand.u32 $0xC00, s29;
	v23 =	vand.u32 $0x7F, v10;
	v24 =	vshll.u32 v10, $0x3;
	s26 =	sadd.s32 $0x8, s26;
	v25 =	vshll.u32 v13, $0x7;
	[tilespmem:v19+s17+$0x0] =	vst.idx.add.s32.msk vm0, v1  }
0x211: {  	s31 =	sand.u32 $0x380, s28;
	v19 =	vadd.s32 $0x1, v10;
	v21 =	vor.u32 v22, v21;
	v11 =	vand.u32 $0x1FF, v11;
	s0 =	sor.u32 s1, s0;
	p0 =	slt.u32 s26, $0x1F8;
	[tilespmem:v18+s17+$0x0] =	vst.idx.add.s32.msk vm4, v1  }
0x212: {  	v14 =	vshll.u32 v14, $0x7;
	v13 =	vand.u32 $0x7F, v19;
	v18 =	vadd.s32 $0x3, v10;
	s31 =	sor.u32 s31, s0;
	v20 =	vld.idx.msk [tilespmem:v20+s2+$0x0], $0xffff  }
0x213: {  	v22 =	vand.u32 $0xC00, v24;
	v24 =	vadd.s32 $0x30, v11;
	v26 =	vadd.s32 $0x40, v11;
	[tilespmem:v17+s16+$0x0] =	vst.idx.add.s32.msk vm2, v1  }
0x214: {  	v17 =	vor.u32 v22, v23;
	v22 =	vand.u32 $0x1FF, v24;
	v23 =	vand.u32 $0x1FF, v26;
	v24 =	vld.idx.msk [tilespmem:v8+s2+$0x0], $0xffff  }
0x215: {  	v27 =	vshll.u32 v18, $0x3;
	v17 =	vor.u32 v2, v17;
	v8 =	vadd.s32 v7, v14;
	v26 =	vld [tilespmem:s31+$0x10]  }
0x216: {  	v28 =	vadd.s32 $0x5, v10;
	v21 =	vor.u32 v2, v21;
	v14 =	vadd.s32 $0x10, v11;
	v29 =	vld [tilespmem:s31+$0x70]  }
0x217: {  	v31 =	vadd.s32 $0x6, v10;
	v33 =	vadd.s32 $0x7, v10;
	v30 =	vadd.s32 $0x20, v11;
	v32 =	vld [tilespmem:s31+$0x60]  }
0x218: {  	v34 =	vadd.s32 $0x50, v11;
	v35 =	vand.u32 $0x7F, v28;
	v25 =	vadd.s32 v7, v25;
	[tilespmem:v9+s16+$0x0] =	vst.idx.add.s32.msk vm1, v1  }
0x219: {  	v36 =	vadd.s32 $0x60, v11;
	v37 =	vadd.s32 $0x70, v11;
	v30 =	vand.u32 $0x1FF, v30;
	v9 =	vld [tilespmem:s31+$0x0]  }
0x21a: {  	v28 =	vshll.u32 v28, $0x3;
	vm1 =	vgt.s32 v12, $0x64;
	vm6 =	vgt.s32 v26, $0x64;
	v38 =	vld [tilespmem:s31+$0x50]  }
0x21b: {  	v36 =	vand.u32 $0x1FF, v36;
	v37 =	vand.u32 $0x1FF, v37;
	v39 =	vand.u32 $0x1FF, v14;
	v40 =	vld.idx.msk [tilespmem:v15+s2+$0x0], $0xffff  }
0x21c: {  	v14 =	vand.u32 $0x1FF, v34;
	vm2 =	vgt.s32 v20, $0x64;
	v15 =	vshll.u32 v33, $0x3;
	v21 =	vld.idx.msk [tilespmem:v21+s2+$0x0], $0xffff  }
0x21d: {  	v20 =	vshll.u32 v20, $0x7;
	v33 =	vand.u32 $0x7F, v33;
	v15 =	vand.u32 $0xC00, v15;
	[tilespmem:v8+s17+$0x0] =	vst.idx.add.s32.msk vm5, v1  }
0x21e: {  	v34 =	vshll.u32 v31, $0x3;
	v8 =	vor.u32 v15, v33;
	vm4 =	vgt.s32 v9, $0x64;
	v15 =	vld.idx.msk [tilespmem:v16+s2+$0x0], $0xffff  }
0x21f: {  	v16 =	vand.u32 $0x7F, v18;
	v8 =	vor.u32 v2, v8;
	v18 =	vld [tilespmem:s31+$0x40];
	v33 =	vshll.u32 v38, $0x9  }
0x220: {  	vm5 =	vgt.s32 v38, $0x64;
	v41 =	vld [tilespmem:s31+$0x30];
	v14 =	vor.u32 v14, v33;
	v33 =	vshll.u32 v24, $0x7  }
0x221: {  	v34 =	vand.u32 $0xC00, v34;
	v9 =	vshll.u32 v9, $0x9;
	vm0 =	vgt.s32 v40, $0x64;
	[tilespmem:v25+s17+$0x0] =	vst.idx.add.s32.msk vm3, v1  }
0x222: {  	v19 =	vshll.u32 v19, $0x3;
	v12 =	vshll.u32 v12, $0x7;
	v14 =	vadd.s32 $0xFFFF3600, v14  }
0x223: {  	v20 =	vadd.s32 v7, v20;
	v9 =	vadd.s32 v11, v9;
	v25 =	vand.u32 $0xC00, v28  }
0x224: {  	v28 =	vadd.s32 $0xFFFF3600, v9;
	v9 =	vand.u32 $0xC00, v27;
	v27 =	vand.u32 $0x7F, v31;
	v38 =	vld [tilespmem:s31+$0x20]  }
0x225: {  	v16 =	vor.u32 v9, v16;
	v9 =	vshll.u32 v18, $0x9;
	v31 =	vshll.u32 v41, $0x9  }
0x226: {  	v12 =	vadd.s32 v7, v12;
	vm3 =	vgt.s32 v41, $0x64;
	v22 =	vor.u32 v22, v31  }
0x227: {  	v9 =	vor.u32 v23, v9;
	v23 =	vshll.u32 v21, $0x7;
	v22 =	vadd.s32 $0xFFFF3600, v22;
	[tilespmem:v14+s16+$0x0] =	vst.idx.add.s32.msk vm5, v1  }
0x228: {  	vm7 =	vgt.s32 v24, $0x64;
	v26 =	vshll.u32 v26, $0x9;
	v9 =	vadd.s32 $0xFFFF3600, v9;
	[tilespmem:v20+s17+$0x0] =	vst.idx.add.s32.msk vm2, v1  }
0x229: {  	v24 =	vshll.u32 v32, $0x9;
	v16 =	vor.u32 v2, v16;
	[tilespmem:v28+s16+$0x0] =	vst.idx.add.s32.msk vm4, v1;
	v20 =	vshll.u32 v38, $0x9  }
0x22a: {  	vm8 =	vgt.s32 v32, $0x64;
	vm5 =	vgt.s32 v15, $0x64;
	vm2 =	vgt.s32 v29, $0x64;
	v14 =	vld.idx.msk [tilespmem:v17+s2+$0x0], $0xffff  }
0x22b: {  	v15 =	vshll.u32 v15, $0x7;
	v17 =	vor.u32 v39, v26;
	v26 =	vshll.u32 v29, $0x9;
	[tilespmem:v12+s17+$0x0] =	vst.idx.add.s32.msk vm1, v1  }
0x22c: {  	v12 =	vand.u32 $0xC00, v19;
	v19 =	vor.u32 v36, v24;
	v24 =	vor.u32 v34, v27  }
0x22d: {  	vm9 =	vgt.s32 v38, $0x64;
	vm4 =	vgt.s32 v21, $0x64;
	vm1 =	vgt.s32 v18, $0x64  }
0x22e: {  	v18 =	vor.u32 v25, v35;
	v21 =	vor.u32 v37, v26;
	v25 =	vadd.s32 v7, v15  }
0x22f: {  	v26 =	vadd.s32 $0xFFFF3600, v17;
	v27 =	vor.u32 v2, v18;
	v17 =	vadd.s32 $0xFFFF3600, v21  }
0x230: {  	v15 =	vor.u32 v30, v20;
	v28 =	vadd.s32 $0xFFFF3600, v19;
	v18 =	vadd.s32 v7, v23;
	[tilespmem:v22+s16+$0x0] =	vst.idx.add.s32.msk vm3, v1  }
0x231: {  	v12 =	vor.u32 v12, v13;
	v21 =	vadd.s32 $0xFFFF3600, v15;
	v15 =	vadd.s32 $0x4, v10;
	v13 =	vld.idx.msk [tilespmem:v16+s2+$0x0], $0xffff  }
0x232: {  	v19 =	vshll.u32 v15, $0x3;
	v22 =	vadd.s32 v7, v33;
	v16 =	vand.u32 $0x7F, v15  }
0x233: {  	v15 =	vor.u32 v2, v12;
	v12 =	vand.u32 $0xC00, v19;
	v19 =	vshll.u32 v40, $0x7;
	[tilespmem:v25+s17+$0x0] =	vst.idx.add.s32.msk vm5, v1  }
.Ltmp6:
0x234: {  	v12 =	vor.u32 v12, v16;
	v19 =	vadd.s32 v7, v19;
	[tilespmem:v26+s16+$0x0] =	vst.idx.add.s32.msk vm6, v1;
	(pc) =	sbr.rel @p0 .LBB2_14-.Ltmp6, $4  }
0x235: {  	v20 =	vor.u32 v2, v24;
	v16 =	vor.u32 v2, v12;
	v12 =	vld.idx.msk [tilespmem:v27+s2+$0x0], $0xffff  }
0x236: {  	v23 =	vadd.s32 $0x2, v10;
	v10 =	vadd.s32 $0x8, v10;
	vm5 =	vgt.s32 v14, $0x64;
	[tilespmem:v21+s16+$0x0] =	vst.idx.add.s32.msk vm9, v1  }
0x237: {  	v21 =	vand.u32 $0x7F, v23;
	v23 =	vshll.u32 v23, $0x3;
	vm3 =	vgt.s32 v13, $0x64;
	[tilespmem:v22+s17+$0x0] =	vst.idx.add.s32.msk vm7, v1  }
0x238: {  	s28 =	sadd.s32 $0x20, s28;
	s29 =	sadd.s32 $0x400, s29;
	s30 =	sadd.s32 $0x80, s30;
	v11 =	vadd.s32 $0x80, v11;
	v10 =	vand.u32 $0x1FF, v10;
	v22 =	vand.u32 $0xC00, v23;
	[tilespmem:v28+s16+$0x0] =	vst.idx.add.s32.msk vm8, v1  }
0x239: {  	_ =	sdelay $0x4  }
0x23a: {  	v10 =	vor.u32 v22, v21;
	[tilespmem:v17+s16+$0x0] =	vst.idx.add.s32.msk vm2, v1  }
0x23b: {  	[tilespmem:v9+s16+$0x0] =	vst.idx.add.s32.msk vm1, v1;
	v10 =	vor.u32 v2, v10  }
0x23c: {  	v9 =	vld.idx.msk [tilespmem:v16+s2+$0x0], $0xffff  }
0x23d: {  	v8 =	vld.idx.msk [tilespmem:v8+s2+$0x0], $0xffff  }
0x23e: {  	v11 =	vld.idx.msk [tilespmem:v20+s2+$0x0], $0xffff;
	v14 =	vshll.u32 v14, $0x7  }
0x23f: {  	v13 =	vshll.u32 v13, $0x7;
	v15 =	vld.idx.msk [tilespmem:v15+s2+$0x0], $0xffff;
	v14 =	vadd.s32 v7, v14  }
0x240: {  	v13 =	vadd.s32 v7, v13;
	vm2 =	vgt.s32 v12, $0x64;
	v12 =	vshll.u32 v12, $0x7;
	v10 =	vld.idx.msk [tilespmem:v10+s2+$0x0], $0xffff  }
0x241: {  	[tilespmem:v19+s17+$0x0] =	vst.idx.add.s32.msk vm0, v1;
	v12 =	vadd.s32 v7, v12;
	vm0 =	vgt.s32 v9, $0x64;
	v9 =	vshll.u32 v9, $0x7  }
0x242: {  	[tilespmem:v18+s17+$0x0] =	vst.idx.add.s32.msk vm4, v1;
	v16 =	vshll.u32 v8, $0x7;
	vm4 =	vgt.s32 v8, $0x64;
	v8 =	vadd.s32 v7, v9  }
0x243: {  	vm1 =	vgt.s32 v11, $0x64;
	v11 =	vshll.u32 v11, $0x7;
	v9 =	vadd.s32 v7, v16  }
0x244: {  	v11 =	vadd.s32 v7, v11;
	[tilespmem:v14+s17+$0x0] =	vst.idx.add.s32.msk vm5, v1;
	vm5 =	vgt.s32 v15, $0x64;
	v14 =	vshll.u32 v15, $0x7  }
0x245: {  	[tilespmem:v13+s17+$0x0] =	vst.idx.add.s32.msk vm3, v1;
	v13 =	vshll.u32 v10, $0x7;
	vm3 =	vgt.s32 v10, $0x64;
	v10 =	vadd.s32 v7, v14  }
0x246: {  	[tilespmem:v12+s17+$0x0] =	vst.idx.add.s32.msk vm2, v1;
	v7 =	vadd.s32 v7, v13  }
0x247: {  	[tilespmem:v8+s17+$0x0] =	vst.idx.add.s32.msk vm0, v1;
	v8 =	vlaneseq.u32  }
0x248: {  	[tilespmem:v9+s17+$0x0] =	vst.idx.add.s32.msk vm4, v1;
	v9 =	vadd.s32 $0x1, v8;
	v12 =	vadd.s32 $0x3, v8  }
0x249: {  	[tilespmem:v11+s17+$0x0] =	vst.idx.add.s32.msk vm1, v1;
	v13 =	vadd.s32 $0x30, v8;
	v14 =	vadd.s32 $0x40, v8;
	v16 =	vadd.s32 $0x10, v8  }
0x24a: {  	v17 =	vadd.s32 $0x5, v8;
	v18 =	vadd.s32 $0x20, v8;
	v19 =	vadd.s32 $0x6, v8;
	[tilespmem:v10+s17+$0x0] =	vst.idx.add.s32.msk vm5, v1  }
0x24b: {  	s0 =	simm.s32 $0x0;
	v20 =	vadd.s32 $0x7, v8;
	v21 =	vadd.s32 $0x50, v8;
	v24 =	vadd.s32 $0x60, v8;
	[tilespmem:v7+s17+$0x0] =	vst.idx.add.s32.msk vm3, v1  }
0x24c: {  	v25 =	vadd.s32 $0x70, v8;
	v11 =	vand.u32 $0x7F, v9;
	v15 =	vshll.u32 v12, $0x3;
	[tilespmem:s0], [sflag:$0x1] =	stream.linear.gather [hbm4b:s9+s0], $0x2000, $0x38;
	[tilespmem:$0xBE00] =	vst v63  }
0x24d: {  	s1 =	sand.u32 $0x1000, s0;
	s26 =	sand.u32 $0xC00, s0;
	v22 =	vand.u32 $0x7F, v17;
	v18 =	vand.u32 $0x1FF, v18;
	v17 =	vshll.u32 v17, $0x3;
	_ =	swait.ge [sflag:s18], $0x2000  }
0x24e: {  	s1 =	sor.u32 s26, s1;
	v16 =	vand.u32 $0x1FF, v16;
	v24 =	vand.u32 $0x1FF, v24;
	v10 =	vshll.u32 v8, $0x3;
	s0 =	sand.u32 $0x380, s0;
	[sflag:s18] =	ssyncset.done $0x0  }
0x24f: {  	v25 =	vand.u32 $0x1FF, v25;
	v7 =	vand.u32 $0x7F, v8;
	v10 =	vand.u32 $0xC00, v10;
	s0 =	sor.u32 s0, s1;
	[sflag:s18] =	ssyncadd.s32 $0xFFFFE000  }
0x250: {  	v7 =	vor.u32 v10, v7;
	v10 =	vand.u32 $0x1FF, v13;
	v13 =	vand.u32 $0x1FF, v14;
	v14 =	vld [tilespmem:s0+$0x2010]  }
0x251: {  	v27 =	vshll.u32 v20, $0x3;
	v21 =	vand.u32 $0x1FF, v21;
	v20 =	vand.u32 $0x7F, v20;
	v23 =	vld [tilespmem:s0+$0x2000]  }
0x252: {  	v28 =	vshll.u32 v19, $0x3;
	v12 =	vand.u32 $0x7F, v12;
	v9 =	vshll.u32 v9, $0x3;
	v26 =	vld [tilespmem:s0+$0x2050]  }
0x253: {  	v19 =	vand.u32 $0x7F, v19;
	v27 =	vand.u32 $0xC00, v27;
	v36 =	vand.u32 $0xC00, v28;
	v63 =	vld [tilespmem:s0+$0x2030]  }
0x254: {  	v17 =	vand.u32 $0xC00, v17;
	v15 =	vand.u32 $0xC00, v15;
	v9 =	vand.u32 $0xC00, v9;
	v29 =	vld [tilespmem:s0+$0x2040]  }
0x255: {  	v20 =	vor.u32 v27, v20;
	v12 =	vor.u32 v15, v12;
	v19 =	vor.u32 v36, v19;
	v37 =	vld [tilespmem:s0+$0x2020]  }
0x256: {  	v17 =	vor.u32 v17, v22;
	v9 =	vor.u32 v9, v11;
	v20 =	vor.u32 v2, v20;
	v38 =	vld [tilespmem:s0+$0x2060]  }
0x257: {  	s26 =	simm.s32 $0x80;
	v12 =	vor.u32 v2, v12;
	v9 =	vor.u32 v2, v9;
	v19 =	vor.u32 v2, v19;
	v31 =	vld [tilespmem:s0+$0x2070];
	s0 =	simm.s32 $0x400  }
0x258: {  	s31 =	simm.s32 $0x20;
	s1 =	sand.u32 $0x1000, s26;
	s0 =	sand.u32 $0xC00, s0;
	vm3 =	vgt.s32 v14, $0x64;
	vm0 =	vgt.s32 v23, $0x64;
	v23 =	vshll.u32 v23, $0x9  }
0x259: {  	s26 =	sand.u32 $0x380, s31;
	s0 =	sor.u32 s0, s1;
	v32 =	vshll.u32 v63, $0x9;
	vm1 =	vgt.s32 v63, $0x64;
	v23 =	vadd.s32 v8, v23  }
0x25a: {  	s26 =	sor.u32 s26, s0;
	v14 =	vshll.u32 v14, $0x9;
	v10 =	vor.u32 v10, v32;
	v23 =	vadd.s32 $0xFFFF3600, v23  }
0x25b: {  	v7 =	vor.u32 v2, v7;
	v57 =	vld [tilespmem:s26+$0x2060];
	v14 =	vor.u32 v16, v14;
	v10 =	vadd.s32 $0xFFFF3600, v10  }
0x25c: {  	v39 =	vshll.u32 v38, $0x9;
	vm7 =	vgt.s32 v38, $0x64;
	v38 =	vld [tilespmem:s26+$0x2050];
	v14 =	vadd.s32 $0xFFFF3600, v14  }
0x25d: {  	v48 =	vld [tilespmem:s26+$0x2010];
	v30 =	vshll.u32 v26, $0x9;
	vm6 =	vgt.s32 v26, $0x64;
	v15 =	vshll.u32 v29, $0x9  }
0x25e: {  	vm5 =	vgt.s32 v31, $0x64;
	vm4 =	vgt.s32 v37, $0x64;
	v21 =	vor.u32 v21, v30  }
0x25f: {  	v13 =	vor.u32 v13, v15;
	v15 =	vshll.u32 v37, $0x9;
	v16 =	vshll.u32 v31, $0x9;
	[tilespmem:v23+s16+$0x0] =	vst.idx.add.s32.msk vm0, v1  }
0x260: {  	v24 =	vor.u32 v24, v39;
	v21 =	vadd.s32 $0xFFFF3600, v21;
	v13 =	vadd.s32 $0xFFFF3600, v13;
	[tilespmem:v10+s16+$0x0] =	vst.idx.add.s32.msk vm1, v1  }
0x261: {  	v59 =	vshll.u32 v57, $0x9;
	vm8 =	vgt.s32 v57, $0x64;
	vm10 =	vgt.s32 v38, $0x64;
	[tilespmem:v14+s16+$0x0] =	vst.idx.add.s32.msk vm3, v1  }
0x262: {  	vm0 =	vgt.s32 v29, $0x64;
	v10 =	vadd.s32 $0x4, v8;
	vm3 =	vgt.s32 v48, $0x64;
	v22 =	vld.idx.msk [tilespmem:v7+s14+$0x0], $0xffff  }
0x263: {  	v7 =	vor.u32 v25, v16;
	v16 =	vor.u32 v2, v17;
	v11 =	vld.idx.msk [tilespmem:v12+s14+$0x0], $0xffff;
	v12 =	vshll.u32 v10, $0x3  }
0x264: {  	v10 =	vand.u32 $0x7F, v10;
	v17 =	vadd.s32 $0xFFFF3600, v7;
	v7 =	vor.u32 v18, v15  }
0x265: {  	v15 =	vadd.s32 $0xFFFF3600, v24;
	v12 =	vand.u32 $0xC00, v12;
	v18 =	vadd.s32 $0xFFFF3600, v7  }
0x266: {  	v7 =	vor.u32 $0xFFFFCDD0, v3;
	v10 =	vor.u32 v12, v10;
	v12 =	vadd.s32 $0x8, v8  }
0x267: {  	v23 =	vor.u32 v2, v10;
	v10 =	vadd.s32 $0x2, v8;
	v8 =	vadd.s32 $0x80, v8  }
0x268: {  	v39 =	vld.idx.msk [tilespmem:v9+s14+$0x0], $0xffff;
	v40 =	vand.u32 $0x7F, v10;
	v41 =	vshll.u32 v10, $0x3;
	v10 =	vand.u32 $0x1FF, v12  }
0x269: {  	vm1 =	vgt.s32 v22, $0x64;
	vm2 =	vgt.s32 v11, $0x64;
	v12 =	vand.u32 $0xC00, v41  }
0x26a: {  	v42 =	vand.u32 $0x7F, v10;
	v43 =	vshll.u32 v10, $0x3;
	v44 =	vshll.u32 v11, $0x7  }
0x26b: {  	v45 =	vadd.s32 $0x1, v10;
	v11 =	vand.u32 $0x1FF, v8;
	v8 =	vadd.s32 $0x3, v10  }
0x26c: {  	[tilespmem:v21+s16+$0x0] =	vst.idx.add.s32.msk vm6, v1;
	v21 =	vshll.u32 v22, $0x7;
	v52 =	vadd.s32 $0x6, v10;
	v33 =	vadd.s32 $0x7, v10  }
0x26d: {  	v41 =	vshll.u32 v38, $0x9;
	[tilespmem:v13+s16+$0x0] =	vst.idx.add.s32.msk vm0, v1;
	vm0 =	vgt.s32 v39, $0x64;
	v24 =	vor.u32 v12, v40  }
0x26e: {  	v12 =	vand.u32 $0x7F, v45;
	v22 =	vand.u32 $0xC00, v43;
	v14 =	vadd.s32 $0x30, v11  }
0x26f: {  	v46 =	vadd.s32 $0x40, v11;
	v49 =	vshll.u32 v8, $0x3;
	v21 =	vadd.s32 v7, v21  }
0x270: {  	v50 =	vadd.s32 $0x10, v11;
	[tilespmem:v15+s16+$0x0] =	vst.idx.add.s32.msk vm7, v1;
	v15 =	vadd.s32 $0x5, v10;
	v51 =	vadd.s32 $0x20, v11  }
0x271: {  	v34 =	vadd.s32 $0x50, v11;
	v27 =	vadd.s32 v7, v44;
	[tilespmem:v17+s16+$0x0] =	vst.idx.add.s32.msk vm5, v1;
	v17 =	vadd.s32 $0x60, v11  }
0x272: {  	v37 =	vadd.s32 $0x70, v11;
	v9 =	vshll.u32 v33, $0x3;
	v33 =	vand.u32 $0x7F, v33  }
0x273: {  	v36 =	vld [tilespmem:s26+$0x2000];
	v40 =	vshll.u32 v52, $0x3;
	v53 =	vand.u32 $0x7F, v8;
	v28 =	vshll.u32 v45, $0x3  }
0x274: {  	v32 =	vand.u32 $0x7F, v52;
	v22 =	vor.u32 v22, v42;
	v14 =	vand.u32 $0x1FF, v14  }
0x275: {  	v55 =	vld [tilespmem:s26+$0x2040];
	v47 =	vand.u32 $0x1FF, v46;
	v24 =	vor.u32 v2, v24;
	v35 =	vand.u32 $0x7F, v15  }
0x276: {  	v56 =	vld [tilespmem:s26+$0x2020];
	v31 =	vand.u32 $0x1FF, v51;
	v15 =	vshll.u32 v15, $0x3;
	v30 =	vand.u32 $0x1FF, v50  }
0x277: {  	v16 =	vld.idx.msk [tilespmem:v16+s14+$0x0], $0xffff;
	v17 =	vand.u32 $0x1FF, v17;
	v37 =	vand.u32 $0x1FF, v37;
	v34 =	vand.u32 $0x1FF, v34  }
0x278: {  	[tilespmem:v18+s16+$0x0] =	vst.idx.add.s32.msk vm4, v1;
	v9 =	vand.u32 $0xC00, v9;
	vm4 =	vgt.s32 v36, $0x64;
	v36 =	vshll.u32 v36, $0x9  }
0x279: {  	v19 =	vld.idx.msk [tilespmem:v19+s14+$0x0], $0xffff;
	v40 =	vand.u32 $0xC00, v40;
	v29 =	vand.u32 $0xC00, v49;
	v22 =	vor.u32 v2, v22  }
0x27a: {  	v20 =	vld.idx.msk [tilespmem:v20+s14+$0x0], $0xffff;
	v9 =	vor.u32 v9, v33;
	v13 =	vor.u32 v34, v41;
	v36 =	vadd.s32 v11, v36  }
0x27b: {  	v15 =	vand.u32 $0xC00, v15;
	v29 =	vor.u32 v29, v53;
	v23 =	vld.idx.msk [tilespmem:v23+s14+$0x0], $0xffff;
	v60 =	vor.u32 v40, v32  }
0x27c: {  	v11 =	vadd.s32 $0x80, v11;
	v8 =	vor.u32 v2, v9;
	v9 =	vld [tilespmem:s26+$0x2030];
	v13 =	vadd.s32 $0xFFFF3600, v13  }
0x27d: {  	v36 =	vadd.s32 $0xFFFF3600, v36;
	v15 =	vor.u32 v15, v35;
	vm5 =	vgt.s32 v16, $0x64;
	[tilespmem:v21+s17+$0x0] =	vst.idx.add.s32.msk vm1, v1  }
0x27e: {  	v16 =	vshll.u32 v16, $0x7;
	vm6 =	vgt.s32 v19, $0x64;
	v18 =	vshll.u32 v19, $0x7;
	v19 =	vld [tilespmem:s26+$0x2070]  }
0x27f: {  	v16 =	vadd.s32 v7, v16;
	v21 =	vor.u32 v2, v29;
	vm1 =	vgt.s32 v55, $0x64;
	v24 =	vld.idx.msk [tilespmem:v24+s14+$0x0], $0xffff  }
0x280: {  	v54 =	vshll.u32 v20, $0x7;
	vm7 =	vgt.s32 v20, $0x64;
	v20 =	vshll.u32 v56, $0x9  }
0x281: {  	v18 =	vadd.s32 v7, v18;
	vm9 =	vgt.s32 v9, $0x64;
	v9 =	vshll.u32 v9, $0x9  }
0x282: {  	vm11 =	vgt.s32 v23, $0x64;
	v9 =	vor.u32 v14, v9;
	v14 =	vshll.u32 v55, $0x9  }
0x283: {  	[tilespmem:v27+s17+$0x0] =	vst.idx.add.s32.msk vm2, v1;
	v63 =	vadd.s32 v7, v54;
	v42 =	vadd.s32 $0xFFFF3600, v9;
	v9 =	vor.u32 v47, v14  }
0x284: {  	[tilespmem:v13+s16+$0x0] =	vst.idx.add.s32.msk vm10, v1;
	v14 =	vshll.u32 v48, $0x9;
	v58 =	vshll.u32 v24, $0x7;
	vm2 =	vgt.s32 v19, $0x64  }
0x285: {  	[tilespmem:v36+s16+$0x0] =	vst.idx.add.s32.msk vm4, v1;
	v14 =	vor.u32 v30, v14;
	v13 =	vshll.u32 v19, $0x9;
	v19 =	vshll.u32 v23, $0x7  }
0x286: {  	v23 =	vand.u32 $0xC00, v28;
	vm4 =	vgt.s32 v24, $0x64;
	[tilespmem:v18+s17+$0x0] =	vst.idx.add.s32.msk vm6, v1;
	v18 =	vor.u32 v17, v59  }
0x287: {  	[tilespmem:v16+s17+$0x0] =	vst.idx.add.s32.msk vm5, v1;
	vm6 =	vgt.s32 v56, $0x64;
	v19 =	vadd.s32 v7, v19;
	v13 =	vor.u32 v37, v13  }
0x288: {  	v16 =	vadd.s32 $0xFFFF3600, v14;
	v14 =	vld.idx.msk [tilespmem:v22+s14+$0x0], $0xffff;
	v22 =	vor.u32 v2, v15;
	v15 =	vadd.s32 $0x4, v10  }
0x289: {  	v12 =	vor.u32 v23, v12;
	[tilespmem:v63+s17+$0x0] =	vst.idx.add.s32.msk vm7, v1;
	v17 =	vadd.s32 $0xFFFF3600, v13;
	v13 =	vor.u32 v31, v20  }
0x28a: {  	v61 =	vadd.s32 $0xFFFF3600, v18;
	v20 =	vshll.u32 v15, $0x3;
	v62 =	vadd.s32 $0xFFFF3600, v13;
	[tilespmem:v42+s16+$0x0] =	vst.idx.add.s32.msk vm9, v1  }
0x28b: {  	v13 =	vld.idx.msk [tilespmem:v21+s14+$0x0], $0xffff;
	v21 =	vand.u32 $0x7F, v15;
	v15 =	vor.u32 v2, v12;
	v12 =	vshll.u32 v39, $0x7  }
0x28c: {  	v18 =	vadd.s32 v7, v58;
	v20 =	vand.u32 $0xC00, v20;
	[tilespmem:v19+s17+$0x0] =	vst.idx.add.s32.msk vm11, v1;
	v19 =	vadd.s32 v7, v12  }
0x28d: {  	v9 =	vadd.s32 $0xFFFF3600, v9;
	[tilespmem:v16+s16+$0x0] =	vst.idx.add.s32.msk vm3, v1;
	v16 =	vor.u32 v20, v21;
	v20 =	vor.u32 v2, v60  }
0x28e: {  	v12 =	vld.idx.msk [tilespmem:v22+s14+$0x0], $0xffff;
	vm5 =	vgt.s32 v14, $0x64;
	v22 =	vadd.s32 $0x2, v10;
	v10 =	vadd.s32 $0x8, v10  }
0x28f: {  	s28 =	simm.s32 $0x40;
	v16 =	vor.u32 v2, v16;
	v21 =	vand.u32 $0x7F, v22;
	v22 =	vshll.u32 v22, $0x3;
	[tilespmem:v61+s16+$0x0] =	vst.idx.add.s32.msk vm8, v1  }
0x290: {  	s29 =	simm.s32 $0x800;
	s30 =	simm.s32 $0x100;
	s26 =	simm.s32 $0x8;
	v10 =	vand.u32 $0x1FF, v10;
	[tilespmem:v62+s16+$0x0] =	vst.idx.add.s32.msk vm6, v1;
	v22 =	vand.u32 $0xC00, v22;
	vm3 =	vgt.s32 v13, $0x64  }
.LBB2_16:
0x291: {  	s0 =	sand.u32 $0x1000, s30;
	s1 =	sand.u32 $0xC00, s29;
	v23 =	vand.u32 $0x7F, v10;
	v24 =	vshll.u32 v10, $0x3;
	s26 =	sadd.s32 $0x8, s26;
	v25 =	vshll.u32 v13, $0x7;
	[tilespmem:v19+s17+$0x0] =	vst.idx.add.s32.msk vm0, v1  }
0x292: {  	s31 =	sand.u32 $0x380, s28;
	v19 =	vadd.s32 $0x1, v10;
	v21 =	vor.u32 v22, v21;
	v11 =	vand.u32 $0x1FF, v11;
	s0 =	sor.u32 s1, s0;
	p0 =	slt.u32 s26, $0x1F8;
	[tilespmem:v18+s17+$0x0] =	vst.idx.add.s32.msk vm4, v1  }
0x293: {  	v14 =	vshll.u32 v14, $0x7;
	v13 =	vand.u32 $0x7F, v19;
	v18 =	vadd.s32 $0x3, v10;
	s31 =	sor.u32 s31, s0;
	v20 =	vld.idx.msk [tilespmem:v20+s14+$0x0], $0xffff  }
0x294: {  	v22 =	vand.u32 $0xC00, v24;
	v24 =	vadd.s32 $0x30, v11;
	v26 =	vadd.s32 $0x40, v11;
	[tilespmem:v17+s16+$0x0] =	vst.idx.add.s32.msk vm2, v1  }
0x295: {  	v17 =	vor.u32 v22, v23;
	v22 =	vand.u32 $0x1FF, v24;
	v23 =	vand.u32 $0x1FF, v26;
	v24 =	vld.idx.msk [tilespmem:v8+s14+$0x0], $0xffff  }
0x296: {  	v27 =	vshll.u32 v18, $0x3;
	v17 =	vor.u32 v2, v17;
	v8 =	vadd.s32 v7, v14;
	v26 =	vld [tilespmem:s31+$0x2010]  }
0x297: {  	v28 =	vadd.s32 $0x5, v10;
	v21 =	vor.u32 v2, v21;
	v14 =	vadd.s32 $0x10, v11;
	v29 =	vld [tilespmem:s31+$0x2070]  }
0x298: {  	v31 =	vadd.s32 $0x6, v10;
	v33 =	vadd.s32 $0x7, v10;
	v30 =	vadd.s32 $0x20, v11;
	v32 =	vld [tilespmem:s31+$0x2060]  }
0x299: {  	v34 =	vadd.s32 $0x50, v11;
	v35 =	vand.u32 $0x7F, v28;
	v25 =	vadd.s32 v7, v25;
	[tilespmem:v9+s16+$0x0] =	vst.idx.add.s32.msk vm1, v1  }
0x29a: {  	v36 =	vadd.s32 $0x60, v11;
	v37 =	vadd.s32 $0x70, v11;
	v30 =	vand.u32 $0x1FF, v30;
	v9 =	vld [tilespmem:s31+$0x2000]  }
0x29b: {  	v28 =	vshll.u32 v28, $0x3;
	vm1 =	vgt.s32 v12, $0x64;
	vm6 =	vgt.s32 v26, $0x64;
	v38 =	vld [tilespmem:s31+$0x2050]  }
0x29c: {  	v36 =	vand.u32 $0x1FF, v36;
	v37 =	vand.u32 $0x1FF, v37;
	v39 =	vand.u32 $0x1FF, v14;
	v40 =	vld.idx.msk [tilespmem:v15+s14+$0x0], $0xffff  }
0x29d: {  	v14 =	vand.u32 $0x1FF, v34;
	vm2 =	vgt.s32 v20, $0x64;
	v15 =	vshll.u32 v33, $0x3;
	v21 =	vld.idx.msk [tilespmem:v21+s14+$0x0], $0xffff  }
0x29e: {  	v20 =	vshll.u32 v20, $0x7;
	v33 =	vand.u32 $0x7F, v33;
	v15 =	vand.u32 $0xC00, v15;
	[tilespmem:v8+s17+$0x0] =	vst.idx.add.s32.msk vm5, v1  }
0x29f: {  	v34 =	vshll.u32 v31, $0x3;
	v8 =	vor.u32 v15, v33;
	vm4 =	vgt.s32 v9, $0x64;
	v15 =	vld.idx.msk [tilespmem:v16+s14+$0x0], $0xffff  }
0x2a0: {  	v16 =	vand.u32 $0x7F, v18;
	v8 =	vor.u32 v2, v8;
	v18 =	vld [tilespmem:s31+$0x2040];
	v33 =	vshll.u32 v38, $0x9  }
0x2a1: {  	vm5 =	vgt.s32 v38, $0x64;
	v41 =	vld [tilespmem:s31+$0x2030];
	v14 =	vor.u32 v14, v33;
	v33 =	vshll.u32 v24, $0x7  }
0x2a2: {  	v34 =	vand.u32 $0xC00, v34;
	v9 =	vshll.u32 v9, $0x9;
	vm0 =	vgt.s32 v40, $0x64;
	[tilespmem:v25+s17+$0x0] =	vst.idx.add.s32.msk vm3, v1  }
0x2a3: {  	v19 =	vshll.u32 v19, $0x3;
	v12 =	vshll.u32 v12, $0x7;
	v14 =	vadd.s32 $0xFFFF3600, v14  }
0x2a4: {  	v20 =	vadd.s32 v7, v20;
	v9 =	vadd.s32 v11, v9;
	v25 =	vand.u32 $0xC00, v28  }
0x2a5: {  	v28 =	vadd.s32 $0xFFFF3600, v9;
	v9 =	vand.u32 $0xC00, v27;
	v27 =	vand.u32 $0x7F, v31;
	v38 =	vld [tilespmem:s31+$0x2020]  }
0x2a6: {  	v16 =	vor.u32 v9, v16;
	v9 =	vshll.u32 v18, $0x9;
	v31 =	vshll.u32 v41, $0x9  }
0x2a7: {  	v12 =	vadd.s32 v7, v12;
	vm3 =	vgt.s32 v41, $0x64;
	v22 =	vor.u32 v22, v31  }
0x2a8: {  	v9 =	vor.u32 v23, v9;
	v23 =	vshll.u32 v21, $0x7;
	v22 =	vadd.s32 $0xFFFF3600, v22;
	[tilespmem:v14+s16+$0x0] =	vst.idx.add.s32.msk vm5, v1  }
0x2a9: {  	vm7 =	vgt.s32 v24, $0x64;
	v26 =	vshll.u32 v26, $0x9;
	v9 =	vadd.s32 $0xFFFF3600, v9;
	[tilespmem:v20+s17+$0x0] =	vst.idx.add.s32.msk vm2, v1  }
0x2aa: {  	v24 =	vshll.u32 v32, $0x9;
	v16 =	vor.u32 v2, v16;
	[tilespmem:v28+s16+$0x0] =	vst.idx.add.s32.msk vm4, v1;
	v20 =	vshll.u32 v38, $0x9  }
0x2ab: {  	vm8 =	vgt.s32 v32, $0x64;
	vm5 =	vgt.s32 v15, $0x64;
	vm2 =	vgt.s32 v29, $0x64;
	v14 =	vld.idx.msk [tilespmem:v17+s14+$0x0], $0xffff  }
0x2ac: {  	v15 =	vshll.u32 v15, $0x7;
	v17 =	vor.u32 v39, v26;
	v26 =	vshll.u32 v29, $0x9;
	[tilespmem:v12+s17+$0x0] =	vst.idx.add.s32.msk vm1, v1  }
0x2ad: {  	v12 =	vand.u32 $0xC00, v19;
	v19 =	vor.u32 v36, v24;
	v24 =	vor.u32 v34, v27  }
0x2ae: {  	vm9 =	vgt.s32 v38, $0x64;
	vm4 =	vgt.s32 v21, $0x64;
	vm1 =	vgt.s32 v18, $0x64  }
0x2af: {  	v18 =	vor.u32 v25, v35;
	v21 =	vor.u32 v37, v26;
	v25 =	vadd.s32 v7, v15  }
0x2b0: {  	v26 =	vadd.s32 $0xFFFF3600, v17;
	v27 =	vor.u32 v2, v18;
	v17 =	vadd.s32 $0xFFFF3600, v21  }
0x2b1: {  	v15 =	vor.u32 v30, v20;
	v28 =	vadd.s32 $0xFFFF3600, v19;
	v18 =	vadd.s32 v7, v23;
	[tilespmem:v22+s16+$0x0] =	vst.idx.add.s32.msk vm3, v1  }
0x2b2: {  	v12 =	vor.u32 v12, v13;
	v21 =	vadd.s32 $0xFFFF3600, v15;
	v15 =	vadd.s32 $0x4, v10;
	v13 =	vld.idx.msk [tilespmem:v16+s14+$0x0], $0xffff  }
0x2b3: {  	v19 =	vshll.u32 v15, $0x3;
	v22 =	vadd.s32 v7, v33;
	v16 =	vand.u32 $0x7F, v15  }
0x2b4: {  	v15 =	vor.u32 v2, v12;
	v12 =	vand.u32 $0xC00, v19;
	v19 =	vshll.u32 v40, $0x7;
	[tilespmem:v25+s17+$0x0] =	vst.idx.add.s32.msk vm5, v1  }
.Ltmp7:
0x2b5: {  	v12 =	vor.u32 v12, v16;
	v19 =	vadd.s32 v7, v19;
	[tilespmem:v26+s16+$0x0] =	vst.idx.add.s32.msk vm6, v1;
	(pc) =	sbr.rel @p0 .LBB2_16-.Ltmp7, $4  }
0x2b6: {  	v20 =	vor.u32 v2, v24;
	v16 =	vor.u32 v2, v12;
	v12 =	vld.idx.msk [tilespmem:v27+s14+$0x0], $0xffff  }
0x2b7: {  	v23 =	vadd.s32 $0x2, v10;
	v10 =	vadd.s32 $0x8, v10;
	vm5 =	vgt.s32 v14, $0x64;
	[tilespmem:v21+s16+$0x0] =	vst.idx.add.s32.msk vm9, v1  }
0x2b8: {  	v21 =	vand.u32 $0x7F, v23;
	v23 =	vshll.u32 v23, $0x3;
	vm3 =	vgt.s32 v13, $0x64;
	[tilespmem:v22+s17+$0x0] =	vst.idx.add.s32.msk vm7, v1  }
0x2b9: {  	s28 =	sadd.s32 $0x20, s28;
	s29 =	sadd.s32 $0x400, s29;
	s30 =	sadd.s32 $0x80, s30;
	v11 =	vadd.s32 $0x80, v11;
	v10 =	vand.u32 $0x1FF, v10;
	v22 =	vand.u32 $0xC00, v23;
	[tilespmem:v28+s16+$0x0] =	vst.idx.add.s32.msk vm8, v1  }
0x2ba: {  	_ =	sdelay $0x4  }
0x2bb: {  	v10 =	vor.u32 v22, v21;
	[tilespmem:v17+s16+$0x0] =	vst.idx.add.s32.msk vm2, v1  }
0x2bc: {  	[tilespmem:v9+s16+$0x0] =	vst.idx.add.s32.msk vm1, v1;
	v10 =	vor.u32 v2, v10  }
0x2bd: {  	v9 =	vld.idx.msk [tilespmem:v16+s14+$0x0], $0xffff  }
0x2be: {  	v8 =	vld.idx.msk [tilespmem:v8+s14+$0x0], $0xffff  }
0x2bf: {  	v11 =	vld.idx.msk [tilespmem:v20+s14+$0x0], $0xffff;
	v14 =	vshll.u32 v14, $0x7  }
0x2c0: {  	v13 =	vshll.u32 v13, $0x7;
	v15 =	vld.idx.msk [tilespmem:v15+s14+$0x0], $0xffff;
	v14 =	vadd.s32 v7, v14  }
0x2c1: {  	v13 =	vadd.s32 v7, v13;
	vm2 =	vgt.s32 v12, $0x64;
	v12 =	vshll.u32 v12, $0x7;
	v10 =	vld.idx.msk [tilespmem:v10+s14+$0x0], $0xffff  }
0x2c2: {  	[tilespmem:v19+s17+$0x0] =	vst.idx.add.s32.msk vm0, v1;
	v12 =	vadd.s32 v7, v12;
	vm0 =	vgt.s32 v9, $0x64;
	v9 =	vshll.u32 v9, $0x7  }
0x2c3: {  	[tilespmem:v18+s17+$0x0] =	vst.idx.add.s32.msk vm4, v1;
	v16 =	vshll.u32 v8, $0x7;
	vm4 =	vgt.s32 v8, $0x64;
	v8 =	vadd.s32 v7, v9  }
0x2c4: {  	vm1 =	vgt.s32 v11, $0x64;
	v11 =	vshll.u32 v11, $0x7;
	v9 =	vadd.s32 v7, v16  }
0x2c5: {  	v11 =	vadd.s32 v7, v11;
	[tilespmem:v14+s17+$0x0] =	vst.idx.add.s32.msk vm5, v1;
	vm5 =	vgt.s32 v15, $0x64;
	v14 =	vshll.u32 v15, $0x7  }
0x2c6: {  	[tilespmem:v13+s17+$0x0] =	vst.idx.add.s32.msk vm3, v1;
	v13 =	vshll.u32 v10, $0x7;
	vm3 =	vgt.s32 v10, $0x64;
	v10 =	vadd.s32 v7, v14  }
0x2c7: {  	[tilespmem:v12+s17+$0x0] =	vst.idx.add.s32.msk vm2, v1;
	v7 =	vadd.s32 v7, v13  }
0x2c8: {  	[tilespmem:v8+s17+$0x0] =	vst.idx.add.s32.msk vm0, v1;
	v8 =	vlaneseq.u32  }
0x2c9: {  	[tilespmem:v9+s17+$0x0] =	vst.idx.add.s32.msk vm4, v1;
	v9 =	vadd.s32 $0x1, v8;
	v12 =	vadd.s32 $0x3, v8  }
0x2ca: {  	[tilespmem:v11+s17+$0x0] =	vst.idx.add.s32.msk vm1, v1;
	v13 =	vadd.s32 $0x30, v8;
	v14 =	vadd.s32 $0x40, v8;
	v16 =	vadd.s32 $0x10, v8  }
0x2cb: {  	v17 =	vadd.s32 $0x5, v8;
	v18 =	vadd.s32 $0x20, v8;
	v19 =	vadd.s32 $0x6, v8;
	[tilespmem:v10+s17+$0x0] =	vst.idx.add.s32.msk vm5, v1  }
0x2cc: {  	s0 =	simm.s32 $0x0;
	v20 =	vadd.s32 $0x7, v8;
	v21 =	vadd.s32 $0x50, v8;
	v24 =	vadd.s32 $0x60, v8;
	[tilespmem:v7+s17+$0x0] =	vst.idx.add.s32.msk vm3, v1  }
0x2cd: {  	v25 =	vadd.s32 $0x70, v8;
	v11 =	vand.u32 $0x7F, v9;
	v15 =	vshll.u32 v12, $0x3;
	[tilespmem:s14], [sflag:$0x2] =	stream.linear.gather [hbm4b:s10+s0], $0x2000, $0x38;
	[tilespmem:$0xBE00] =	vst v63  }
0x2ce: {  	s1 =	sand.u32 $0x1000, s0;
	s26 =	sand.u32 $0xC00, s0;
	v22 =	vand.u32 $0x7F, v17;
	v18 =	vand.u32 $0x1FF, v18;
	v17 =	vshll.u32 v17, $0x3;
	_ =	swait.ge [sflag:s15], $0x2000  }
0x2cf: {  	s1 =	sor.u32 s26, s1;
	v16 =	vand.u32 $0x1FF, v16;
	v24 =	vand.u32 $0x1FF, v24;
	v10 =	vshll.u32 v8, $0x3;
	s0 =	sand.u32 $0x380, s0;
	[sflag:s15] =	ssyncset.done $0x0  }
0x2d0: {  	v25 =	vand.u32 $0x1FF, v25;
	v7 =	vand.u32 $0x7F, v8;
	v10 =	vand.u32 $0xC00, v10;
	s0 =	sor.u32 s0, s1;
	[sflag:s15] =	ssyncadd.s32 $0xFFFFE000  }
0x2d1: {  	v7 =	vor.u32 v10, v7;
	v10 =	vand.u32 $0x1FF, v13;
	v13 =	vand.u32 $0x1FF, v14;
	v14 =	vld [tilespmem:s0+$0x10]  }
0x2d2: {  	v27 =	vshll.u32 v20, $0x3;
	v21 =	vand.u32 $0x1FF, v21;
	v20 =	vand.u32 $0x7F, v20;
	v23 =	vld [tilespmem:s0+$0x0]  }
0x2d3: {  	v28 =	vshll.u32 v19, $0x3;
	v12 =	vand.u32 $0x7F, v12;
	v9 =	vshll.u32 v9, $0x3;
	v26 =	vld [tilespmem:s0+$0x50]  }
0x2d4: {  	v19 =	vand.u32 $0x7F, v19;
	v27 =	vand.u32 $0xC00, v27;
	v36 =	vand.u32 $0xC00, v28;
	v63 =	vld [tilespmem:s0+$0x30]  }
0x2d5: {  	v17 =	vand.u32 $0xC00, v17;
	v15 =	vand.u32 $0xC00, v15;
	v9 =	vand.u32 $0xC00, v9;
	v29 =	vld [tilespmem:s0+$0x40]  }
0x2d6: {  	v20 =	vor.u32 v27, v20;
	v12 =	vor.u32 v15, v12;
	v19 =	vor.u32 v36, v19;
	v37 =	vld [tilespmem:s0+$0x20]  }
0x2d7: {  	v17 =	vor.u32 v17, v22;
	v9 =	vor.u32 v9, v11;
	v20 =	vor.u32 v2, v20;
	v38 =	vld [tilespmem:s0+$0x60]  }
0x2d8: {  	s26 =	simm.s32 $0x80;
	v12 =	vor.u32 v2, v12;
	v9 =	vor.u32 v2, v9;
	v19 =	vor.u32 v2, v19;
	v31 =	vld [tilespmem:s0+$0x70];
	s0 =	simm.s32 $0x400  }
0x2d9: {  	s31 =	simm.s32 $0x20;
	s1 =	sand.u32 $0x1000, s26;
	s0 =	sand.u32 $0xC00, s0;
	vm3 =	vgt.s32 v14, $0x64;
	vm0 =	vgt.s32 v23, $0x64;
	v23 =	vshll.u32 v23, $0x9  }
0x2da: {  	s26 =	sand.u32 $0x380, s31;
	s0 =	sor.u32 s0, s1;
	v32 =	vshll.u32 v63, $0x9;
	vm1 =	vgt.s32 v63, $0x64;
	v23 =	vadd.s32 v8, v23  }
0x2db: {  	s26 =	sor.u32 s26, s0;
	v14 =	vshll.u32 v14, $0x9;
	v10 =	vor.u32 v10, v32;
	v23 =	vadd.s32 $0xFFFF3600, v23  }
0x2dc: {  	v7 =	vor.u32 v2, v7;
	v57 =	vld [tilespmem:s26+$0x60];
	v14 =	vor.u32 v16, v14;
	v10 =	vadd.s32 $0xFFFF3600, v10  }
0x2dd: {  	v39 =	vshll.u32 v38, $0x9;
	vm7 =	vgt.s32 v38, $0x64;
	v38 =	vld [tilespmem:s26+$0x50];
	v14 =	vadd.s32 $0xFFFF3600, v14  }
0x2de: {  	v48 =	vld [tilespmem:s26+$0x10];
	v30 =	vshll.u32 v26, $0x9;
	vm6 =	vgt.s32 v26, $0x64;
	v15 =	vshll.u32 v29, $0x9  }
0x2df: {  	vm5 =	vgt.s32 v31, $0x64;
	vm4 =	vgt.s32 v37, $0x64;
	v21 =	vor.u32 v21, v30  }
0x2e0: {  	v13 =	vor.u32 v13, v15;
	v15 =	vshll.u32 v37, $0x9;
	v16 =	vshll.u32 v31, $0x9;
	[tilespmem:v23+s16+$0x0] =	vst.idx.add.s32.msk vm0, v1  }
0x2e1: {  	v24 =	vor.u32 v24, v39;
	v21 =	vadd.s32 $0xFFFF3600, v21;
	v13 =	vadd.s32 $0xFFFF3600, v13;
	[tilespmem:v10+s16+$0x0] =	vst.idx.add.s32.msk vm1, v1  }
0x2e2: {  	v59 =	vshll.u32 v57, $0x9;
	vm8 =	vgt.s32 v57, $0x64;
	vm10 =	vgt.s32 v38, $0x64;
	[tilespmem:v14+s16+$0x0] =	vst.idx.add.s32.msk vm3, v1  }
0x2e3: {  	vm0 =	vgt.s32 v29, $0x64;
	v10 =	vadd.s32 $0x4, v8;
	vm3 =	vgt.s32 v48, $0x64;
	v22 =	vld.idx.msk [tilespmem:v7+s2+$0x0], $0xffff  }
0x2e4: {  	v7 =	vor.u32 v25, v16;
	v16 =	vor.u32 v2, v17;
	v11 =	vld.idx.msk [tilespmem:v12+s2+$0x0], $0xffff;
	v12 =	vshll.u32 v10, $0x3  }
0x2e5: {  	v10 =	vand.u32 $0x7F, v10;
	v17 =	vadd.s32 $0xFFFF3600, v7;
	v7 =	vor.u32 v18, v15  }
0x2e6: {  	v15 =	vadd.s32 $0xFFFF3600, v24;
	v12 =	vand.u32 $0xC00, v12;
	v18 =	vadd.s32 $0xFFFF3600, v7  }
0x2e7: {  	v7 =	vor.u32 $0xFFFFCDE0, v3;
	v10 =	vor.u32 v12, v10;
	v12 =	vadd.s32 $0x8, v8  }
0x2e8: {  	v23 =	vor.u32 v2, v10;
	v10 =	vadd.s32 $0x2, v8;
	v8 =	vadd.s32 $0x80, v8  }
0x2e9: {  	v39 =	vld.idx.msk [tilespmem:v9+s2+$0x0], $0xffff;
	v40 =	vand.u32 $0x7F, v10;
	v41 =	vshll.u32 v10, $0x3;
	v10 =	vand.u32 $0x1FF, v12  }
0x2ea: {  	vm1 =	vgt.s32 v22, $0x64;
	vm2 =	vgt.s32 v11, $0x64;
	v12 =	vand.u32 $0xC00, v41  }
0x2eb: {  	v42 =	vand.u32 $0x7F, v10;
	v43 =	vshll.u32 v10, $0x3;
	v44 =	vshll.u32 v11, $0x7  }
0x2ec: {  	v45 =	vadd.s32 $0x1, v10;
	v11 =	vand.u32 $0x1FF, v8;
	v8 =	vadd.s32 $0x3, v10  }
0x2ed: {  	[tilespmem:v21+s16+$0x0] =	vst.idx.add.s32.msk vm6, v1;
	v21 =	vshll.u32 v22, $0x7;
	v52 =	vadd.s32 $0x6, v10;
	v33 =	vadd.s32 $0x7, v10  }
0x2ee: {  	v41 =	vshll.u32 v38, $0x9;
	[tilespmem:v13+s16+$0x0] =	vst.idx.add.s32.msk vm0, v1;
	vm0 =	vgt.s32 v39, $0x64;
	v24 =	vor.u32 v12, v40  }
0x2ef: {  	v12 =	vand.u32 $0x7F, v45;
	v22 =	vand.u32 $0xC00, v43;
	v14 =	vadd.s32 $0x30, v11  }
0x2f0: {  	v46 =	vadd.s32 $0x40, v11;
	v49 =	vshll.u32 v8, $0x3;
	v21 =	vadd.s32 v7, v21  }
0x2f1: {  	v50 =	vadd.s32 $0x10, v11;
	[tilespmem:v15+s16+$0x0] =	vst.idx.add.s32.msk vm7, v1;
	v15 =	vadd.s32 $0x5, v10;
	v51 =	vadd.s32 $0x20, v11  }
0x2f2: {  	v34 =	vadd.s32 $0x50, v11;
	v27 =	vadd.s32 v7, v44;
	[tilespmem:v17+s16+$0x0] =	vst.idx.add.s32.msk vm5, v1;
	v17 =	vadd.s32 $0x60, v11  }
0x2f3: {  	v37 =	vadd.s32 $0x70, v11;
	v9 =	vshll.u32 v33, $0x3;
	v33 =	vand.u32 $0x7F, v33  }
0x2f4: {  	v36 =	vld [tilespmem:s26+$0x0];
	v40 =	vshll.u32 v52, $0x3;
	v53 =	vand.u32 $0x7F, v8;
	v28 =	vshll.u32 v45, $0x3  }
0x2f5: {  	v32 =	vand.u32 $0x7F, v52;
	v22 =	vor.u32 v22, v42;
	v14 =	vand.u32 $0x1FF, v14  }
0x2f6: {  	v55 =	vld [tilespmem:s26+$0x40];
	v47 =	vand.u32 $0x1FF, v46;
	v24 =	vor.u32 v2, v24;
	v35 =	vand.u32 $0x7F, v15  }
0x2f7: {  	v56 =	vld [tilespmem:s26+$0x20];
	v31 =	vand.u32 $0x1FF, v51;
	v15 =	vshll.u32 v15, $0x3;
	v30 =	vand.u32 $0x1FF, v50  }
0x2f8: {  	v16 =	vld.idx.msk [tilespmem:v16+s2+$0x0], $0xffff;
	v17 =	vand.u32 $0x1FF, v17;
	v37 =	vand.u32 $0x1FF, v37;
	v34 =	vand.u32 $0x1FF, v34  }
0x2f9: {  	[tilespmem:v18+s16+$0x0] =	vst.idx.add.s32.msk vm4, v1;
	v9 =	vand.u32 $0xC00, v9;
	vm4 =	vgt.s32 v36, $0x64;
	v36 =	vshll.u32 v36, $0x9  }
0x2fa: {  	v19 =	vld.idx.msk [tilespmem:v19+s2+$0x0], $0xffff;
	v40 =	vand.u32 $0xC00, v40;
	v29 =	vand.u32 $0xC00, v49;
	v22 =	vor.u32 v2, v22  }
0x2fb: {  	v20 =	vld.idx.msk [tilespmem:v20+s2+$0x0], $0xffff;
	v9 =	vor.u32 v9, v33;
	v13 =	vor.u32 v34, v41;
	v36 =	vadd.s32 v11, v36  }
0x2fc: {  	v15 =	vand.u32 $0xC00, v15;
	v29 =	vor.u32 v29, v53;
	v23 =	vld.idx.msk [tilespmem:v23+s2+$0x0], $0xffff;
	v60 =	vor.u32 v40, v32  }
0x2fd: {  	v11 =	vadd.s32 $0x80, v11;
	v8 =	vor.u32 v2, v9;
	v9 =	vld [tilespmem:s26+$0x30];
	v13 =	vadd.s32 $0xFFFF3600, v13  }
0x2fe: {  	v36 =	vadd.s32 $0xFFFF3600, v36;
	v15 =	vor.u32 v15, v35;
	vm5 =	vgt.s32 v16, $0x64;
	[tilespmem:v21+s17+$0x0] =	vst.idx.add.s32.msk vm1, v1  }
0x2ff: {  	v16 =	vshll.u32 v16, $0x7;
	vm6 =	vgt.s32 v19, $0x64;
	v18 =	vshll.u32 v19, $0x7;
	v19 =	vld [tilespmem:s26+$0x70]  }
0x300: {  	v16 =	vadd.s32 v7, v16;
	v21 =	vor.u32 v2, v29;
	vm1 =	vgt.s32 v55, $0x64;
	v24 =	vld.idx.msk [tilespmem:v24+s2+$0x0], $0xffff  }
0x301: {  	v54 =	vshll.u32 v20, $0x7;
	vm7 =	vgt.s32 v20, $0x64;
	v20 =	vshll.u32 v56, $0x9  }
0x302: {  	v18 =	vadd.s32 v7, v18;
	vm9 =	vgt.s32 v9, $0x64;
	v9 =	vshll.u32 v9, $0x9  }
0x303: {  	vm11 =	vgt.s32 v23, $0x64;
	v9 =	vor.u32 v14, v9;
	v14 =	vshll.u32 v55, $0x9  }
0x304: {  	[tilespmem:v27+s17+$0x0] =	vst.idx.add.s32.msk vm2, v1;
	v63 =	vadd.s32 v7, v54;
	v42 =	vadd.s32 $0xFFFF3600, v9;
	v9 =	vor.u32 v47, v14  }
0x305: {  	[tilespmem:v13+s16+$0x0] =	vst.idx.add.s32.msk vm10, v1;
	v14 =	vshll.u32 v48, $0x9;
	v58 =	vshll.u32 v24, $0x7;
	vm2 =	vgt.s32 v19, $0x64  }
0x306: {  	[tilespmem:v36+s16+$0x0] =	vst.idx.add.s32.msk vm4, v1;
	v14 =	vor.u32 v30, v14;
	v13 =	vshll.u32 v19, $0x9;
	v19 =	vshll.u32 v23, $0x7  }
0x307: {  	v23 =	vand.u32 $0xC00, v28;
	vm4 =	vgt.s32 v24, $0x64;
	[tilespmem:v18+s17+$0x0] =	vst.idx.add.s32.msk vm6, v1;
	v18 =	vor.u32 v17, v59  }
0x308: {  	[tilespmem:v16+s17+$0x0] =	vst.idx.add.s32.msk vm5, v1;
	vm6 =	vgt.s32 v56, $0x64;
	v19 =	vadd.s32 v7, v19;
	v13 =	vor.u32 v37, v13  }
0x309: {  	v16 =	vadd.s32 $0xFFFF3600, v14;
	v14 =	vld.idx.msk [tilespmem:v22+s2+$0x0], $0xffff;
	v22 =	vor.u32 v2, v15;
	v15 =	vadd.s32 $0x4, v10  }
0x30a: {  	v12 =	vor.u32 v23, v12;
	[tilespmem:v63+s17+$0x0] =	vst.idx.add.s32.msk vm7, v1;
	v17 =	vadd.s32 $0xFFFF3600, v13;
	v13 =	vor.u32 v31, v20  }
0x30b: {  	v61 =	vadd.s32 $0xFFFF3600, v18;
	v20 =	vshll.u32 v15, $0x3;
	v62 =	vadd.s32 $0xFFFF3600, v13;
	[tilespmem:v42+s16+$0x0] =	vst.idx.add.s32.msk vm9, v1  }
0x30c: {  	v13 =	vld.idx.msk [tilespmem:v21+s2+$0x0], $0xffff;
	v21 =	vand.u32 $0x7F, v15;
	v15 =	vor.u32 v2, v12;
	v12 =	vshll.u32 v39, $0x7  }
0x30d: {  	v18 =	vadd.s32 v7, v58;
	v20 =	vand.u32 $0xC00, v20;
	[tilespmem:v19+s17+$0x0] =	vst.idx.add.s32.msk vm11, v1;
	v19 =	vadd.s32 v7, v12  }
0x30e: {  	v9 =	vadd.s32 $0xFFFF3600, v9;
	[tilespmem:v16+s16+$0x0] =	vst.idx.add.s32.msk vm3, v1;
	v16 =	vor.u32 v20, v21;
	v20 =	vor.u32 v2, v60  }
0x30f: {  	v12 =	vld.idx.msk [tilespmem:v22+s2+$0x0], $0xffff;
	vm5 =	vgt.s32 v14, $0x64;
	v22 =	vadd.s32 $0x2, v10;
	v10 =	vadd.s32 $0x8, v10  }
0x310: {  	s28 =	simm.s32 $0x40;
	v16 =	vor.u32 v2, v16;
	v21 =	vand.u32 $0x7F, v22;
	v22 =	vshll.u32 v22, $0x3;
	[tilespmem:v61+s16+$0x0] =	vst.idx.add.s32.msk vm8, v1  }
0x311: {  	s29 =	simm.s32 $0x800;
	s30 =	simm.s32 $0x100;
	s26 =	simm.s32 $0x8;
	v10 =	vand.u32 $0x1FF, v10;
	[tilespmem:v62+s16+$0x0] =	vst.idx.add.s32.msk vm6, v1;
	v22 =	vand.u32 $0xC00, v22;
	vm3 =	vgt.s32 v13, $0x64  }
.LBB2_18:
0x312: {  	s0 =	sand.u32 $0x1000, s30;
	s1 =	sand.u32 $0xC00, s29;
	v23 =	vand.u32 $0x7F, v10;
	v24 =	vshll.u32 v10, $0x3;
	s26 =	sadd.s32 $0x8, s26;
	v25 =	vshll.u32 v13, $0x7;
	[tilespmem:v19+s17+$0x0] =	vst.idx.add.s32.msk vm0, v1  }
0x313: {  	s31 =	sand.u32 $0x380, s28;
	v19 =	vadd.s32 $0x1, v10;
	v21 =	vor.u32 v22, v21;
	v11 =	vand.u32 $0x1FF, v11;
	s0 =	sor.u32 s1, s0;
	p0 =	slt.u32 s26, $0x1F8;
	[tilespmem:v18+s17+$0x0] =	vst.idx.add.s32.msk vm4, v1  }
0x314: {  	v14 =	vshll.u32 v14, $0x7;
	v13 =	vand.u32 $0x7F, v19;
	v18 =	vadd.s32 $0x3, v10;
	s31 =	sor.u32 s31, s0;
	v20 =	vld.idx.msk [tilespmem:v20+s2+$0x0], $0xffff  }
0x315: {  	v22 =	vand.u32 $0xC00, v24;
	v24 =	vadd.s32 $0x30, v11;
	v26 =	vadd.s32 $0x40, v11;
	[tilespmem:v17+s16+$0x0] =	vst.idx.add.s32.msk vm2, v1  }
0x316: {  	v17 =	vor.u32 v22, v23;
	v22 =	vand.u32 $0x1FF, v24;
	v23 =	vand.u32 $0x1FF, v26;
	v24 =	vld.idx.msk [tilespmem:v8+s2+$0x0], $0xffff  }
0x317: {  	v27 =	vshll.u32 v18, $0x3;
	v17 =	vor.u32 v2, v17;
	v8 =	vadd.s32 v7, v14;
	v26 =	vld [tilespmem:s31+$0x10]  }
0x318: {  	v28 =	vadd.s32 $0x5, v10;
	v21 =	vor.u32 v2, v21;
	v14 =	vadd.s32 $0x10, v11;
	v29 =	vld [tilespmem:s31+$0x70]  }
0x319: {  	v31 =	vadd.s32 $0x6, v10;
	v33 =	vadd.s32 $0x7, v10;
	v30 =	vadd.s32 $0x20, v11;
	v32 =	vld [tilespmem:s31+$0x60]  }
0x31a: {  	v34 =	vadd.s32 $0x50, v11;
	v35 =	vand.u32 $0x7F, v28;
	v25 =	vadd.s32 v7, v25;
	[tilespmem:v9+s16+$0x0] =	vst.idx.add.s32.msk vm1, v1  }
0x31b: {  	v36 =	vadd.s32 $0x60, v11;
	v37 =	vadd.s32 $0x70, v11;
	v30 =	vand.u32 $0x1FF, v30;
	v9 =	vld [tilespmem:s31+$0x0]  }
0x31c: {  	v28 =	vshll.u32 v28, $0x3;
	vm1 =	vgt.s32 v12, $0x64;
	vm6 =	vgt.s32 v26, $0x64;
	v38 =	vld [tilespmem:s31+$0x50]  }
0x31d: {  	v36 =	vand.u32 $0x1FF, v36;
	v37 =	vand.u32 $0x1FF, v37;
	v39 =	vand.u32 $0x1FF, v14;
	v40 =	vld.idx.msk [tilespmem:v15+s2+$0x0], $0xffff  }
0x31e: {  	v14 =	vand.u32 $0x1FF, v34;
	vm2 =	vgt.s32 v20, $0x64;
	v15 =	vshll.u32 v33, $0x3;
	v21 =	vld.idx.msk [tilespmem:v21+s2+$0x0], $0xffff  }
0x31f: {  	v20 =	vshll.u32 v20, $0x7;
	v33 =	vand.u32 $0x7F, v33;
	v15 =	vand.u32 $0xC00, v15;
	[tilespmem:v8+s17+$0x0] =	vst.idx.add.s32.msk vm5, v1  }
0x320: {  	v34 =	vshll.u32 v31, $0x3;
	v8 =	vor.u32 v15, v33;
	vm4 =	vgt.s32 v9, $0x64;
	v15 =	vld.idx.msk [tilespmem:v16+s2+$0x0], $0xffff  }
0x321: {  	v16 =	vand.u32 $0x7F, v18;
	v8 =	vor.u32 v2, v8;
	v18 =	vld [tilespmem:s31+$0x40];
	v33 =	vshll.u32 v38, $0x9  }
0x322: {  	vm5 =	vgt.s32 v38, $0x64;
	v41 =	vld [tilespmem:s31+$0x30];
	v14 =	vor.u32 v14, v33;
	v33 =	vshll.u32 v24, $0x7  }
0x323: {  	v34 =	vand.u32 $0xC00, v34;
	v9 =	vshll.u32 v9, $0x9;
	vm0 =	vgt.s32 v40, $0x64;
	[tilespmem:v25+s17+$0x0] =	vst.idx.add.s32.msk vm3, v1  }
0x324: {  	v19 =	vshll.u32 v19, $0x3;
	v12 =	vshll.u32 v12, $0x7;
	v14 =	vadd.s32 $0xFFFF3600, v14  }
0x325: {  	v20 =	vadd.s32 v7, v20;
	v9 =	vadd.s32 v11, v9;
	v25 =	vand.u32 $0xC00, v28  }
0x326: {  	v28 =	vadd.s32 $0xFFFF3600, v9;
	v9 =	vand.u32 $0xC00, v27;
	v27 =	vand.u32 $0x7F, v31;
	v38 =	vld [tilespmem:s31+$0x20]  }
0x327: {  	v16 =	vor.u32 v9, v16;
	v9 =	vshll.u32 v18, $0x9;
	v31 =	vshll.u32 v41, $0x9  }
0x328: {  	v12 =	vadd.s32 v7, v12;
	vm3 =	vgt.s32 v41, $0x64;
	v22 =	vor.u32 v22, v31  }
0x329: {  	v9 =	vor.u32 v23, v9;
	v23 =	vshll.u32 v21, $0x7;
	v22 =	vadd.s32 $0xFFFF3600, v22;
	[tilespmem:v14+s16+$0x0] =	vst.idx.add.s32.msk vm5, v1  }
0x32a: {  	vm7 =	vgt.s32 v24, $0x64;
	v26 =	vshll.u32 v26, $0x9;
	v9 =	vadd.s32 $0xFFFF3600, v9;
	[tilespmem:v20+s17+$0x0] =	vst.idx.add.s32.msk vm2, v1  }
0x32b: {  	v24 =	vshll.u32 v32, $0x9;
	v16 =	vor.u32 v2, v16;
	[tilespmem:v28+s16+$0x0] =	vst.idx.add.s32.msk vm4, v1;
	v20 =	vshll.u32 v38, $0x9  }
0x32c: {  	vm8 =	vgt.s32 v32, $0x64;
	vm5 =	vgt.s32 v15, $0x64;
	vm2 =	vgt.s32 v29, $0x64;
	v14 =	vld.idx.msk [tilespmem:v17+s2+$0x0], $0xffff  }
0x32d: {  	v15 =	vshll.u32 v15, $0x7;
	v17 =	vor.u32 v39, v26;
	v26 =	vshll.u32 v29, $0x9;
	[tilespmem:v12+s17+$0x0] =	vst.idx.add.s32.msk vm1, v1  }
0x32e: {  	v12 =	vand.u32 $0xC00, v19;
	v19 =	vor.u32 v36, v24;
	v24 =	vor.u32 v34, v27  }
0x32f: {  	vm9 =	vgt.s32 v38, $0x64;
	vm4 =	vgt.s32 v21, $0x64;
	vm1 =	vgt.s32 v18, $0x64  }
0x330: {  	v18 =	vor.u32 v25, v35;
	v21 =	vor.u32 v37, v26;
	v25 =	vadd.s32 v7, v15  }
0x331: {  	v26 =	vadd.s32 $0xFFFF3600, v17;
	v27 =	vor.u32 v2, v18;
	v17 =	vadd.s32 $0xFFFF3600, v21  }
0x332: {  	v15 =	vor.u32 v30, v20;
	v28 =	vadd.s32 $0xFFFF3600, v19;
	v18 =	vadd.s32 v7, v23;
	[tilespmem:v22+s16+$0x0] =	vst.idx.add.s32.msk vm3, v1  }
0x333: {  	v12 =	vor.u32 v12, v13;
	v21 =	vadd.s32 $0xFFFF3600, v15;
	v15 =	vadd.s32 $0x4, v10;
	v13 =	vld.idx.msk [tilespmem:v16+s2+$0x0], $0xffff  }
0x334: {  	v19 =	vshll.u32 v15, $0x3;
	v22 =	vadd.s32 v7, v33;
	v16 =	vand.u32 $0x7F, v15  }
0x335: {  	v15 =	vor.u32 v2, v12;
	v12 =	vand.u32 $0xC00, v19;
	v19 =	vshll.u32 v40, $0x7;
	[tilespmem:v25+s17+$0x0] =	vst.idx.add.s32.msk vm5, v1  }
.Ltmp8:
0x336: {  	v12 =	vor.u32 v12, v16;
	v19 =	vadd.s32 v7, v19;
	[tilespmem:v26+s16+$0x0] =	vst.idx.add.s32.msk vm6, v1;
	(pc) =	sbr.rel @p0 .LBB2_18-.Ltmp8, $4  }
0x337: {  	v20 =	vor.u32 v2, v24;
	v16 =	vor.u32 v2, v12;
	v12 =	vld.idx.msk [tilespmem:v27+s2+$0x0], $0xffff  }
0x338: {  	v23 =	vadd.s32 $0x2, v10;
	v10 =	vadd.s32 $0x8, v10;
	vm5 =	vgt.s32 v14, $0x64;
	[tilespmem:v21+s16+$0x0] =	vst.idx.add.s32.msk vm9, v1  }
0x339: {  	v21 =	vand.u32 $0x7F, v23;
	v23 =	vshll.u32 v23, $0x3;
	vm3 =	vgt.s32 v13, $0x64;
	[tilespmem:v22+s17+$0x0] =	vst.idx.add.s32.msk vm7, v1  }
0x33a: {  	s28 =	sadd.s32 $0x20, s28;
	s29 =	sadd.s32 $0x400, s29;
	s30 =	sadd.s32 $0x80, s30;
	v11 =	vadd.s32 $0x80, v11;
	v10 =	vand.u32 $0x1FF, v10;
	v22 =	vand.u32 $0xC00, v23;
	[tilespmem:v28+s16+$0x0] =	vst.idx.add.s32.msk vm8, v1  }
0x33b: {  	_ =	sdelay $0x4  }
0x33c: {  	[tilespmem:v17+s16+$0x0] =	vst.idx.add.s32.msk vm2, v1  }
0x33d: {  	v10 =	vor.u32 v22, v21;
	[tilespmem:v9+s16+$0x0] =	vst.idx.add.s32.msk vm1, v1  }
0x33e: {  	v10 =	vor.u32 v2, v10;
	v9 =	vld.idx.msk [tilespmem:v16+s2+$0x0], $0xffff  }
0x33f: {  	v8 =	vld.idx.msk [tilespmem:v8+s2+$0x0], $0xffff  }
0x340: {  	v11 =	vld.idx.msk [tilespmem:v20+s2+$0x0], $0xffff;
	v14 =	vshll.u32 v14, $0x7  }
0x341: {  	v13 =	vshll.u32 v13, $0x7;
	v15 =	vld.idx.msk [tilespmem:v15+s2+$0x0], $0xffff;
	v14 =	vadd.s32 v7, v14  }
0x342: {  	[tilespmem:v19+s17+$0x0] =	vst.idx.add.s32.msk vm0, v1;
	v13 =	vadd.s32 v7, v13;
	vm2 =	vgt.s32 v12, $0x64;
	v12 =	vshll.u32 v12, $0x7  }
0x343: {  	v12 =	vadd.s32 v7, v12;
	v10 =	vld.idx.msk [tilespmem:v10+s2+$0x0], $0xffff;
	vm0 =	vgt.s32 v9, $0x64;
	v9 =	vshll.u32 v9, $0x7  }
0x344: {  	[tilespmem:v18+s17+$0x0] =	vst.idx.add.s32.msk vm4, v1;
	v16 =	vshll.u32 v8, $0x7;
	vm4 =	vgt.s32 v8, $0x64;
	v8 =	vadd.s32 v7, v9  }
0x345: {  	v9 =	vadd.s32 v7, v16  }
0x346: {  	vm1 =	vgt.s32 v11, $0x64;
	v11 =	vshll.u32 v11, $0x7;
	[tilespmem:v14+s17+$0x0] =	vst.idx.add.s32.msk vm5, v1  }
0x347: {  	v11 =	vadd.s32 v7, v11;
	vm5 =	vgt.s32 v15, $0x64;
	v14 =	vshll.u32 v15, $0x7;
	[tilespmem:v13+s17+$0x0] =	vst.idx.add.s32.msk vm3, v1  }
0x348: {  	[tilespmem:v12+s17+$0x0] =	vst.idx.add.s32.msk vm2, v1;
	v13 =	vshll.u32 v10, $0x7;
	vm3 =	vgt.s32 v10, $0x64;
	v10 =	vadd.s32 v7, v14  }
0x349: {  	v7 =	vadd.s32 v7, v13;
	[tilespmem:v8+s17+$0x0] =	vst.idx.add.s32.msk vm0, v1;
	v8 =	vlaneseq.u32  }
0x34a: {  	[tilespmem:v9+s17+$0x0] =	vst.idx.add.s32.msk vm4, v1;
	v9 =	vadd.s32 $0x1, v8;
	v12 =	vadd.s32 $0x3, v8  }
0x34b: {  	v13 =	vadd.s32 $0x30, v8;
	v14 =	vadd.s32 $0x40, v8;
	v16 =	vadd.s32 $0x10, v8  }
0x34c: {  	[tilespmem:v11+s17+$0x0] =	vst.idx.add.s32.msk vm1, v1;
	v17 =	vadd.s32 $0x5, v8;
	v18 =	vadd.s32 $0x20, v8;
	v19 =	vadd.s32 $0x6, v8  }
0x34d: {  	v20 =	vadd.s32 $0x7, v8;
	v21 =	vadd.s32 $0x50, v8;
	v24 =	vadd.s32 $0x60, v8;
	[tilespmem:v10+s17+$0x0] =	vst.idx.add.s32.msk vm5, v1  }
0x34e: {  	s0 =	simm.s32 $0x0;
	v25 =	vadd.s32 $0x70, v8;
	v11 =	vand.u32 $0x7F, v9;
	v15 =	vshll.u32 v12, $0x3;
	[tilespmem:v7+s17+$0x0] =	vst.idx.add.s32.msk vm3, v1  }
0x34f: {  	s1 =	sand.u32 $0x1000, s0;
	s26 =	sand.u32 $0xC00, s0;
	v22 =	vand.u32 $0x7F, v17;
	v18 =	vand.u32 $0x1FF, v18;
	v17 =	vshll.u32 v17, $0x3;
	_ =	swait.ge [sflag:s18], $0x2000  }
0x350: {  	s0 =	sand.u32 $0x380, s0;
	s1 =	sor.u32 s26, s1;
	v16 =	vand.u32 $0x1FF, v16;
	v24 =	vand.u32 $0x1FF, v24;
	v10 =	vshll.u32 v8, $0x3;
	[sflag:s18] =	ssyncset.done $0x0  }
0x351: {  	s0 =	sor.u32 s0, s1;
	v25 =	vand.u32 $0x1FF, v25;
	v7 =	vand.u32 $0x7F, v8;
	v10 =	vand.u32 $0xC00, v10;
	[sflag:s18] =	ssyncadd.s32 $0xFFFFE000  }
0x352: {  	v7 =	vor.u32 v10, v7;
	v10 =	vand.u32 $0x1FF, v13;
	v13 =	vand.u32 $0x1FF, v14;
	v14 =	vld [tilespmem:s0+$0x2010]  }
0x353: {  	v27 =	vshll.u32 v20, $0x3;
	v21 =	vand.u32 $0x1FF, v21;
	v20 =	vand.u32 $0x7F, v20;
	v23 =	vld [tilespmem:s0+$0x2000]  }
0x354: {  	v28 =	vshll.u32 v19, $0x3;
	v12 =	vand.u32 $0x7F, v12;
	v9 =	vshll.u32 v9, $0x3;
	v26 =	vld [tilespmem:s0+$0x2050]  }
0x355: {  	v19 =	vand.u32 $0x7F, v19;
	v27 =	vand.u32 $0xC00, v27;
	v36 =	vand.u32 $0xC00, v28;
	v63 =	vld [tilespmem:s0+$0x2030]  }
0x356: {  	v17 =	vand.u32 $0xC00, v17;
	v15 =	vand.u32 $0xC00, v15;
	v9 =	vand.u32 $0xC00, v9;
	v29 =	vld [tilespmem:s0+$0x2040]  }
0x357: {  	v20 =	vor.u32 v27, v20;
	v12 =	vor.u32 v15, v12;
	v19 =	vor.u32 v36, v19;
	v37 =	vld [tilespmem:s0+$0x2020]  }
0x358: {  	v17 =	vor.u32 v17, v22;
	v9 =	vor.u32 v9, v11;
	v20 =	vor.u32 v2, v20;
	v38 =	vld [tilespmem:s0+$0x2060]  }
0x359: {  	s26 =	simm.s32 $0x80;
	v12 =	vor.u32 v2, v12;
	v9 =	vor.u32 v2, v9;
	v19 =	vor.u32 v2, v19;
	v31 =	vld [tilespmem:s0+$0x2070];
	s0 =	simm.s32 $0x400  }
0x35a: {  	s31 =	simm.s32 $0x20;
	s1 =	sand.u32 $0x1000, s26;
	s0 =	sand.u32 $0xC00, s0;
	vm3 =	vgt.s32 v14, $0x64;
	vm0 =	vgt.s32 v23, $0x64;
	v23 =	vshll.u32 v23, $0x9  }
0x35b: {  	s26 =	sand.u32 $0x380, s31;
	s0 =	sor.u32 s0, s1;
	v32 =	vshll.u32 v63, $0x9;
	vm1 =	vgt.s32 v63, $0x64;
	v23 =	vadd.s32 v8, v23  }
0x35c: {  	s26 =	sor.u32 s26, s0;
	v14 =	vshll.u32 v14, $0x9;
	v10 =	vor.u32 v10, v32;
	v23 =	vadd.s32 $0xFFFF3600, v23  }
0x35d: {  	v7 =	vor.u32 v2, v7;
	v57 =	vld [tilespmem:s26+$0x2060];
	v14 =	vor.u32 v16, v14;
	v10 =	vadd.s32 $0xFFFF3600, v10  }
0x35e: {  	v39 =	vshll.u32 v38, $0x9;
	vm7 =	vgt.s32 v38, $0x64;
	v38 =	vld [tilespmem:s26+$0x2050];
	v14 =	vadd.s32 $0xFFFF3600, v14  }
0x35f: {  	v48 =	vld [tilespmem:s26+$0x2010];
	v30 =	vshll.u32 v26, $0x9;
	vm6 =	vgt.s32 v26, $0x64;
	v15 =	vshll.u32 v29, $0x9  }
0x360: {  	vm5 =	vgt.s32 v31, $0x64;
	vm4 =	vgt.s32 v37, $0x64;
	v21 =	vor.u32 v21, v30  }
0x361: {  	v13 =	vor.u32 v13, v15;
	v15 =	vshll.u32 v37, $0x9;
	v16 =	vshll.u32 v31, $0x9;
	[tilespmem:v23+s16+$0x0] =	vst.idx.add.s32.msk vm0, v1  }
0x362: {  	v24 =	vor.u32 v24, v39;
	v21 =	vadd.s32 $0xFFFF3600, v21;
	v13 =	vadd.s32 $0xFFFF3600, v13;
	[tilespmem:v10+s16+$0x0] =	vst.idx.add.s32.msk vm1, v1  }
0x363: {  	v59 =	vshll.u32 v57, $0x9;
	vm8 =	vgt.s32 v57, $0x64;
	vm10 =	vgt.s32 v38, $0x64;
	[tilespmem:v14+s16+$0x0] =	vst.idx.add.s32.msk vm3, v1  }
0x364: {  	vm0 =	vgt.s32 v29, $0x64;
	v10 =	vadd.s32 $0x4, v8;
	vm3 =	vgt.s32 v48, $0x64;
	v22 =	vld.idx.msk [tilespmem:v7+s14+$0x0], $0xffff  }
0x365: {  	v7 =	vor.u32 v25, v16;
	v16 =	vor.u32 v2, v17;
	v11 =	vld.idx.msk [tilespmem:v12+s14+$0x0], $0xffff;
	v12 =	vshll.u32 v10, $0x3  }
0x366: {  	v10 =	vand.u32 $0x7F, v10;
	v17 =	vadd.s32 $0xFFFF3600, v7;
	v7 =	vor.u32 v18, v15  }
0x367: {  	v15 =	vadd.s32 $0xFFFF3600, v24;
	v12 =	vand.u32 $0xC00, v12;
	v18 =	vadd.s32 $0xFFFF3600, v7  }
0x368: {  	v7 =	vor.u32 $0xFFFFCDF0, v3;
	v10 =	vor.u32 v12, v10;
	v12 =	vadd.s32 $0x8, v8  }
0x369: {  	v23 =	vor.u32 v2, v10;
	v10 =	vadd.s32 $0x2, v8;
	v8 =	vadd.s32 $0x80, v8  }
0x36a: {  	v39 =	vld.idx.msk [tilespmem:v9+s14+$0x0], $0xffff;
	v40 =	vand.u32 $0x7F, v10;
	v41 =	vshll.u32 v10, $0x3;
	v10 =	vand.u32 $0x1FF, v12  }
0x36b: {  	vm1 =	vgt.s32 v22, $0x64;
	vm2 =	vgt.s32 v11, $0x64;
	v12 =	vand.u32 $0xC00, v41  }
0x36c: {  	v42 =	vand.u32 $0x7F, v10;
	v43 =	vshll.u32 v10, $0x3;
	v44 =	vshll.u32 v11, $0x7  }
0x36d: {  	v45 =	vadd.s32 $0x1, v10;
	v11 =	vand.u32 $0x1FF, v8;
	v8 =	vadd.s32 $0x3, v10  }
0x36e: {  	[tilespmem:v21+s16+$0x0] =	vst.idx.add.s32.msk vm6, v1;
	v21 =	vshll.u32 v22, $0x7;
	v52 =	vadd.s32 $0x6, v10;
	v33 =	vadd.s32 $0x7, v10  }
0x36f: {  	v41 =	vshll.u32 v38, $0x9;
	[tilespmem:v13+s16+$0x0] =	vst.idx.add.s32.msk vm0, v1;
	vm0 =	vgt.s32 v39, $0x64;
	v24 =	vor.u32 v12, v40  }
0x370: {  	v12 =	vand.u32 $0x7F, v45;
	v22 =	vand.u32 $0xC00, v43;
	v14 =	vadd.s32 $0x30, v11  }
0x371: {  	v46 =	vadd.s32 $0x40, v11;
	v49 =	vshll.u32 v8, $0x3;
	v21 =	vadd.s32 v7, v21  }
0x372: {  	v50 =	vadd.s32 $0x10, v11;
	[tilespmem:v15+s16+$0x0] =	vst.idx.add.s32.msk vm7, v1;
	v15 =	vadd.s32 $0x5, v10;
	v51 =	vadd.s32 $0x20, v11  }
0x373: {  	v34 =	vadd.s32 $0x50, v11;
	v27 =	vadd.s32 v7, v44;
	[tilespmem:v17+s16+$0x0] =	vst.idx.add.s32.msk vm5, v1;
	v17 =	vadd.s32 $0x60, v11  }
0x374: {  	v37 =	vadd.s32 $0x70, v11;
	v9 =	vshll.u32 v33, $0x3;
	v33 =	vand.u32 $0x7F, v33  }
0x375: {  	v36 =	vld [tilespmem:s26+$0x2000];
	v40 =	vshll.u32 v52, $0x3;
	v53 =	vand.u32 $0x7F, v8;
	v28 =	vshll.u32 v45, $0x3  }
0x376: {  	v32 =	vand.u32 $0x7F, v52;
	v22 =	vor.u32 v22, v42;
	v14 =	vand.u32 $0x1FF, v14  }
0x377: {  	v55 =	vld [tilespmem:s26+$0x2040];
	v47 =	vand.u32 $0x1FF, v46;
	v24 =	vor.u32 v2, v24;
	v35 =	vand.u32 $0x7F, v15  }
0x378: {  	v56 =	vld [tilespmem:s26+$0x2020];
	v31 =	vand.u32 $0x1FF, v51;
	v15 =	vshll.u32 v15, $0x3;
	v30 =	vand.u32 $0x1FF, v50  }
0x379: {  	v16 =	vld.idx.msk [tilespmem:v16+s14+$0x0], $0xffff;
	v17 =	vand.u32 $0x1FF, v17;
	v37 =	vand.u32 $0x1FF, v37;
	v34 =	vand.u32 $0x1FF, v34  }
0x37a: {  	[tilespmem:v18+s16+$0x0] =	vst.idx.add.s32.msk vm4, v1;
	v9 =	vand.u32 $0xC00, v9;
	vm4 =	vgt.s32 v36, $0x64;
	v36 =	vshll.u32 v36, $0x9  }
0x37b: {  	v19 =	vld.idx.msk [tilespmem:v19+s14+$0x0], $0xffff;
	v40 =	vand.u32 $0xC00, v40;
	v29 =	vand.u32 $0xC00, v49;
	v22 =	vor.u32 v2, v22  }
0x37c: {  	v20 =	vld.idx.msk [tilespmem:v20+s14+$0x0], $0xffff;
	v9 =	vor.u32 v9, v33;
	v13 =	vor.u32 v34, v41;
	v36 =	vadd.s32 v11, v36  }
0x37d: {  	v15 =	vand.u32 $0xC00, v15;
	v29 =	vor.u32 v29, v53;
	v23 =	vld.idx.msk [tilespmem:v23+s14+$0x0], $0xffff;
	v60 =	vor.u32 v40, v32  }
0x37e: {  	v11 =	vadd.s32 $0x80, v11;
	v8 =	vor.u32 v2, v9;
	v9 =	vld [tilespmem:s26+$0x2030];
	v13 =	vadd.s32 $0xFFFF3600, v13  }
0x37f: {  	v36 =	vadd.s32 $0xFFFF3600, v36;
	v15 =	vor.u32 v15, v35;
	vm5 =	vgt.s32 v16, $0x64;
	[tilespmem:v21+s17+$0x0] =	vst.idx.add.s32.msk vm1, v1  }
0x380: {  	v16 =	vshll.u32 v16, $0x7;
	vm6 =	vgt.s32 v19, $0x64;
	v18 =	vshll.u32 v19, $0x7;
	v19 =	vld [tilespmem:s26+$0x2070]  }
0x381: {  	v16 =	vadd.s32 v7, v16;
	v21 =	vor.u32 v2, v29;
	vm1 =	vgt.s32 v55, $0x64;
	v24 =	vld.idx.msk [tilespmem:v24+s14+$0x0], $0xffff  }
0x382: {  	v54 =	vshll.u32 v20, $0x7;
	vm7 =	vgt.s32 v20, $0x64;
	v20 =	vshll.u32 v56, $0x9  }
0x383: {  	v18 =	vadd.s32 v7, v18;
	vm9 =	vgt.s32 v9, $0x64;
	v9 =	vshll.u32 v9, $0x9  }
0x384: {  	vm11 =	vgt.s32 v23, $0x64;
	v9 =	vor.u32 v14, v9;
	v14 =	vshll.u32 v55, $0x9  }
0x385: {  	[tilespmem:v27+s17+$0x0] =	vst.idx.add.s32.msk vm2, v1;
	v63 =	vadd.s32 v7, v54;
	v42 =	vadd.s32 $0xFFFF3600, v9;
	v9 =	vor.u32 v47, v14  }
0x386: {  	[tilespmem:v13+s16+$0x0] =	vst.idx.add.s32.msk vm10, v1;
	v14 =	vshll.u32 v48, $0x9;
	v58 =	vshll.u32 v24, $0x7;
	vm2 =	vgt.s32 v19, $0x64  }
0x387: {  	[tilespmem:v36+s16+$0x0] =	vst.idx.add.s32.msk vm4, v1;
	v14 =	vor.u32 v30, v14;
	v13 =	vshll.u32 v19, $0x9;
	v19 =	vshll.u32 v23, $0x7  }
0x388: {  	v23 =	vand.u32 $0xC00, v28;
	vm4 =	vgt.s32 v24, $0x64;
	[tilespmem:v18+s17+$0x0] =	vst.idx.add.s32.msk vm6, v1;
	v18 =	vor.u32 v17, v59  }
0x389: {  	[tilespmem:v16+s17+$0x0] =	vst.idx.add.s32.msk vm5, v1;
	vm6 =	vgt.s32 v56, $0x64;
	v19 =	vadd.s32 v7, v19;
	v13 =	vor.u32 v37, v13  }
0x38a: {  	v16 =	vadd.s32 $0xFFFF3600, v14;
	v14 =	vld.idx.msk [tilespmem:v22+s14+$0x0], $0xffff;
	v22 =	vor.u32 v2, v15;
	v15 =	vadd.s32 $0x4, v10  }
0x38b: {  	v12 =	vor.u32 v23, v12;
	[tilespmem:v63+s17+$0x0] =	vst.idx.add.s32.msk vm7, v1;
	v17 =	vadd.s32 $0xFFFF3600, v13;
	v13 =	vor.u32 v31, v20  }
0x38c: {  	v61 =	vadd.s32 $0xFFFF3600, v18;
	v20 =	vshll.u32 v15, $0x3;
	v62 =	vadd.s32 $0xFFFF3600, v13;
	[tilespmem:v42+s16+$0x0] =	vst.idx.add.s32.msk vm9, v1  }
0x38d: {  	v13 =	vld.idx.msk [tilespmem:v21+s14+$0x0], $0xffff;
	v21 =	vand.u32 $0x7F, v15;
	v15 =	vor.u32 v2, v12;
	v12 =	vshll.u32 v39, $0x7  }
0x38e: {  	v18 =	vadd.s32 v7, v58;
	v20 =	vand.u32 $0xC00, v20;
	[tilespmem:v19+s17+$0x0] =	vst.idx.add.s32.msk vm11, v1;
	v19 =	vadd.s32 v7, v12  }
0x38f: {  	v9 =	vadd.s32 $0xFFFF3600, v9;
	[tilespmem:v16+s16+$0x0] =	vst.idx.add.s32.msk vm3, v1;
	v16 =	vor.u32 v20, v21;
	v20 =	vor.u32 v2, v60  }
0x390: {  	v12 =	vld.idx.msk [tilespmem:v22+s14+$0x0], $0xffff;
	vm5 =	vgt.s32 v14, $0x64;
	v22 =	vadd.s32 $0x2, v10;
	v10 =	vadd.s32 $0x8, v10  }
0x391: {  	s28 =	simm.s32 $0x40;
	v16 =	vor.u32 v2, v16;
	v21 =	vand.u32 $0x7F, v22;
	v22 =	vshll.u32 v22, $0x3;
	[tilespmem:v61+s16+$0x0] =	vst.idx.add.s32.msk vm8, v1  }
0x392: {  	s29 =	simm.s32 $0x800;
	s30 =	simm.s32 $0x100;
	s26 =	simm.s32 $0x8;
	v10 =	vand.u32 $0x1FF, v10;
	[tilespmem:v62+s16+$0x0] =	vst.idx.add.s32.msk vm6, v1;
	v22 =	vand.u32 $0xC00, v22;
	vm3 =	vgt.s32 v13, $0x64  }
.LBB2_20:
0x393: {  	s0 =	sand.u32 $0x1000, s30;
	s1 =	sand.u32 $0xC00, s29;
	v23 =	vand.u32 $0x7F, v10;
	v24 =	vshll.u32 v10, $0x3;
	s26 =	sadd.s32 $0x8, s26;
	v25 =	vshll.u32 v13, $0x7;
	[tilespmem:v19+s17+$0x0] =	vst.idx.add.s32.msk vm0, v1  }
0x394: {  	s31 =	sand.u32 $0x380, s28;
	v19 =	vadd.s32 $0x1, v10;
	v21 =	vor.u32 v22, v21;
	v11 =	vand.u32 $0x1FF, v11;
	s0 =	sor.u32 s1, s0;
	p0 =	slt.u32 s26, $0x1F8;
	[tilespmem:v18+s17+$0x0] =	vst.idx.add.s32.msk vm4, v1  }
0x395: {  	v14 =	vshll.u32 v14, $0x7;
	v13 =	vand.u32 $0x7F, v19;
	v18 =	vadd.s32 $0x3, v10;
	s31 =	sor.u32 s31, s0;
	v20 =	vld.idx.msk [tilespmem:v20+s14+$0x0], $0xffff  }
0x396: {  	v22 =	vand.u32 $0xC00, v24;
	v24 =	vadd.s32 $0x30, v11;
	v26 =	vadd.s32 $0x40, v11;
	[tilespmem:v17+s16+$0x0] =	vst.idx.add.s32.msk vm2, v1  }
0x397: {  	v17 =	vor.u32 v22, v23;
	v22 =	vand.u32 $0x1FF, v24;
	v23 =	vand.u32 $0x1FF, v26;
	v24 =	vld.idx.msk [tilespmem:v8+s14+$0x0], $0xffff  }
0x398: {  	v27 =	vshll.u32 v18, $0x3;
	v17 =	vor.u32 v2, v17;
	v8 =	vadd.s32 v7, v14;
	v26 =	vld [tilespmem:s31+$0x2010]  }
0x399: {  	v28 =	vadd.s32 $0x5, v10;
	v21 =	vor.u32 v2, v21;
	v14 =	vadd.s32 $0x10, v11;
	v29 =	vld [tilespmem:s31+$0x2070]  }
0x39a: {  	v31 =	vadd.s32 $0x6, v10;
	v33 =	vadd.s32 $0x7, v10;
	v30 =	vadd.s32 $0x20, v11;
	v32 =	vld [tilespmem:s31+$0x2060]  }
0x39b: {  	v34 =	vadd.s32 $0x50, v11;
	v35 =	vand.u32 $0x7F, v28;
	v25 =	vadd.s32 v7, v25;
	[tilespmem:v9+s16+$0x0] =	vst.idx.add.s32.msk vm1, v1  }
0x39c: {  	v36 =	vadd.s32 $0x60, v11;
	v37 =	vadd.s32 $0x70, v11;
	v30 =	vand.u32 $0x1FF, v30;
	v9 =	vld [tilespmem:s31+$0x2000]  }
0x39d: {  	v28 =	vshll.u32 v28, $0x3;
	vm1 =	vgt.s32 v12, $0x64;
	vm6 =	vgt.s32 v26, $0x64;
	v38 =	vld [tilespmem:s31+$0x2050]  }
0x39e: {  	v36 =	vand.u32 $0x1FF, v36;
	v37 =	vand.u32 $0x1FF, v37;
	v39 =	vand.u32 $0x1FF, v14;
	v40 =	vld.idx.msk [tilespmem:v15+s14+$0x0], $0xffff  }
0x39f: {  	v14 =	vand.u32 $0x1FF, v34;
	vm2 =	vgt.s32 v20, $0x64;
	v15 =	vshll.u32 v33, $0x3;
	v21 =	vld.idx.msk [tilespmem:v21+s14+$0x0], $0xffff  }
0x3a0: {  	v20 =	vshll.u32 v20, $0x7;
	v33 =	vand.u32 $0x7F, v33;
	v15 =	vand.u32 $0xC00, v15;
	[tilespmem:v8+s17+$0x0] =	vst.idx.add.s32.msk vm5, v1  }
0x3a1: {  	v34 =	vshll.u32 v31, $0x3;
	v8 =	vor.u32 v15, v33;
	vm4 =	vgt.s32 v9, $0x64;
	v15 =	vld.idx.msk [tilespmem:v16+s14+$0x0], $0xffff  }
0x3a2: {  	v16 =	vand.u32 $0x7F, v18;
	v8 =	vor.u32 v2, v8;
	v18 =	vld [tilespmem:s31+$0x2040];
	v33 =	vshll.u32 v38, $0x9  }
0x3a3: {  	vm5 =	vgt.s32 v38, $0x64;
	v41 =	vld [tilespmem:s31+$0x2030];
	v14 =	vor.u32 v14, v33;
	v33 =	vshll.u32 v24, $0x7  }
0x3a4: {  	v34 =	vand.u32 $0xC00, v34;
	v9 =	vshll.u32 v9, $0x9;
	vm0 =	vgt.s32 v40, $0x64;
	[tilespmem:v25+s17+$0x0] =	vst.idx.add.s32.msk vm3, v1  }
0x3a5: {  	v19 =	vshll.u32 v19, $0x3;
	v12 =	vshll.u32 v12, $0x7;
	v14 =	vadd.s32 $0xFFFF3600, v14  }
0x3a6: {  	v20 =	vadd.s32 v7, v20;
	v9 =	vadd.s32 v11, v9;
	v25 =	vand.u32 $0xC00, v28  }
0x3a7: {  	v28 =	vadd.s32 $0xFFFF3600, v9;
	v9 =	vand.u32 $0xC00, v27;
	v27 =	vand.u32 $0x7F, v31;
	v38 =	vld [tilespmem:s31+$0x2020]  }
0x3a8: {  	v16 =	vor.u32 v9, v16;
	v9 =	vshll.u32 v18, $0x9;
	v31 =	vshll.u32 v41, $0x9  }
0x3a9: {  	v12 =	vadd.s32 v7, v12;
	vm3 =	vgt.s32 v41, $0x64;
	v22 =	vor.u32 v22, v31  }
0x3aa: {  	v9 =	vor.u32 v23, v9;
	v23 =	vshll.u32 v21, $0x7;
	v22 =	vadd.s32 $0xFFFF3600, v22;
	[tilespmem:v14+s16+$0x0] =	vst.idx.add.s32.msk vm5, v1  }
0x3ab: {  	vm7 =	vgt.s32 v24, $0x64;
	v26 =	vshll.u32 v26, $0x9;
	v9 =	vadd.s32 $0xFFFF3600, v9;
	[tilespmem:v20+s17+$0x0] =	vst.idx.add.s32.msk vm2, v1  }
0x3ac: {  	v24 =	vshll.u32 v32, $0x9;
	v16 =	vor.u32 v2, v16;
	[tilespmem:v28+s16+$0x0] =	vst.idx.add.s32.msk vm4, v1;
	v20 =	vshll.u32 v38, $0x9  }
0x3ad: {  	vm8 =	vgt.s32 v32, $0x64;
	vm5 =	vgt.s32 v15, $0x64;
	vm2 =	vgt.s32 v29, $0x64;
	v14 =	vld.idx.msk [tilespmem:v17+s14+$0x0], $0xffff  }
0x3ae: {  	v15 =	vshll.u32 v15, $0x7;
	v17 =	vor.u32 v39, v26;
	v26 =	vshll.u32 v29, $0x9;
	[tilespmem:v12+s17+$0x0] =	vst.idx.add.s32.msk vm1, v1  }
0x3af: {  	v12 =	vand.u32 $0xC00, v19;
	v19 =	vor.u32 v36, v24;
	v24 =	vor.u32 v34, v27  }
0x3b0: {  	vm9 =	vgt.s32 v38, $0x64;
	vm4 =	vgt.s32 v21, $0x64;
	vm1 =	vgt.s32 v18, $0x64  }
0x3b1: {  	v18 =	vor.u32 v25, v35;
	v21 =	vor.u32 v37, v26;
	v25 =	vadd.s32 v7, v15  }
0x3b2: {  	v26 =	vadd.s32 $0xFFFF3600, v17;
	v27 =	vor.u32 v2, v18;
	v17 =	vadd.s32 $0xFFFF3600, v21  }
0x3b3: {  	v15 =	vor.u32 v30, v20;
	v28 =	vadd.s32 $0xFFFF3600, v19;
	v18 =	vadd.s32 v7, v23;
	[tilespmem:v22+s16+$0x0] =	vst.idx.add.s32.msk vm3, v1  }
0x3b4: {  	v12 =	vor.u32 v12, v13;
	v21 =	vadd.s32 $0xFFFF3600, v15;
	v15 =	vadd.s32 $0x4, v10;
	v13 =	vld.idx.msk [tilespmem:v16+s14+$0x0], $0xffff  }
0x3b5: {  	v19 =	vshll.u32 v15, $0x3;
	v22 =	vadd.s32 v7, v33;
	v16 =	vand.u32 $0x7F, v15  }
0x3b6: {  	v15 =	vor.u32 v2, v12;
	v12 =	vand.u32 $0xC00, v19;
	v19 =	vshll.u32 v40, $0x7;
	[tilespmem:v25+s17+$0x0] =	vst.idx.add.s32.msk vm5, v1  }
.Ltmp9:
0x3b7: {  	v12 =	vor.u32 v12, v16;
	v19 =	vadd.s32 v7, v19;
	[tilespmem:v26+s16+$0x0] =	vst.idx.add.s32.msk vm6, v1;
	(pc) =	sbr.rel @p0 .LBB2_20-.Ltmp9, $4  }
0x3b8: {  	v20 =	vor.u32 v2, v24;
	v16 =	vor.u32 v2, v12;
	v12 =	vld.idx.msk [tilespmem:v27+s14+$0x0], $0xffff  }
0x3b9: {  	v23 =	vadd.s32 $0x2, v10;
	v10 =	vadd.s32 $0x8, v10;
	vm5 =	vgt.s32 v14, $0x64;
	[tilespmem:v21+s16+$0x0] =	vst.idx.add.s32.msk vm9, v1  }
0x3ba: {  	v21 =	vand.u32 $0x7F, v23;
	v23 =	vshll.u32 v23, $0x3;
	vm3 =	vgt.s32 v13, $0x64;
	[tilespmem:v22+s17+$0x0] =	vst.idx.add.s32.msk vm7, v1  }
0x3bb: {  	s28 =	sadd.s32 $0x20, s28;
	s29 =	sadd.s32 $0x400, s29;
	s30 =	sadd.s32 $0x80, s30;
	v11 =	vadd.s32 $0x80, v11;
	v10 =	vand.u32 $0x1FF, v10;
	v22 =	vand.u32 $0xC00, v23;
	[tilespmem:v28+s16+$0x0] =	vst.idx.add.s32.msk vm8, v1  }
0x3bc: {  	_ =	sdelay $0x3  }
0x3bd: {  	v10 =	vor.u32 v22, v21;
	v11 =	vld.idx.msk [tilespmem:v20+s14+$0x0], $0xffff  }
0x3be: {  	[tilespmem:v17+s16+$0x0] =	vst.idx.add.s32.msk vm2, v1;
	v10 =	vor.u32 v2, v10  }
0x3bf: {  	[tilespmem:v9+s16+$0x0] =	vst.idx.add.s32.msk vm1, v1  }
0x3c0: {  	v15 =	vld.idx.msk [tilespmem:v15+s14+$0x0], $0xffff  }
0x3c1: {  	v14 =	vshll.u32 v14, $0x7;
	v9 =	vld.idx.msk [tilespmem:v16+s14+$0x0], $0xffff  }
0x3c2: {  	v13 =	vshll.u32 v13, $0x7;
	v8 =	vld.idx.msk [tilespmem:v8+s14+$0x0], $0xffff;
	v14 =	vadd.s32 v7, v14  }
0x3c3: {  	v13 =	vadd.s32 v7, v13;
	vm11 =	vgt.s32 v12, $0x64;
	v58 =	vshll.u32 v12, $0x7;
	v10 =	vld.idx.msk [tilespmem:v10+s14+$0x0], $0xffff  }
0x3c4: {  	v12 =	vadd.s32 v7, v58;
	vm10 =	vgt.s32 v11, $0x64;
	v11 =	vshll.u32 v11, $0x7  }
0x3c5: {  	[tilespmem:v19+s17+$0x0] =	vst.idx.add.s32.msk vm0, v1;
	vm14 =	vgt.s32 v15, $0x64;
	v61 =	vshll.u32 v15, $0x7;
	v11 =	vadd.s32 v7, v11  }
0x3c6: {  	[tilespmem:v18+s17+$0x0] =	vst.idx.add.s32.msk vm4, v1;
	vm12 =	vgt.s32 v9, $0x64;
	v9 =	vshll.u32 v9, $0x7;
	v63 =	vadd.s32 v7, v61  }
0x3c7: {  	v59 =	vshll.u32 v8, $0x7;
	vm13 =	vgt.s32 v8, $0x64;
	[tilespmem:v14+s17+$0x0] =	vst.idx.add.s32.msk vm5, v1;
	v8 =	vadd.s32 v7, v9  }
0x3c8: {  	[tilespmem:v13+s17+$0x0] =	vst.idx.add.s32.msk vm3, v1;
	v60 =	vadd.s32 v7, v59;
	v62 =	vshll.u32 v10, $0x7;
	vm15 =	vgt.s32 v10, $0x64  }
0x3c9: {  	[tilespmem:v12+s17+$0x0] =	vst.idx.add.s32.msk vm11, v1;
	v7 =	vadd.s32 v7, v62  }
0x3ca: {  	[tilespmem:v11+s17+$0x0] =	vst.idx.add.s32.msk vm10, v1  }
0x3cb: {  	[tilespmem:v63+s17+$0x0] =	vst.idx.add.s32.msk vm14, v1  }
0x3cc: {  	[tilespmem:v8+s17+$0x0] =	vst.idx.add.s32.msk vm12, v1  }
0x3cd: {  	[tilespmem:v60+s17+$0x0] =	vst.idx.add.s32.msk vm13, v1  }
0x3ce: {  	[tilespmem:v7+s17+$0x0] =	vst.idx.add.s32.msk vm15, v1  }
0x3cf: {  	[hbm4b:s11+s19] =	stream.strided.scatter [tilespmem:s16], [sflag:$0x3], $0x6200, s20, s19, $0x38;
	[tilespmem:$0xBE00] =	vst v63  }
0x3d0: {  	_ =	swait.ge [sflag:s21], $0x6200  }
0x3d1: {  	s25 =	sadd.s32 $0x1, s25;
	[sflag:s21] =	ssyncset.done $0x0  }
0x3d2: {  	p0 =	sne.s32 s25, s13;
	[sflag:s21] =	ssyncadd.s32 $0xFFFF9E00  }
0x3d3: {  	[hbm4b:s12+s22] =	stream.strided.scatter [tilespmem:s17], [sflag:$0x3], $0x1800, s23, s22, $0x38;
	[tilespmem:$0xBE00] =	vst v63  }
.Ltmp10:
0x3d4: {  	s0 =	sadd.s32 $0xC00, s12;
	(pc) =	sbr.rel @p0 .LBB2_1-.Ltmp10, $4  }
0x3d5: {  	[hbm4b:s0+s2] =	stream.linear.scatter [tilespmem:s24], [sflag:$0x3], $0x80, $0x38;
	[tilespmem:$0xBE00] =	vst v63  }
0x3d6: {  	_ =	swait.ge [sflag:s21], $0x1880  }
0x3d7: {  	[sflag:s21] =	ssyncset.done $0x0  }
0x3d8: {  	[sflag:s21] =	ssyncadd.s32 $0xFFFFE780  }
0x3d9: {  	_ =	sfence.sel $0x180000  }
0x3da: {  	[bflag:$0x0] =	sbarrier.arrive $0xFFFF  }
0x3db: {  	_ =	strace $0x90000047  }
0x3dc: {  	s0 =	stileid.u32;
	[bflag:$0x2] =	sbarrier.arrive $0xFFFF  }
0x3dd: {  	p0 =	sne.s32 s0, $0x0;
	s0 =	rddreg [dreg:$0x2]  }
0x3de: {  	s0 =	sadd.s32 @!p0 $0x100000, s0  }
0x3df: {  	[sflag:s0] =	ssyncadd.tile.s32 @!p0 $0x1;
	_ =	shalt  }
.Lfunc_end2:
_tile_overlayer_lowered:
.L_overlay_start_2:
0x3e0: {  	(tag) =	ssettag $0x2  }
0x3e1: {  	s0 =	rddreg [dreg:$0x0];
	s2 =	stileid.u32  }
0x3e2: {  	s1 =	rddreg [dreg:$0x1];
	p0 =	sne.s32 s2, $0x0  }
0x3e3: {  	s3 =	rddreg [dreg:$0x2];
	[bflag:$0x3] =	sbarrier.arrive $0xFFFF;
	s2 =	simm.s32 @!p0 $0x1C03  }
0x3e4: {  	[timem:s3], [sflag:s2] =	dma.local @!p0 [hbm:s0], s1  }
0x3e5: {  	s0 =	simm.s32 @!p0 $0x3  }
0x3e6: {  	_ =	swait.ge @!p0 [sflag:s0], s1  }
0x3e7: {  	s1 =	ssub.s32 @!p0 $0x0, s1;
	[sflag:s0] =	ssyncset.done @!p0 $0x0  }
0x3e8: {  	[sflag:s0] =	ssyncadd.s32 @!p0 s1  }
0x3e9: {  	[bflag:$0x3] =	sbarrier.arrive $0xFFFF  }
0x3ea: {  	_ =	shalt  }

</sc_bundles>
